<compile_context>
chip_gen: v7x
topology: tpu7x:2x2x1
jax: 0.10.2.dev20260603
libtpu: 0.0.44.dev20260713+nightly
codegen_flags: <defaults>
</compile_context>

<pallas_src>
import functools

import jax
import jax.numpy as jnp
from jax import lax
from jax.experimental import pallas as pl
from jax.experimental.pallas import tpu as pltpu
from jax.experimental.pallas import tpu_sc as plsc

N = 10000
E = 320000
IN_DIM = 128
HIDDEN = 64
NUM_CLASSES = 16
EDGE_DIM = 16
NUM_ETYPES = 5
H0 = 8
BETA = 0.05
SLOPE = 0.2

NB = 400
NBLK = N // NB
EB = 400
NROWS = N // 32 * 2

f32 = jnp.float32
i32 = jnp.int32


_SC_PARAMS = pltpu.CompilerParams(needs_layout_passes=False,
                                  use_tc_tiling_on_sc=False)


def _mesh():
    return plsc.VectorSubcoreMesh(core_axis_name="c", subcore_axis_name="s")


def _iota16():
    return lax.iota(i32, 16)



def _tc_tab_body(etab0, Wr0, AE0, etab1, Wr1, AE1, tab0, tab1m):
    rows0 = []
    rows1 = []
    E0 = etab0[...]
    E1 = etab1[...]
    z18 = jnp.zeros((1, 8), f32)
    for t in range(NUM_ETYPES):
        f0 = jnp.dot(E0[t:t + 1, :], Wr0[t],
                     preferred_element_type=f32)
        he0 = jnp.dot(f0, AE0[...], preferred_element_type=f32)
        rows0.append(jnp.concatenate([he0, z18], axis=1))
        f1 = jnp.dot(E1[t:t + 1, :], Wr1[t],
                     preferred_element_type=f32)
        he1 = jnp.dot(f1, AE1[...], preferred_element_type=f32)
        rows1.append(jnp.broadcast_to(he1, (1, 16)))
    for _ in range(8 - NUM_ETYPES):
        rows0.append(jnp.zeros((1, 16), f32))
        rows1.append(jnp.zeros((1, 16), f32))
    tab0[...] = jnp.concatenate(rows0, axis=0)
    tab1m[...] = jnp.concatenate(rows1, axis=0)


def _tc1_body(x, W0, AL, AR, emb0h, t0s, t0d):
    emb = jnp.dot(x[...], W0[...], preferred_element_type=f32)
    for h in range(H0):
        emb0h[h] = emb[:, h * HIDDEN:(h + 1) * HIDDEN]
    hl = jnp.dot(emb, AL[...], preferred_element_type=f32)
    hr = jnp.dot(emb, AR[...], preferred_element_type=f32)
    z = jnp.zeros((NB, 8), f32)
    t0s[...] = jnp.concatenate([hl, z], axis=1)
    t0d[...] = jnp.concatenate([hr, z], axis=1)


def _tc2_body(agg, s0p, W1p, Wr1p, b1, al1v, ar1v,
              emb1, hl1, hr1, s0t0, res1):
    s0 = s0p[0] + s0p[1]
    s0g = jnp.maximum(s0, 1e-30)
    segs = []
    for h in range(H0):
        segs.append(agg[h] / s0g[:, h:h + 1])
    hpre = jnp.concatenate(segs, axis=1)
    h1 = jnp.where(hpre > 0, hpre, jnp.exp(jnp.minimum(hpre, 0.0)) - 1.0)
    e1 = jnp.dot(h1, W1p[...], preferred_element_type=f32)
    emb1[...] = e1
    res1[...] = jnp.dot(h1, Wr1p[...], preferred_element_type=f32) + b1[...]
    hl1[...] = jnp.sum(e1 * al1v[...], axis=1, keepdims=True)
    hr1[...] = jnp.sum(e1 * ar1v[...], axis=1, keepdims=True)
    s0t0[...] = s0[:, 0:1]


def _tcs1_body(s1p, s1tot):
    s1tot[...] = s1p[0, :, 0:1] + s1p[1, :, 0:1]


def _tc3_body(a1p, res1, out):
    out[...] = jax.nn.sigmoid(a1p[0] + a1p[1] + res1[...])



def _p0a_body(src, dst, et, t0s, t0d, tab0,
              e0r, e00, s0p,
              srcv, dstv, etv, srow, drow, rows, e00b, tabv, zb, s0_sp):
    c = lax.axis_index("c")
    s = lax.axis_index("s")
    iot = _iota16()
    lane0 = iot == 0
    lanelt8 = iot < 8
    zero16 = jnp.zeros((16,), f32)

    def zloop(i, _):
        zb[i, :] = zero16
        return 0
    lax.fori_loop(0, NROWS, zloop, 0)
    pltpu.sync_copy(tab0, tabv)
    pltpu.sync_copy(zb, s0_sp.at[pl.ds(s * NROWS, NROWS)])
    plsc.subcore_barrier()

    nblk = (E // 2) // EB // 16
    base0 = c * (E // 2) + s * ((E // 2) // 16)

    def blk(b, _):
        base = base0 + b * EB
        pltpu.sync_copy(src.at[pl.ds(base, EB)], srcv)
        pltpu.sync_copy(dst.at[pl.ds(base, EB)], dstv)
        pltpu.sync_copy(et.at[pl.ds(base, EB)], etv)
        pltpu.sync_copy(t0s.at[srcv], srow)
        pltpu.sync_copy(t0d.at[dstv], drow)

        def edge(j, _):
            jf = jnp.full((16,), j, i32)
            etl = plsc.load_gather(etv, [jf])
            he = plsc.load_gather(tabv, [etl, iot])
            a = srow[j, :] + drow[j, :] + he
            attv = jnp.maximum(a, SLOPE * a)
            ev = jnp.where(lanelt8, jnp.exp(attv), 0.0)
            rows[j, :] = ev
            plsc.store_scatter(e00b, [jf], ev, mask=lane0)
            return 0
        lax.fori_loop(0, EB, edge, 0)

        pltpu.sync_copy(rows, s0_sp.at[dstv], add=True)
        pltpu.sync_copy(rows, e0r.at[pl.ds(base, EB)])
        pltpu.sync_copy(e00b, e00.at[pl.ds(base, EB)])
        return 0
    lax.fori_loop(0, nblk, blk, 0)

    plsc.subcore_barrier()
    pltpu.sync_copy(s0_sp.at[pl.ds(s * NROWS, NROWS)],
                    s0p.at[pl.ds(c * N + s * NROWS, NROWS)])


def _p0m_body(src, dst, e0r, emb0f,
              agg0f,
              srcv, dstv, gidx, rows, e0rows, zb, a_sp):
    c = lax.axis_index("c")
    s = lax.axis_index("s")
    zero16 = jnp.zeros((16,), f32)

    def zloop(i, _):
        for k in range(4):
            zb[i, pl.ds(16 * k, 16)] = zero16
        return 0
    lax.fori_loop(0, 125, zloop, 0)

    nblk = (E // 16) // EB
    base0 = s * (E // 16)

    for jh in range(4):
        h = 4 * c + jh
        for z in range(5):
            pltpu.sync_copy(zb, a_sp.at[pl.ds(s * NROWS + z * 125, 125)])
        plsc.subcore_barrier()

        def blk(b, _):
            base = base0 + b * EB
            pltpu.sync_copy(src.at[pl.ds(base, EB)], srcv)
            pltpu.sync_copy(dst.at[pl.ds(base, EB)], dstv)
            pltpu.sync_copy(e0r.at[pl.ds(base, EB)], e0rows)
            hN = h * N

            def gfix(i, _):
                gidx[pl.ds(16 * i, 16)] = srcv[pl.ds(16 * i, 16)] + hN
                return 0
            lax.fori_loop(0, EB // 16, gfix, 0)
            pltpu.sync_copy(emb0f.at[gidx], rows)

            hf = jnp.full((16,), h, i32)

            def edge(j, _):
                jf = jnp.full((16,), j, i32)
                av = plsc.load_gather(e0rows, [jf, hf])
                for k in range(4):
                    rows[j, pl.ds(16 * k, 16)] = rows[j, pl.ds(16 * k, 16)] * av
                return 0
            lax.fori_loop(0, EB, edge, 0)

            pltpu.sync_copy(rows, a_sp.at[dstv], add=True)
            return 0
        lax.fori_loop(0, nblk, blk, 0)

        plsc.subcore_barrier()
        pltpu.sync_copy(a_sp.at[pl.ds(s * NROWS, NROWS)],
                        agg0f.at[pl.ds(h * N + s * NROWS, NROWS)])


def _p1a_body(src, dst, et, hl1, hr1, tab1m,
              e1, s1p,
              srcv, dstv, etv, e1b, rows1, hlv, hrv, tabv, zb, s1_sp):
    c = lax.axis_index("c")
    s = lax.axis_index("s")
    iot = _iota16()
    zero16 = jnp.zeros((16,), f32)
    z16i = jnp.zeros((16,), i32)

    def zloop(i, _):
        zb[i, :] = zero16
        return 0
    lax.fori_loop(0, NROWS, zloop, 0)

    def zrows(i, _):
        rows1[i, :] = zero16
        return 0
    lax.fori_loop(0, EB, zrows, 0)

    pltpu.sync_copy(hl1, hlv)
    pltpu.sync_copy(hr1, hrv)
    pltpu.sync_copy(tab1m, tabv)
    pltpu.sync_copy(zb, s1_sp.at[pl.ds(s * NROWS, NROWS)])
    plsc.subcore_barrier()

    nblk = (E // 2) // EB // 16
    base0 = c * (E // 2) + s * ((E // 2) // 16)

    def blk(b, _):
        base = base0 + b * EB
        pltpu.sync_copy(src.at[pl.ds(base, EB)], srcv)
        pltpu.sync_copy(dst.at[pl.ds(base, EB)], dstv)
        pltpu.sync_copy(et.at[pl.ds(base, EB)], etv)

        def vle(v, _):
            sv = srcv[pl.ds(16 * v, 16)]
            dv = dstv[pl.ds(16 * v, 16)]
            ev = etv[pl.ds(16 * v, 16)]
            hlg = plsc.load_gather(hlv, [sv])
            hrg = plsc.load_gather(hrv, [dv])
            heg = plsc.load_gather(tabv, [ev, z16i])
            a = hlg + hrg + heg
            attv = jnp.maximum(a, SLOPE * a)
            e1v = jnp.exp(attv)
            e1b[pl.ds(16 * v, 16)] = e1v
            plsc.store_scatter(rows1, [jnp.full((16,), 16 * v, i32) + iot, z16i],
                               e1v)
            return 0
        lax.fori_loop(0, EB // 16, vle, 0)

        pltpu.sync_copy(rows1, s1_sp.at[dstv], add=True)
        pltpu.sync_copy(e1b, e1.at[pl.ds(base, EB)])
        return 0
    lax.fori_loop(0, nblk, blk, 0)

    plsc.subcore_barrier()
    pltpu.sync_copy(s1_sp.at[pl.ds(s * NROWS, NROWS)],
                    s1p.at[pl.ds(c * N + s * NROWS, NROWS)])


def _p1m_body(src, dst, e1, e00, s1tot, s0t0, emb1,
              a1p,
              srcv, dstv, e1v, e00v, blendb, rows, s1v, s0v, zb, a_sp):
    c = lax.axis_index("c")
    s = lax.axis_index("s")
    zero16 = jnp.zeros((16,), f32)

    def zloop(i, _):
        zb[i, :] = zero16
        return 0
    lax.fori_loop(0, NROWS, zloop, 0)
    pltpu.sync_copy(s1tot, s1v)
    pltpu.sync_copy(s0t0, s0v)
    pltpu.sync_copy(zb, a_sp.at[pl.ds(s * NROWS, NROWS)])
    plsc.subcore_barrier()

    nblk = (E // 2) // EB // 16
    base0 = c * (E // 2) + s * ((E // 2) // 16)

    def blk(b, _):
        base = base0 + b * EB
        pltpu.sync_copy(src.at[pl.ds(base, EB)], srcv)
        pltpu.sync_copy(dst.at[pl.ds(base, EB)], dstv)
        pltpu.sync_copy(e1.at[pl.ds(base, EB)], e1v)
        pltpu.sync_copy(e00.at[pl.ds(base, EB)], e00v)
        pltpu.sync_copy(emb1.at[srcv], rows)

        def vle(v, _):
            dv = dstv[pl.ds(16 * v, 16)]
            s1g = plsc.load_gather(s1v, [dv])
            s0g = plsc.load_gather(s0v, [dv])
            bl = ((1.0 - BETA) * e1v[pl.ds(16 * v, 16)] / s1g
                  + BETA * e00v[pl.ds(16 * v, 16)] / s0g)
            blendb[pl.ds(16 * v, 16)] = bl
            return 0
        lax.fori_loop(0, EB // 16, vle, 0)

        def edge(j, _):
            jf = jnp.full((16,), j, i32)
            bv = plsc.load_gather(blendb, [jf])
            rows[j, :] = rows[j, :] * bv
            return 0
        lax.fori_loop(0, EB, edge, 0)

        pltpu.sync_copy(rows, a_sp.at[dstv], add=True)
        return 0
    lax.fori_loop(0, nblk, blk, 0)

    plsc.subcore_barrier()
    pltpu.sync_copy(a_sp.at[pl.ds(s * NROWS, NROWS)],
                    a1p.at[pl.ds(c * N + s * NROWS, NROWS)])



def _sds(shape, dtype=f32):
    return jax.ShapeDtypeStruct(shape, dtype)


def kernel(x, edge_index, edge_type, node_type, W0, etab0, Wr0, al0, ar0, ae0,
           W1, etab1, Wr1, al1, ar1, ae1, Wres1, bres1):
    src = edge_index[0]
    dst = edge_index[1]
    et = edge_type

    eye8 = jnp.eye(H0, dtype=f32)
    AL = jnp.einsum("hd,hg->hdg", al0[0], eye8).reshape(H0 * HIDDEN, H0)
    AR = jnp.einsum("hd,hg->hdg", ar0[0], eye8).reshape(H0 * HIDDEN, H0)
    AE0 = jnp.einsum("hd,hg->hdg", ae0[0], eye8).reshape(H0 * EDGE_DIM, H0)
    AE1 = ae1.reshape(EDGE_DIM, 1)
    W1p = W1.reshape(HIDDEN, H0, NUM_CLASSES).transpose(1, 0, 2).reshape(
        H0 * HIDDEN, NUM_CLASSES)
    Wr1p = Wres1.reshape(HIDDEN, H0, NUM_CLASSES).transpose(1, 0, 2).reshape(
        H0 * HIDDEN, NUM_CLASSES)
    b1 = bres1.reshape(1, NUM_CLASSES)
    al1v = al1.reshape(1, NUM_CLASSES)
    ar1v = ar1.reshape(1, NUM_CLASSES)

    tab0, tab1m = pl.pallas_call(
        _tc_tab_body,
        out_shape=[_sds((8, 16)), _sds((8, 16))],
    )(etab0, Wr0, AE0, etab1, Wr1, AE1)

    emb0h, t0s, t0d = pl.pallas_call(
        _tc1_body,
        grid=(NBLK,),
        in_specs=[
            pl.BlockSpec((NB, IN_DIM), lambda b: (b, 0)),
            pl.BlockSpec((IN_DIM, H0 * HIDDEN), lambda b: (0, 0)),
            pl.BlockSpec((H0 * HIDDEN, H0), lambda b: (0, 0)),
            pl.BlockSpec((H0 * HIDDEN, H0), lambda b: (0, 0)),
        ],
        out_specs=[
            pl.BlockSpec((H0, NB, HIDDEN), lambda b: (0, b, 0)),
            pl.BlockSpec((NB, 16), lambda b: (b, 0)),
            pl.BlockSpec((NB, 16), lambda b: (b, 0)),
        ],
        out_shape=[_sds((H0, N, HIDDEN)), _sds((N, 16)), _sds((N, 16))],
    )(x, W0, AL, AR)

    mesh = _mesh()
    e0r, e00, s0p = pl.kernel(
        _p0a_body, mesh=mesh, compiler_params=_SC_PARAMS,
        out_type=[_sds((E, 16)), _sds((E,)), _sds((2 * N, 16))],
        scratch_types=[
            pltpu.VMEM((EB,), i32), pltpu.VMEM((EB,), i32),
            pltpu.VMEM((EB,), i32),
            pltpu.VMEM((EB, 16), f32), pltpu.VMEM((EB, 16), f32),
            pltpu.VMEM((EB, 16), f32), pltpu.VMEM((EB,), f32),
            pltpu.VMEM((8, 16), f32), pltpu.VMEM((NROWS, 16), f32),
            pltpu.VMEM_SHARED((N, 16), f32),
        ],
    )(src, dst, et, t0s, t0d, tab0)

    agg0f, = pl.kernel(
        _p0m_body, mesh=mesh, compiler_params=_SC_PARAMS,
        out_type=[_sds((H0 * N, HIDDEN))],
        scratch_types=[
            pltpu.VMEM((EB,), i32), pltpu.VMEM((EB,), i32),
            pltpu.VMEM((EB,), i32),
            pltpu.VMEM((EB, HIDDEN), f32), pltpu.VMEM((EB, 16), f32),
            pltpu.VMEM((125, HIDDEN), f32),
            pltpu.VMEM_SHARED((N, HIDDEN), f32),
        ],
    )(src, dst, e0r, emb0h.reshape(H0 * N, HIDDEN))

    emb1, hl1, hr1, s0t0, res1 = pl.pallas_call(
        _tc2_body,
        grid=(NBLK,),
        in_specs=[
            pl.BlockSpec((H0, NB, HIDDEN), lambda b: (0, b, 0)),
            pl.BlockSpec((2, NB, 16), lambda b: (0, b, 0)),
            pl.BlockSpec((H0 * HIDDEN, NUM_CLASSES), lambda b: (0, 0)),
            pl.BlockSpec((H0 * HIDDEN, NUM_CLASSES), lambda b: (0, 0)),
            pl.BlockSpec((1, NUM_CLASSES), lambda b: (0, 0)),
            pl.BlockSpec((1, NUM_CLASSES), lambda b: (0, 0)),
            pl.BlockSpec((1, NUM_CLASSES), lambda b: (0, 0)),
        ],
        out_specs=[
            pl.BlockSpec((NB, NUM_CLASSES), lambda b: (b, 0)),
            pl.BlockSpec((NB, 1), lambda b: (b, 0)),
            pl.BlockSpec((NB, 1), lambda b: (b, 0)),
            pl.BlockSpec((NB, 1), lambda b: (b, 0)),
            pl.BlockSpec((NB, NUM_CLASSES), lambda b: (b, 0)),
        ],
        out_shape=[_sds((N, NUM_CLASSES)), _sds((N, 1)), _sds((N, 1)),
                   _sds((N, 1)), _sds((N, NUM_CLASSES))],
    )(agg0f.reshape(H0, N, HIDDEN), s0p.reshape(2, N, 16),
      W1p, Wr1p, b1, al1v, ar1v)

    e1, s1p = pl.kernel(
        _p1a_body, mesh=mesh, compiler_params=_SC_PARAMS,
        out_type=[_sds((E,)), _sds((2 * N, 16))],
        scratch_types=[
            pltpu.VMEM((EB,), i32), pltpu.VMEM((EB,), i32),
            pltpu.VMEM((EB,), i32),
            pltpu.VMEM((EB,), f32), pltpu.VMEM((EB, 16), f32),
            pltpu.VMEM((N,), f32), pltpu.VMEM((N,), f32),
            pltpu.VMEM((8, 16), f32), pltpu.VMEM((NROWS, 16), f32),
            pltpu.VMEM_SHARED((N, 16), f32),
        ],
    )(src, dst, et, hl1.reshape(N), hr1.reshape(N), tab1m)

    s1tot, = pl.pallas_call(
        _tcs1_body,
        grid=(NBLK,),
        in_specs=[pl.BlockSpec((2, NB, 16), lambda b: (0, b, 0))],
        out_specs=[pl.BlockSpec((NB, 1), lambda b: (b, 0))],
        out_shape=[_sds((N, 1))],
    )(s1p.reshape(2, N, 16))

    a1p, = pl.kernel(
        _p1m_body, mesh=mesh, compiler_params=_SC_PARAMS,
        out_type=[_sds((2 * N, 16))],
        scratch_types=[
            pltpu.VMEM((EB,), i32), pltpu.VMEM((EB,), i32),
            pltpu.VMEM((EB,), f32), pltpu.VMEM((EB,), f32),
            pltpu.VMEM((EB,), f32), pltpu.VMEM((EB, 16), f32),
            pltpu.VMEM((N,), f32), pltpu.VMEM((N,), f32),
            pltpu.VMEM((NROWS, 16), f32),
            pltpu.VMEM_SHARED((N, 16), f32),
        ],
    )(src, dst, e1, e00, s1tot.reshape(N), s0t0.reshape(N), emb1)

    out, = pl.pallas_call(
        _tc3_body,
        grid=(NBLK,),
        in_specs=[
            pl.BlockSpec((2, NB, 16), lambda b: (0, b, 0)),
            pl.BlockSpec((NB, 16), lambda b: (b, 0)),
        ],
        out_specs=[pl.BlockSpec((NB, 16), lambda b: (b, 0))],
        out_shape=[_sds((N, NUM_CLASSES))],
    )(a1p.reshape(2, N, 16), res1)

    return out

# --- scband reference (transcript-rebuilt; emitter-appended) ---
"""Pipeline reference for scband-simple-hgn-36429912605265 (READ-ONLY COPY).

The authoritative reference and input builder live on the scoring server;
editing this copy changes nothing except your own understanding.
"""

import jax
import jax.numpy as jnp
import numpy as np

N = 10000
E = 320000
IN_DIM = 128
HIDDEN = 64
NUM_CLASSES = 16
EDGE_DIM = 16
NUM_ETYPES = 5
HEADS = [8, 1]
BETA = 0.05
NEG_SLOPE = 0.2


def setup_inputs(seed: int = 0) -> dict:
    key = jax.random.key(seed)
    ks = jax.random.split(key, 24)
    s = 0.05
    inp = {}
    inp["x"] = jax.random.normal(ks[0], (N, IN_DIM), dtype=jnp.float32)
    inp["edge_index"] = jax.random.randint(ks[1], (2, E), 0, N, dtype=jnp.int32)
    inp["edge_type"] = jax.random.randint(ks[2], (E,), 0, NUM_ETYPES, dtype=jnp.int32)
    inp["node_type"] = jnp.sort(jax.random.randint(ks[3], (N,), 0, 3, dtype=jnp.int32))
    # layer 0 params (in=128, out=64, heads=8, no residual)
    inp["W0"] = jax.random.normal(ks[4], (IN_DIM, HIDDEN * HEADS[0]), dtype=jnp.float32) * s
    inp["etab0"] = jax.random.normal(ks[5], (NUM_ETYPES, EDGE_DIM), dtype=jnp.float32) * s
    inp["Wr0"] = jax.random.normal(ks[6], (NUM_ETYPES, EDGE_DIM, EDGE_DIM * HEADS[0]), dtype=jnp.float32) * s
    inp["al0"] = jax.random.normal(ks[7], (1, HEADS[0], HIDDEN), dtype=jnp.float32) * s
    inp["ar0"] = jax.random.normal(ks[8], (1, HEADS[0], HIDDEN), dtype=jnp.float32) * s
    inp["ae0"] = jax.random.normal(ks[9], (1, HEADS[0], EDGE_DIM), dtype=jnp.float32) * s
    # layer 1 params (in=512, out=16, heads=1, residual)
    in1 = HIDDEN * HEADS[0]
    inp["W1"] = jax.random.normal(ks[10], (in1, NUM_CLASSES * HEADS[1]), dtype=jnp.float32) * s
    inp["etab1"] = jax.random.normal(ks[11], (NUM_ETYPES, EDGE_DIM), dtype=jnp.float32) * s
    inp["Wr1"] = jax.random.normal(ks[12], (NUM_ETYPES, EDGE_DIM, EDGE_DIM * HEADS[1]), dtype=jnp.float32) * s
    inp["al1"] = jax.random.normal(ks[13], (1, HEADS[1], NUM_CLASSES), dtype=jnp.float32) * s
    inp["ar1"] = jax.random.normal(ks[14], (1, HEADS[1], NUM_CLASSES), dtype=jnp.float32) * s
    inp["ae1"] = jax.random.normal(ks[15], (1, HEADS[1], EDGE_DIM), dtype=jnp.float32) * s
    inp["Wres1"] = jax.random.normal(ks[16], (in1, NUM_CLASSES * HEADS[1]), dtype=jnp.float32) * s
    inp["bres1"] = jnp.zeros((NUM_CLASSES * HEADS[1],), dtype=jnp.float32)
    return inp


def _edge_softmax(att, dst, n):
    mx = jax.ops.segment_max(att, dst, num_segments=n)
    e = jnp.exp(att - mx[dst])
    s = jax.ops.segment_sum(e, dst, num_segments=n)
    return e / s[dst]


def _conv(h, src, dst, etype, W, etab, Wr, al, ar, ae, heads, out_dim, prev_alpha, Wres=None, bres=None, act=True):
    n = h.shape[0]
    emb = jnp.nan_to_num(jnp.matmul(h, W)).reshape(n, heads, out_dim)
    ee = etab[etype]                      # [E, edge_dim] gather per edge
    We = Wr[etype]                        # [E, edge_dim, edge_dim*heads] typed linear weight gather
    eemb = jnp.einsum('ed,edf->ef', ee, We).reshape(-1, heads, EDGE_DIM)
    hl = jnp.sum(al * emb, axis=-1)[src]  # [E, heads]
    hr = jnp.sum(ar * emb, axis=-1)[dst]  # [E, heads]
    he = jnp.sum(ae * eemb, axis=-1)      # [E, heads]
    att = jax.nn.leaky_relu(hl + hr + he, NEG_SLOPE)
    alpha = _edge_softmax(att, dst, n)
    if prev_alpha is not None:
        alpha = alpha * (1.0 - BETA) + prev_alpha * BETA
    if heads == 1:
        alpha = alpha[:, :1]
    embp = jnp.transpose(emb, (0, 2, 1))  # [N, out_dim, heads]
    msg = embp[src] * alpha[:, None, :]   # u_mul_e
    agg = jax.ops.segment_sum(msg, dst, num_segments=n)  # fn.sum at dst
    out = agg.reshape(n, out_dim * heads)
    if Wres is not None:
        out = out + jnp.matmul(h, Wres) + bres
    if act:
        out = jax.nn.elu(out)
    return out, alpha


def reference(x, edge_index, edge_type, node_type, W0, etab0, Wr0, al0, ar0, ae0, W1, etab1, Wr1, al1, ar1, ae1, Wres1, bres1):
    src = edge_index[0]
    dst = edge_index[1]
    h, alpha = _conv(x, src, dst, edge_type, W0, etab0, Wr0, al0, ar0, ae0, HEADS[0], HIDDEN, None)
    h, alpha = _conv(h, src, dst, edge_type, W1, etab1, Wr1, al1, ar1, ae1, HEADS[1], NUM_CLASSES, alpha, Wres=Wres1, bres=bres1, act=False)
    # to_hetero_feat applies sigmoid per node-type group; equivalent to sigmoid over
    # all nodes followed by a pure reindex/split by node_type (omitted: no math).
    out = jax.nn.sigmoid(h)
    return out


if False:  # reference __main__ guard neutralized (emitter)
    o = reference(**setup_inputs())
    print(o.shape, o.dtype)

if __name__ == "__main__":
    import jax
    _d = setup_inputs()
    print(jax.jit(kernel)(*tuple(_d.values())))

</pallas_src>

<mosaic_0001>
#map = affine_map<(d0, d1) -> (0)>
#map1 = affine_map<(d0, d1) -> (0, 0)>
module attributes {stable_mosaic.version = 14 : i64} {
  func.func @_p0a_body(%arg0: i32, %arg1: i32, %arg2: memref<320000xi32, #tpu.memory_space<hbm>>, %arg3: memref<320000xi32, #tpu.memory_space<hbm>>, %arg4: memref<320000xi32, #tpu.memory_space<hbm>>, %arg5: memref<10000x16xf32, #tpu.memory_space<hbm>>, %arg6: memref<10000x16xf32, #tpu.memory_space<hbm>>, %arg7: memref<8x16xf32, #tpu.memory_space<hbm>>, %arg8: memref<320000x16xf32, #tpu.memory_space<hbm>>, %arg9: memref<320000xf32, #tpu.memory_space<hbm>>, %arg10: memref<20000x16xf32, #tpu.memory_space<hbm>>, %arg11: memref<400xi32, #tpu.memory_space<vmem>>, %arg12: memref<400xi32, #tpu.memory_space<vmem>>, %arg13: memref<400xi32, #tpu.memory_space<vmem>>, %arg14: memref<400x16xf32, #tpu.memory_space<vmem>>, %arg15: memref<400x16xf32, #tpu.memory_space<vmem>>, %arg16: memref<400x16xf32, #tpu.memory_space<vmem>>, %arg17: memref<400xf32, #tpu.memory_space<vmem>>, %arg18: memref<8x16xf32, #tpu.memory_space<vmem>>, %arg19: memref<624x16xf32, #tpu.memory_space<vmem>>, %arg20: memref<10000x16xf32, #tpu.memory_space<vmem_shared>>) attributes {dimension_semantics = [#tpu.dimension_semantics<core_parallel>, #tpu.dimension_semantics<subcore_parallel>], iteration_bounds = array<i64: 2, 16>, scalar_prefetch = 0 : i64, scratch_operands = 10 : i64, tpu.core_type = #tpu.core_type<sc_vector_subcore>, window_params = [{transform_indices = #map}, {transform_indices = #map}, {transform_indices = #map}, {transform_indices = #map1}, {transform_indices = #map1}, {transform_indices = #map1}, {transform_indices = #map1}, {transform_indices = #map}, {transform_indices = #map1}]} {
    %iota3A = tpu.iota {dimensions = array<i32: 0>} : vector<16xi32>
    %eq3A = arith.constant 0 : i32
    %eq3A_0 = vector.broadcast %eq3A : i32 to vector<16xi32>
    %eq3A_1 = arith.cmpi eq, %iota3A, %eq3A_0 : vector<16xi32>
    %lt3A = arith.constant 8 : i32
    %lt3A_2 = vector.broadcast %lt3A : i32 to vector<16xi32>
    %lt3A_3 = arith.cmpi slt, %iota3A, %lt3A_2 : vector<16xi32>
    %broadcast_in_dim3A = arith.constant 0.000000e+00 : f32
    %broadcast_in_dim3A_4 = vector.broadcast %broadcast_in_dim3A : f32 to vector<16xf32>
    %scan3A = arith.constant 0 : i32
    %scan3A_5 = arith.constant 0 : i32
    %scan3A_6 = arith.constant 624 : i32
    %scan3A_7 = arith.addi %scan3A_5, %scan3A_6 : i32
    %scan3A_8 = arith.constant 1 : i32
    %scan3A_9 = scf.for %scan3A_31 = %scan3A_5 to %scan3A_7 step %scan3A_8 iter_args(%scan3A_32 = %scan3A) -> (i32)  : i32 {
      %swap3A = arith.index_cast %scan3A_31 : i32 to index
      %swap3A_33 = arith.constant 0 : index
      %swap3A_34 = tpu.vector_load %arg19[%swap3A, %swap3A_33] {strides = array<i32>} : memref<624x16xf32, #tpu.memory_space<vmem>>, vector<16xf32>,
      tpu.vector_store %arg19[%swap3A, %swap3A_33], %broadcast_in_dim3A_4 {strides = array<i32>} : memref<624x16xf32, #tpu.memory_space<vmem>>, vector<16xf32>,
      %scan3A_35 = arith.constant 0 : i32
      scf.yield %scan3A_35 : i32
    }
    %scan3A_10 = arith.constant 624 : i32
    "tpu.region"() ({
      %run_scoped3A = tpu.sem_alloc : memref<!tpu.dma_semaphore, #tpu.memory_space<semaphore_mem>>
      tpu.enqueue_dma source(%arg7 : memref<8x16xf32, #tpu.memory_space<hbm>>) target(%arg18 : memref<8x16xf32, #tpu.memory_space<vmem>>) target_semaphore(%run_scoped3A : memref<!tpu.dma_semaphore, #tpu.memory_space<semaphore_mem>>)
      tpu.wait_dma2 semaphore(%run_scoped3A : memref<!tpu.dma_semaphore, #tpu.memory_space<semaphore_mem>>) src(%arg7 : memref<8x16xf32, #tpu.memory_space<hbm>>) dst(%arg18 : memref<8x16xf32, #tpu.memory_space<vmem>>)
      tpu.yield
    }) : () -> ()
    %mul3A = arith.constant 624 : i32
    %mul3A_11 = arith.muli %arg1, %mul3A : i32
    "tpu.region"() ({
      %run_scoped3A = tpu.sem_alloc : memref<!tpu.dma_semaphore, #tpu.memory_space<semaphore_mem>>
      %dma_start3A = arith.constant 0 : i32
      %dma_start3A_31 = tpu.memref_slice %arg20[%mul3A_11, %dma_start3A] : memref<10000x16xf32, #tpu.memory_space<vmem_shared>> -> memref<624x16xf32, #tpu.memory_space<vmem_shared>>
      %dma_start3A_32 = arith.constant 0 : i32
      %dma_start3A_33 = tpu.memref_slice %arg20[%mul3A_11, %dma_start3A_32] : memref<10000x16xf32, #tpu.memory_space<vmem_shared>> -> memref<624x16xf32, #tpu.memory_space<vmem_shared>>
      tpu.enqueue_dma source(%arg19 : memref<624x16xf32, #tpu.memory_space<vmem>>) target(%dma_start3A_33 : memref<624x16xf32, #tpu.memory_space<vmem_shared>>) target_semaphore(%run_scoped3A : memref<!tpu.dma_semaphore, #tpu.memory_space<semaphore_mem>>)
      %dma_wait3A = arith.constant 0 : i32
      %dma_wait3A_34 = tpu.memref_slice %arg20[%mul3A_11, %dma_wait3A] : memref<10000x16xf32, #tpu.memory_space<vmem_shared>> -> memref<624x16xf32, #tpu.memory_space<vmem_shared>>
      %dma_wait3A_35 = arith.constant 0 : i32
      %dma_wait3A_36 = tpu.memref_slice %arg20[%mul3A_11, %dma_wait3A_35] : memref<10000x16xf32, #tpu.memory_space<vmem_shared>> -> memref<624x16xf32, #tpu.memory_space<vmem_shared>>
      tpu.wait_dma2 semaphore(%run_scoped3A : memref<!tpu.dma_semaphore, #tpu.memory_space<semaphore_mem>>) src(%arg19 : memref<624x16xf32, #tpu.memory_space<vmem>>) dst(%dma_wait3A_36 : memref<624x16xf32, #tpu.memory_space<vmem_shared>>)
      tpu.yield
    }) : () -> ()
    %barrier3A = arith.constant 0 : index
    tpu.barrier barrier_id(%barrier3A)
    %mul3A_12 = arith.constant 160000 : i32
    %mul3A_13 = arith.muli %arg0, %mul3A_12 : i32
    %mul3A_14 = arith.constant 10000 : i32
    %mul3A_15 = arith.muli %arg1, %mul3A_14 : i32
    %add3A = arith.addi %mul3A_13, %mul3A_15 : i32
    %scan3A_16 = arith.constant 0 : i32
    %scan3A_17 = arith.constant 0 : i32
    %scan3A_18 = arith.constant 25 : i32
    %scan3A_19 = arith.addi %scan3A_17, %scan3A_18 : i32
    %scan3A_20 = arith.constant 1 : i32
    %scan3A_21 = scf.for %scan3A_31 = %scan3A_17 to %scan3A_19 step %scan3A_20 iter_args(%scan3A_32 = %scan3A_16) -> (i32)  : i32 {
      %mul3A_33 = arith.constant 400 : i32
      %mul3A_34 = arith.muli %scan3A_31, %mul3A_33 : i32
      %add3A_35 = arith.addi %add3A, %mul3A_34 : i32
      "tpu.region"() ({
        %run_scoped3A = tpu.sem_alloc : memref<!tpu.dma_semaphore, #tpu.memory_space<semaphore_mem>>
        %dma_start3A = tpu.memref_slice %arg2[%add3A_35] : memref<320000xi32, #tpu.memory_space<hbm>> -> memref<400xi32, #tpu.memory_space<hbm>>
        %dma_start3A_44 = tpu.memref_slice %arg2[%add3A_35] : memref<320000xi32, #tpu.memory_space<hbm>> -> memref<400xi32, #tpu.memory_space<hbm>>
        tpu.enqueue_dma source(%dma_start3A_44 : memref<400xi32, #tpu.memory_space<hbm>>) target(%arg11 : memref<400xi32, #tpu.memory_space<vmem>>) target_semaphore(%run_scoped3A : memref<!tpu.dma_semaphore, #tpu.memory_space<semaphore_mem>>)
        %dma_wait3A = tpu.memref_slice %arg2[%add3A_35] : memref<320000xi32, #tpu.memory_space<hbm>> -> memref<400xi32, #tpu.memory_space<hbm>>
        %dma_wait3A_45 = tpu.memref_slice %arg2[%add3A_35] : memref<320000xi32, #tpu.memory_space<hbm>> -> memref<400xi32, #tpu.memory_space<hbm>>
        tpu.wait_dma2 semaphore(%run_scoped3A : memref<!tpu.dma_semaphore, #tpu.memory_space<semaphore_mem>>) src(%dma_wait3A_45 : memref<400xi32, #tpu.memory_space<hbm>>) dst(%arg11 : memref<400xi32, #tpu.memory_space<vmem>>)
        tpu.yield
      }) : () -> ()
      "tpu.region"() ({
        %run_scoped3A = tpu.sem_alloc : memref<!tpu.dma_semaphore, #tpu.memory_space<semaphore_mem>>
        %dma_start3A = tpu.memref_slice %arg3[%add3A_35] : memref<320000xi32, #tpu.memory_space<hbm>> -> memref<400xi32, #tpu.memory_space<hbm>>
        %dma_start3A_44 = tpu.memref_slice %arg3[%add3A_35] : memref<320000xi32, #tpu.memory_space<hbm>> -> memref<400xi32, #tpu.memory_space<hbm>>
        tpu.enqueue_dma source(%dma_start3A_44 : memref<400xi32, #tpu.memory_space<hbm>>) target(%arg12 : memref<400xi32, #tpu.memory_space<vmem>>) target_semaphore(%run_scoped3A : memref<!tpu.dma_semaphore, #tpu.memory_space<semaphore_mem>>)
        %dma_wait3A = tpu.memref_slice %arg3[%add3A_35] : memref<320000xi32, #tpu.memory_space<hbm>> -> memref<400xi32, #tpu.memory_space<hbm>>
        %dma_wait3A_45 = tpu.memref_slice %arg3[%add3A_35] : memref<320000xi32, #tpu.memory_space<hbm>> -> memref<400xi32, #tpu.memory_space<hbm>>
        tpu.wait_dma2 semaphore(%run_scoped3A : memref<!tpu.dma_semaphore, #tpu.memory_space<semaphore_mem>>) src(%dma_wait3A_45 : memref<400xi32, #tpu.memory_space<hbm>>) dst(%arg12 : memref<400xi32, #tpu.memory_space<vmem>>)
        tpu.yield
      }) : () -> ()
      "tpu.region"() ({
        %run_scoped3A = tpu.sem_alloc : memref<!tpu.dma_semaphore, #tpu.memory_space<semaphore_mem>>
        %dma_start3A = tpu.memref_slice %arg4[%add3A_35] : memref<320000xi32, #tpu.memory_space<hbm>> -> memref<400xi32, #tpu.memory_space<hbm>>
        %dma_start3A_44 = tpu.memref_slice %arg4[%add3A_35] : memref<320000xi32, #tpu.memory_space<hbm>> -> memref<400xi32, #tpu.memory_space<hbm>>
        tpu.enqueue_dma source(%dma_start3A_44 : memref<400xi32, #tpu.memory_space<hbm>>) target(%arg13 : memref<400xi32, #tpu.memory_space<vmem>>) target_semaphore(%run_scoped3A : memref<!tpu.dma_semaphore, #tpu.memory_space<semaphore_mem>>)
        %dma_wait3A = tpu.memref_slice %arg4[%add3A_35] : memref<320000xi32, #tpu.memory_space<hbm>> -> memref<400xi32, #tpu.memory_space<hbm>>
        %dma_wait3A_45 = tpu.memref_slice %arg4[%add3A_35] : memref<320000xi32, #tpu.memory_space<hbm>> -> memref<400xi32, #tpu.memory_space<hbm>>
        tpu.wait_dma2 semaphore(%run_scoped3A : memref<!tpu.dma_semaphore, #tpu.memory_space<semaphore_mem>>) src(%dma_wait3A_45 : memref<400xi32, #tpu.memory_space<hbm>>) dst(%arg13 : memref<400xi32, #tpu.memory_space<vmem>>)
        tpu.yield
      }) : () -> ()
      "tpu.region"() ({
        %run_scoped3A = tpu.sem_alloc : memref<!tpu.dma_semaphore, #tpu.memory_space<semaphore_mem>>
        %dma_start3A = arith.constant 0 : i32
        %dma_start3A_44 = arith.constant 0 : i32
        %dma_start3A_45 = tpu.memref_slice %arg5[%dma_start3A, %dma_start3A_44] : memref<10000x16xf32, #tpu.memory_space<hbm>> -> memref<10000x16xf32, #tpu.memory_space<hbm>>
        tpu.enqueue_indirect_dma source(%dma_start3A_45 : memref<10000x16xf32, #tpu.memory_space<hbm>>) target(%arg14 : memref<400x16xf32, #tpu.memory_space<vmem>>) offsets(%arg11 : memref<400xi32, #tpu.memory_space<vmem>>) semaphore(%run_scoped3A : memref<!tpu.dma_semaphore, #tpu.memory_space<semaphore_mem>>)
        %dma_wait3A = arith.constant 0 : i32
        %dma_wait3A_46 = arith.constant 0 : i32
        %dma_wait3A_47 = tpu.memref_slice %arg5[%dma_wait3A, %dma_wait3A_46] : memref<10000x16xf32, #tpu.memory_space<hbm>> -> memref<10000x16xf32, #tpu.memory_space<hbm>>
        tpu.wait_indirect_dma semaphore(%run_scoped3A : memref<!tpu.dma_semaphore, #tpu.memory_space<semaphore_mem>>) src(%dma_wait3A_47 : memref<10000x16xf32, #tpu.memory_space<hbm>>) dst(%arg14 : memref<400x16xf32, #tpu.memory_space<vmem>>)
        tpu.yield
      }) : () -> ()
      "tpu.region"() ({
        %run_scoped3A = tpu.sem_alloc : memref<!tpu.dma_semaphore, #tpu.memory_space<semaphore_mem>>
        %dma_start3A = arith.constant 0 : i32
        %dma_start3A_44 = arith.constant 0 : i32
        %dma_start3A_45 = tpu.memref_slice %arg6[%dma_start3A, %dma_start3A_44] : memref<10000x16xf32, #tpu.memory_space<hbm>> -> memref<10000x16xf32, #tpu.memory_space<hbm>>
        tpu.enqueue_indirect_dma source(%dma_start3A_45 : memref<10000x16xf32, #tpu.memory_space<hbm>>) target(%arg15 : memref<400x16xf32, #tpu.memory_space<vmem>>) offsets(%arg12 : memref<400xi32, #tpu.memory_space<vmem>>) semaphore(%run_scoped3A : memref<!tpu.dma_semaphore, #tpu.memory_space<semaphore_mem>>)
        %dma_wait3A = arith.constant 0 : i32
        %dma_wait3A_46 = arith.constant 0 : i32
        %dma_wait3A_47 = tpu.memref_slice %arg6[%dma_wait3A, %dma_wait3A_46] : memref<10000x16xf32, #tpu.memory_space<hbm>> -> memref<10000x16xf32, #tpu.memory_space<hbm>>
        tpu.wait_indirect_dma semaphore(%run_scoped3A : memref<!tpu.dma_semaphore, #tpu.memory_space<semaphore_mem>>) src(%dma_wait3A_47 : memref<10000x16xf32, #tpu.memory_space<hbm>>) dst(%arg15 : memref<400x16xf32, #tpu.memory_space<vmem>>)
        tpu.yield
      }) : () -> ()
      %scan3A_36 = arith.constant 0 : i32
      %scan3A_37 = arith.constant 0 : i32
      %scan3A_38 = arith.constant 400 : i32
      %scan3A_39 = arith.addi %scan3A_37, %scan3A_38 : i32
      %scan3A_40 = arith.constant 1 : i32
      %scan3A_41 = scf.for %scan3A_44 = %scan3A_37 to %scan3A_39 step %scan3A_40 iter_args(%scan3A_45 = %scan3A_36) -> (i32)  : i32 {
        %broadcast_in_dim3A_46 = vector.broadcast %scan3A_44 : i32 to vector<16xi32>
        %gather3A = tpu.vector_load_idx %arg13[%broadcast_in_dim3A_46] : memref<400xi32, #tpu.memory_space<vmem>>[vector<16xi32>], vector<16xi32>,
        %gather3A_47 = tpu.vector_load_idx %arg18[%gather3A, %iota3A] : memref<8x16xf32, #tpu.memory_space<vmem>>[vector<16xi32>, vector<16xi32>], vector<16xf32>,
        %get3A = arith.index_cast %scan3A_44 : i32 to index
        %get3A_48 = arith.constant 0 : index
        %get3A_49 = tpu.vector_load %arg14[%get3A, %get3A_48] {strides = array<i32>} : memref<400x16xf32, #tpu.memory_space<vmem>>, vector<16xf32>,
        %get3A_50 = arith.index_cast %scan3A_44 : i32 to index
        %get3A_51 = arith.constant 0 : index
        %get3A_52 = tpu.vector_load %arg15[%get3A_50, %get3A_51] {strides = array<i32>} : memref<400x16xf32, #tpu.memory_space<vmem>>, vector<16xf32>,
        %add3A_53 = arith.addf %get3A_49, %get3A_52 : vector<16xf32>
        %add3A_54 = arith.addf %add3A_53, %gather3A_47 : vector<16xf32>
        %mul3A_55 = arith.constant 2.000000e-01 : f32
        %mul3A_56 = vector.broadcast %mul3A_55 : f32 to vector<16xf32>
        %mul3A_57 = arith.mulf %mul3A_56, %add3A_54 : vector<16xf32>
        %max3A = arith.maximumf %add3A_54, %mul3A_57 : vector<16xf32>
        %exp3A = math.exp %max3A : vector<16xf32>
        %jit3A = arith.constant 0.000000e+00 : f32
        %broadcast_in_dim3A_58 = vector.broadcast %jit3A : f32 to vector<16xf32>
        %select_n3A = arith.select %lt3A_3, %exp3A, %broadcast_in_dim3A_58 : vector<16xi1>, vector<16xf32>
        %swap3A = arith.index_cast %scan3A_44 : i32 to index
        %swap3A_59 = arith.constant 0 : index
        %swap3A_60 = tpu.vector_load %arg16[%swap3A, %swap3A_59] {strides = array<i32>} : memref<400x16xf32, #tpu.memory_space<vmem>>, vector<16xf32>,
        tpu.vector_store %arg16[%swap3A, %swap3A_59], %select_n3A {strides = array<i32>} : memref<400x16xf32, #tpu.memory_space<vmem>>, vector<16xf32>,
        tpu.vector_store_idx %arg17[%broadcast_in_dim3A_46], %select_n3A masked %eq3A_1 : memref<400xf32, #tpu.memory_space<vmem>>[vector<16xi32>], vector<16xf32>, vector<16xi1>
        %scan3A_61 = arith.constant 0 : i32
        scf.yield %scan3A_61 : i32
      }
      %scan3A_42 = arith.constant 400 : i32
      "tpu.region"() ({
        %run_scoped3A = tpu.sem_alloc : memref<!tpu.dma_semaphore, #tpu.memory_space<semaphore_mem>>
        %dma_start3A = arith.constant 0 : i32
        %dma_start3A_44 = arith.constant 0 : i32
        %dma_start3A_45 = tpu.memref_slice %arg20[%dma_start3A, %dma_start3A_44] : memref<10000x16xf32, #tpu.memory_space<vmem_shared>> -> memref<10000x16xf32, #tpu.memory_space<vmem_shared>>
        tpu.enqueue_indirect_dma source(%arg16 : memref<400x16xf32, #tpu.memory_space<vmem>>) target(%dma_start3A_45 : memref<10000x16xf32, #tpu.memory_space<vmem_shared>>) offsets(%arg12 : memref<400xi32, #tpu.memory_space<vmem>>) semaphore(%run_scoped3A : memref<!tpu.dma_semaphore, #tpu.memory_space<semaphore_mem>>) {add = true}
        %dma_wait3A = arith.constant 0 : i32
        %dma_wait3A_46 = arith.constant 0 : i32
        %dma_wait3A_47 = tpu.memref_slice %arg20[%dma_wait3A, %dma_wait3A_46] : memref<10000x16xf32, #tpu.memory_space<vmem_shared>> -> memref<10000x16xf32, #tpu.memory_space<vmem_shared>>
        tpu.wait_indirect_dma semaphore(%run_scoped3A : memref<!tpu.dma_semaphore, #tpu.memory_space<semaphore_mem>>) src(%arg16 : memref<400x16xf32, #tpu.memory_space<vmem>>) dst(%dma_wait3A_47 : memref<10000x16xf32, #tpu.memory_space<vmem_shared>>)
        tpu.yield
      }) : () -> ()
      "tpu.region"() ({
        %run_scoped3A = tpu.sem_alloc : memref<!tpu.dma_semaphore, #tpu.memory_space<semaphore_mem>>
        %dma_start3A = arith.constant 0 : i32
        %dma_start3A_44 = tpu.memref_slice %arg8[%add3A_35, %dma_start3A] : memref<320000x16xf32, #tpu.memory_space<hbm>> -> memref<400x16xf32, #tpu.memory_space<hbm>>
        %dma_start3A_45 = arith.constant 0 : i32
        %dma_start3A_46 = tpu.memref_slice %arg8[%add3A_35, %dma_start3A_45] : memref<320000x16xf32, #tpu.memory_space<hbm>> -> memref<400x16xf32, #tpu.memory_space<hbm>>
        tpu.enqueue_dma source(%arg16 : memref<400x16xf32, #tpu.memory_space<vmem>>) target(%dma_start3A_46 : memref<400x16xf32, #tpu.memory_space<hbm>>) target_semaphore(%run_scoped3A : memref<!tpu.dma_semaphore, #tpu.memory_space<semaphore_mem>>)
        %dma_wait3A = arith.constant 0 : i32
        %dma_wait3A_47 = tpu.memref_slice %arg8[%add3A_35, %dma_wait3A] : memref<320000x16xf32, #tpu.memory_space<hbm>> -> memref<400x16xf32, #tpu.memory_space<hbm>>
        %dma_wait3A_48 = arith.constant 0 : i32
        %dma_wait3A_49 = tpu.memref_slice %arg8[%add3A_35, %dma_wait3A_48] : memref<320000x16xf32, #tpu.memory_space<hbm>> -> memref<400x16xf32, #tpu.memory_space<hbm>>
        tpu.wait_dma2 semaphore(%run_scoped3A : memref<!tpu.dma_semaphore, #tpu.memory_space<semaphore_mem>>) src(%arg16 : memref<400x16xf32, #tpu.memory_space<vmem>>) dst(%dma_wait3A_49 : memref<400x16xf32, #tpu.memory_space<hbm>>)
        tpu.yield
      }) : () -> ()
      "tpu.region"() ({
        %run_scoped3A = tpu.sem_alloc : memref<!tpu.dma_semaphore, #tpu.memory_space<semaphore_mem>>
        %dma_start3A = tpu.memref_slice %arg9[%add3A_35] : memref<320000xf32, #tpu.memory_space<hbm>> -> memref<400xf32, #tpu.memory_space<hbm>>
        %dma_start3A_44 = tpu.memref_slice %arg9[%add3A_35] : memref<320000xf32, #tpu.memory_space<hbm>> -> memref<400xf32, #tpu.memory_space<hbm>>
        tpu.enqueue_dma source(%arg17 : memref<400xf32, #tpu.memory_space<vmem>>) target(%dma_start3A_44 : memref<400xf32, #tpu.memory_space<hbm>>) target_semaphore(%run_scoped3A : memref<!tpu.dma_semaphore, #tpu.memory_space<semaphore_mem>>)
        %dma_wait3A = tpu.memref_slice %arg9[%add3A_35] : memref<320000xf32, #tpu.memory_space<hbm>> -> memref<400xf32, #tpu.memory_space<hbm>>
        %dma_wait3A_45 = tpu.memref_slice %arg9[%add3A_35] : memref<320000xf32, #tpu.memory_space<hbm>> -> memref<400xf32, #tpu.memory_space<hbm>>
        tpu.wait_dma2 semaphore(%run_scoped3A : memref<!tpu.dma_semaphore, #tpu.memory_space<semaphore_mem>>) src(%arg17 : memref<400xf32, #tpu.memory_space<vmem>>) dst(%dma_wait3A_45 : memref<400xf32, #tpu.memory_space<hbm>>)
        tpu.yield
      }) : () -> ()
      %scan3A_43 = arith.constant 0 : i32
      scf.yield %scan3A_43 : i32
    }
    %scan3A_22 = arith.constant 25 : i32
    %barrier3A_23 = arith.constant 0 : index
    tpu.barrier barrier_id(%barrier3A_23)
    %mul3A_24 = arith.constant 624 : i32
    %mul3A_25 = arith.muli %arg1, %mul3A_24 : i32
    %mul3A_26 = arith.constant 10000 : i32
    %mul3A_27 = arith.muli %arg0, %mul3A_26 : i32
    %mul3A_28 = arith.constant 624 : i32
    %mul3A_29 = arith.muli %arg1, %mul3A_28 : i32
    %add3A_30 = arith.addi %mul3A_27, %mul3A_29 : i32
    "tpu.region"() ({
      %run_scoped3A = tpu.sem_alloc : memref<!tpu.dma_semaphore, #tpu.memory_space<semaphore_mem>>
      %dma_start3A = arith.constant 0 : i32
      %dma_start3A_31 = tpu.memref_slice %arg10[%add3A_30, %dma_start3A] : memref<20000x16xf32, #tpu.memory_space<hbm>> -> memref<624x16xf32, #tpu.memory_space<hbm>>
      %dma_start3A_32 = arith.constant 0 : i32
      %dma_start3A_33 = tpu.memref_slice %arg20[%mul3A_25, %dma_start3A_32] : memref<10000x16xf32, #tpu.memory_space<vmem_shared>> -> memref<624x16xf32, #tpu.memory_space<vmem_shared>>
      tpu.enqueue_dma source(%dma_start3A_33 : memref<624x16xf32, #tpu.memory_space<vmem_shared>>) target(%dma_start3A_31 : memref<624x16xf32, #tpu.memory_space<hbm>>) target_semaphore(%run_scoped3A : memref<!tpu.dma_semaphore, #tpu.memory_space<semaphore_mem>>)
      %dma_wait3A = arith.constant 0 : i32
      %dma_wait3A_34 = tpu.memref_slice %arg10[%add3A_30, %dma_wait3A] : memref<20000x16xf32, #tpu.memory_space<hbm>> -> memref<624x16xf32, #tpu.memory_space<hbm>>
      %dma_wait3A_35 = arith.constant 0 : i32
      %dma_wait3A_36 = tpu.memref_slice %arg20[%mul3A_25, %dma_wait3A_35] : memref<10000x16xf32, #tpu.memory_space<vmem_shared>> -> memref<624x16xf32, #tpu.memory_space<vmem_shared>>
      tpu.wait_dma2 semaphore(%run_scoped3A : memref<!tpu.dma_semaphore, #tpu.memory_space<semaphore_mem>>) src(%dma_wait3A_36 : memref<624x16xf32, #tpu.memory_space<vmem_shared>>) dst(%dma_wait3A_34 : memref<624x16xf32, #tpu.memory_space<hbm>>)
      tpu.yield
    }) : () -> ()
    return
  }
}

#map = affine_map<(d0, d1) -> (0)>
#map1 = affine_map<(d0, d1) -> (0, 0)>
module attributes {stable_mosaic.version = 14 : i64} {
  func.func @_p0m_body(%arg0: i32, %arg1: i32, %arg2: memref<320000xi32, #tpu.memory_space<hbm>>, %arg3: memref<320000xi32, #tpu.memory_space<hbm>>, %arg4: memref<320000x16xf32, #tpu.memory_space<hbm>>, %arg5: memref<80000x64xf32, #tpu.memory_space<hbm>>, %arg6: memref<80000x64xf32, #tpu.memory_space<hbm>>, %arg7: memref<400xi32, #tpu.memory_space<vmem>>, %arg8: memref<400xi32, #tpu.memory_space<vmem>>, %arg9: memref<400xi32, #tpu.memory_space<vmem>>, %arg10: memref<400x64xf32, #tpu.memory_space<vmem>>, %arg11: memref<400x16xf32, #tpu.memory_space<vmem>>, %arg12: memref<125x64xf32, #tpu.memory_space<vmem>>, %arg13: memref<10000x64xf32, #tpu.memory_space<vmem_shared>>) attributes {dimension_semantics = [#tpu.dimension_semantics<core_parallel>, #tpu.dimension_semantics<subcore_parallel>], iteration_bounds = array<i64: 2, 16>, scalar_prefetch = 0 : i64, scratch_operands = 7 : i64, tpu.core_type = #tpu.core_type<sc_vector_subcore>, window_params = [{transform_indices = #map}, {transform_indices = #map}, {transform_indices = #map1}, {transform_indices = #map1}, {transform_indices = #map1}]} {
    %broadcast_in_dim3A = arith.constant 0.000000e+00 : f32
    %broadcast_in_dim3A_0 = vector.broadcast %broadcast_in_dim3A : f32 to vector<16xf32>
    %scan3A = arith.constant 0 : i32
    %scan3A_1 = arith.constant 0 : i32
    %scan3A_2 = arith.constant 125 : i32
    %scan3A_3 = arith.addi %scan3A_1, %scan3A_2 : i32
    %scan3A_4 = arith.constant 1 : i32
    %scan3A_5 = scf.for %scan3A_166 = %scan3A_1 to %scan3A_3 step %scan3A_4 iter_args(%scan3A_167 = %scan3A) -> (i32)  : i32 {
      %swap3A = arith.index_cast %scan3A_166 : i32 to index
      %swap3A_168 = arith.constant 0 : index
      %swap3A_169 = tpu.vector_load %arg12[%swap3A, %swap3A_168] {strides = array<i32>} : memref<125x64xf32, #tpu.memory_space<vmem>>, vector<16xf32>,
      tpu.vector_store %arg12[%swap3A, %swap3A_168], %broadcast_in_dim3A_0 {strides = array<i32>} : memref<125x64xf32, #tpu.memory_space<vmem>>, vector<16xf32>,
      %swap3A_170 = arith.index_cast %scan3A_166 : i32 to index
      %swap3A_171 = arith.constant 16 : index
      %swap3A_172 = tpu.vector_load %arg12[%swap3A_170, %swap3A_171] {strides = array<i32>} : memref<125x64xf32, #tpu.memory_space<vmem>>, vector<16xf32>,
      tpu.vector_store %arg12[%swap3A_170, %swap3A_171], %broadcast_in_dim3A_0 {strides = array<i32>} : memref<125x64xf32, #tpu.memory_space<vmem>>, vector<16xf32>,
      %swap3A_173 = arith.index_cast %scan3A_166 : i32 to index
      %swap3A_174 = arith.constant 32 : index
      %swap3A_175 = tpu.vector_load %arg12[%swap3A_173, %swap3A_174] {strides = array<i32>} : memref<125x64xf32, #tpu.memory_space<vmem>>, vector<16xf32>,
      tpu.vector_store %arg12[%swap3A_173, %swap3A_174], %broadcast_in_dim3A_0 {strides = array<i32>} : memref<125x64xf32, #tpu.memory_space<vmem>>, vector<16xf32>,
      %swap3A_176 = arith.index_cast %scan3A_166 : i32 to index
      %swap3A_177 = arith.constant 48 : index
      %swap3A_178 = tpu.vector_load %arg12[%swap3A_176, %swap3A_177] {strides = array<i32>} : memref<125x64xf32, #tpu.memory_space<vmem>>, vector<16xf32>,
      tpu.vector_store %arg12[%swap3A_176, %swap3A_177], %broadcast_in_dim3A_0 {strides = array<i32>} : memref<125x64xf32, #tpu.memory_space<vmem>>, vector<16xf32>,
      %scan3A_179 = arith.constant 0 : i32
      scf.yield %scan3A_179 : i32
    }
    %scan3A_6 = arith.constant 125 : i32
    %mul3A = arith.constant 20000 : i32
    %mul3A_7 = arith.muli %arg1, %mul3A : i32
    %mul3A_8 = arith.constant 4 : i32
    %mul3A_9 = arith.muli %mul3A_8, %arg0 : i32
    %add3A = arith.constant 0 : i32
    %add3A_10 = arith.addi %mul3A_9, %add3A : i32
    %mul3A_11 = arith.constant 624 : i32
    %mul3A_12 = arith.muli %arg1, %mul3A_11 : i32
    %add3A_13 = arith.constant 0 : i32
    %add3A_14 = arith.addi %mul3A_12, %add3A_13 : i32
    "tpu.region"() ({
      %run_scoped3A = tpu.sem_alloc : memref<!tpu.dma_semaphore, #tpu.memory_space<semaphore_mem>>
      %dma_start3A = arith.constant 0 : i32
      %dma_start3A_166 = tpu.memref_slice %arg13[%add3A_14, %dma_start3A] : memref<10000x64xf32, #tpu.memory_space<vmem_shared>> -> memref<125x64xf32, #tpu.memory_space<vmem_shared>>
      %dma_start3A_167 = arith.constant 0 : i32
      %dma_start3A_168 = tpu.memref_slice %arg13[%add3A_14, %dma_start3A_167] : memref<10000x64xf32, #tpu.memory_space<vmem_shared>> -> memref<125x64xf32, #tpu.memory_space<vmem_shared>>
      tpu.enqueue_dma source(%arg12 : memref<125x64xf32, #tpu.memory_space<vmem>>) target(%dma_start3A_168 : memref<125x64xf32, #tpu.memory_space<vmem_shared>>) target_semaphore(%run_scoped3A : memref<!tpu.dma_semaphore, #tpu.memory_space<semaphore_mem>>)
      %dma_wait3A = arith.constant 0 : i32
      %dma_wait3A_169 = tpu.memref_slice %arg13[%add3A_14, %dma_wait3A] : memref<10000x64xf32, #tpu.memory_space<vmem_shared>> -> memref<125x64xf32, #tpu.memory_space<vmem_shared>>
      %dma_wait3A_170 = arith.constant 0 : i32
      %dma_wait3A_171 = tpu.memref_slice %arg13[%add3A_14, %dma_wait3A_170] : memref<10000x64xf32, #tpu.memory_space<vmem_shared>> -> memref<125x64xf32, #tpu.memory_space<vmem_shared>>
      tpu.wait_dma2 semaphore(%run_scoped3A : memref<!tpu.dma_semaphore, #tpu.memory_space<semaphore_mem>>) src(%arg12 : memref<125x64xf32, #tpu.memory_space<vmem>>) dst(%dma_wait3A_171 : memref<125x64xf32, #tpu.memory_space<vmem_shared>>)
      tpu.yield
    }) : () -> ()
    %mul3A_15 = arith.constant 624 : i32
    %mul3A_16 = arith.muli %arg1, %mul3A_15 : i32
    %add3A_17 = arith.constant 125 : i32
    %add3A_18 = arith.addi %mul3A_16, %add3A_17 : i32
    "tpu.region"() ({
      %run_scoped3A = tpu.sem_alloc : memref<!tpu.dma_semaphore, #tpu.memory_space<semaphore_mem>>
      %dma_start3A = arith.constant 0 : i32
      %dma_start3A_166 = tpu.memref_slice %arg13[%add3A_18, %dma_start3A] : memref<10000x64xf32, #tpu.memory_space<vmem_shared>> -> memref<125x64xf32, #tpu.memory_space<vmem_shared>>
      %dma_start3A_167 = arith.constant 0 : i32
      %dma_start3A_168 = tpu.memref_slice %arg13[%add3A_18, %dma_start3A_167] : memref<10000x64xf32, #tpu.memory_space<vmem_shared>> -> memref<125x64xf32, #tpu.memory_space<vmem_shared>>
      tpu.enqueue_dma source(%arg12 : memref<125x64xf32, #tpu.memory_space<vmem>>) target(%dma_start3A_168 : memref<125x64xf32, #tpu.memory_space<vmem_shared>>) target_semaphore(%run_scoped3A : memref<!tpu.dma_semaphore, #tpu.memory_space<semaphore_mem>>)
      %dma_wait3A = arith.constant 0 : i32
      %dma_wait3A_169 = tpu.memref_slice %arg13[%add3A_18, %dma_wait3A] : memref<10000x64xf32, #tpu.memory_space<vmem_shared>> -> memref<125x64xf32, #tpu.memory_space<vmem_shared>>
      %dma_wait3A_170 = arith.constant 0 : i32
      %dma_wait3A_171 = tpu.memref_slice %arg13[%add3A_18, %dma_wait3A_170] : memref<10000x64xf32, #tpu.memory_space<vmem_shared>> -> memref<125x64xf32, #tpu.memory_space<vmem_shared>>
      tpu.wait_dma2 semaphore(%run_scoped3A : memref<!tpu.dma_semaphore, #tpu.memory_space<semaphore_mem>>) src(%arg12 : memref<125x64xf32, #tpu.memory_space<vmem>>) dst(%dma_wait3A_171 : memref<125x64xf32, #tpu.memory_space<vmem_shared>>)
      tpu.yield
    }) : () -> ()
    %mul3A_19 = arith.constant 624 : i32
    %mul3A_20 = arith.muli %arg1, %mul3A_19 : i32
    %add3A_21 = arith.constant 250 : i32
    %add3A_22 = arith.addi %mul3A_20, %add3A_21 : i32
    "tpu.region"() ({
      %run_scoped3A = tpu.sem_alloc : memref<!tpu.dma_semaphore, #tpu.memory_space<semaphore_mem>>
      %dma_start3A = arith.constant 0 : i32
      %dma_start3A_166 = tpu.memref_slice %arg13[%add3A_22, %dma_start3A] : memref<10000x64xf32, #tpu.memory_space<vmem_shared>> -> memref<125x64xf32, #tpu.memory_space<vmem_shared>>
      %dma_start3A_167 = arith.constant 0 : i32
      %dma_start3A_168 = tpu.memref_slice %arg13[%add3A_22, %dma_start3A_167] : memref<10000x64xf32, #tpu.memory_space<vmem_shared>> -> memref<125x64xf32, #tpu.memory_space<vmem_shared>>
      tpu.enqueue_dma source(%arg12 : memref<125x64xf32, #tpu.memory_space<vmem>>) target(%dma_start3A_168 : memref<125x64xf32, #tpu.memory_space<vmem_shared>>) target_semaphore(%run_scoped3A : memref<!tpu.dma_semaphore, #tpu.memory_space<semaphore_mem>>)
      %dma_wait3A = arith.constant 0 : i32
      %dma_wait3A_169 = tpu.memref_slice %arg13[%add3A_22, %dma_wait3A] : memref<10000x64xf32, #tpu.memory_space<vmem_shared>> -> memref<125x64xf32, #tpu.memory_space<vmem_shared>>
      %dma_wait3A_170 = arith.constant 0 : i32
      %dma_wait3A_171 = tpu.memref_slice %arg13[%add3A_22, %dma_wait3A_170] : memref<10000x64xf32, #tpu.memory_space<vmem_shared>> -> memref<125x64xf32, #tpu.memory_space<vmem_shared>>
      tpu.wait_dma2 semaphore(%run_scoped3A : memref<!tpu.dma_semaphore, #tpu.memory_space<semaphore_mem>>) src(%arg12 : memref<125x64xf32, #tpu.memory_space<vmem>>) dst(%dma_wait3A_171 : memref<125x64xf32, #tpu.memory_space<vmem_shared>>)
      tpu.yield
    }) : () -> ()
    %mul3A_23 = arith.constant 624 : i32
    %mul3A_24 = arith.muli %arg1, %mul3A_23 : i32
    %add3A_25 = arith.constant 375 : i32
    %add3A_26 = arith.addi %mul3A_24, %add3A_25 : i32
    "tpu.region"() ({
      %run_scoped3A = tpu.sem_alloc : memref<!tpu.dma_semaphore, #tpu.memory_space<semaphore_mem>>
      %dma_start3A = arith.constant 0 : i32
      %dma_start3A_166 = tpu.memref_slice %arg13[%add3A_26, %dma_start3A] : memref<10000x64xf32, #tpu.memory_space<vmem_shared>> -> memref<125x64xf32, #tpu.memory_space<vmem_shared>>
      %dma_start3A_167 = arith.constant 0 : i32
      %dma_start3A_168 = tpu.memref_slice %arg13[%add3A_26, %dma_start3A_167] : memref<10000x64xf32, #tpu.memory_space<vmem_shared>> -> memref<125x64xf32, #tpu.memory_space<vmem_shared>>
      tpu.enqueue_dma source(%arg12 : memref<125x64xf32, #tpu.memory_space<vmem>>) target(%dma_start3A_168 : memref<125x64xf32, #tpu.memory_space<vmem_shared>>) target_semaphore(%run_scoped3A : memref<!tpu.dma_semaphore, #tpu.memory_space<semaphore_mem>>)
      %dma_wait3A = arith.constant 0 : i32
      %dma_wait3A_169 = tpu.memref_slice %arg13[%add3A_26, %dma_wait3A] : memref<10000x64xf32, #tpu.memory_space<vmem_shared>> -> memref<125x64xf32, #tpu.memory_space<vmem_shared>>
      %dma_wait3A_170 = arith.constant 0 : i32
      %dma_wait3A_171 = tpu.memref_slice %arg13[%add3A_26, %dma_wait3A_170] : memref<10000x64xf32, #tpu.memory_space<vmem_shared>> -> memref<125x64xf32, #tpu.memory_space<vmem_shared>>
      tpu.wait_dma2 semaphore(%run_scoped3A : memref<!tpu.dma_semaphore, #tpu.memory_space<semaphore_mem>>) src(%arg12 : memref<125x64xf32, #tpu.memory_space<vmem>>) dst(%dma_wait3A_171 : memref<125x64xf32, #tpu.memory_space<vmem_shared>>)
      tpu.yield
    }) : () -> ()
    %mul3A_27 = arith.constant 624 : i32
    %mul3A_28 = arith.muli %arg1, %mul3A_27 : i32
    %add3A_29 = arith.constant 500 : i32
    %add3A_30 = arith.addi %mul3A_28, %add3A_29 : i32
    "tpu.region"() ({
      %run_scoped3A = tpu.sem_alloc : memref<!tpu.dma_semaphore, #tpu.memory_space<semaphore_mem>>
      %dma_start3A = arith.constant 0 : i32
      %dma_start3A_166 = tpu.memref_slice %arg13[%add3A_30, %dma_start3A] : memref<10000x64xf32, #tpu.memory_space<vmem_shared>> -> memref<125x64xf32, #tpu.memory_space<vmem_shared>>
      %dma_start3A_167 = arith.constant 0 : i32
      %dma_start3A_168 = tpu.memref_slice %arg13[%add3A_30, %dma_start3A_167] : memref<10000x64xf32, #tpu.memory_space<vmem_shared>> -> memref<125x64xf32, #tpu.memory_space<vmem_shared>>
      tpu.enqueue_dma source(%arg12 : memref<125x64xf32, #tpu.memory_space<vmem>>) target(%dma_start3A_168 : memref<125x64xf32, #tpu.memory_space<vmem_shared>>) target_semaphore(%run_scoped3A : memref<!tpu.dma_semaphore, #tpu.memory_space<semaphore_mem>>)
      %dma_wait3A = arith.constant 0 : i32
      %dma_wait3A_169 = tpu.memref_slice %arg13[%add3A_30, %dma_wait3A] : memref<10000x64xf32, #tpu.memory_space<vmem_shared>> -> memref<125x64xf32, #tpu.memory_space<vmem_shared>>
      %dma_wait3A_170 = arith.constant 0 : i32
      %dma_wait3A_171 = tpu.memref_slice %arg13[%add3A_30, %dma_wait3A_170] : memref<10000x64xf32, #tpu.memory_space<vmem_shared>> -> memref<125x64xf32, #tpu.memory_space<vmem_shared>>
      tpu.wait_dma2 semaphore(%run_scoped3A : memref<!tpu.dma_semaphore, #tpu.memory_space<semaphore_mem>>) src(%arg12 : memref<125x64xf32, #tpu.memory_space<vmem>>) dst(%dma_wait3A_171 : memref<125x64xf32, #tpu.memory_space<vmem_shared>>)
      tpu.yield
    }) : () -> ()
    %barrier3A = arith.constant 0 : index
    tpu.barrier barrier_id(%barrier3A)
    %scan3A_31 = arith.constant 0 : i32
    %scan3A_32 = arith.constant 0 : i32
    %scan3A_33 = arith.constant 50 : i32
    %scan3A_34 = arith.addi %scan3A_32, %scan3A_33 : i32
    %scan3A_35 = arith.constant 1 : i32
    %scan3A_36 = scf.for %scan3A_166 = %scan3A_32 to %scan3A_34 step %scan3A_35 iter_args(%scan3A_167 = %scan3A_31) -> (i32)  : i32 {
      %mul3A_168 = arith.constant 400 : i32
      %mul3A_169 = arith.muli %scan3A_166, %mul3A_168 : i32
      %add3A_170 = arith.addi %mul3A_7, %mul3A_169 : i32
      "tpu.region"() ({
        %run_scoped3A = tpu.sem_alloc : memref<!tpu.dma_semaphore, #tpu.memory_space<semaphore_mem>>
        %dma_start3A = tpu.memref_slice %arg2[%add3A_170] : memref<320000xi32, #tpu.memory_space<hbm>> -> memref<400xi32, #tpu.memory_space<hbm>>
        %dma_start3A_189 = tpu.memref_slice %arg2[%add3A_170] : memref<320000xi32, #tpu.memory_space<hbm>> -> memref<400xi32, #tpu.memory_space<hbm>>
        tpu.enqueue_dma source(%dma_start3A_189 : memref<400xi32, #tpu.memory_space<hbm>>) target(%arg7 : memref<400xi32, #tpu.memory_space<vmem>>) target_semaphore(%run_scoped3A : memref<!tpu.dma_semaphore, #tpu.memory_space<semaphore_mem>>)
        %dma_wait3A = tpu.memref_slice %arg2[%add3A_170] : memref<320000xi32, #tpu.memory_space<hbm>> -> memref<400xi32, #tpu.memory_space<hbm>>
        %dma_wait3A_190 = tpu.memref_slice %arg2[%add3A_170] : memref<320000xi32, #tpu.memory_space<hbm>> -> memref<400xi32, #tpu.memory_space<hbm>>
        tpu.wait_dma2 semaphore(%run_scoped3A : memref<!tpu.dma_semaphore, #tpu.memory_space<semaphore_mem>>) src(%dma_wait3A_190 : memref<400xi32, #tpu.memory_space<hbm>>) dst(%arg7 : memref<400xi32, #tpu.memory_space<vmem>>)
        tpu.yield
      }) : () -> ()
      "tpu.region"() ({
        %run_scoped3A = tpu.sem_alloc : memref<!tpu.dma_semaphore, #tpu.memory_space<semaphore_mem>>
        %dma_start3A = tpu.memref_slice %arg3[%add3A_170] : memref<320000xi32, #tpu.memory_space<hbm>> -> memref<400xi32, #tpu.memory_space<hbm>>
        %dma_start3A_189 = tpu.memref_slice %arg3[%add3A_170] : memref<320000xi32, #tpu.memory_space<hbm>> -> memref<400xi32, #tpu.memory_space<hbm>>
        tpu.enqueue_dma source(%dma_start3A_189 : memref<400xi32, #tpu.memory_space<hbm>>) target(%arg8 : memref<400xi32, #tpu.memory_space<vmem>>) target_semaphore(%run_scoped3A : memref<!tpu.dma_semaphore, #tpu.memory_space<semaphore_mem>>)
        %dma_wait3A = tpu.memref_slice %arg3[%add3A_170] : memref<320000xi32, #tpu.memory_space<hbm>> -> memref<400xi32, #tpu.memory_space<hbm>>
        %dma_wait3A_190 = tpu.memref_slice %arg3[%add3A_170] : memref<320000xi32, #tpu.memory_space<hbm>> -> memref<400xi32, #tpu.memory_space<hbm>>
        tpu.wait_dma2 semaphore(%run_scoped3A : memref<!tpu.dma_semaphore, #tpu.memory_space<semaphore_mem>>) src(%dma_wait3A_190 : memref<400xi32, #tpu.memory_space<hbm>>) dst(%arg8 : memref<400xi32, #tpu.memory_space<vmem>>)
        tpu.yield
      }) : () -> ()
      "tpu.region"() ({
        %run_scoped3A = tpu.sem_alloc : memref<!tpu.dma_semaphore, #tpu.memory_space<semaphore_mem>>
        %dma_start3A = arith.constant 0 : i32
        %dma_start3A_189 = tpu.memref_slice %arg4[%add3A_170, %dma_start3A] : memref<320000x16xf32, #tpu.memory_space<hbm>> -> memref<400x16xf32, #tpu.memory_space<hbm>>
        %dma_start3A_190 = arith.constant 0 : i32
        %dma_start3A_191 = tpu.memref_slice %arg4[%add3A_170, %dma_start3A_190] : memref<320000x16xf32, #tpu.memory_space<hbm>> -> memref<400x16xf32, #tpu.memory_space<hbm>>
        tpu.enqueue_dma source(%dma_start3A_191 : memref<400x16xf32, #tpu.memory_space<hbm>>) target(%arg11 : memref<400x16xf32, #tpu.memory_space<vmem>>) target_semaphore(%run_scoped3A : memref<!tpu.dma_semaphore, #tpu.memory_space<semaphore_mem>>)
        %dma_wait3A = arith.constant 0 : i32
        %dma_wait3A_192 = tpu.memref_slice %arg4[%add3A_170, %dma_wait3A] : memref<320000x16xf32, #tpu.memory_space<hbm>> -> memref<400x16xf32, #tpu.memory_space<hbm>>
        %dma_wait3A_193 = arith.constant 0 : i32
        %dma_wait3A_194 = tpu.memref_slice %arg4[%add3A_170, %dma_wait3A_193] : memref<320000x16xf32, #tpu.memory_space<hbm>> -> memref<400x16xf32, #tpu.memory_space<hbm>>
        tpu.wait_dma2 semaphore(%run_scoped3A : memref<!tpu.dma_semaphore, #tpu.memory_space<semaphore_mem>>) src(%dma_wait3A_194 : memref<400x16xf32, #tpu.memory_space<hbm>>) dst(%arg11 : memref<400x16xf32, #tpu.memory_space<vmem>>)
        tpu.yield
      }) : () -> ()
      %mul3A_171 = arith.constant 10000 : i32
      %mul3A_172 = arith.muli %add3A_10, %mul3A_171 : i32
      %scan3A_173 = arith.constant 0 : i32
      %scan3A_174 = arith.constant 0 : i32
      %scan3A_175 = arith.constant 25 : i32
      %scan3A_176 = arith.addi %scan3A_174, %scan3A_175 : i32
      %scan3A_177 = arith.constant 1 : i32
      %scan3A_178 = scf.for %scan3A_189 = %scan3A_174 to %scan3A_176 step %scan3A_177 iter_args(%scan3A_190 = %scan3A_173) -> (i32)  : i32 {
        %mul3A_191 = arith.constant 16 : i32
        %mul3A_192 = arith.muli %mul3A_191, %scan3A_189 : i32
        %get3A = arith.index_cast %mul3A_192 : i32 to index
        %get3A_193 = tpu.vector_load %arg7[%get3A] {strides = array<i32>} : memref<400xi32, #tpu.memory_space<vmem>>, vector<16xi32>,
        %add3A_194 = vector.broadcast %mul3A_172 : i32 to vector<16xi32>
        %add3A_195 = arith.addi %get3A_193, %add3A_194 : vector<16xi32>
        %mul3A_196 = arith.constant 16 : i32
        %mul3A_197 = arith.muli %mul3A_196, %scan3A_189 : i32
        %swap3A = arith.index_cast %mul3A_197 : i32 to index
        %swap3A_198 = tpu.vector_load %arg9[%swap3A] {strides = array<i32>} : memref<400xi32, #tpu.memory_space<vmem>>, vector<16xi32>,
        tpu.vector_store %arg9[%swap3A], %add3A_195 {strides = array<i32>} : memref<400xi32, #tpu.memory_space<vmem>>, vector<16xi32>,
        %scan3A_199 = arith.constant 0 : i32
        scf.yield %scan3A_199 : i32
      }
      %scan3A_179 = arith.constant 25 : i32
      "tpu.region"() ({
        %run_scoped3A = tpu.sem_alloc : memref<!tpu.dma_semaphore, #tpu.memory_space<semaphore_mem>>
        %dma_start3A = arith.constant 0 : i32
        %dma_start3A_189 = arith.constant 0 : i32
        %dma_start3A_190 = tpu.memref_slice %arg5[%dma_start3A, %dma_start3A_189] : memref<80000x64xf32, #tpu.memory_space<hbm>> -> memref<80000x64xf32, #tpu.memory_space<hbm>>
        tpu.enqueue_indirect_dma source(%dma_start3A_190 : memref<80000x64xf32, #tpu.memory_space<hbm>>) target(%arg10 : memref<400x64xf32, #tpu.memory_space<vmem>>) offsets(%arg9 : memref<400xi32, #tpu.memory_space<vmem>>) semaphore(%run_scoped3A : memref<!tpu.dma_semaphore, #tpu.memory_space<semaphore_mem>>)
        %dma_wait3A = arith.constant 0 : i32
        %dma_wait3A_191 = arith.constant 0 : i32
        %dma_wait3A_192 = tpu.memref_slice %arg5[%dma_wait3A, %dma_wait3A_191] : memref<80000x64xf32, #tpu.memory_space<hbm>> -> memref<80000x64xf32, #tpu.memory_space<hbm>>
        tpu.wait_indirect_dma semaphore(%run_scoped3A : memref<!tpu.dma_semaphore, #tpu.memory_space<semaphore_mem>>) src(%dma_wait3A_192 : memref<80000x64xf32, #tpu.memory_space<hbm>>) dst(%arg10 : memref<400x64xf32, #tpu.memory_space<vmem>>)
        tpu.yield
      }) : () -> ()
      %broadcast_in_dim3A_180 = vector.broadcast %add3A_10 : i32 to vector<16xi32>
      %scan3A_181 = arith.constant 0 : i32
      %scan3A_182 = arith.constant 0 : i32
      %scan3A_183 = arith.constant 400 : i32
      %scan3A_184 = arith.addi %scan3A_182, %scan3A_183 : i32
      %scan3A_185 = arith.constant 1 : i32
      %scan3A_186 = scf.for %scan3A_189 = %scan3A_182 to %scan3A_184 step %scan3A_185 iter_args(%scan3A_190 = %scan3A_181) -> (i32)  : i32 {
        %broadcast_in_dim3A_191 = vector.broadcast %scan3A_189 : i32 to vector<16xi32>
        %gather3A = tpu.vector_load_idx %arg11[%broadcast_in_dim3A_191, %broadcast_in_dim3A_180] : memref<400x16xf32, #tpu.memory_space<vmem>>[vector<16xi32>, vector<16xi32>], vector<16xf32>,
        %get3A = arith.index_cast %scan3A_189 : i32 to index
        %get3A_192 = arith.constant 0 : index
        %get3A_193 = tpu.vector_load %arg10[%get3A, %get3A_192] {strides = array<i32>} : memref<400x64xf32, #tpu.memory_space<vmem>>, vector<16xf32>,
        %mul3A_194 = arith.mulf %get3A_193, %gather3A : vector<16xf32>
        %swap3A = arith.index_cast %scan3A_189 : i32 to index
        %swap3A_195 = arith.constant 0 : index
        %swap3A_196 = tpu.vector_load %arg10[%swap3A, %swap3A_195] {strides = array<i32>} : memref<400x64xf32, #tpu.memory_space<vmem>>, vector<16xf32>,
        tpu.vector_store %arg10[%swap3A, %swap3A_195], %mul3A_194 {strides = array<i32>} : memref<400x64xf32, #tpu.memory_space<vmem>>, vector<16xf32>,
        %get3A_197 = arith.index_cast %scan3A_189 : i32 to index
        %get3A_198 = arith.constant 16 : index
        %get3A_199 = tpu.vector_load %arg10[%get3A_197, %get3A_198] {strides = array<i32>} : memref<400x64xf32, #tpu.memory_space<vmem>>, vector<16xf32>,
        %mul3A_200 = arith.mulf %get3A_199, %gather3A : vector<16xf32>
        %swap3A_201 = arith.index_cast %scan3A_189 : i32 to index
        %swap3A_202 = arith.constant 16 : index
        %swap3A_203 = tpu.vector_load %arg10[%swap3A_201, %swap3A_202] {strides = array<i32>} : memref<400x64xf32, #tpu.memory_space<vmem>>, vector<16xf32>,
        tpu.vector_store %arg10[%swap3A_201, %swap3A_202], %mul3A_200 {strides = array<i32>} : memref<400x64xf32, #tpu.memory_space<vmem>>, vector<16xf32>,
        %get3A_204 = arith.index_cast %scan3A_189 : i32 to index
        %get3A_205 = arith.constant 32 : index
        %get3A_206 = tpu.vector_load %arg10[%get3A_204, %get3A_205] {strides = array<i32>} : memref<400x64xf32, #tpu.memory_space<vmem>>, vector<16xf32>,
        %mul3A_207 = arith.mulf %get3A_206, %gather3A : vector<16xf32>
        %swap3A_208 = arith.index_cast %scan3A_189 : i32 to index
        %swap3A_209 = arith.constant 32 : index
        %swap3A_210 = tpu.vector_load %arg10[%swap3A_208, %swap3A_209] {strides = array<i32>} : memref<400x64xf32, #tpu.memory_space<vmem>>, vector<16xf32>,
        tpu.vector_store %arg10[%swap3A_208, %swap3A_209], %mul3A_207 {strides = array<i32>} : memref<400x64xf32, #tpu.memory_space<vmem>>, vector<16xf32>,
        %get3A_211 = arith.index_cast %scan3A_189 : i32 to index
        %get3A_212 = arith.constant 48 : index
        %get3A_213 = tpu.vector_load %arg10[%get3A_211, %get3A_212] {strides = array<i32>} : memref<400x64xf32, #tpu.memory_space<vmem>>, vector<16xf32>,
        %mul3A_214 = arith.mulf %get3A_213, %gather3A : vector<16xf32>
        %swap3A_215 = arith.index_cast %scan3A_189 : i32 to index
        %swap3A_216 = arith.constant 48 : index
        %swap3A_217 = tpu.vector_load %arg10[%swap3A_215, %swap3A_216] {strides = array<i32>} : memref<400x64xf32, #tpu.memory_space<vmem>>, vector<16xf32>,
        tpu.vector_store %arg10[%swap3A_215, %swap3A_216], %mul3A_214 {strides = array<i32>} : memref<400x64xf32, #tpu.memory_space<vmem>>, vector<16xf32>,
        %scan3A_218 = arith.constant 0 : i32
        scf.yield %scan3A_218 : i32
      }
      %scan3A_187 = arith.constant 400 : i32
      "tpu.region"() ({
        %run_scoped3A = tpu.sem_alloc : memref<!tpu.dma_semaphore, #tpu.memory_space<semaphore_mem>>
        %dma_start3A = arith.constant 0 : i32
        %dma_start3A_189 = arith.constant 0 : i32
        %dma_start3A_190 = tpu.memref_slice %arg13[%dma_start3A, %dma_start3A_189] : memref<10000x64xf32, #tpu.memory_space<vmem_shared>> -> memref<10000x64xf32, #tpu.memory_space<vmem_shared>>
        tpu.enqueue_indirect_dma source(%arg10 : memref<400x64xf32, #tpu.memory_space<vmem>>) target(%dma_start3A_190 : memref<10000x64xf32, #tpu.memory_space<vmem_shared>>) offsets(%arg8 : memref<400xi32, #tpu.memory_space<vmem>>) semaphore(%run_scoped3A : memref<!tpu.dma_semaphore, #tpu.memory_space<semaphore_mem>>) {add = true}
        %dma_wait3A = arith.constant 0 : i32
        %dma_wait3A_191 = arith.constant 0 : i32
        %dma_wait3A_192 = tpu.memref_slice %arg13[%dma_wait3A, %dma_wait3A_191] : memref<10000x64xf32, #tpu.memory_space<vmem_shared>> -> memref<10000x64xf32, #tpu.memory_space<vmem_shared>>
        tpu.wait_indirect_dma semaphore(%run_scoped3A : memref<!tpu.dma_semaphore, #tpu.memory_space<semaphore_mem>>) src(%arg10 : memref<400x64xf32, #tpu.memory_space<vmem>>) dst(%dma_wait3A_192 : memref<10000x64xf32, #tpu.memory_space<vmem_shared>>)
        tpu.yield
      }) : () -> ()
      %scan3A_188 = arith.constant 0 : i32
      scf.yield %scan3A_188 : i32
    }
    %scan3A_37 = arith.constant 50 : i32
    %barrier3A_38 = arith.constant 0 : index
    tpu.barrier barrier_id(%barrier3A_38)
    %mul3A_39 = arith.constant 624 : i32
    %mul3A_40 = arith.muli %arg1, %mul3A_39 : i32
    %mul3A_41 = arith.constant 10000 : i32
    %mul3A_42 = arith.muli %add3A_10, %mul3A_41 : i32
    %mul3A_43 = arith.constant 624 : i32
    %mul3A_44 = arith.muli %arg1, %mul3A_43 : i32
    %add3A_45 = arith.addi %mul3A_42, %mul3A_44 : i32
    "tpu.region"() ({
      %run_scoped3A = tpu.sem_alloc : memref<!tpu.dma_semaphore, #tpu.memory_space<semaphore_mem>>
      %dma_start3A = arith.constant 0 : i32
      %dma_start3A_166 = tpu.memref_slice %arg6[%add3A_45, %dma_start3A] : memref<80000x64xf32, #tpu.memory_space<hbm>> -> memref<624x64xf32, #tpu.memory_space<hbm>>
      %dma_start3A_167 = arith.constant 0 : i32
      %dma_start3A_168 = tpu.memref_slice %arg13[%mul3A_40, %dma_start3A_167] : memref<10000x64xf32, #tpu.memory_space<vmem_shared>> -> memref<624x64xf32, #tpu.memory_space<vmem_shared>>
      tpu.enqueue_dma source(%dma_start3A_168 : memref<624x64xf32, #tpu.memory_space<vmem_shared>>) target(%dma_start3A_166 : memref<624x64xf32, #tpu.memory_space<hbm>>) target_semaphore(%run_scoped3A : memref<!tpu.dma_semaphore, #tpu.memory_space<semaphore_mem>>)
      %dma_wait3A = arith.constant 0 : i32
      %dma_wait3A_169 = tpu.memref_slice %arg6[%add3A_45, %dma_wait3A] : memref<80000x64xf32, #tpu.memory_space<hbm>> -> memref<624x64xf32, #tpu.memory_space<hbm>>
      %dma_wait3A_170 = arith.constant 0 : i32
      %dma_wait3A_171 = tpu.memref_slice %arg13[%mul3A_40, %dma_wait3A_170] : memref<10000x64xf32, #tpu.memory_space<vmem_shared>> -> memref<624x64xf32, #tpu.memory_space<vmem_shared>>
      tpu.wait_dma2 semaphore(%run_scoped3A : memref<!tpu.dma_semaphore, #tpu.memory_space<semaphore_mem>>) src(%dma_wait3A_171 : memref<624x64xf32, #tpu.memory_space<vmem_shared>>) dst(%dma_wait3A_169 : memref<624x64xf32, #tpu.memory_space<hbm>>)
      tpu.yield
    }) : () -> ()
    %mul3A_46 = arith.constant 4 : i32
    %mul3A_47 = arith.muli %mul3A_46, %arg0 : i32
    %add3A_48 = arith.constant 1 : i32
    %add3A_49 = arith.addi %mul3A_47, %add3A_48 : i32
    %mul3A_50 = arith.constant 624 : i32
    %mul3A_51 = arith.muli %arg1, %mul3A_50 : i32
    %add3A_52 = arith.constant 0 : i32
    %add3A_53 = arith.addi %mul3A_51, %add3A_52 : i32
    "tpu.region"() ({
      %run_scoped3A = tpu.sem_alloc : memref<!tpu.dma_semaphore, #tpu.memory_space<semaphore_mem>>
      %dma_start3A = arith.constant 0 : i32
      %dma_start3A_166 = tpu.memref_slice %arg13[%add3A_53, %dma_start3A] : memref<10000x64xf32, #tpu.memory_space<vmem_shared>> -> memref<125x64xf32, #tpu.memory_space<vmem_shared>>
      %dma_start3A_167 = arith.constant 0 : i32
      %dma_start3A_168 = tpu.memref_slice %arg13[%add3A_53, %dma_start3A_167] : memref<10000x64xf32, #tpu.memory_space<vmem_shared>> -> memref<125x64xf32, #tpu.memory_space<vmem_shared>>
      tpu.enqueue_dma source(%arg12 : memref<125x64xf32, #tpu.memory_space<vmem>>) target(%dma_start3A_168 : memref<125x64xf32, #tpu.memory_space<vmem_shared>>) target_semaphore(%run_scoped3A : memref<!tpu.dma_semaphore, #tpu.memory_space<semaphore_mem>>)
      %dma_wait3A = arith.constant 0 : i32
      %dma_wait3A_169 = tpu.memref_slice %arg13[%add3A_53, %dma_wait3A] : memref<10000x64xf32, #tpu.memory_space<vmem_shared>> -> memref<125x64xf32, #tpu.memory_space<vmem_shared>>
      %dma_wait3A_170 = arith.constant 0 : i32
      %dma_wait3A_171 = tpu.memref_slice %arg13[%add3A_53, %dma_wait3A_170] : memref<10000x64xf32, #tpu.memory_space<vmem_shared>> -> memref<125x64xf32, #tpu.memory_space<vmem_shared>>
      tpu.wait_dma2 semaphore(%run_scoped3A : memref<!tpu.dma_semaphore, #tpu.memory_space<semaphore_mem>>) src(%arg12 : memref<125x64xf32, #tpu.memory_space<vmem>>) dst(%dma_wait3A_171 : memref<125x64xf32, #tpu.memory_space<vmem_shared>>)
      tpu.yield
    }) : () -> ()
    %mul3A_54 = arith.constant 624 : i32
    %mul3A_55 = arith.muli %arg1, %mul3A_54 : i32
    %add3A_56 = arith.constant 125 : i32
    %add3A_57 = arith.addi %mul3A_55, %add3A_56 : i32
    "tpu.region"() ({
      %run_scoped3A = tpu.sem_alloc : memref<!tpu.dma_semaphore, #tpu.memory_space<semaphore_mem>>
      %dma_start3A = arith.constant 0 : i32
      %dma_start3A_166 = tpu.memref_slice %arg13[%add3A_57, %dma_start3A] : memref<10000x64xf32, #tpu.memory_space<vmem_shared>> -> memref<125x64xf32, #tpu.memory_space<vmem_shared>>
      %dma_start3A_167 = arith.constant 0 : i32
      %dma_start3A_168 = tpu.memref_slice %arg13[%add3A_57, %dma_start3A_167] : memref<10000x64xf32, #tpu.memory_space<vmem_shared>> -> memref<125x64xf32, #tpu.memory_space<vmem_shared>>
      tpu.enqueue_dma source(%arg12 : memref<125x64xf32, #tpu.memory_space<vmem>>) target(%dma_start3A_168 : memref<125x64xf32, #tpu.memory_space<vmem_shared>>) target_semaphore(%run_scoped3A : memref<!tpu.dma_semaphore, #tpu.memory_space<semaphore_mem>>)
      %dma_wait3A = arith.constant 0 : i32
      %dma_wait3A_169 = tpu.memref_slice %arg13[%add3A_57, %dma_wait3A] : memref<10000x64xf32, #tpu.memory_space<vmem_shared>> -> memref<125x64xf32, #tpu.memory_space<vmem_shared>>
      %dma_wait3A_170 = arith.constant 0 : i32
      %dma_wait3A_171 = tpu.memref_slice %arg13[%add3A_57, %dma_wait3A_170] : memref<10000x64xf32, #tpu.memory_space<vmem_shared>> -> memref<125x64xf32, #tpu.memory_space<vmem_shared>>
      tpu.wait_dma2 semaphore(%run_scoped3A : memref<!tpu.dma_semaphore, #tpu.memory_space<semaphore_mem>>) src(%arg12 : memref<125x64xf32, #tpu.memory_space<vmem>>) dst(%dma_wait3A_171 : memref<125x64xf32, #tpu.memory_space<vmem_shared>>)
      tpu.yield
    }) : () -> ()
    %mul3A_58 = arith.constant 624 : i32
    %mul3A_59 = arith.muli %arg1, %mul3A_58 : i32
    %add3A_60 = arith.constant 250 : i32
    %add3A_61 = arith.addi %mul3A_59, %add3A_60 : i32
    "tpu.region"() ({
      %run_scoped3A = tpu.sem_alloc : memref<!tpu.dma_semaphore, #tpu.memory_space<semaphore_mem>>
      %dma_start3A = arith.constant 0 : i32
      %dma_start3A_166 = tpu.memref_slice %arg13[%add3A_61, %dma_start3A] : memref<10000x64xf32, #tpu.memory_space<vmem_shared>> -> memref<125x64xf32, #tpu.memory_space<vmem_shared>>
      %dma_start3A_167 = arith.constant 0 : i32
      %dma_start3A_168 = tpu.memref_slice %arg13[%add3A_61, %dma_start3A_167] : memref<10000x64xf32, #tpu.memory_space<vmem_shared>> -> memref<125x64xf32, #tpu.memory_space<vmem_shared>>
      tpu.enqueue_dma source(%arg12 : memref<125x64xf32, #tpu.memory_space<vmem>>) target(%dma_start3A_168 : memref<125x64xf32, #tpu.memory_space<vmem_shared>>) target_semaphore(%run_scoped3A : memref<!tpu.dma_semaphore, #tpu.memory_space<semaphore_mem>>)
      %dma_wait3A = arith.constant 0 : i32
      %dma_wait3A_169 = tpu.memref_slice %arg13[%add3A_61, %dma_wait3A] : memref<10000x64xf32, #tpu.memory_space<vmem_shared>> -> memref<125x64xf32, #tpu.memory_space<vmem_shared>>
      %dma_wait3A_170 = arith.constant 0 : i32
      %dma_wait3A_171 = tpu.memref_slice %arg13[%add3A_61, %dma_wait3A_170] : memref<10000x64xf32, #tpu.memory_space<vmem_shared>> -> memref<125x64xf32, #tpu.memory_space<vmem_shared>>
      tpu.wait_dma2 semaphore(%run_scoped3A : memref<!tpu.dma_semaphore, #tpu.memory_space<semaphore_mem>>) src(%arg12 : memref<125x64xf32, #tpu.memory_space<vmem>>) dst(%dma_wait3A_171 : memref<125x64xf32, #tpu.memory_space<vmem_shared>>)
      tpu.yield
    }) : () -> ()
    %mul3A_62 = arith.constant 624 : i32
    %mul3A_63 = arith.muli %arg1, %mul3A_62 : i32
    %add3A_64 = arith.constant 375 : i32
    %add3A_65 = arith.addi %mul3A_63, %add3A_64 : i32
    "tpu.region"() ({
      %run_scoped3A = tpu.sem_alloc : memref<!tpu.dma_semaphore, #tpu.memory_space<semaphore_mem>>
      %dma_start3A = arith.constant 0 : i32
      %dma_start3A_166 = tpu.memref_slice %arg13[%add3A_65, %dma_start3A] : memref<10000x64xf32, #tpu.memory_space<vmem_shared>> -> memref<125x64xf32, #tpu.memory_space<vmem_shared>>
      %dma_start3A_167 = arith.constant 0 : i32
      %dma_start3A_168 = tpu.memref_slice %arg13[%add3A_65, %dma_start3A_167] : memref<10000x64xf32, #tpu.memory_space<vmem_shared>> -> memref<125x64xf32, #tpu.memory_space<vmem_shared>>
      tpu.enqueue_dma source(%arg12 : memref<125x64xf32, #tpu.memory_space<vmem>>) target(%dma_start3A_168 : memref<125x64xf32, #tpu.memory_space<vmem_shared>>) target_semaphore(%run_scoped3A : memref<!tpu.dma_semaphore, #tpu.memory_space<semaphore_mem>>)
      %dma_wait3A = arith.constant 0 : i32
      %dma_wait3A_169 = tpu.memref_slice %arg13[%add3A_65, %dma_wait3A] : memref<10000x64xf32, #tpu.memory_space<vmem_shared>> -> memref<125x64xf32, #tpu.memory_space<vmem_shared>>
      %dma_wait3A_170 = arith.constant 0 : i32
      %dma_wait3A_171 = tpu.memref_slice %arg13[%add3A_65, %dma_wait3A_170] : memref<10000x64xf32, #tpu.memory_space<vmem_shared>> -> memref<125x64xf32, #tpu.memory_space<vmem_shared>>
      tpu.wait_dma2 semaphore(%run_scoped3A : memref<!tpu.dma_semaphore, #tpu.memory_space<semaphore_mem>>) src(%arg12 : memref<125x64xf32, #tpu.memory_space<vmem>>) dst(%dma_wait3A_171 : memref<125x64xf32, #tpu.memory_space<vmem_shared>>)
      tpu.yield
    }) : () -> ()
    %mul3A_66 = arith.constant 624 : i32
    %mul3A_67 = arith.muli %arg1, %mul3A_66 : i32
    %add3A_68 = arith.constant 500 : i32
    %add3A_69 = arith.addi %mul3A_67, %add3A_68 : i32
    "tpu.region"() ({
      %run_scoped3A = tpu.sem_alloc : memref<!tpu.dma_semaphore, #tpu.memory_space<semaphore_mem>>
      %dma_start3A = arith.constant 0 : i32
      %dma_start3A_166 = tpu.memref_slice %arg13[%add3A_69, %dma_start3A] : memref<10000x64xf32, #tpu.memory_space<vmem_shared>> -> memref<125x64xf32, #tpu.memory_space<vmem_shared>>
      %dma_start3A_167 = arith.constant 0 : i32
      %dma_start3A_168 = tpu.memref_slice %arg13[%add3A_69, %dma_start3A_167] : memref<10000x64xf32, #tpu.memory_space<vmem_shared>> -> memref<125x64xf32, #tpu.memory_space<vmem_shared>>
      tpu.enqueue_dma source(%arg12 : memref<125x64xf32, #tpu.memory_space<vmem>>) target(%dma_start3A_168 : memref<125x64xf32, #tpu.memory_space<vmem_shared>>) target_semaphore(%run_scoped3A : memref<!tpu.dma_semaphore, #tpu.memory_space<semaphore_mem>>)
      %dma_wait3A = arith.constant 0 : i32
      %dma_wait3A_169 = tpu.memref_slice %arg13[%add3A_69, %dma_wait3A] : memref<10000x64xf32, #tpu.memory_space<vmem_shared>> -> memref<125x64xf32, #tpu.memory_space<vmem_shared>>
      %dma_wait3A_170 = arith.constant 0 : i32
      %dma_wait3A_171 = tpu.memref_slice %arg13[%add3A_69, %dma_wait3A_170] : memref<10000x64xf32, #tpu.memory_space<vmem_shared>> -> memref<125x64xf32, #tpu.memory_space<vmem_shared>>
      tpu.wait_dma2 semaphore(%run_scoped3A : memref<!tpu.dma_semaphore, #tpu.memory_space<semaphore_mem>>) src(%arg12 : memref<125x64xf32, #tpu.memory_space<vmem>>) dst(%dma_wait3A_171 : memref<125x64xf32, #tpu.memory_space<vmem_shared>>)
      tpu.yield
    }) : () -> ()
    %barrier3A_70 = arith.constant 0 : index
    tpu.barrier barrier_id(%barrier3A_70)
    %scan3A_71 = arith.constant 0 : i32
    %scan3A_72 = arith.constant 0 : i32
    %scan3A_73 = arith.constant 50 : i32
    %scan3A_74 = arith.addi %scan3A_72, %scan3A_73 : i32
    %scan3A_75 = arith.constant 1 : i32
    %scan3A_76 = scf.for %scan3A_166 = %scan3A_72 to %scan3A_74 step %scan3A_75 iter_args(%scan3A_167 = %scan3A_71) -> (i32)  : i32 {
      %mul3A_168 = arith.constant 400 : i32
      %mul3A_169 = arith.muli %scan3A_166, %mul3A_168 : i32
      %add3A_170 = arith.addi %mul3A_7, %mul3A_169 : i32
      "tpu.region"() ({
        %run_scoped3A = tpu.sem_alloc : memref<!tpu.dma_semaphore, #tpu.memory_space<semaphore_mem>>
        %dma_start3A = tpu.memref_slice %arg2[%add3A_170] : memref<320000xi32, #tpu.memory_space<hbm>> -> memref<400xi32, #tpu.memory_space<hbm>>
        %dma_start3A_189 = tpu.memref_slice %arg2[%add3A_170] : memref<320000xi32, #tpu.memory_space<hbm>> -> memref<400xi32, #tpu.memory_space<hbm>>
        tpu.enqueue_dma source(%dma_start3A_189 : memref<400xi32, #tpu.memory_space<hbm>>) target(%arg7 : memref<400xi32, #tpu.memory_space<vmem>>) target_semaphore(%run_scoped3A : memref<!tpu.dma_semaphore, #tpu.memory_space<semaphore_mem>>)
        %dma_wait3A = tpu.memref_slice %arg2[%add3A_170] : memref<320000xi32, #tpu.memory_space<hbm>> -> memref<400xi32, #tpu.memory_space<hbm>>
        %dma_wait3A_190 = tpu.memref_slice %arg2[%add3A_170] : memref<320000xi32, #tpu.memory_space<hbm>> -> memref<400xi32, #tpu.memory_space<hbm>>
        tpu.wait_dma2 semaphore(%run_scoped3A : memref<!tpu.dma_semaphore, #tpu.memory_space<semaphore_mem>>) src(%dma_wait3A_190 : memref<400xi32, #tpu.memory_space<hbm>>) dst(%arg7 : memref<400xi32, #tpu.memory_space<vmem>>)
        tpu.yield
      }) : () -> ()
      "tpu.region"() ({
        %run_scoped3A = tpu.sem_alloc : memref<!tpu.dma_semaphore, #tpu.memory_space<semaphore_mem>>
        %dma_start3A = tpu.memref_slice %arg3[%add3A_170] : memref<320000xi32, #tpu.memory_space<hbm>> -> memref<400xi32, #tpu.memory_space<hbm>>
        %dma_start3A_189 = tpu.memref_slice %arg3[%add3A_170] : memref<320000xi32, #tpu.memory_space<hbm>> -> memref<400xi32, #tpu.memory_space<hbm>>
        tpu.enqueue_dma source(%dma_start3A_189 : memref<400xi32, #tpu.memory_space<hbm>>) target(%arg8 : memref<400xi32, #tpu.memory_space<vmem>>) target_semaphore(%run_scoped3A : memref<!tpu.dma_semaphore, #tpu.memory_space<semaphore_mem>>)
        %dma_wait3A = tpu.memref_slice %arg3[%add3A_170] : memref<320000xi32, #tpu.memory_space<hbm>> -> memref<400xi32, #tpu.memory_space<hbm>>
        %dma_wait3A_190 = tpu.memref_slice %arg3[%add3A_170] : memref<320000xi32, #tpu.memory_space<hbm>> -> memref<400xi32, #tpu.memory_space<hbm>>
        tpu.wait_dma2 semaphore(%run_scoped3A : memref<!tpu.dma_semaphore, #tpu.memory_space<semaphore_mem>>) src(%dma_wait3A_190 : memref<400xi32, #tpu.memory_space<hbm>>) dst(%arg8 : memref<400xi32, #tpu.memory_space<vmem>>)
        tpu.yield
      }) : () -> ()
      "tpu.region"() ({
        %run_scoped3A = tpu.sem_alloc : memref<!tpu.dma_semaphore, #tpu.memory_space<semaphore_mem>>
        %dma_start3A = arith.constant 0 : i32
        %dma_start3A_189 = tpu.memref_slice %arg4[%add3A_170, %dma_start3A] : memref<320000x16xf32, #tpu.memory_space<hbm>> -> memref<400x16xf32, #tpu.memory_space<hbm>>
        %dma_start3A_190 = arith.constant 0 : i32
        %dma_start3A_191 = tpu.memref_slice %arg4[%add3A_170, %dma_start3A_190] : memref<320000x16xf32, #tpu.memory_space<hbm>> -> memref<400x16xf32, #tpu.memory_space<hbm>>
        tpu.enqueue_dma source(%dma_start3A_191 : memref<400x16xf32, #tpu.memory_space<hbm>>) target(%arg11 : memref<400x16xf32, #tpu.memory_space<vmem>>) target_semaphore(%run_scoped3A : memref<!tpu.dma_semaphore, #tpu.memory_space<semaphore_mem>>)
        %dma_wait3A = arith.constant 0 : i32
        %dma_wait3A_192 = tpu.memref_slice %arg4[%add3A_170, %dma_wait3A] : memref<320000x16xf32, #tpu.memory_space<hbm>> -> memref<400x16xf32, #tpu.memory_space<hbm>>
        %dma_wait3A_193 = arith.constant 0 : i32
        %dma_wait3A_194 = tpu.memref_slice %arg4[%add3A_170, %dma_wait3A_193] : memref<320000x16xf32, #tpu.memory_space<hbm>> -> memref<400x16xf32, #tpu.memory_space<hbm>>
        tpu.wait_dma2 semaphore(%run_scoped3A : memref<!tpu.dma_semaphore, #tpu.memory_space<semaphore_mem>>) src(%dma_wait3A_194 : memref<400x16xf32, #tpu.memory_space<hbm>>) dst(%arg11 : memref<400x16xf32, #tpu.memory_space<vmem>>)
        tpu.yield
      }) : () -> ()
      %mul3A_171 = arith.constant 10000 : i32
      %mul3A_172 = arith.muli %add3A_49, %mul3A_171 : i32
      %scan3A_173 = arith.constant 0 : i32
      %scan3A_174 = arith.constant 0 : i32
      %scan3A_175 = arith.constant 25 : i32
      %scan3A_176 = arith.addi %scan3A_174, %scan3A_175 : i32
      %scan3A_177 = arith.constant 1 : i32
      %scan3A_178 = scf.for %scan3A_189 = %scan3A_174 to %scan3A_176 step %scan3A_177 iter_args(%scan3A_190 = %scan3A_173) -> (i32)  : i32 {
        %mul3A_191 = arith.constant 16 : i32
        %mul3A_192 = arith.muli %mul3A_191, %scan3A_189 : i32
        %get3A = arith.index_cast %mul3A_192 : i32 to index
        %get3A_193 = tpu.vector_load %arg7[%get3A] {strides = array<i32>} : memref<400xi32, #tpu.memory_space<vmem>>, vector<16xi32>,
        %add3A_194 = vector.broadcast %mul3A_172 : i32 to vector<16xi32>
        %add3A_195 = arith.addi %get3A_193, %add3A_194 : vector<16xi32>
        %mul3A_196 = arith.constant 16 : i32
        %mul3A_197 = arith.muli %mul3A_196, %scan3A_189 : i32
        %swap3A = arith.index_cast %mul3A_197 : i32 to index
        %swap3A_198 = tpu.vector_load %arg9[%swap3A] {strides = array<i32>} : memref<400xi32, #tpu.memory_space<vmem>>, vector<16xi32>,
        tpu.vector_store %arg9[%swap3A], %add3A_195 {strides = array<i32>} : memref<400xi32, #tpu.memory_space<vmem>>, vector<16xi32>,
        %scan3A_199 = arith.constant 0 : i32
        scf.yield %scan3A_199 : i32
      }
      %scan3A_179 = arith.constant 25 : i32
      "tpu.region"() ({
        %run_scoped3A = tpu.sem_alloc : memref<!tpu.dma_semaphore, #tpu.memory_space<semaphore_mem>>
        %dma_start3A = arith.constant 0 : i32
        %dma_start3A_189 = arith.constant 0 : i32
        %dma_start3A_190 = tpu.memref_slice %arg5[%dma_start3A, %dma_start3A_189] : memref<80000x64xf32, #tpu.memory_space<hbm>> -> memref<80000x64xf32, #tpu.memory_space<hbm>>
        tpu.enqueue_indirect_dma source(%dma_start3A_190 : memref<80000x64xf32, #tpu.memory_space<hbm>>) target(%arg10 : memref<400x64xf32, #tpu.memory_space<vmem>>) offsets(%arg9 : memref<400xi32, #tpu.memory_space<vmem>>) semaphore(%run_scoped3A : memref<!tpu.dma_semaphore, #tpu.memory_space<semaphore_mem>>)
        %dma_wait3A = arith.constant 0 : i32
        %dma_wait3A_191 = arith.constant 0 : i32
        %dma_wait3A_192 = tpu.memref_slice %arg5[%dma_wait3A, %dma_wait3A_191] : memref<80000x64xf32, #tpu.memory_space<hbm>> -> memref<80000x64xf32, #tpu.memory_space<hbm>>
        tpu.wait_indirect_dma semaphore(%run_scoped3A : memref<!tpu.dma_semaphore, #tpu.memory_space<semaphore_mem>>) src(%dma_wait3A_192 : memref<80000x64xf32, #tpu.memory_space<hbm>>) dst(%arg10 : memref<400x64xf32, #tpu.memory_space<vmem>>)
        tpu.yield
      }) : () -> ()
      %broadcast_in_dim3A_180 = vector.broadcast %add3A_49 : i32 to vector<16xi32>
      %scan3A_181 = arith.constant 0 : i32
      %scan3A_182 = arith.constant 0 : i32
      %scan3A_183 = arith.constant 400 : i32
      %scan3A_184 = arith.addi %scan3A_182, %scan3A_183 : i32
      %scan3A_185 = arith.constant 1 : i32
      %scan3A_186 = scf.for %scan3A_189 = %scan3A_182 to %scan3A_184 step %scan3A_185 iter_args(%scan3A_190 = %scan3A_181) -> (i32)  : i32 {
        %broadcast_in_dim3A_191 = vector.broadcast %scan3A_189 : i32 to vector<16xi32>
        %gather3A = tpu.vector_load_idx %arg11[%broadcast_in_dim3A_191, %broadcast_in_dim3A_180] : memref<400x16xf32, #tpu.memory_space<vmem>>[vector<16xi32>, vector<16xi32>], vector<16xf32>,
        %get3A = arith.index_cast %scan3A_189 : i32 to index
        %get3A_192 = arith.constant 0 : index
        %get3A_193 = tpu.vector_load %arg10[%get3A, %get3A_192] {strides = array<i32>} : memref<400x64xf32, #tpu.memory_space<vmem>>, vector<16xf32>,
        %mul3A_194 = arith.mulf %get3A_193, %gather3A : vector<16xf32>
        %swap3A = arith.index_cast %scan3A_189 : i32 to index
        %swap3A_195 = arith.constant 0 : index
        %swap3A_196 = tpu.vector_load %arg10[%swap3A, %swap3A_195] {strides = array<i32>} : memref<400x64xf32, #tpu.memory_space<vmem>>, vector<16xf32>,
        tpu.vector_store %arg10[%swap3A, %swap3A_195], %mul3A_194 {strides = array<i32>} : memref<400x64xf32, #tpu.memory_space<vmem>>, vector<16xf32>,
        %get3A_197 = arith.index_cast %scan3A_189 : i32 to index
        %get3A_198 = arith.constant 16 : index
        %get3A_199 = tpu.vector_load %arg10[%get3A_197, %get3A_198] {strides = array<i32>} : memref<400x64xf32, #tpu.memory_space<vmem>>, vector<16xf32>,
        %mul3A_200 = arith.mulf %get3A_199, %gather3A : vector<16xf32>
        %swap3A_201 = arith.index_cast %scan3A_189 : i32 to index
        %swap3A_202 = arith.constant 16 : index
        %swap3A_203 = tpu.vector_load %arg10[%swap3A_201, %swap3A_202] {strides = array<i32>} : memref<400x64xf32, #tpu.memory_space<vmem>>, vector<16xf32>,
        tpu.vector_store %arg10[%swap3A_201, %swap3A_202], %mul3A_200 {strides = array<i32>} : memref<400x64xf32, #tpu.memory_space<vmem>>, vector<16xf32>,
        %get3A_204 = arith.index_cast %scan3A_189 : i32 to index
        %get3A_205 = arith.constant 32 : index
        %get3A_206 = tpu.vector_load %arg10[%get3A_204, %get3A_205] {strides = array<i32>} : memref<400x64xf32, #tpu.memory_space<vmem>>, vector<16xf32>,
        %mul3A_207 = arith.mulf %get3A_206, %gather3A : vector<16xf32>
        %swap3A_208 = arith.index_cast %scan3A_189 : i32 to index
        %swap3A_209 = arith.constant 32 : index
        %swap3A_210 = tpu.vector_load %arg10[%swap3A_208, %swap3A_209] {strides = array<i32>} : memref<400x64xf32, #tpu.memory_space<vmem>>, vector<16xf32>,
        tpu.vector_store %arg10[%swap3A_208, %swap3A_209], %mul3A_207 {strides = array<i32>} : memref<400x64xf32, #tpu.memory_space<vmem>>, vector<16xf32>,
        %get3A_211 = arith.index_cast %scan3A_189 : i32 to index
        %get3A_212 = arith.constant 48 : index
        %get3A_213 = tpu.vector_load %arg10[%get3A_211, %get3A_212] {strides = array<i32>} : memref<400x64xf32, #tpu.memory_space<vmem>>, vector<16xf32>,
        %mul3A_214 = arith.mulf %get3A_213, %gather3A : vector<16xf32>
        %swap3A_215 = arith.index_cast %scan3A_189 : i32 to index
        %swap3A_216 = arith.constant 48 : index
        %swap3A_217 = tpu.vector_load %arg10[%swap3A_215, %swap3A_216] {strides = array<i32>} : memref<400x64xf32, #tpu.memory_space<vmem>>, vector<16xf32>,
        tpu.vector_store %arg10[%swap3A_215, %swap3A_216], %mul3A_214 {strides = array<i32>} : memref<400x64xf32, #tpu.memory_space<vmem>>, vector<16xf32>,
        %scan3A_218 = arith.constant 0 : i32
        scf.yield %scan3A_218 : i32
      }
      %scan3A_187 = arith.constant 400 : i32
      "tpu.region"() ({
        %run_scoped3A = tpu.sem_alloc : memref<!tpu.dma_semaphore, #tpu.memory_space<semaphore_mem>>
        %dma_start3A = arith.constant 0 : i32
        %dma_start3A_189 = arith.constant 0 : i32
        %dma_start3A_190 = tpu.memref_slice %arg13[%dma_start3A, %dma_start3A_189] : memref<10000x64xf32, #tpu.memory_space<vmem_shared>> -> memref<10000x64xf32, #tpu.memory_space<vmem_shared>>
        tpu.enqueue_indirect_dma source(%arg10 : memref<400x64xf32, #tpu.memory_space<vmem>>) target(%dma_start3A_190 : memref<10000x64xf32, #tpu.memory_space<vmem_shared>>) offsets(%arg8 : memref<400xi32, #tpu.memory_space<vmem>>) semaphore(%run_scoped3A : memref<!tpu.dma_semaphore, #tpu.memory_space<semaphore_mem>>) {add = true}
        %dma_wait3A = arith.constant 0 : i32
        %dma_wait3A_191 = arith.constant 0 : i32
        %dma_wait3A_192 = tpu.memref_slice %arg13[%dma_wait3A, %dma_wait3A_191] : memref<10000x64xf32, #tpu.memory_space<vmem_shared>> -> memref<10000x64xf32, #tpu.memory_space<vmem_shared>>
        tpu.wait_indirect_dma semaphore(%run_scoped3A : memref<!tpu.dma_semaphore, #tpu.memory_space<semaphore_mem>>) src(%arg10 : memref<400x64xf32, #tpu.memory_space<vmem>>) dst(%dma_wait3A_192 : memref<10000x64xf32, #tpu.memory_space<vmem_shared>>)
        tpu.yield
      }) : () -> ()
      %scan3A_188 = arith.constant 0 : i32
      scf.yield %scan3A_188 : i32
    }
    %scan3A_77 = arith.constant 50 : i32
    %barrier3A_78 = arith.constant 0 : index
    tpu.barrier barrier_id(%barrier3A_78)
    %mul3A_79 = arith.constant 624 : i32
    %mul3A_80 = arith.muli %arg1, %mul3A_79 : i32
    %mul3A_81 = arith.constant 10000 : i32
    %mul3A_82 = arith.muli %add3A_49, %mul3A_81 : i32
    %mul3A_83 = arith.constant 624 : i32
    %mul3A_84 = arith.muli %arg1, %mul3A_83 : i32
    %add3A_85 = arith.addi %mul3A_82, %mul3A_84 : i32
    "tpu.region"() ({
      %run_scoped3A = tpu.sem_alloc : memref<!tpu.dma_semaphore, #tpu.memory_space<semaphore_mem>>
      %dma_start3A = arith.constant 0 : i32
      %dma_start3A_166 = tpu.memref_slice %arg6[%add3A_85, %dma_start3A] : memref<80000x64xf32, #tpu.memory_space<hbm>> -> memref<624x64xf32, #tpu.memory_space<hbm>>
      %dma_start3A_167 = arith.constant 0 : i32
      %dma_start3A_168 = tpu.memref_slice %arg13[%mul3A_80, %dma_start3A_167] : memref<10000x64xf32, #tpu.memory_space<vmem_shared>> -> memref<624x64xf32, #tpu.memory_space<vmem_shared>>
      tpu.enqueue_dma source(%dma_start3A_168 : memref<624x64xf32, #tpu.memory_space<vmem_shared>>) target(%dma_start3A_166 : memref<624x64xf32, #tpu.memory_space<hbm>>) target_semaphore(%run_scoped3A : memref<!tpu.dma_semaphore, #tpu.memory_space<semaphore_mem>>)
      %dma_wait3A = arith.constant 0 : i32
      %dma_wait3A_169 = tpu.memref_slice %arg6[%add3A_85, %dma_wait3A] : memref<80000x64xf32, #tpu.memory_space<hbm>> -> memref<624x64xf32, #tpu.memory_space<hbm>>
      %dma_wait3A_170 = arith.constant 0 : i32
      %dma_wait3A_171 = tpu.memref_slice %arg13[%mul3A_80, %dma_wait3A_170] : memref<10000x64xf32, #tpu.memory_space<vmem_shared>> -> memref<624x64xf32, #tpu.memory_space<vmem_shared>>
      tpu.wait_dma2 semaphore(%run_scoped3A : memref<!tpu.dma_semaphore, #tpu.memory_space<semaphore_mem>>) src(%dma_wait3A_171 : memref<624x64xf32, #tpu.memory_space<vmem_shared>>) dst(%dma_wait3A_169 : memref<624x64xf32, #tpu.memory_space<hbm>>)
      tpu.yield
    }) : () -> ()
    %mul3A_86 = arith.constant 4 : i32
    %mul3A_87 = arith.muli %mul3A_86, %arg0 : i32
    %add3A_88 = arith.constant 2 : i32
    %add3A_89 = arith.addi %mul3A_87, %add3A_88 : i32
    %mul3A_90 = arith.constant 624 : i32
    %mul3A_91 = arith.muli %arg1, %mul3A_90 : i32
    %add3A_92 = arith.constant 0 : i32
    %add3A_93 = arith.addi %mul3A_91, %add3A_92 : i32
    "tpu.region"() ({
      %run_scoped3A = tpu.sem_alloc : memref<!tpu.dma_semaphore, #tpu.memory_space<semaphore_mem>>
      %dma_start3A = arith.constant 0 : i32
      %dma_start3A_166 = tpu.memref_slice %arg13[%add3A_93, %dma_start3A] : memref<10000x64xf32, #tpu.memory_space<vmem_shared>> -> memref<125x64xf32, #tpu.memory_space<vmem_shared>>
      %dma_start3A_167 = arith.constant 0 : i32
      %dma_start3A_168 = tpu.memref_slice %arg13[%add3A_93, %dma_start3A_167] : memref<10000x64xf32, #tpu.memory_space<vmem_shared>> -> memref<125x64xf32, #tpu.memory_space<vmem_shared>>
      tpu.enqueue_dma source(%arg12 : memref<125x64xf32, #tpu.memory_space<vmem>>) target(%dma_start3A_168 : memref<125x64xf32, #tpu.memory_space<vmem_shared>>) target_semaphore(%run_scoped3A : memref<!tpu.dma_semaphore, #tpu.memory_space<semaphore_mem>>)
      %dma_wait3A = arith.constant 0 : i32
      %dma_wait3A_169 = tpu.memref_slice %arg13[%add3A_93, %dma_wait3A] : memref<10000x64xf32, #tpu.memory_space<vmem_shared>> -> memref<125x64xf32, #tpu.memory_space<vmem_shared>>
      %dma_wait3A_170 = arith.constant 0 : i32
      %dma_wait3A_171 = tpu.memref_slice %arg13[%add3A_93, %dma_wait3A_170] : memref<10000x64xf32, #tpu.memory_space<vmem_shared>> -> memref<125x64xf32, #tpu.memory_space<vmem_shared>>
      tpu.wait_dma2 semaphore(%run_scoped3A : memref<!tpu.dma_semaphore, #tpu.memory_space<semaphore_mem>>) src(%arg12 : memref<125x64xf32, #tpu.memory_space<vmem>>) dst(%dma_wait3A_171 : memref<125x64xf32, #tpu.memory_space<vmem_shared>>)
      tpu.yield
    }) : () -> ()
    %mul3A_94 = arith.constant 624 : i32
    %mul3A_95 = arith.muli %arg1, %mul3A_94 : i32
    %add3A_96 = arith.constant 125 : i32
    %add3A_97 = arith.addi %mul3A_95, %add3A_96 : i32
    "tpu.region"() ({
      %run_scoped3A = tpu.sem_alloc : memref<!tpu.dma_semaphore, #tpu.memory_space<semaphore_mem>>
      %dma_start3A = arith.constant 0 : i32
      %dma_start3A_166 = tpu.memref_slice %arg13[%add3A_97, %dma_start3A] : memref<10000x64xf32, #tpu.memory_space<vmem_shared>> -> memref<125x64xf32, #tpu.memory_space<vmem_shared>>
      %dma_start3A_167 = arith.constant 0 : i32
      %dma_start3A_168 = tpu.memref_slice %arg13[%add3A_97, %dma_start3A_167] : memref<10000x64xf32, #tpu.memory_space<vmem_shared>> -> memref<125x64xf32, #tpu.memory_space<vmem_shared>>
      tpu.enqueue_dma source(%arg12 : memref<125x64xf32, #tpu.memory_space<vmem>>) target(%dma_start3A_168 : memref<125x64xf32, #tpu.memory_space<vmem_shared>>) target_semaphore(%run_scoped3A : memref<!tpu.dma_semaphore, #tpu.memory_space<semaphore_mem>>)
      %dma_wait3A = arith.constant 0 : i32
      %dma_wait3A_169 = tpu.memref_slice %arg13[%add3A_97, %dma_wait3A] : memref<10000x64xf32, #tpu.memory_space<vmem_shared>> -> memref<125x64xf32, #tpu.memory_space<vmem_shared>>
      %dma_wait3A_170 = arith.constant 0 : i32
      %dma_wait3A_171 = tpu.memref_slice %arg13[%add3A_97, %dma_wait3A_170] : memref<10000x64xf32, #tpu.memory_space<vmem_shared>> -> memref<125x64xf32, #tpu.memory_space<vmem_shared>>
      tpu.wait_dma2 semaphore(%run_scoped3A : memref<!tpu.dma_semaphore, #tpu.memory_space<semaphore_mem>>) src(%arg12 : memref<125x64xf32, #tpu.memory_space<vmem>>) dst(%dma_wait3A_171 : memref<125x64xf32, #tpu.memory_space<vmem_shared>>)
      tpu.yield
    }) : () -> ()
    %mul3A_98 = arith.constant 624 : i32
    %mul3A_99 = arith.muli %arg1, %mul3A_98 : i32
    %add3A_100 = arith.constant 250 : i32
    %add3A_101 = arith.addi %mul3A_99, %add3A_100 : i32
    "tpu.region"() ({
      %run_scoped3A = tpu.sem_alloc : memref<!tpu.dma_semaphore, #tpu.memory_space<semaphore_mem>>
      %dma_start3A = arith.constant 0 : i32
      %dma_start3A_166 = tpu.memref_slice %arg13[%add3A_101, %dma_start3A] : memref<10000x64xf32, #tpu.memory_space<vmem_shared>> -> memref<125x64xf32, #tpu.memory_space<vmem_shared>>
      %dma_start3A_167 = arith.constant 0 : i32
      %dma_start3A_168 = tpu.memref_slice %arg13[%add3A_101, %dma_start3A_167] : memref<10000x64xf32, #tpu.memory_space<vmem_shared>> -> memref<125x64xf32, #tpu.memory_space<vmem_shared>>
      tpu.enqueue_dma source(%arg12 : memref<125x64xf32, #tpu.memory_space<vmem>>) target(%dma_start3A_168 : memref<125x64xf32, #tpu.memory_space<vmem_shared>>) target_semaphore(%run_scoped3A : memref<!tpu.dma_semaphore, #tpu.memory_space<semaphore_mem>>)
      %dma_wait3A = arith.constant 0 : i32
      %dma_wait3A_169 = tpu.memref_slice %arg13[%add3A_101, %dma_wait3A] : memref<10000x64xf32, #tpu.memory_space<vmem_shared>> -> memref<125x64xf32, #tpu.memory_space<vmem_shared>>
      %dma_wait3A_170 = arith.constant 0 : i32
      %dma_wait3A_171 = tpu.memref_slice %arg13[%add3A_101, %dma_wait3A_170] : memref<10000x64xf32, #tpu.memory_space<vmem_shared>> -> memref<125x64xf32, #tpu.memory_space<vmem_shared>>
      tpu.wait_dma2 semaphore(%run_scoped3A : memref<!tpu.dma_semaphore, #tpu.memory_space<semaphore_mem>>) src(%arg12 : memref<125x64xf32, #tpu.memory_space<vmem>>) dst(%dma_wait3A_171 : memref<125x64xf32, #tpu.memory_space<vmem_shared>>)
      tpu.yield
    }) : () -> ()
    %mul3A_102 = arith.constant 624 : i32
    %mul3A_103 = arith.muli %arg1, %mul3A_102 : i32
    %add3A_104 = arith.constant 375 : i32
    %add3A_105 = arith.addi %mul3A_103, %add3A_104 : i32
    "tpu.region"() ({
      %run_scoped3A = tpu.sem_alloc : memref<!tpu.dma_semaphore, #tpu.memory_space<semaphore_mem>>
      %dma_start3A = arith.constant 0 : i32
      %dma_start3A_166 = tpu.memref_slice %arg13[%add3A_105, %dma_start3A] : memref<10000x64xf32, #tpu.memory_space<vmem_shared>> -> memref<125x64xf32, #tpu.memory_space<vmem_shared>>
      %dma_start3A_167 = arith.constant 0 : i32
      %dma_start3A_168 = tpu.memref_slice %arg13[%add3A_105, %dma_start3A_167] : memref<10000x64xf32, #tpu.memory_space<vmem_shared>> -> memref<125x64xf32, #tpu.memory_space<vmem_shared>>
      tpu.enqueue_dma source(%arg12 : memref<125x64xf32, #tpu.memory_space<vmem>>) target(%dma_start3A_168 : memref<125x64xf32, #tpu.memory_space<vmem_shared>>) target_semaphore(%run_scoped3A : memref<!tpu.dma_semaphore, #tpu.memory_space<semaphore_mem>>)
      %dma_wait3A = arith.constant 0 : i32
      %dma_wait3A_169 = tpu.memref_slice %arg13[%add3A_105, %dma_wait3A] : memref<10000x64xf32, #tpu.memory_space<vmem_shared>> -> memref<125x64xf32, #tpu.memory_space<vmem_shared>>
      %dma_wait3A_170 = arith.constant 0 : i32
      %dma_wait3A_171 = tpu.memref_slice %arg13[%add3A_105, %dma_wait3A_170] : memref<10000x64xf32, #tpu.memory_space<vmem_shared>> -> memref<125x64xf32, #tpu.memory_space<vmem_shared>>
      tpu.wait_dma2 semaphore(%run_scoped3A : memref<!tpu.dma_semaphore, #tpu.memory_space<semaphore_mem>>) src(%arg12 : memref<125x64xf32, #tpu.memory_space<vmem>>) dst(%dma_wait3A_171 : memref<125x64xf32, #tpu.memory_space<vmem_shared>>)
      tpu.yield
    }) : () -> ()
    %mul3A_106 = arith.constant 624 : i32
    %mul3A_107 = arith.muli %arg1, %mul3A_106 : i32
    %add3A_108 = arith.constant 500 : i32
    %add3A_109 = arith.addi %mul3A_107, %add3A_108 : i32
    "tpu.region"() ({
      %run_scoped3A = tpu.sem_alloc : memref<!tpu.dma_semaphore, #tpu.memory_space<semaphore_mem>>
      %dma_start3A = arith.constant 0 : i32
      %dma_start3A_166 = tpu.memref_slice %arg13[%add3A_109, %dma_start3A] : memref<10000x64xf32, #tpu.memory_space<vmem_shared>> -> memref<125x64xf32, #tpu.memory_space<vmem_shared>>
      %dma_start3A_167 = arith.constant 0 : i32
      %dma_start3A_168 = tpu.memref_slice %arg13[%add3A_109, %dma_start3A_167] : memref<10000x64xf32, #tpu.memory_space<vmem_shared>> -> memref<125x64xf32, #tpu.memory_space<vmem_shared>>
      tpu.enqueue_dma source(%arg12 : memref<125x64xf32, #tpu.memory_space<vmem>>) target(%dma_start3A_168 : memref<125x64xf32, #tpu.memory_space<vmem_shared>>) target_semaphore(%run_scoped3A : memref<!tpu.dma_semaphore, #tpu.memory_space<semaphore_mem>>)
      %dma_wait3A = arith.constant 0 : i32
      %dma_wait3A_169 = tpu.memref_slice %arg13[%add3A_109, %dma_wait3A] : memref<10000x64xf32, #tpu.memory_space<vmem_shared>> -> memref<125x64xf32, #tpu.memory_space<vmem_shared>>
      %dma_wait3A_170 = arith.constant 0 : i32
      %dma_wait3A_171 = tpu.memref_slice %arg13[%add3A_109, %dma_wait3A_170] : memref<10000x64xf32, #tpu.memory_space<vmem_shared>> -> memref<125x64xf32, #tpu.memory_space<vmem_shared>>
      tpu.wait_dma2 semaphore(%run_scoped3A : memref<!tpu.dma_semaphore, #tpu.memory_space<semaphore_mem>>) src(%arg12 : memref<125x64xf32, #tpu.memory_space<vmem>>) dst(%dma_wait3A_171 : memref<125x64xf32, #tpu.memory_space<vmem_shared>>)
      tpu.yield
    }) : () -> ()
    %barrier3A_110 = arith.constant 0 : index
    tpu.barrier barrier_id(%barrier3A_110)
    %scan3A_111 = arith.constant 0 : i32
    %scan3A_112 = arith.constant 0 : i32
    %scan3A_113 = arith.constant 50 : i32
    %scan3A_114 = arith.addi %scan3A_112, %scan3A_113 : i32
    %scan3A_115 = arith.constant 1 : i32
    %scan3A_116 = scf.for %scan3A_166 = %scan3A_112 to %scan3A_114 step %scan3A_115 iter_args(%scan3A_167 = %scan3A_111) -> (i32)  : i32 {
      %mul3A_168 = arith.constant 400 : i32
      %mul3A_169 = arith.muli %scan3A_166, %mul3A_168 : i32
      %add3A_170 = arith.addi %mul3A_7, %mul3A_169 : i32
      "tpu.region"() ({
        %run_scoped3A = tpu.sem_alloc : memref<!tpu.dma_semaphore, #tpu.memory_space<semaphore_mem>>
        %dma_start3A = tpu.memref_slice %arg2[%add3A_170] : memref<320000xi32, #tpu.memory_space<hbm>> -> memref<400xi32, #tpu.memory_space<hbm>>
        %dma_start3A_189 = tpu.memref_slice %arg2[%add3A_170] : memref<320000xi32, #tpu.memory_space<hbm>> -> memref<400xi32, #tpu.memory_space<hbm>>
        tpu.enqueue_dma source(%dma_start3A_189 : memref<400xi32, #tpu.memory_space<hbm>>) target(%arg7 : memref<400xi32, #tpu.memory_space<vmem>>) target_semaphore(%run_scoped3A : memref<!tpu.dma_semaphore, #tpu.memory_space<semaphore_mem>>)
        %dma_wait3A = tpu.memref_slice %arg2[%add3A_170] : memref<320000xi32, #tpu.memory_space<hbm>> -> memref<400xi32, #tpu.memory_space<hbm>>
        %dma_wait3A_190 = tpu.memref_slice %arg2[%add3A_170] : memref<320000xi32, #tpu.memory_space<hbm>> -> memref<400xi32, #tpu.memory_space<hbm>>
        tpu.wait_dma2 semaphore(%run_scoped3A : memref<!tpu.dma_semaphore, #tpu.memory_space<semaphore_mem>>) src(%dma_wait3A_190 : memref<400xi32, #tpu.memory_space<hbm>>) dst(%arg7 : memref<400xi32, #tpu.memory_space<vmem>>)
        tpu.yield
      }) : () -> ()
      "tpu.region"() ({
        %run_scoped3A = tpu.sem_alloc : memref<!tpu.dma_semaphore, #tpu.memory_space<semaphore_mem>>
        %dma_start3A = tpu.memref_slice %arg3[%add3A_170] : memref<320000xi32, #tpu.memory_space<hbm>> -> memref<400xi32, #tpu.memory_space<hbm>>
        %dma_start3A_189 = tpu.memref_slice %arg3[%add3A_170] : memref<320000xi32, #tpu.memory_space<hbm>> -> memref<400xi32, #tpu.memory_space<hbm>>
        tpu.enqueue_dma source(%dma_start3A_189 : memref<400xi32, #tpu.memory_space<hbm>>) target(%arg8 : memref<400xi32, #tpu.memory_space<vmem>>) target_semaphore(%run_scoped3A : memref<!tpu.dma_semaphore, #tpu.memory_space<semaphore_mem>>)
        %dma_wait3A = tpu.memref_slice %arg3[%add3A_170] : memref<320000xi32, #tpu.memory_space<hbm>> -> memref<400xi32, #tpu.memory_space<hbm>>
        %dma_wait3A_190 = tpu.memref_slice %arg3[%add3A_170] : memref<320000xi32, #tpu.memory_space<hbm>> -> memref<400xi32, #tpu.memory_space<hbm>>
        tpu.wait_dma2 semaphore(%run_scoped3A : memref<!tpu.dma_semaphore, #tpu.memory_space<semaphore_mem>>) src(%dma_wait3A_190 : memref<400xi32, #tpu.memory_space<hbm>>) dst(%arg8 : memref<400xi32, #tpu.memory_space<vmem>>)
        tpu.yield
      }) : () -> ()
      "tpu.region"() ({
        %run_scoped3A = tpu.sem_alloc : memref<!tpu.dma_semaphore, #tpu.memory_space<semaphore_mem>>
        %dma_start3A = arith.constant 0 : i32
        %dma_start3A_189 = tpu.memref_slice %arg4[%add3A_170, %dma_start3A] : memref<320000x16xf32, #tpu.memory_space<hbm>> -> memref<400x16xf32, #tpu.memory_space<hbm>>
        %dma_start3A_190 = arith.constant 0 : i32
        %dma_start3A_191 = tpu.memref_slice %arg4[%add3A_170, %dma_start3A_190] : memref<320000x16xf32, #tpu.memory_space<hbm>> -> memref<400x16xf32, #tpu.memory_space<hbm>>
        tpu.enqueue_dma source(%dma_start3A_191 : memref<400x16xf32, #tpu.memory_space<hbm>>) target(%arg11 : memref<400x16xf32, #tpu.memory_space<vmem>>) target_semaphore(%run_scoped3A : memref<!tpu.dma_semaphore, #tpu.memory_space<semaphore_mem>>)
        %dma_wait3A = arith.constant 0 : i32
        %dma_wait3A_192 = tpu.memref_slice %arg4[%add3A_170, %dma_wait3A] : memref<320000x16xf32, #tpu.memory_space<hbm>> -> memref<400x16xf32, #tpu.memory_space<hbm>>
        %dma_wait3A_193 = arith.constant 0 : i32
        %dma_wait3A_194 = tpu.memref_slice %arg4[%add3A_170, %dma_wait3A_193] : memref<320000x16xf32, #tpu.memory_space<hbm>> -> memref<400x16xf32, #tpu.memory_space<hbm>>
        tpu.wait_dma2 semaphore(%run_scoped3A : memref<!tpu.dma_semaphore, #tpu.memory_space<semaphore_mem>>) src(%dma_wait3A_194 : memref<400x16xf32, #tpu.memory_space<hbm>>) dst(%arg11 : memref<400x16xf32, #tpu.memory_space<vmem>>)
        tpu.yield
      }) : () -> ()
      %mul3A_171 = arith.constant 10000 : i32
      %mul3A_172 = arith.muli %add3A_89, %mul3A_171 : i32
      %scan3A_173 = arith.constant 0 : i32
      %scan3A_174 = arith.constant 0 : i32
      %scan3A_175 = arith.constant 25 : i32
      %scan3A_176 = arith.addi %scan3A_174, %scan3A_175 : i32
      %scan3A_177 = arith.constant 1 : i32
      %scan3A_178 = scf.for %scan3A_189 = %scan3A_174 to %scan3A_176 step %scan3A_177 iter_args(%scan3A_190 = %scan3A_173) -> (i32)  : i32 {
        %mul3A_191 = arith.constant 16 : i32
        %mul3A_192 = arith.muli %mul3A_191, %scan3A_189 : i32
        %get3A = arith.index_cast %mul3A_192 : i32 to index
        %get3A_193 = tpu.vector_load %arg7[%get3A] {strides = array<i32>} : memref<400xi32, #tpu.memory_space<vmem>>, vector<16xi32>,
        %add3A_194 = vector.broadcast %mul3A_172 : i32 to vector<16xi32>
        %add3A_195 = arith.addi %get3A_193, %add3A_194 : vector<16xi32>
        %mul3A_196 = arith.constant 16 : i32
        %mul3A_197 = arith.muli %mul3A_196, %scan3A_189 : i32
        %swap3A = arith.index_cast %mul3A_197 : i32 to index
        %swap3A_198 = tpu.vector_load %arg9[%swap3A] {strides = array<i32>} : memref<400xi32, #tpu.memory_space<vmem>>, vector<16xi32>,
        tpu.vector_store %arg9[%swap3A], %add3A_195 {strides = array<i32>} : memref<400xi32, #tpu.memory_space<vmem>>, vector<16xi32>,
        %scan3A_199 = arith.constant 0 : i32
        scf.yield %scan3A_199 : i32
      }
      %scan3A_179 = arith.constant 25 : i32
      "tpu.region"() ({
        %run_scoped3A = tpu.sem_alloc : memref<!tpu.dma_semaphore, #tpu.memory_space<semaphore_mem>>
        %dma_start3A = arith.constant 0 : i32
        %dma_start3A_189 = arith.constant 0 : i32
        %dma_start3A_190 = tpu.memref_slice %arg5[%dma_start3A, %dma_start3A_189] : memref<80000x64xf32, #tpu.memory_space<hbm>> -> memref<80000x64xf32, #tpu.memory_space<hbm>>
        tpu.enqueue_indirect_dma source(%dma_start3A_190 : memref<80000x64xf32, #tpu.memory_space<hbm>>) target(%arg10 : memref<400x64xf32, #tpu.memory_space<vmem>>) offsets(%arg9 : memref<400xi32, #tpu.memory_space<vmem>>) semaphore(%run_scoped3A : memref<!tpu.dma_semaphore, #tpu.memory_space<semaphore_mem>>)
        %dma_wait3A = arith.constant 0 : i32
        %dma_wait3A_191 = arith.constant 0 : i32
        %dma_wait3A_192 = tpu.memref_slice %arg5[%dma_wait3A, %dma_wait3A_191] : memref<80000x64xf32, #tpu.memory_space<hbm>> -> memref<80000x64xf32, #tpu.memory_space<hbm>>
        tpu.wait_indirect_dma semaphore(%run_scoped3A : memref<!tpu.dma_semaphore, #tpu.memory_space<semaphore_mem>>) src(%dma_wait3A_192 : memref<80000x64xf32, #tpu.memory_space<hbm>>) dst(%arg10 : memref<400x64xf32, #tpu.memory_space<vmem>>)
        tpu.yield
      }) : () -> ()
      %broadcast_in_dim3A_180 = vector.broadcast %add3A_89 : i32 to vector<16xi32>
      %scan3A_181 = arith.constant 0 : i32
      %scan3A_182 = arith.constant 0 : i32
      %scan3A_183 = arith.constant 400 : i32
      %scan3A_184 = arith.addi %scan3A_182, %scan3A_183 : i32
      %scan3A_185 = arith.constant 1 : i32
      %scan3A_186 = scf.for %scan3A_189 = %scan3A_182 to %scan3A_184 step %scan3A_185 iter_args(%scan3A_190 = %scan3A_181) -> (i32)  : i32 {
        %broadcast_in_dim3A_191 = vector.broadcast %scan3A_189 : i32 to vector<16xi32>
        %gather3A = tpu.vector_load_idx %arg11[%broadcast_in_dim3A_191, %broadcast_in_dim3A_180] : memref<400x16xf32, #tpu.memory_space<vmem>>[vector<16xi32>, vector<16xi32>], vector<16xf32>,
        %get3A = arith.index_cast %scan3A_189 : i32 to index
        %get3A_192 = arith.constant 0 : index
        %get3A_193 = tpu.vector_load %arg10[%get3A, %get3A_192] {strides = array<i32>} : memref<400x64xf32, #tpu.memory_space<vmem>>, vector<16xf32>,
        %mul3A_194 = arith.mulf %get3A_193, %gather3A : vector<16xf32>
        %swap3A = arith.index_cast %scan3A_189 : i32 to index
        %swap3A_195 = arith.constant 0 : index
        %swap3A_196 = tpu.vector_load %arg10[%swap3A, %swap3A_195] {strides = array<i32>} : memref<400x64xf32, #tpu.memory_space<vmem>>, vector<16xf32>,
        tpu.vector_store %arg10[%swap3A, %swap3A_195], %mul3A_194 {strides = array<i32>} : memref<400x64xf32, #tpu.memory_space<vmem>>, vector<16xf32>,
        %get3A_197 = arith.index_cast %scan3A_189 : i32 to index
        %get3A_198 = arith.constant 16 : index
        %get3A_199 = tpu.vector_load %arg10[%get3A_197, %get3A_198] {strides = array<i32>} : memref<400x64xf32, #tpu.memory_space<vmem>>, vector<16xf32>,
        %mul3A_200 = arith.mulf %get3A_199, %gather3A : vector<16xf32>
        %swap3A_201 = arith.index_cast %scan3A_189 : i32 to index
        %swap3A_202 = arith.constant 16 : index
        %swap3A_203 = tpu.vector_load %arg10[%swap3A_201, %swap3A_202] {strides = array<i32>} : memref<400x64xf32, #tpu.memory_space<vmem>>, vector<16xf32>,
        tpu.vector_store %arg10[%swap3A_201, %swap3A_202], %mul3A_200 {strides = array<i32>} : memref<400x64xf32, #tpu.memory_space<vmem>>, vector<16xf32>,
        %get3A_204 = arith.index_cast %scan3A_189 : i32 to index
        %get3A_205 = arith.constant 32 : index
        %get3A_206 = tpu.vector_load %arg10[%get3A_204, %get3A_205] {strides = array<i32>} : memref<400x64xf32, #tpu.memory_space<vmem>>, vector<16xf32>,
        %mul3A_207 = arith.mulf %get3A_206, %gather3A : vector<16xf32>
        %swap3A_208 = arith.index_cast %scan3A_189 : i32 to index
        %swap3A_209 = arith.constant 32 : index
        %swap3A_210 = tpu.vector_load %arg10[%swap3A_208, %swap3A_209] {strides = array<i32>} : memref<400x64xf32, #tpu.memory_space<vmem>>, vector<16xf32>,
        tpu.vector_store %arg10[%swap3A_208, %swap3A_209], %mul3A_207 {strides = array<i32>} : memref<400x64xf32, #tpu.memory_space<vmem>>, vector<16xf32>,
        %get3A_211 = arith.index_cast %scan3A_189 : i32 to index
        %get3A_212 = arith.constant 48 : index
        %get3A_213 = tpu.vector_load %arg10[%get3A_211, %get3A_212] {strides = array<i32>} : memref<400x64xf32, #tpu.memory_space<vmem>>, vector<16xf32>,
        %mul3A_214 = arith.mulf %get3A_213, %gather3A : vector<16xf32>
        %swap3A_215 = arith.index_cast %scan3A_189 : i32 to index
        %swap3A_216 = arith.constant 48 : index
        %swap3A_217 = tpu.vector_load %arg10[%swap3A_215, %swap3A_216] {strides = array<i32>} : memref<400x64xf32, #tpu.memory_space<vmem>>, vector<16xf32>,
        tpu.vector_store %arg10[%swap3A_215, %swap3A_216], %mul3A_214 {strides = array<i32>} : memref<400x64xf32, #tpu.memory_space<vmem>>, vector<16xf32>,
        %scan3A_218 = arith.constant 0 : i32
        scf.yield %scan3A_218 : i32
      }
      %scan3A_187 = arith.constant 400 : i32
      "tpu.region"() ({
        %run_scoped3A = tpu.sem_alloc : memref<!tpu.dma_semaphore, #tpu.memory_space<semaphore_mem>>
        %dma_start3A = arith.constant 0 : i32
        %dma_start3A_189 = arith.constant 0 : i32
        %dma_start3A_190 = tpu.memref_slice %arg13[%dma_start3A, %dma_start3A_189] : memref<10000x64xf32, #tpu.memory_space<vmem_shared>> -> memref<10000x64xf32, #tpu.memory_space<vmem_shared>>
        tpu.enqueue_indirect_dma source(%arg10 : memref<400x64xf32, #tpu.memory_space<vmem>>) target(%dma_start3A_190 : memref<10000x64xf32, #tpu.memory_space<vmem_shared>>) offsets(%arg8 : memref<400xi32, #tpu.memory_space<vmem>>) semaphore(%run_scoped3A : memref<!tpu.dma_semaphore, #tpu.memory_space<semaphore_mem>>) {add = true}
        %dma_wait3A = arith.constant 0 : i32
        %dma_wait3A_191 = arith.constant 0 : i32
        %dma_wait3A_192 = tpu.memref_slice %arg13[%dma_wait3A, %dma_wait3A_191] : memref<10000x64xf32, #tpu.memory_space<vmem_shared>> -> memref<10000x64xf32, #tpu.memory_space<vmem_shared>>
        tpu.wait_indirect_dma semaphore(%run_scoped3A : memref<!tpu.dma_semaphore, #tpu.memory_space<semaphore_mem>>) src(%arg10 : memref<400x64xf32, #tpu.memory_space<vmem>>) dst(%dma_wait3A_192 : memref<10000x64xf32, #tpu.memory_space<vmem_shared>>)
        tpu.yield
      }) : () -> ()
      %scan3A_188 = arith.constant 0 : i32
      scf.yield %scan3A_188 : i32
    }
    %scan3A_117 = arith.constant 50 : i32
    %barrier3A_118 = arith.constant 0 : index
    tpu.barrier barrier_id(%barrier3A_118)
    %mul3A_119 = arith.constant 624 : i32
    %mul3A_120 = arith.muli %arg1, %mul3A_119 : i32
    %mul3A_121 = arith.constant 10000 : i32
    %mul3A_122 = arith.muli %add3A_89, %mul3A_121 : i32
    %mul3A_123 = arith.constant 624 : i32
    %mul3A_124 = arith.muli %arg1, %mul3A_123 : i32
    %add3A_125 = arith.addi %mul3A_122, %mul3A_124 : i32
    "tpu.region"() ({
      %run_scoped3A = tpu.sem_alloc : memref<!tpu.dma_semaphore, #tpu.memory_space<semaphore_mem>>
      %dma_start3A = arith.constant 0 : i32
      %dma_start3A_166 = tpu.memref_slice %arg6[%add3A_125, %dma_start3A] : memref<80000x64xf32, #tpu.memory_space<hbm>> -> memref<624x64xf32, #tpu.memory_space<hbm>>
      %dma_start3A_167 = arith.constant 0 : i32
      %dma_start3A_168 = tpu.memref_slice %arg13[%mul3A_120, %dma_start3A_167] : memref<10000x64xf32, #tpu.memory_space<vmem_shared>> -> memref<624x64xf32, #tpu.memory_space<vmem_shared>>
      tpu.enqueue_dma source(%dma_start3A_168 : memref<624x64xf32, #tpu.memory_space<vmem_shared>>) target(%dma_start3A_166 : memref<624x64xf32, #tpu.memory_space<hbm>>) target_semaphore(%run_scoped3A : memref<!tpu.dma_semaphore, #tpu.memory_space<semaphore_mem>>)
      %dma_wait3A = arith.constant 0 : i32
      %dma_wait3A_169 = tpu.memref_slice %arg6[%add3A_125, %dma_wait3A] : memref<80000x64xf32, #tpu.memory_space<hbm>> -> memref<624x64xf32, #tpu.memory_space<hbm>>
      %dma_wait3A_170 = arith.constant 0 : i32
      %dma_wait3A_171 = tpu.memref_slice %arg13[%mul3A_120, %dma_wait3A_170] : memref<10000x64xf32, #tpu.memory_space<vmem_shared>> -> memref<624x64xf32, #tpu.memory_space<vmem_shared>>
      tpu.wait_dma2 semaphore(%run_scoped3A : memref<!tpu.dma_semaphore, #tpu.memory_space<semaphore_mem>>) src(%dma_wait3A_171 : memref<624x64xf32, #tpu.memory_space<vmem_shared>>) dst(%dma_wait3A_169 : memref<624x64xf32, #tpu.memory_space<hbm>>)
      tpu.yield
    }) : () -> ()
    %mul3A_126 = arith.constant 4 : i32
    %mul3A_127 = arith.muli %mul3A_126, %arg0 : i32
    %add3A_128 = arith.constant 3 : i32
    %add3A_129 = arith.addi %mul3A_127, %add3A_128 : i32
    %mul3A_130 = arith.constant 624 : i32
    %mul3A_131 = arith.muli %arg1, %mul3A_130 : i32
    %add3A_132 = arith.constant 0 : i32
    %add3A_133 = arith.addi %mul3A_131, %add3A_132 : i32
    "tpu.region"() ({
      %run_scoped3A = tpu.sem_alloc : memref<!tpu.dma_semaphore, #tpu.memory_space<semaphore_mem>>
      %dma_start3A = arith.constant 0 : i32
      %dma_start3A_166 = tpu.memref_slice %arg13[%add3A_133, %dma_start3A] : memref<10000x64xf32, #tpu.memory_space<vmem_shared>> -> memref<125x64xf32, #tpu.memory_space<vmem_shared>>
      %dma_start3A_167 = arith.constant 0 : i32
      %dma_start3A_168 = tpu.memref_slice %arg13[%add3A_133, %dma_start3A_167] : memref<10000x64xf32, #tpu.memory_space<vmem_shared>> -> memref<125x64xf32, #tpu.memory_space<vmem_shared>>
      tpu.enqueue_dma source(%arg12 : memref<125x64xf32, #tpu.memory_space<vmem>>) target(%dma_start3A_168 : memref<125x64xf32, #tpu.memory_space<vmem_shared>>) target_semaphore(%run_scoped3A : memref<!tpu.dma_semaphore, #tpu.memory_space<semaphore_mem>>)
      %dma_wait3A = arith.constant 0 : i32
      %dma_wait3A_169 = tpu.memref_slice %arg13[%add3A_133, %dma_wait3A] : memref<10000x64xf32, #tpu.memory_space<vmem_shared>> -> memref<125x64xf32, #tpu.memory_space<vmem_shared>>
      %dma_wait3A_170 = arith.constant 0 : i32
      %dma_wait3A_171 = tpu.memref_slice %arg13[%add3A_133, %dma_wait3A_170] : memref<10000x64xf32, #tpu.memory_space<vmem_shared>> -> memref<125x64xf32, #tpu.memory_space<vmem_shared>>
      tpu.wait_dma2 semaphore(%run_scoped3A : memref<!tpu.dma_semaphore, #tpu.memory_space<semaphore_mem>>) src(%arg12 : memref<125x64xf32, #tpu.memory_space<vmem>>) dst(%dma_wait3A_171 : memref<125x64xf32, #tpu.memory_space<vmem_shared>>)
      tpu.yield
    }) : () -> ()
    %mul3A_134 = arith.constant 624 : i32
    %mul3A_135 = arith.muli %arg1, %mul3A_134 : i32
    %add3A_136 = arith.constant 125 : i32
    %add3A_137 = arith.addi %mul3A_135, %add3A_136 : i32
    "tpu.region"() ({
      %run_scoped3A = tpu.sem_alloc : memref<!tpu.dma_semaphore, #tpu.memory_space<semaphore_mem>>
      %dma_start3A = arith.constant 0 : i32
      %dma_start3A_166 = tpu.memref_slice %arg13[%add3A_137, %dma_start3A] : memref<10000x64xf32, #tpu.memory_space<vmem_shared>> -> memref<125x64xf32, #tpu.memory_space<vmem_shared>>
      %dma_start3A_167 = arith.constant 0 : i32
      %dma_start3A_168 = tpu.memref_slice %arg13[%add3A_137, %dma_start3A_167] : memref<10000x64xf32, #tpu.memory_space<vmem_shared>> -> memref<125x64xf32, #tpu.memory_space<vmem_shared>>
      tpu.enqueue_dma source(%arg12 : memref<125x64xf32, #tpu.memory_space<vmem>>) target(%dma_start3A_168 : memref<125x64xf32, #tpu.memory_space<vmem_shared>>) target_semaphore(%run_scoped3A : memref<!tpu.dma_semaphore, #tpu.memory_space<semaphore_mem>>)
      %dma_wait3A = arith.constant 0 : i32
      %dma_wait3A_169 = tpu.memref_slice %arg13[%add3A_137, %dma_wait3A] : memref<10000x64xf32, #tpu.memory_space<vmem_shared>> -> memref<125x64xf32, #tpu.memory_space<vmem_shared>>
      %dma_wait3A_170 = arith.constant 0 : i32
      %dma_wait3A_171 = tpu.memref_slice %arg13[%add3A_137, %dma_wait3A_170] : memref<10000x64xf32, #tpu.memory_space<vmem_shared>> -> memref<125x64xf32, #tpu.memory_space<vmem_shared>>
      tpu.wait_dma2 semaphore(%run_scoped3A : memref<!tpu.dma_semaphore, #tpu.memory_space<semaphore_mem>>) src(%arg12 : memref<125x64xf32, #tpu.memory_space<vmem>>) dst(%dma_wait3A_171 : memref<125x64xf32, #tpu.memory_space<vmem_shared>>)
      tpu.yield
    }) : () -> ()
    %mul3A_138 = arith.constant 624 : i32
    %mul3A_139 = arith.muli %arg1, %mul3A_138 : i32
    %add3A_140 = arith.constant 250 : i32
    %add3A_141 = arith.addi %mul3A_139, %add3A_140 : i32
    "tpu.region"() ({
      %run_scoped3A = tpu.sem_alloc : memref<!tpu.dma_semaphore, #tpu.memory_space<semaphore_mem>>
      %dma_start3A = arith.constant 0 : i32
      %dma_start3A_166 = tpu.memref_slice %arg13[%add3A_141, %dma_start3A] : memref<10000x64xf32, #tpu.memory_space<vmem_shared>> -> memref<125x64xf32, #tpu.memory_space<vmem_shared>>
      %dma_start3A_167 = arith.constant 0 : i32
      %dma_start3A_168 = tpu.memref_slice %arg13[%add3A_141, %dma_start3A_167] : memref<10000x64xf32, #tpu.memory_space<vmem_shared>> -> memref<125x64xf32, #tpu.memory_space<vmem_shared>>
      tpu.enqueue_dma source(%arg12 : memref<125x64xf32, #tpu.memory_space<vmem>>) target(%dma_start3A_168 : memref<125x64xf32, #tpu.memory_space<vmem_shared>>) target_semaphore(%run_scoped3A : memref<!tpu.dma_semaphore, #tpu.memory_space<semaphore_mem>>)
      %dma_wait3A = arith.constant 0 : i32
      %dma_wait3A_169 = tpu.memref_slice %arg13[%add3A_141, %dma_wait3A] : memref<10000x64xf32, #tpu.memory_space<vmem_shared>> -> memref<125x64xf32, #tpu.memory_space<vmem_shared>>
      %dma_wait3A_170 = arith.constant 0 : i32
      %dma_wait3A_171 = tpu.memref_slice %arg13[%add3A_141, %dma_wait3A_170] : memref<10000x64xf32, #tpu.memory_space<vmem_shared>> -> memref<125x64xf32, #tpu.memory_space<vmem_shared>>
      tpu.wait_dma2 semaphore(%run_scoped3A : memref<!tpu.dma_semaphore, #tpu.memory_space<semaphore_mem>>) src(%arg12 : memref<125x64xf32, #tpu.memory_space<vmem>>) dst(%dma_wait3A_171 : memref<125x64xf32, #tpu.memory_space<vmem_shared>>)
      tpu.yield
    }) : () -> ()
    %mul3A_142 = arith.constant 624 : i32
    %mul3A_143 = arith.muli %arg1, %mul3A_142 : i32
    %add3A_144 = arith.constant 375 : i32
    %add3A_145 = arith.addi %mul3A_143, %add3A_144 : i32
    "tpu.region"() ({
      %run_scoped3A = tpu.sem_alloc : memref<!tpu.dma_semaphore, #tpu.memory_space<semaphore_mem>>
      %dma_start3A = arith.constant 0 : i32
      %dma_start3A_166 = tpu.memref_slice %arg13[%add3A_145, %dma_start3A] : memref<10000x64xf32, #tpu.memory_space<vmem_shared>> -> memref<125x64xf32, #tpu.memory_space<vmem_shared>>
      %dma_start3A_167 = arith.constant 0 : i32
      %dma_start3A_168 = tpu.memref_slice %arg13[%add3A_145, %dma_start3A_167] : memref<10000x64xf32, #tpu.memory_space<vmem_shared>> -> memref<125x64xf32, #tpu.memory_space<vmem_shared>>
      tpu.enqueue_dma source(%arg12 : memref<125x64xf32, #tpu.memory_space<vmem>>) target(%dma_start3A_168 : memref<125x64xf32, #tpu.memory_space<vmem_shared>>) target_semaphore(%run_scoped3A : memref<!tpu.dma_semaphore, #tpu.memory_space<semaphore_mem>>)
      %dma_wait3A = arith.constant 0 : i32
      %dma_wait3A_169 = tpu.memref_slice %arg13[%add3A_145, %dma_wait3A] : memref<10000x64xf32, #tpu.memory_space<vmem_shared>> -> memref<125x64xf32, #tpu.memory_space<vmem_shared>>
      %dma_wait3A_170 = arith.constant 0 : i32
      %dma_wait3A_171 = tpu.memref_slice %arg13[%add3A_145, %dma_wait3A_170] : memref<10000x64xf32, #tpu.memory_space<vmem_shared>> -> memref<125x64xf32, #tpu.memory_space<vmem_shared>>
      tpu.wait_dma2 semaphore(%run_scoped3A : memref<!tpu.dma_semaphore, #tpu.memory_space<semaphore_mem>>) src(%arg12 : memref<125x64xf32, #tpu.memory_space<vmem>>) dst(%dma_wait3A_171 : memref<125x64xf32, #tpu.memory_space<vmem_shared>>)
      tpu.yield
    }) : () -> ()
    %mul3A_146 = arith.constant 624 : i32
    %mul3A_147 = arith.muli %arg1, %mul3A_146 : i32
    %add3A_148 = arith.constant 500 : i32
    %add3A_149 = arith.addi %mul3A_147, %add3A_148 : i32
    "tpu.region"() ({
      %run_scoped3A = tpu.sem_alloc : memref<!tpu.dma_semaphore, #tpu.memory_space<semaphore_mem>>
      %dma_start3A = arith.constant 0 : i32
      %dma_start3A_166 = tpu.memref_slice %arg13[%add3A_149, %dma_start3A] : memref<10000x64xf32, #tpu.memory_space<vmem_shared>> -> memref<125x64xf32, #tpu.memory_space<vmem_shared>>
      %dma_start3A_167 = arith.constant 0 : i32
      %dma_start3A_168 = tpu.memref_slice %arg13[%add3A_149, %dma_start3A_167] : memref<10000x64xf32, #tpu.memory_space<vmem_shared>> -> memref<125x64xf32, #tpu.memory_space<vmem_shared>>
      tpu.enqueue_dma source(%arg12 : memref<125x64xf32, #tpu.memory_space<vmem>>) target(%dma_start3A_168 : memref<125x64xf32, #tpu.memory_space<vmem_shared>>) target_semaphore(%run_scoped3A : memref<!tpu.dma_semaphore, #tpu.memory_space<semaphore_mem>>)
      %dma_wait3A = arith.constant 0 : i32
      %dma_wait3A_169 = tpu.memref_slice %arg13[%add3A_149, %dma_wait3A] : memref<10000x64xf32, #tpu.memory_space<vmem_shared>> -> memref<125x64xf32, #tpu.memory_space<vmem_shared>>
      %dma_wait3A_170 = arith.constant 0 : i32
      %dma_wait3A_171 = tpu.memref_slice %arg13[%add3A_149, %dma_wait3A_170] : memref<10000x64xf32, #tpu.memory_space<vmem_shared>> -> memref<125x64xf32, #tpu.memory_space<vmem_shared>>
      tpu.wait_dma2 semaphore(%run_scoped3A : memref<!tpu.dma_semaphore, #tpu.memory_space<semaphore_mem>>) src(%arg12 : memref<125x64xf32, #tpu.memory_space<vmem>>) dst(%dma_wait3A_171 : memref<125x64xf32, #tpu.memory_space<vmem_shared>>)
      tpu.yield
    }) : () -> ()
    %barrier3A_150 = arith.constant 0 : index
    tpu.barrier barrier_id(%barrier3A_150)
    %scan3A_151 = arith.constant 0 : i32
    %scan3A_152 = arith.constant 0 : i32
    %scan3A_153 = arith.constant 50 : i32
    %scan3A_154 = arith.addi %scan3A_152, %scan3A_153 : i32
    %scan3A_155 = arith.constant 1 : i32
    %scan3A_156 = scf.for %scan3A_166 = %scan3A_152 to %scan3A_154 step %scan3A_155 iter_args(%scan3A_167 = %scan3A_151) -> (i32)  : i32 {
      %mul3A_168 = arith.constant 400 : i32
      %mul3A_169 = arith.muli %scan3A_166, %mul3A_168 : i32
      %add3A_170 = arith.addi %mul3A_7, %mul3A_169 : i32
      "tpu.region"() ({
        %run_scoped3A = tpu.sem_alloc : memref<!tpu.dma_semaphore, #tpu.memory_space<semaphore_mem>>
        %dma_start3A = tpu.memref_slice %arg2[%add3A_170] : memref<320000xi32, #tpu.memory_space<hbm>> -> memref<400xi32, #tpu.memory_space<hbm>>
        %dma_start3A_189 = tpu.memref_slice %arg2[%add3A_170] : memref<320000xi32, #tpu.memory_space<hbm>> -> memref<400xi32, #tpu.memory_space<hbm>>
        tpu.enqueue_dma source(%dma_start3A_189 : memref<400xi32, #tpu.memory_space<hbm>>) target(%arg7 : memref<400xi32, #tpu.memory_space<vmem>>) target_semaphore(%run_scoped3A : memref<!tpu.dma_semaphore, #tpu.memory_space<semaphore_mem>>)
        %dma_wait3A = tpu.memref_slice %arg2[%add3A_170] : memref<320000xi32, #tpu.memory_space<hbm>> -> memref<400xi32, #tpu.memory_space<hbm>>
        %dma_wait3A_190 = tpu.memref_slice %arg2[%add3A_170] : memref<320000xi32, #tpu.memory_space<hbm>> -> memref<400xi32, #tpu.memory_space<hbm>>
        tpu.wait_dma2 semaphore(%run_scoped3A : memref<!tpu.dma_semaphore, #tpu.memory_space<semaphore_mem>>) src(%dma_wait3A_190 : memref<400xi32, #tpu.memory_space<hbm>>) dst(%arg7 : memref<400xi32, #tpu.memory_space<vmem>>)
        tpu.yield
      }) : () -> ()
      "tpu.region"() ({
        %run_scoped3A = tpu.sem_alloc : memref<!tpu.dma_semaphore, #tpu.memory_space<semaphore_mem>>
        %dma_start3A = tpu.memref_slice %arg3[%add3A_170] : memref<320000xi32, #tpu.memory_space<hbm>> -> memref<400xi32, #tpu.memory_space<hbm>>
        %dma_start3A_189 = tpu.memref_slice %arg3[%add3A_170] : memref<320000xi32, #tpu.memory_space<hbm>> -> memref<400xi32, #tpu.memory_space<hbm>>
        tpu.enqueue_dma source(%dma_start3A_189 : memref<400xi32, #tpu.memory_space<hbm>>) target(%arg8 : memref<400xi32, #tpu.memory_space<vmem>>) target_semaphore(%run_scoped3A : memref<!tpu.dma_semaphore, #tpu.memory_space<semaphore_mem>>)
        %dma_wait3A = tpu.memref_slice %arg3[%add3A_170] : memref<320000xi32, #tpu.memory_space<hbm>> -> memref<400xi32, #tpu.memory_space<hbm>>
        %dma_wait3A_190 = tpu.memref_slice %arg3[%add3A_170] : memref<320000xi32, #tpu.memory_space<hbm>> -> memref<400xi32, #tpu.memory_space<hbm>>
        tpu.wait_dma2 semaphore(%run_scoped3A : memref<!tpu.dma_semaphore, #tpu.memory_space<semaphore_mem>>) src(%dma_wait3A_190 : memref<400xi32, #tpu.memory_space<hbm>>) dst(%arg8 : memref<400xi32, #tpu.memory_space<vmem>>)
        tpu.yield
      }) : () -> ()
      "tpu.region"() ({
        %run_scoped3A = tpu.sem_alloc : memref<!tpu.dma_semaphore, #tpu.memory_space<semaphore_mem>>
        %dma_start3A = arith.constant 0 : i32
        %dma_start3A_189 = tpu.memref_slice %arg4[%add3A_170, %dma_start3A] : memref<320000x16xf32, #tpu.memory_space<hbm>> -> memref<400x16xf32, #tpu.memory_space<hbm>>
        %dma_start3A_190 = arith.constant 0 : i32
        %dma_start3A_191 = tpu.memref_slice %arg4[%add3A_170, %dma_start3A_190] : memref<320000x16xf32, #tpu.memory_space<hbm>> -> memref<400x16xf32, #tpu.memory_space<hbm>>
        tpu.enqueue_dma source(%dma_start3A_191 : memref<400x16xf32, #tpu.memory_space<hbm>>) target(%arg11 : memref<400x16xf32, #tpu.memory_space<vmem>>) target_semaphore(%run_scoped3A : memref<!tpu.dma_semaphore, #tpu.memory_space<semaphore_mem>>)
        %dma_wait3A = arith.constant 0 : i32
        %dma_wait3A_192 = tpu.memref_slice %arg4[%add3A_170, %dma_wait3A] : memref<320000x16xf32, #tpu.memory_space<hbm>> -> memref<400x16xf32, #tpu.memory_space<hbm>>
        %dma_wait3A_193 = arith.constant 0 : i32
        %dma_wait3A_194 = tpu.memref_slice %arg4[%add3A_170, %dma_wait3A_193] : memref<320000x16xf32, #tpu.memory_space<hbm>> -> memref<400x16xf32, #tpu.memory_space<hbm>>
        tpu.wait_dma2 semaphore(%run_scoped3A : memref<!tpu.dma_semaphore, #tpu.memory_space<semaphore_mem>>) src(%dma_wait3A_194 : memref<400x16xf32, #tpu.memory_space<hbm>>) dst(%arg11 : memref<400x16xf32, #tpu.memory_space<vmem>>)
        tpu.yield
      }) : () -> ()
      %mul3A_171 = arith.constant 10000 : i32
      %mul3A_172 = arith.muli %add3A_129, %mul3A_171 : i32
      %scan3A_173 = arith.constant 0 : i32
      %scan3A_174 = arith.constant 0 : i32
      %scan3A_175 = arith.constant 25 : i32
      %scan3A_176 = arith.addi %scan3A_174, %scan3A_175 : i32
      %scan3A_177 = arith.constant 1 : i32
      %scan3A_178 = scf.for %scan3A_189 = %scan3A_174 to %scan3A_176 step %scan3A_177 iter_args(%scan3A_190 = %scan3A_173) -> (i32)  : i32 {
        %mul3A_191 = arith.constant 16 : i32
        %mul3A_192 = arith.muli %mul3A_191, %scan3A_189 : i32
        %get3A = arith.index_cast %mul3A_192 : i32 to index
        %get3A_193 = tpu.vector_load %arg7[%get3A] {strides = array<i32>} : memref<400xi32, #tpu.memory_space<vmem>>, vector<16xi32>,
        %add3A_194 = vector.broadcast %mul3A_172 : i32 to vector<16xi32>
        %add3A_195 = arith.addi %get3A_193, %add3A_194 : vector<16xi32>
        %mul3A_196 = arith.constant 16 : i32
        %mul3A_197 = arith.muli %mul3A_196, %scan3A_189 : i32
        %swap3A = arith.index_cast %mul3A_197 : i32 to index
        %swap3A_198 = tpu.vector_load %arg9[%swap3A] {strides = array<i32>} : memref<400xi32, #tpu.memory_space<vmem>>, vector<16xi32>,
        tpu.vector_store %arg9[%swap3A], %add3A_195 {strides = array<i32>} : memref<400xi32, #tpu.memory_space<vmem>>, vector<16xi32>,
        %scan3A_199 = arith.constant 0 : i32
        scf.yield %scan3A_199 : i32
      }
      %scan3A_179 = arith.constant 25 : i32
      "tpu.region"() ({
        %run_scoped3A = tpu.sem_alloc : memref<!tpu.dma_semaphore, #tpu.memory_space<semaphore_mem>>
        %dma_start3A = arith.constant 0 : i32
        %dma_start3A_189 = arith.constant 0 : i32
        %dma_start3A_190 = tpu.memref_slice %arg5[%dma_start3A, %dma_start3A_189] : memref<80000x64xf32, #tpu.memory_space<hbm>> -> memref<80000x64xf32, #tpu.memory_space<hbm>>
        tpu.enqueue_indirect_dma source(%dma_start3A_190 : memref<80000x64xf32, #tpu.memory_space<hbm>>) target(%arg10 : memref<400x64xf32, #tpu.memory_space<vmem>>) offsets(%arg9 : memref<400xi32, #tpu.memory_space<vmem>>) semaphore(%run_scoped3A : memref<!tpu.dma_semaphore, #tpu.memory_space<semaphore_mem>>)
        %dma_wait3A = arith.constant 0 : i32
        %dma_wait3A_191 = arith.constant 0 : i32
        %dma_wait3A_192 = tpu.memref_slice %arg5[%dma_wait3A, %dma_wait3A_191] : memref<80000x64xf32, #tpu.memory_space<hbm>> -> memref<80000x64xf32, #tpu.memory_space<hbm>>
        tpu.wait_indirect_dma semaphore(%run_scoped3A : memref<!tpu.dma_semaphore, #tpu.memory_space<semaphore_mem>>) src(%dma_wait3A_192 : memref<80000x64xf32, #tpu.memory_space<hbm>>) dst(%arg10 : memref<400x64xf32, #tpu.memory_space<vmem>>)
        tpu.yield
      }) : () -> ()
      %broadcast_in_dim3A_180 = vector.broadcast %add3A_129 : i32 to vector<16xi32>
      %scan3A_181 = arith.constant 0 : i32
      %scan3A_182 = arith.constant 0 : i32
      %scan3A_183 = arith.constant 400 : i32
      %scan3A_184 = arith.addi %scan3A_182, %scan3A_183 : i32
      %scan3A_185 = arith.constant 1 : i32
      %scan3A_186 = scf.for %scan3A_189 = %scan3A_182 to %scan3A_184 step %scan3A_185 iter_args(%scan3A_190 = %scan3A_181) -> (i32)  : i32 {
        %broadcast_in_dim3A_191 = vector.broadcast %scan3A_189 : i32 to vector<16xi32>
        %gather3A = tpu.vector_load_idx %arg11[%broadcast_in_dim3A_191, %broadcast_in_dim3A_180] : memref<400x16xf32, #tpu.memory_space<vmem>>[vector<16xi32>, vector<16xi32>], vector<16xf32>,
        %get3A = arith.index_cast %scan3A_189 : i32 to index
        %get3A_192 = arith.constant 0 : index
        %get3A_193 = tpu.vector_load %arg10[%get3A, %get3A_192] {strides = array<i32>} : memref<400x64xf32, #tpu.memory_space<vmem>>, vector<16xf32>,
        %mul3A_194 = arith.mulf %get3A_193, %gather3A : vector<16xf32>
        %swap3A = arith.index_cast %scan3A_189 : i32 to index
        %swap3A_195 = arith.constant 0 : index
        %swap3A_196 = tpu.vector_load %arg10[%swap3A, %swap3A_195] {strides = array<i32>} : memref<400x64xf32, #tpu.memory_space<vmem>>, vector<16xf32>,
        tpu.vector_store %arg10[%swap3A, %swap3A_195], %mul3A_194 {strides = array<i32>} : memref<400x64xf32, #tpu.memory_space<vmem>>, vector<16xf32>,
        %get3A_197 = arith.index_cast %scan3A_189 : i32 to index
        %get3A_198 = arith.constant 16 : index
        %get3A_199 = tpu.vector_load %arg10[%get3A_197, %get3A_198] {strides = array<i32>} : memref<400x64xf32, #tpu.memory_space<vmem>>, vector<16xf32>,
        %mul3A_200 = arith.mulf %get3A_199, %gather3A : vector<16xf32>
        %swap3A_201 = arith.index_cast %scan3A_189 : i32 to index
        %swap3A_202 = arith.constant 16 : index
        %swap3A_203 = tpu.vector_load %arg10[%swap3A_201, %swap3A_202] {strides = array<i32>} : memref<400x64xf32, #tpu.memory_space<vmem>>, vector<16xf32>,
        tpu.vector_store %arg10[%swap3A_201, %swap3A_202], %mul3A_200 {strides = array<i32>} : memref<400x64xf32, #tpu.memory_space<vmem>>, vector<16xf32>,
        %get3A_204 = arith.index_cast %scan3A_189 : i32 to index
        %get3A_205 = arith.constant 32 : index
        %get3A_206 = tpu.vector_load %arg10[%get3A_204, %get3A_205] {strides = array<i32>} : memref<400x64xf32, #tpu.memory_space<vmem>>, vector<16xf32>,
        %mul3A_207 = arith.mulf %get3A_206, %gather3A : vector<16xf32>
        %swap3A_208 = arith.index_cast %scan3A_189 : i32 to index
        %swap3A_209 = arith.constant 32 : index
        %swap3A_210 = tpu.vector_load %arg10[%swap3A_208, %swap3A_209] {strides = array<i32>} : memref<400x64xf32, #tpu.memory_space<vmem>>, vector<16xf32>,
        tpu.vector_store %arg10[%swap3A_208, %swap3A_209], %mul3A_207 {strides = array<i32>} : memref<400x64xf32, #tpu.memory_space<vmem>>, vector<16xf32>,
        %get3A_211 = arith.index_cast %scan3A_189 : i32 to index
        %get3A_212 = arith.constant 48 : index
        %get3A_213 = tpu.vector_load %arg10[%get3A_211, %get3A_212] {strides = array<i32>} : memref<400x64xf32, #tpu.memory_space<vmem>>, vector<16xf32>,
        %mul3A_214 = arith.mulf %get3A_213, %gather3A : vector<16xf32>
        %swap3A_215 = arith.index_cast %scan3A_189 : i32 to index
        %swap3A_216 = arith.constant 48 : index
        %swap3A_217 = tpu.vector_load %arg10[%swap3A_215, %swap3A_216] {strides = array<i32>} : memref<400x64xf32, #tpu.memory_space<vmem>>, vector<16xf32>,
        tpu.vector_store %arg10[%swap3A_215, %swap3A_216], %mul3A_214 {strides = array<i32>} : memref<400x64xf32, #tpu.memory_space<vmem>>, vector<16xf32>,
        %scan3A_218 = arith.constant 0 : i32
        scf.yield %scan3A_218 : i32
      }
      %scan3A_187 = arith.constant 400 : i32
      "tpu.region"() ({
        %run_scoped3A = tpu.sem_alloc : memref<!tpu.dma_semaphore, #tpu.memory_space<semaphore_mem>>
        %dma_start3A = arith.constant 0 : i32
        %dma_start3A_189 = arith.constant 0 : i32
        %dma_start3A_190 = tpu.memref_slice %arg13[%dma_start3A, %dma_start3A_189] : memref<10000x64xf32, #tpu.memory_space<vmem_shared>> -> memref<10000x64xf32, #tpu.memory_space<vmem_shared>>
        tpu.enqueue_indirect_dma source(%arg10 : memref<400x64xf32, #tpu.memory_space<vmem>>) target(%dma_start3A_190 : memref<10000x64xf32, #tpu.memory_space<vmem_shared>>) offsets(%arg8 : memref<400xi32, #tpu.memory_space<vmem>>) semaphore(%run_scoped3A : memref<!tpu.dma_semaphore, #tpu.memory_space<semaphore_mem>>) {add = true}
        %dma_wait3A = arith.constant 0 : i32
        %dma_wait3A_191 = arith.constant 0 : i32
        %dma_wait3A_192 = tpu.memref_slice %arg13[%dma_wait3A, %dma_wait3A_191] : memref<10000x64xf32, #tpu.memory_space<vmem_shared>> -> memref<10000x64xf32, #tpu.memory_space<vmem_shared>>
        tpu.wait_indirect_dma semaphore(%run_scoped3A : memref<!tpu.dma_semaphore, #tpu.memory_space<semaphore_mem>>) src(%arg10 : memref<400x64xf32, #tpu.memory_space<vmem>>) dst(%dma_wait3A_192 : memref<10000x64xf32, #tpu.memory_space<vmem_shared>>)
        tpu.yield
      }) : () -> ()
      %scan3A_188 = arith.constant 0 : i32
      scf.yield %scan3A_188 : i32
    }
    %scan3A_157 = arith.constant 50 : i32
    %barrier3A_158 = arith.constant 0 : index
    tpu.barrier barrier_id(%barrier3A_158)
    %mul3A_159 = arith.constant 624 : i32
    %mul3A_160 = arith.muli %arg1, %mul3A_159 : i32
    %mul3A_161 = arith.constant 10000 : i32
    %mul3A_162 = arith.muli %add3A_129, %mul3A_161 : i32
    %mul3A_163 = arith.constant 624 : i32
    %mul3A_164 = arith.muli %arg1, %mul3A_163 : i32
    %add3A_165 = arith.addi %mul3A_162, %mul3A_164 : i32
    "tpu.region"() ({
      %run_scoped3A = tpu.sem_alloc : memref<!tpu.dma_semaphore, #tpu.memory_space<semaphore_mem>>
      %dma_start3A = arith.constant 0 : i32
      %dma_start3A_166 = tpu.memref_slice %arg6[%add3A_165, %dma_start3A] : memref<80000x64xf32, #tpu.memory_space<hbm>> -> memref<624x64xf32, #tpu.memory_space<hbm>>
      %dma_start3A_167 = arith.constant 0 : i32
      %dma_start3A_168 = tpu.memref_slice %arg13[%mul3A_160, %dma_start3A_167] : memref<10000x64xf32, #tpu.memory_space<vmem_shared>> -> memref<624x64xf32, #tpu.memory_space<vmem_shared>>
      tpu.enqueue_dma source(%dma_start3A_168 : memref<624x64xf32, #tpu.memory_space<vmem_shared>>) target(%dma_start3A_166 : memref<624x64xf32, #tpu.memory_space<hbm>>) target_semaphore(%run_scoped3A : memref<!tpu.dma_semaphore, #tpu.memory_space<semaphore_mem>>)
      %dma_wait3A = arith.constant 0 : i32
      %dma_wait3A_169 = tpu.memref_slice %arg6[%add3A_165, %dma_wait3A] : memref<80000x64xf32, #tpu.memory_space<hbm>> -> memref<624x64xf32, #tpu.memory_space<hbm>>
      %dma_wait3A_170 = arith.constant 0 : i32
      %dma_wait3A_171 = tpu.memref_slice %arg13[%mul3A_160, %dma_wait3A_170] : memref<10000x64xf32, #tpu.memory_space<vmem_shared>> -> memref<624x64xf32, #tpu.memory_space<vmem_shared>>
      tpu.wait_dma2 semaphore(%run_scoped3A : memref<!tpu.dma_semaphore, #tpu.memory_space<semaphore_mem>>) src(%dma_wait3A_171 : memref<624x64xf32, #tpu.memory_space<vmem_shared>>) dst(%dma_wait3A_169 : memref<624x64xf32, #tpu.memory_space<hbm>>)
      tpu.yield
    }) : () -> ()
    return
  }
}

#map = affine_map<(d0, d1) -> (0)>
#map1 = affine_map<(d0, d1) -> (0, 0)>
module attributes {stable_mosaic.version = 14 : i64} {
  func.func @_p1a_body(%arg0: i32, %arg1: i32, %arg2: memref<320000xi32, #tpu.memory_space<hbm>>, %arg3: memref<320000xi32, #tpu.memory_space<hbm>>, %arg4: memref<320000xi32, #tpu.memory_space<hbm>>, %arg5: memref<10000xf32, #tpu.memory_space<hbm>>, %arg6: memref<10000xf32, #tpu.memory_space<hbm>>, %arg7: memref<8x16xf32, #tpu.memory_space<hbm>>, %arg8: memref<320000xf32, #tpu.memory_space<hbm>>, %arg9: memref<20000x16xf32, #tpu.memory_space<hbm>>, %arg10: memref<400xi32, #tpu.memory_space<vmem>>, %arg11: memref<400xi32, #tpu.memory_space<vmem>>, %arg12: memref<400xi32, #tpu.memory_space<vmem>>, %arg13: memref<400xf32, #tpu.memory_space<vmem>>, %arg14: memref<400x16xf32, #tpu.memory_space<vmem>>, %arg15: memref<10000xf32, #tpu.memory_space<vmem>>, %arg16: memref<10000xf32, #tpu.memory_space<vmem>>, %arg17: memref<8x16xf32, #tpu.memory_space<vmem>>, %arg18: memref<624x16xf32, #tpu.memory_space<vmem>>, %arg19: memref<10000x16xf32, #tpu.memory_space<vmem_shared>>) attributes {dimension_semantics = [#tpu.dimension_semantics<core_parallel>, #tpu.dimension_semantics<subcore_parallel>], iteration_bounds = array<i64: 2, 16>, scalar_prefetch = 0 : i64, scratch_operands = 10 : i64, tpu.core_type = #tpu.core_type<sc_vector_subcore>, window_params = [{transform_indices = #map}, {transform_indices = #map}, {transform_indices = #map}, {transform_indices = #map}, {transform_indices = #map}, {transform_indices = #map1}, {transform_indices = #map}, {transform_indices = #map1}]} {
    %iota3A = tpu.iota {dimensions = array<i32: 0>} : vector<16xi32>
    %broadcast_in_dim3A = arith.constant 0.000000e+00 : f32
    %broadcast_in_dim3A_0 = vector.broadcast %broadcast_in_dim3A : f32 to vector<16xf32>
    %broadcast_in_dim3A_1 = arith.constant 0 : i32
    %broadcast_in_dim3A_2 = vector.broadcast %broadcast_in_dim3A_1 : i32 to vector<16xi32>
    %scan3A = arith.constant 0 : i32
    %scan3A_3 = arith.constant 0 : i32
    %scan3A_4 = arith.constant 624 : i32
    %scan3A_5 = arith.addi %scan3A_3, %scan3A_4 : i32
    %scan3A_6 = arith.constant 1 : i32
    %scan3A_7 = scf.for %scan3A_36 = %scan3A_3 to %scan3A_5 step %scan3A_6 iter_args(%scan3A_37 = %scan3A) -> (i32)  : i32 {
      %swap3A = arith.index_cast %scan3A_36 : i32 to index
      %swap3A_38 = arith.constant 0 : index
      %swap3A_39 = tpu.vector_load %arg18[%swap3A, %swap3A_38] {strides = array<i32>} : memref<624x16xf32, #tpu.memory_space<vmem>>, vector<16xf32>,
      tpu.vector_store %arg18[%swap3A, %swap3A_38], %broadcast_in_dim3A_0 {strides = array<i32>} : memref<624x16xf32, #tpu.memory_space<vmem>>, vector<16xf32>,
      %scan3A_40 = arith.constant 0 : i32
      scf.yield %scan3A_40 : i32
    }
    %scan3A_8 = arith.constant 624 : i32
    %scan3A_9 = arith.constant 0 : i32
    %scan3A_10 = arith.constant 0 : i32
    %scan3A_11 = arith.constant 400 : i32
    %scan3A_12 = arith.addi %scan3A_10, %scan3A_11 : i32
    %scan3A_13 = arith.constant 1 : i32
    %scan3A_14 = scf.for %scan3A_36 = %scan3A_10 to %scan3A_12 step %scan3A_13 iter_args(%scan3A_37 = %scan3A_9) -> (i32)  : i32 {
      %swap3A = arith.index_cast %scan3A_36 : i32 to index
      %swap3A_38 = arith.constant 0 : index
      %swap3A_39 = tpu.vector_load %arg14[%swap3A, %swap3A_38] {strides = array<i32>} : memref<400x16xf32, #tpu.memory_space<vmem>>, vector<16xf32>,
      tpu.vector_store %arg14[%swap3A, %swap3A_38], %broadcast_in_dim3A_0 {strides = array<i32>} : memref<400x16xf32, #tpu.memory_space<vmem>>, vector<16xf32>,
      %scan3A_40 = arith.constant 0 : i32
      scf.yield %scan3A_40 : i32
    }
    %scan3A_15 = arith.constant 400 : i32
    "tpu.region"() ({
      %run_scoped3A = tpu.sem_alloc : memref<!tpu.dma_semaphore, #tpu.memory_space<semaphore_mem>>
      tpu.enqueue_dma source(%arg5 : memref<10000xf32, #tpu.memory_space<hbm>>) target(%arg15 : memref<10000xf32, #tpu.memory_space<vmem>>) target_semaphore(%run_scoped3A : memref<!tpu.dma_semaphore, #tpu.memory_space<semaphore_mem>>)
      tpu.wait_dma2 semaphore(%run_scoped3A : memref<!tpu.dma_semaphore, #tpu.memory_space<semaphore_mem>>) src(%arg5 : memref<10000xf32, #tpu.memory_space<hbm>>) dst(%arg15 : memref<10000xf32, #tpu.memory_space<vmem>>)
      tpu.yield
    }) : () -> ()
    "tpu.region"() ({
      %run_scoped3A = tpu.sem_alloc : memref<!tpu.dma_semaphore, #tpu.memory_space<semaphore_mem>>
      tpu.enqueue_dma source(%arg6 : memref<10000xf32, #tpu.memory_space<hbm>>) target(%arg16 : memref<10000xf32, #tpu.memory_space<vmem>>) target_semaphore(%run_scoped3A : memref<!tpu.dma_semaphore, #tpu.memory_space<semaphore_mem>>)
      tpu.wait_dma2 semaphore(%run_scoped3A : memref<!tpu.dma_semaphore, #tpu.memory_space<semaphore_mem>>) src(%arg6 : memref<10000xf32, #tpu.memory_space<hbm>>) dst(%arg16 : memref<10000xf32, #tpu.memory_space<vmem>>)
      tpu.yield
    }) : () -> ()
    "tpu.region"() ({
      %run_scoped3A = tpu.sem_alloc : memref<!tpu.dma_semaphore, #tpu.memory_space<semaphore_mem>>
      tpu.enqueue_dma source(%arg7 : memref<8x16xf32, #tpu.memory_space<hbm>>) target(%arg17 : memref<8x16xf32, #tpu.memory_space<vmem>>) target_semaphore(%run_scoped3A : memref<!tpu.dma_semaphore, #tpu.memory_space<semaphore_mem>>)
      tpu.wait_dma2 semaphore(%run_scoped3A : memref<!tpu.dma_semaphore, #tpu.memory_space<semaphore_mem>>) src(%arg7 : memref<8x16xf32, #tpu.memory_space<hbm>>) dst(%arg17 : memref<8x16xf32, #tpu.memory_space<vmem>>)
      tpu.yield
    }) : () -> ()
    %mul3A = arith.constant 624 : i32
    %mul3A_16 = arith.muli %arg1, %mul3A : i32
    "tpu.region"() ({
      %run_scoped3A = tpu.sem_alloc : memref<!tpu.dma_semaphore, #tpu.memory_space<semaphore_mem>>
      %dma_start3A = arith.constant 0 : i32
      %dma_start3A_36 = tpu.memref_slice %arg19[%mul3A_16, %dma_start3A] : memref<10000x16xf32, #tpu.memory_space<vmem_shared>> -> memref<624x16xf32, #tpu.memory_space<vmem_shared>>
      %dma_start3A_37 = arith.constant 0 : i32
      %dma_start3A_38 = tpu.memref_slice %arg19[%mul3A_16, %dma_start3A_37] : memref<10000x16xf32, #tpu.memory_space<vmem_shared>> -> memref<624x16xf32, #tpu.memory_space<vmem_shared>>
      tpu.enqueue_dma source(%arg18 : memref<624x16xf32, #tpu.memory_space<vmem>>) target(%dma_start3A_38 : memref<624x16xf32, #tpu.memory_space<vmem_shared>>) target_semaphore(%run_scoped3A : memref<!tpu.dma_semaphore, #tpu.memory_space<semaphore_mem>>)
      %dma_wait3A = arith.constant 0 : i32
      %dma_wait3A_39 = tpu.memref_slice %arg19[%mul3A_16, %dma_wait3A] : memref<10000x16xf32, #tpu.memory_space<vmem_shared>> -> memref<624x16xf32, #tpu.memory_space<vmem_shared>>
      %dma_wait3A_40 = arith.constant 0 : i32
      %dma_wait3A_41 = tpu.memref_slice %arg19[%mul3A_16, %dma_wait3A_40] : memref<10000x16xf32, #tpu.memory_space<vmem_shared>> -> memref<624x16xf32, #tpu.memory_space<vmem_shared>>
      tpu.wait_dma2 semaphore(%run_scoped3A : memref<!tpu.dma_semaphore, #tpu.memory_space<semaphore_mem>>) src(%arg18 : memref<624x16xf32, #tpu.memory_space<vmem>>) dst(%dma_wait3A_41 : memref<624x16xf32, #tpu.memory_space<vmem_shared>>)
      tpu.yield
    }) : () -> ()
    %barrier3A = arith.constant 0 : index
    tpu.barrier barrier_id(%barrier3A)
    %mul3A_17 = arith.constant 160000 : i32
    %mul3A_18 = arith.muli %arg0, %mul3A_17 : i32
    %mul3A_19 = arith.constant 10000 : i32
    %mul3A_20 = arith.muli %arg1, %mul3A_19 : i32
    %add3A = arith.addi %mul3A_18, %mul3A_20 : i32
    %scan3A_21 = arith.constant 0 : i32
    %scan3A_22 = arith.constant 0 : i32
    %scan3A_23 = arith.constant 25 : i32
    %scan3A_24 = arith.addi %scan3A_22, %scan3A_23 : i32
    %scan3A_25 = arith.constant 1 : i32
    %scan3A_26 = scf.for %scan3A_36 = %scan3A_22 to %scan3A_24 step %scan3A_25 iter_args(%scan3A_37 = %scan3A_21) -> (i32)  : i32 {
      %mul3A_38 = arith.constant 400 : i32
      %mul3A_39 = arith.muli %scan3A_36, %mul3A_38 : i32
      %add3A_40 = arith.addi %add3A, %mul3A_39 : i32
      "tpu.region"() ({
        %run_scoped3A = tpu.sem_alloc : memref<!tpu.dma_semaphore, #tpu.memory_space<semaphore_mem>>
        %dma_start3A = tpu.memref_slice %arg2[%add3A_40] : memref<320000xi32, #tpu.memory_space<hbm>> -> memref<400xi32, #tpu.memory_space<hbm>>
        %dma_start3A_49 = tpu.memref_slice %arg2[%add3A_40] : memref<320000xi32, #tpu.memory_space<hbm>> -> memref<400xi32, #tpu.memory_space<hbm>>
        tpu.enqueue_dma source(%dma_start3A_49 : memref<400xi32, #tpu.memory_space<hbm>>) target(%arg10 : memref<400xi32, #tpu.memory_space<vmem>>) target_semaphore(%run_scoped3A : memref<!tpu.dma_semaphore, #tpu.memory_space<semaphore_mem>>)
        %dma_wait3A = tpu.memref_slice %arg2[%add3A_40] : memref<320000xi32, #tpu.memory_space<hbm>> -> memref<400xi32, #tpu.memory_space<hbm>>
        %dma_wait3A_50 = tpu.memref_slice %arg2[%add3A_40] : memref<320000xi32, #tpu.memory_space<hbm>> -> memref<400xi32, #tpu.memory_space<hbm>>
        tpu.wait_dma2 semaphore(%run_scoped3A : memref<!tpu.dma_semaphore, #tpu.memory_space<semaphore_mem>>) src(%dma_wait3A_50 : memref<400xi32, #tpu.memory_space<hbm>>) dst(%arg10 : memref<400xi32, #tpu.memory_space<vmem>>)
        tpu.yield
      }) : () -> ()
      "tpu.region"() ({
        %run_scoped3A = tpu.sem_alloc : memref<!tpu.dma_semaphore, #tpu.memory_space<semaphore_mem>>
        %dma_start3A = tpu.memref_slice %arg3[%add3A_40] : memref<320000xi32, #tpu.memory_space<hbm>> -> memref<400xi32, #tpu.memory_space<hbm>>
        %dma_start3A_49 = tpu.memref_slice %arg3[%add3A_40] : memref<320000xi32, #tpu.memory_space<hbm>> -> memref<400xi32, #tpu.memory_space<hbm>>
        tpu.enqueue_dma source(%dma_start3A_49 : memref<400xi32, #tpu.memory_space<hbm>>) target(%arg11 : memref<400xi32, #tpu.memory_space<vmem>>) target_semaphore(%run_scoped3A : memref<!tpu.dma_semaphore, #tpu.memory_space<semaphore_mem>>)
        %dma_wait3A = tpu.memref_slice %arg3[%add3A_40] : memref<320000xi32, #tpu.memory_space<hbm>> -> memref<400xi32, #tpu.memory_space<hbm>>
        %dma_wait3A_50 = tpu.memref_slice %arg3[%add3A_40] : memref<320000xi32, #tpu.memory_space<hbm>> -> memref<400xi32, #tpu.memory_space<hbm>>
        tpu.wait_dma2 semaphore(%run_scoped3A : memref<!tpu.dma_semaphore, #tpu.memory_space<semaphore_mem>>) src(%dma_wait3A_50 : memref<400xi32, #tpu.memory_space<hbm>>) dst(%arg11 : memref<400xi32, #tpu.memory_space<vmem>>)
        tpu.yield
      }) : () -> ()
      "tpu.region"() ({
        %run_scoped3A = tpu.sem_alloc : memref<!tpu.dma_semaphore, #tpu.memory_space<semaphore_mem>>
        %dma_start3A = tpu.memref_slice %arg4[%add3A_40] : memref<320000xi32, #tpu.memory_space<hbm>> -> memref<400xi32, #tpu.memory_space<hbm>>
        %dma_start3A_49 = tpu.memref_slice %arg4[%add3A_40] : memref<320000xi32, #tpu.memory_space<hbm>> -> memref<400xi32, #tpu.memory_space<hbm>>
        tpu.enqueue_dma source(%dma_start3A_49 : memref<400xi32, #tpu.memory_space<hbm>>) target(%arg12 : memref<400xi32, #tpu.memory_space<vmem>>) target_semaphore(%run_scoped3A : memref<!tpu.dma_semaphore, #tpu.memory_space<semaphore_mem>>)
        %dma_wait3A = tpu.memref_slice %arg4[%add3A_40] : memref<320000xi32, #tpu.memory_space<hbm>> -> memref<400xi32, #tpu.memory_space<hbm>>
        %dma_wait3A_50 = tpu.memref_slice %arg4[%add3A_40] : memref<320000xi32, #tpu.memory_space<hbm>> -> memref<400xi32, #tpu.memory_space<hbm>>
        tpu.wait_dma2 semaphore(%run_scoped3A : memref<!tpu.dma_semaphore, #tpu.memory_space<semaphore_mem>>) src(%dma_wait3A_50 : memref<400xi32, #tpu.memory_space<hbm>>) dst(%arg12 : memref<400xi32, #tpu.memory_space<vmem>>)
        tpu.yield
      }) : () -> ()
      %scan3A_41 = arith.constant 0 : i32
      %scan3A_42 = arith.constant 0 : i32
      %scan3A_43 = arith.constant 25 : i32
      %scan3A_44 = arith.addi %scan3A_42, %scan3A_43 : i32
      %scan3A_45 = arith.constant 1 : i32
      %scan3A_46 = scf.for %scan3A_49 = %scan3A_42 to %scan3A_44 step %scan3A_45 iter_args(%scan3A_50 = %scan3A_41) -> (i32)  : i32 {
        %mul3A_51 = arith.constant 16 : i32
        %mul3A_52 = arith.muli %mul3A_51, %scan3A_49 : i32
        %get3A = arith.index_cast %mul3A_52 : i32 to index
        %get3A_53 = tpu.vector_load %arg10[%get3A] {strides = array<i32>} : memref<400xi32, #tpu.memory_space<vmem>>, vector<16xi32>,
        %mul3A_54 = arith.constant 16 : i32
        %mul3A_55 = arith.muli %mul3A_54, %scan3A_49 : i32
        %get3A_56 = arith.index_cast %mul3A_55 : i32 to index
        %get3A_57 = tpu.vector_load %arg11[%get3A_56] {strides = array<i32>} : memref<400xi32, #tpu.memory_space<vmem>>, vector<16xi32>,
        %mul3A_58 = arith.constant 16 : i32
        %mul3A_59 = arith.muli %mul3A_58, %scan3A_49 : i32
        %get3A_60 = arith.index_cast %mul3A_59 : i32 to index
        %get3A_61 = tpu.vector_load %arg12[%get3A_60] {strides = array<i32>} : memref<400xi32, #tpu.memory_space<vmem>>, vector<16xi32>,
        %gather3A = tpu.vector_load_idx %arg15[%get3A_53] : memref<10000xf32, #tpu.memory_space<vmem>>[vector<16xi32>], vector<16xf32>,
        %gather3A_62 = tpu.vector_load_idx %arg16[%get3A_57] : memref<10000xf32, #tpu.memory_space<vmem>>[vector<16xi32>], vector<16xf32>,
        %gather3A_63 = tpu.vector_load_idx %arg17[%get3A_61, %broadcast_in_dim3A_2] : memref<8x16xf32, #tpu.memory_space<vmem>>[vector<16xi32>, vector<16xi32>], vector<16xf32>,
        %add3A_64 = arith.addf %gather3A, %gather3A_62 : vector<16xf32>
        %add3A_65 = arith.addf %add3A_64, %gather3A_63 : vector<16xf32>
        %mul3A_66 = arith.constant 2.000000e-01 : f32
        %mul3A_67 = vector.broadcast %mul3A_66 : f32 to vector<16xf32>
        %mul3A_68 = arith.mulf %mul3A_67, %add3A_65 : vector<16xf32>
        %max3A = arith.maximumf %add3A_65, %mul3A_68 : vector<16xf32>
        %exp3A = math.exp %max3A : vector<16xf32>
        %mul3A_69 = arith.constant 16 : i32
        %mul3A_70 = arith.muli %mul3A_69, %scan3A_49 : i32
        %swap3A = arith.index_cast %mul3A_70 : i32 to index
        %swap3A_71 = tpu.vector_load %arg13[%swap3A] {strides = array<i32>} : memref<400xf32, #tpu.memory_space<vmem>>, vector<16xf32>,
        tpu.vector_store %arg13[%swap3A], %exp3A {strides = array<i32>} : memref<400xf32, #tpu.memory_space<vmem>>, vector<16xf32>,
        %mul3A_72 = arith.constant 16 : i32
        %mul3A_73 = arith.muli %mul3A_72, %scan3A_49 : i32
        %broadcast_in_dim3A_74 = vector.broadcast %mul3A_73 : i32 to vector<16xi32>
        %add3A_75 = arith.addi %broadcast_in_dim3A_74, %iota3A : vector<16xi32>
        tpu.vector_store_idx %arg14[%add3A_75, %broadcast_in_dim3A_2], %exp3A : memref<400x16xf32, #tpu.memory_space<vmem>>[vector<16xi32>, vector<16xi32>], vector<16xf32>,
        %scan3A_76 = arith.constant 0 : i32
        scf.yield %scan3A_76 : i32
      }
      %scan3A_47 = arith.constant 25 : i32
      "tpu.region"() ({
        %run_scoped3A = tpu.sem_alloc : memref<!tpu.dma_semaphore, #tpu.memory_space<semaphore_mem>>
        %dma_start3A = arith.constant 0 : i32
        %dma_start3A_49 = arith.constant 0 : i32
        %dma_start3A_50 = tpu.memref_slice %arg19[%dma_start3A, %dma_start3A_49] : memref<10000x16xf32, #tpu.memory_space<vmem_shared>> -> memref<10000x16xf32, #tpu.memory_space<vmem_shared>>
        tpu.enqueue_indirect_dma source(%arg14 : memref<400x16xf32, #tpu.memory_space<vmem>>) target(%dma_start3A_50 : memref<10000x16xf32, #tpu.memory_space<vmem_shared>>) offsets(%arg11 : memref<400xi32, #tpu.memory_space<vmem>>) semaphore(%run_scoped3A : memref<!tpu.dma_semaphore, #tpu.memory_space<semaphore_mem>>) {add = true}
        %dma_wait3A = arith.constant 0 : i32
        %dma_wait3A_51 = arith.constant 0 : i32
        %dma_wait3A_52 = tpu.memref_slice %arg19[%dma_wait3A, %dma_wait3A_51] : memref<10000x16xf32, #tpu.memory_space<vmem_shared>> -> memref<10000x16xf32, #tpu.memory_space<vmem_shared>>
        tpu.wait_indirect_dma semaphore(%run_scoped3A : memref<!tpu.dma_semaphore, #tpu.memory_space<semaphore_mem>>) src(%arg14 : memref<400x16xf32, #tpu.memory_space<vmem>>) dst(%dma_wait3A_52 : memref<10000x16xf32, #tpu.memory_space<vmem_shared>>)
        tpu.yield
      }) : () -> ()
      "tpu.region"() ({
        %run_scoped3A = tpu.sem_alloc : memref<!tpu.dma_semaphore, #tpu.memory_space<semaphore_mem>>
        %dma_start3A = tpu.memref_slice %arg8[%add3A_40] : memref<320000xf32, #tpu.memory_space<hbm>> -> memref<400xf32, #tpu.memory_space<hbm>>
        %dma_start3A_49 = tpu.memref_slice %arg8[%add3A_40] : memref<320000xf32, #tpu.memory_space<hbm>> -> memref<400xf32, #tpu.memory_space<hbm>>
        tpu.enqueue_dma source(%arg13 : memref<400xf32, #tpu.memory_space<vmem>>) target(%dma_start3A_49 : memref<400xf32, #tpu.memory_space<hbm>>) target_semaphore(%run_scoped3A : memref<!tpu.dma_semaphore, #tpu.memory_space<semaphore_mem>>)
        %dma_wait3A = tpu.memref_slice %arg8[%add3A_40] : memref<320000xf32, #tpu.memory_space<hbm>> -> memref<400xf32, #tpu.memory_space<hbm>>
        %dma_wait3A_50 = tpu.memref_slice %arg8[%add3A_40] : memref<320000xf32, #tpu.memory_space<hbm>> -> memref<400xf32, #tpu.memory_space<hbm>>
        tpu.wait_dma2 semaphore(%run_scoped3A : memref<!tpu.dma_semaphore, #tpu.memory_space<semaphore_mem>>) src(%arg13 : memref<400xf32, #tpu.memory_space<vmem>>) dst(%dma_wait3A_50 : memref<400xf32, #tpu.memory_space<hbm>>)
        tpu.yield
      }) : () -> ()
      %scan3A_48 = arith.constant 0 : i32
      scf.yield %scan3A_48 : i32
    }
    %scan3A_27 = arith.constant 25 : i32
    %barrier3A_28 = arith.constant 0 : index
    tpu.barrier barrier_id(%barrier3A_28)
    %mul3A_29 = arith.constant 624 : i32
    %mul3A_30 = arith.muli %arg1, %mul3A_29 : i32
    %mul3A_31 = arith.constant 10000 : i32
    %mul3A_32 = arith.muli %arg0, %mul3A_31 : i32
    %mul3A_33 = arith.constant 624 : i32
    %mul3A_34 = arith.muli %arg1, %mul3A_33 : i32
    %add3A_35 = arith.addi %mul3A_32, %mul3A_34 : i32
    "tpu.region"() ({
      %run_scoped3A = tpu.sem_alloc : memref<!tpu.dma_semaphore, #tpu.memory_space<semaphore_mem>>
      %dma_start3A = arith.constant 0 : i32
      %dma_start3A_36 = tpu.memref_slice %arg9[%add3A_35, %dma_start3A] : memref<20000x16xf32, #tpu.memory_space<hbm>> -> memref<624x16xf32, #tpu.memory_space<hbm>>
      %dma_start3A_37 = arith.constant 0 : i32
      %dma_start3A_38 = tpu.memref_slice %arg19[%mul3A_30, %dma_start3A_37] : memref<10000x16xf32, #tpu.memory_space<vmem_shared>> -> memref<624x16xf32, #tpu.memory_space<vmem_shared>>
      tpu.enqueue_dma source(%dma_start3A_38 : memref<624x16xf32, #tpu.memory_space<vmem_shared>>) target(%dma_start3A_36 : memref<624x16xf32, #tpu.memory_space<hbm>>) target_semaphore(%run_scoped3A : memref<!tpu.dma_semaphore, #tpu.memory_space<semaphore_mem>>)
      %dma_wait3A = arith.constant 0 : i32
      %dma_wait3A_39 = tpu.memref_slice %arg9[%add3A_35, %dma_wait3A] : memref<20000x16xf32, #tpu.memory_space<hbm>> -> memref<624x16xf32, #tpu.memory_space<hbm>>
      %dma_wait3A_40 = arith.constant 0 : i32
      %dma_wait3A_41 = tpu.memref_slice %arg19[%mul3A_30, %dma_wait3A_40] : memref<10000x16xf32, #tpu.memory_space<vmem_shared>> -> memref<624x16xf32, #tpu.memory_space<vmem_shared>>
      tpu.wait_dma2 semaphore(%run_scoped3A : memref<!tpu.dma_semaphore, #tpu.memory_space<semaphore_mem>>) src(%dma_wait3A_41 : memref<624x16xf32, #tpu.memory_space<vmem_shared>>) dst(%dma_wait3A_39 : memref<624x16xf32, #tpu.memory_space<hbm>>)
      tpu.yield
    }) : () -> ()
    return
  }
}

#map = affine_map<(d0, d1) -> (0)>
#map1 = affine_map<(d0, d1) -> (0, 0)>
module attributes {stable_mosaic.version = 14 : i64} {
  func.func @_p1m_body(%arg0: i32, %arg1: i32, %arg2: memref<320000xi32, #tpu.memory_space<hbm>>, %arg3: memref<320000xi32, #tpu.memory_space<hbm>>, %arg4: memref<320000xf32, #tpu.memory_space<hbm>>, %arg5: memref<320000xf32, #tpu.memory_space<hbm>>, %arg6: memref<10000xf32, #tpu.memory_space<hbm>>, %arg7: memref<10000xf32, #tpu.memory_space<hbm>>, %arg8: memref<10000x16xf32, #tpu.memory_space<hbm>>, %arg9: memref<20000x16xf32, #tpu.memory_space<hbm>>, %arg10: memref<400xi32, #tpu.memory_space<vmem>>, %arg11: memref<400xi32, #tpu.memory_space<vmem>>, %arg12: memref<400xf32, #tpu.memory_space<vmem>>, %arg13: memref<400xf32, #tpu.memory_space<vmem>>, %arg14: memref<400xf32, #tpu.memory_space<vmem>>, %arg15: memref<400x16xf32, #tpu.memory_space<vmem>>, %arg16: memref<10000xf32, #tpu.memory_space<vmem>>, %arg17: memref<10000xf32, #tpu.memory_space<vmem>>, %arg18: memref<624x16xf32, #tpu.memory_space<vmem>>, %arg19: memref<10000x16xf32, #tpu.memory_space<vmem_shared>>) attributes {dimension_semantics = [#tpu.dimension_semantics<core_parallel>, #tpu.dimension_semantics<subcore_parallel>], iteration_bounds = array<i64: 2, 16>, scalar_prefetch = 0 : i64, scratch_operands = 10 : i64, tpu.core_type = #tpu.core_type<sc_vector_subcore>, window_params = [{transform_indices = #map}, {transform_indices = #map}, {transform_indices = #map}, {transform_indices = #map}, {transform_indices = #map}, {transform_indices = #map}, {transform_indices = #map1}, {transform_indices = #map1}]} {
    %broadcast_in_dim3A = arith.constant 0.000000e+00 : f32
    %broadcast_in_dim3A_0 = vector.broadcast %broadcast_in_dim3A : f32 to vector<16xf32>
    %scan3A = arith.constant 0 : i32
    %scan3A_1 = arith.constant 0 : i32
    %scan3A_2 = arith.constant 624 : i32
    %scan3A_3 = arith.addi %scan3A_1, %scan3A_2 : i32
    %scan3A_4 = arith.constant 1 : i32
    %scan3A_5 = scf.for %scan3A_27 = %scan3A_1 to %scan3A_3 step %scan3A_4 iter_args(%scan3A_28 = %scan3A) -> (i32)  : i32 {
      %swap3A = arith.index_cast %scan3A_27 : i32 to index
      %swap3A_29 = arith.constant 0 : index
      %swap3A_30 = tpu.vector_load %arg18[%swap3A, %swap3A_29] {strides = array<i32>} : memref<624x16xf32, #tpu.memory_space<vmem>>, vector<16xf32>,
      tpu.vector_store %arg18[%swap3A, %swap3A_29], %broadcast_in_dim3A_0 {strides = array<i32>} : memref<624x16xf32, #tpu.memory_space<vmem>>, vector<16xf32>,
      %scan3A_31 = arith.constant 0 : i32
      scf.yield %scan3A_31 : i32
    }
    %scan3A_6 = arith.constant 624 : i32
    "tpu.region"() ({
      %run_scoped3A = tpu.sem_alloc : memref<!tpu.dma_semaphore, #tpu.memory_space<semaphore_mem>>
      tpu.enqueue_dma source(%arg6 : memref<10000xf32, #tpu.memory_space<hbm>>) target(%arg16 : memref<10000xf32, #tpu.memory_space<vmem>>) target_semaphore(%run_scoped3A : memref<!tpu.dma_semaphore, #tpu.memory_space<semaphore_mem>>)
      tpu.wait_dma2 semaphore(%run_scoped3A : memref<!tpu.dma_semaphore, #tpu.memory_space<semaphore_mem>>) src(%arg6 : memref<10000xf32, #tpu.memory_space<hbm>>) dst(%arg16 : memref<10000xf32, #tpu.memory_space<vmem>>)
      tpu.yield
    }) : () -> ()
    "tpu.region"() ({
      %run_scoped3A = tpu.sem_alloc : memref<!tpu.dma_semaphore, #tpu.memory_space<semaphore_mem>>
      tpu.enqueue_dma source(%arg7 : memref<10000xf32, #tpu.memory_space<hbm>>) target(%arg17 : memref<10000xf32, #tpu.memory_space<vmem>>) target_semaphore(%run_scoped3A : memref<!tpu.dma_semaphore, #tpu.memory_space<semaphore_mem>>)
      tpu.wait_dma2 semaphore(%run_scoped3A : memref<!tpu.dma_semaphore, #tpu.memory_space<semaphore_mem>>) src(%arg7 : memref<10000xf32, #tpu.memory_space<hbm>>) dst(%arg17 : memref<10000xf32, #tpu.memory_space<vmem>>)
      tpu.yield
    }) : () -> ()
    %mul3A = arith.constant 624 : i32
    %mul3A_7 = arith.muli %arg1, %mul3A : i32
    "tpu.region"() ({
      %run_scoped3A = tpu.sem_alloc : memref<!tpu.dma_semaphore, #tpu.memory_space<semaphore_mem>>
      %dma_start3A = arith.constant 0 : i32
      %dma_start3A_27 = tpu.memref_slice %arg19[%mul3A_7, %dma_start3A] : memref<10000x16xf32, #tpu.memory_space<vmem_shared>> -> memref<624x16xf32, #tpu.memory_space<vmem_shared>>
      %dma_start3A_28 = arith.constant 0 : i32
      %dma_start3A_29 = tpu.memref_slice %arg19[%mul3A_7, %dma_start3A_28] : memref<10000x16xf32, #tpu.memory_space<vmem_shared>> -> memref<624x16xf32, #tpu.memory_space<vmem_shared>>
      tpu.enqueue_dma source(%arg18 : memref<624x16xf32, #tpu.memory_space<vmem>>) target(%dma_start3A_29 : memref<624x16xf32, #tpu.memory_space<vmem_shared>>) target_semaphore(%run_scoped3A : memref<!tpu.dma_semaphore, #tpu.memory_space<semaphore_mem>>)
      %dma_wait3A = arith.constant 0 : i32
      %dma_wait3A_30 = tpu.memref_slice %arg19[%mul3A_7, %dma_wait3A] : memref<10000x16xf32, #tpu.memory_space<vmem_shared>> -> memref<624x16xf32, #tpu.memory_space<vmem_shared>>
      %dma_wait3A_31 = arith.constant 0 : i32
      %dma_wait3A_32 = tpu.memref_slice %arg19[%mul3A_7, %dma_wait3A_31] : memref<10000x16xf32, #tpu.memory_space<vmem_shared>> -> memref<624x16xf32, #tpu.memory_space<vmem_shared>>
      tpu.wait_dma2 semaphore(%run_scoped3A : memref<!tpu.dma_semaphore, #tpu.memory_space<semaphore_mem>>) src(%arg18 : memref<624x16xf32, #tpu.memory_space<vmem>>) dst(%dma_wait3A_32 : memref<624x16xf32, #tpu.memory_space<vmem_shared>>)
      tpu.yield
    }) : () -> ()
    %barrier3A = arith.constant 0 : index
    tpu.barrier barrier_id(%barrier3A)
    %mul3A_8 = arith.constant 160000 : i32
    %mul3A_9 = arith.muli %arg0, %mul3A_8 : i32
    %mul3A_10 = arith.constant 10000 : i32
    %mul3A_11 = arith.muli %arg1, %mul3A_10 : i32
    %add3A = arith.addi %mul3A_9, %mul3A_11 : i32
    %scan3A_12 = arith.constant 0 : i32
    %scan3A_13 = arith.constant 0 : i32
    %scan3A_14 = arith.constant 25 : i32
    %scan3A_15 = arith.addi %scan3A_13, %scan3A_14 : i32
    %scan3A_16 = arith.constant 1 : i32
    %scan3A_17 = scf.for %scan3A_27 = %scan3A_13 to %scan3A_15 step %scan3A_16 iter_args(%scan3A_28 = %scan3A_12) -> (i32)  : i32 {
      %mul3A_29 = arith.constant 400 : i32
      %mul3A_30 = arith.muli %scan3A_27, %mul3A_29 : i32
      %add3A_31 = arith.addi %add3A, %mul3A_30 : i32
      "tpu.region"() ({
        %run_scoped3A = tpu.sem_alloc : memref<!tpu.dma_semaphore, #tpu.memory_space<semaphore_mem>>
        %dma_start3A = tpu.memref_slice %arg2[%add3A_31] : memref<320000xi32, #tpu.memory_space<hbm>> -> memref<400xi32, #tpu.memory_space<hbm>>
        %dma_start3A_47 = tpu.memref_slice %arg2[%add3A_31] : memref<320000xi32, #tpu.memory_space<hbm>> -> memref<400xi32, #tpu.memory_space<hbm>>
        tpu.enqueue_dma source(%dma_start3A_47 : memref<400xi32, #tpu.memory_space<hbm>>) target(%arg10 : memref<400xi32, #tpu.memory_space<vmem>>) target_semaphore(%run_scoped3A : memref<!tpu.dma_semaphore, #tpu.memory_space<semaphore_mem>>)
        %dma_wait3A = tpu.memref_slice %arg2[%add3A_31] : memref<320000xi32, #tpu.memory_space<hbm>> -> memref<400xi32, #tpu.memory_space<hbm>>
        %dma_wait3A_48 = tpu.memref_slice %arg2[%add3A_31] : memref<320000xi32, #tpu.memory_space<hbm>> -> memref<400xi32, #tpu.memory_space<hbm>>
        tpu.wait_dma2 semaphore(%run_scoped3A : memref<!tpu.dma_semaphore, #tpu.memory_space<semaphore_mem>>) src(%dma_wait3A_48 : memref<400xi32, #tpu.memory_space<hbm>>) dst(%arg10 : memref<400xi32, #tpu.memory_space<vmem>>)
        tpu.yield
      }) : () -> ()
      "tpu.region"() ({
        %run_scoped3A = tpu.sem_alloc : memref<!tpu.dma_semaphore, #tpu.memory_space<semaphore_mem>>
        %dma_start3A = tpu.memref_slice %arg3[%add3A_31] : memref<320000xi32, #tpu.memory_space<hbm>> -> memref<400xi32, #tpu.memory_space<hbm>>
        %dma_start3A_47 = tpu.memref_slice %arg3[%add3A_31] : memref<320000xi32, #tpu.memory_space<hbm>> -> memref<400xi32, #tpu.memory_space<hbm>>
        tpu.enqueue_dma source(%dma_start3A_47 : memref<400xi32, #tpu.memory_space<hbm>>) target(%arg11 : memref<400xi32, #tpu.memory_space<vmem>>) target_semaphore(%run_scoped3A : memref<!tpu.dma_semaphore, #tpu.memory_space<semaphore_mem>>)
        %dma_wait3A = tpu.memref_slice %arg3[%add3A_31] : memref<320000xi32, #tpu.memory_space<hbm>> -> memref<400xi32, #tpu.memory_space<hbm>>
        %dma_wait3A_48 = tpu.memref_slice %arg3[%add3A_31] : memref<320000xi32, #tpu.memory_space<hbm>> -> memref<400xi32, #tpu.memory_space<hbm>>
        tpu.wait_dma2 semaphore(%run_scoped3A : memref<!tpu.dma_semaphore, #tpu.memory_space<semaphore_mem>>) src(%dma_wait3A_48 : memref<400xi32, #tpu.memory_space<hbm>>) dst(%arg11 : memref<400xi32, #tpu.memory_space<vmem>>)
        tpu.yield
      }) : () -> ()
      "tpu.region"() ({
        %run_scoped3A = tpu.sem_alloc : memref<!tpu.dma_semaphore, #tpu.memory_space<semaphore_mem>>
        %dma_start3A = tpu.memref_slice %arg4[%add3A_31] : memref<320000xf32, #tpu.memory_space<hbm>> -> memref<400xf32, #tpu.memory_space<hbm>>
        %dma_start3A_47 = tpu.memref_slice %arg4[%add3A_31] : memref<320000xf32, #tpu.memory_space<hbm>> -> memref<400xf32, #tpu.memory_space<hbm>>
        tpu.enqueue_dma source(%dma_start3A_47 : memref<400xf32, #tpu.memory_space<hbm>>) target(%arg12 : memref<400xf32, #tpu.memory_space<vmem>>) target_semaphore(%run_scoped3A : memref<!tpu.dma_semaphore, #tpu.memory_space<semaphore_mem>>)
        %dma_wait3A = tpu.memref_slice %arg4[%add3A_31] : memref<320000xf32, #tpu.memory_space<hbm>> -> memref<400xf32, #tpu.memory_space<hbm>>
        %dma_wait3A_48 = tpu.memref_slice %arg4[%add3A_31] : memref<320000xf32, #tpu.memory_space<hbm>> -> memref<400xf32, #tpu.memory_space<hbm>>
        tpu.wait_dma2 semaphore(%run_scoped3A : memref<!tpu.dma_semaphore, #tpu.memory_space<semaphore_mem>>) src(%dma_wait3A_48 : memref<400xf32, #tpu.memory_space<hbm>>) dst(%arg12 : memref<400xf32, #tpu.memory_space<vmem>>)
        tpu.yield
      }) : () -> ()
      "tpu.region"() ({
        %run_scoped3A = tpu.sem_alloc : memref<!tpu.dma_semaphore, #tpu.memory_space<semaphore_mem>>
        %dma_start3A = tpu.memref_slice %arg5[%add3A_31] : memref<320000xf32, #tpu.memory_space<hbm>> -> memref<400xf32, #tpu.memory_space<hbm>>
        %dma_start3A_47 = tpu.memref_slice %arg5[%add3A_31] : memref<320000xf32, #tpu.memory_space<hbm>> -> memref<400xf32, #tpu.memory_space<hbm>>
        tpu.enqueue_dma source(%dma_start3A_47 : memref<400xf32, #tpu.memory_space<hbm>>) target(%arg13 : memref<400xf32, #tpu.memory_space<vmem>>) target_semaphore(%run_scoped3A : memref<!tpu.dma_semaphore, #tpu.memory_space<semaphore_mem>>)
        %dma_wait3A = tpu.memref_slice %arg5[%add3A_31] : memref<320000xf32, #tpu.memory_space<hbm>> -> memref<400xf32, #tpu.memory_space<hbm>>
        %dma_wait3A_48 = tpu.memref_slice %arg5[%add3A_31] : memref<320000xf32, #tpu.memory_space<hbm>> -> memref<400xf32, #tpu.memory_space<hbm>>
        tpu.wait_dma2 semaphore(%run_scoped3A : memref<!tpu.dma_semaphore, #tpu.memory_space<semaphore_mem>>) src(%dma_wait3A_48 : memref<400xf32, #tpu.memory_space<hbm>>) dst(%arg13 : memref<400xf32, #tpu.memory_space<vmem>>)
        tpu.yield
      }) : () -> ()
      "tpu.region"() ({
        %run_scoped3A = tpu.sem_alloc : memref<!tpu.dma_semaphore, #tpu.memory_space<semaphore_mem>>
        %dma_start3A = arith.constant 0 : i32
        %dma_start3A_47 = arith.constant 0 : i32
        %dma_start3A_48 = tpu.memref_slice %arg8[%dma_start3A, %dma_start3A_47] : memref<10000x16xf32, #tpu.memory_space<hbm>> -> memref<10000x16xf32, #tpu.memory_space<hbm>>
        tpu.enqueue_indirect_dma source(%dma_start3A_48 : memref<10000x16xf32, #tpu.memory_space<hbm>>) target(%arg15 : memref<400x16xf32, #tpu.memory_space<vmem>>) offsets(%arg10 : memref<400xi32, #tpu.memory_space<vmem>>) semaphore(%run_scoped3A : memref<!tpu.dma_semaphore, #tpu.memory_space<semaphore_mem>>)
        %dma_wait3A = arith.constant 0 : i32
        %dma_wait3A_49 = arith.constant 0 : i32
        %dma_wait3A_50 = tpu.memref_slice %arg8[%dma_wait3A, %dma_wait3A_49] : memref<10000x16xf32, #tpu.memory_space<hbm>> -> memref<10000x16xf32, #tpu.memory_space<hbm>>
        tpu.wait_indirect_dma semaphore(%run_scoped3A : memref<!tpu.dma_semaphore, #tpu.memory_space<semaphore_mem>>) src(%dma_wait3A_50 : memref<10000x16xf32, #tpu.memory_space<hbm>>) dst(%arg15 : memref<400x16xf32, #tpu.memory_space<vmem>>)
        tpu.yield
      }) : () -> ()
      %scan3A_32 = arith.constant 0 : i32
      %scan3A_33 = arith.constant 0 : i32
      %scan3A_34 = arith.constant 25 : i32
      %scan3A_35 = arith.addi %scan3A_33, %scan3A_34 : i32
      %scan3A_36 = arith.constant 1 : i32
      %scan3A_37 = scf.for %scan3A_47 = %scan3A_33 to %scan3A_35 step %scan3A_36 iter_args(%scan3A_48 = %scan3A_32) -> (i32)  : i32 {
        %mul3A_49 = arith.constant 16 : i32
        %mul3A_50 = arith.muli %mul3A_49, %scan3A_47 : i32
        %get3A = arith.index_cast %mul3A_50 : i32 to index
        %get3A_51 = tpu.vector_load %arg11[%get3A] {strides = array<i32>} : memref<400xi32, #tpu.memory_space<vmem>>, vector<16xi32>,
        %gather3A = tpu.vector_load_idx %arg16[%get3A_51] : memref<10000xf32, #tpu.memory_space<vmem>>[vector<16xi32>], vector<16xf32>,
        %gather3A_52 = tpu.vector_load_idx %arg17[%get3A_51] : memref<10000xf32, #tpu.memory_space<vmem>>[vector<16xi32>], vector<16xf32>,
        %mul3A_53 = arith.constant 16 : i32
        %mul3A_54 = arith.muli %mul3A_53, %scan3A_47 : i32
        %get3A_55 = arith.index_cast %mul3A_54 : i32 to index
        %get3A_56 = tpu.vector_load %arg12[%get3A_55] {strides = array<i32>} : memref<400xf32, #tpu.memory_space<vmem>>, vector<16xf32>,
        %mul3A_57 = arith.constant 0.949999988 : f32
        %mul3A_58 = vector.broadcast %mul3A_57 : f32 to vector<16xf32>
        %mul3A_59 = arith.mulf %mul3A_58, %get3A_56 : vector<16xf32>
        %div3A = arith.divf %mul3A_59, %gather3A : vector<16xf32>
        %mul3A_60 = arith.constant 16 : i32
        %mul3A_61 = arith.muli %mul3A_60, %scan3A_47 : i32
        %get3A_62 = arith.index_cast %mul3A_61 : i32 to index
        %get3A_63 = tpu.vector_load %arg13[%get3A_62] {strides = array<i32>} : memref<400xf32, #tpu.memory_space<vmem>>, vector<16xf32>,
        %mul3A_64 = arith.constant 5.000000e-02 : f32
        %mul3A_65 = vector.broadcast %mul3A_64 : f32 to vector<16xf32>
        %mul3A_66 = arith.mulf %mul3A_65, %get3A_63 : vector<16xf32>
        %div3A_67 = arith.divf %mul3A_66, %gather3A_52 : vector<16xf32>
        %add3A_68 = arith.addf %div3A, %div3A_67 : vector<16xf32>
        %mul3A_69 = arith.constant 16 : i32
        %mul3A_70 = arith.muli %mul3A_69, %scan3A_47 : i32
        %swap3A = arith.index_cast %mul3A_70 : i32 to index
        %swap3A_71 = tpu.vector_load %arg14[%swap3A] {strides = array<i32>} : memref<400xf32, #tpu.memory_space<vmem>>, vector<16xf32>,
        tpu.vector_store %arg14[%swap3A], %add3A_68 {strides = array<i32>} : memref<400xf32, #tpu.memory_space<vmem>>, vector<16xf32>,
        %scan3A_72 = arith.constant 0 : i32
        scf.yield %scan3A_72 : i32
      }
      %scan3A_38 = arith.constant 25 : i32
      %scan3A_39 = arith.constant 0 : i32
      %scan3A_40 = arith.constant 0 : i32
      %scan3A_41 = arith.constant 400 : i32
      %scan3A_42 = arith.addi %scan3A_40, %scan3A_41 : i32
      %scan3A_43 = arith.constant 1 : i32
      %scan3A_44 = scf.for %scan3A_47 = %scan3A_40 to %scan3A_42 step %scan3A_43 iter_args(%scan3A_48 = %scan3A_39) -> (i32)  : i32 {
        %broadcast_in_dim3A_49 = vector.broadcast %scan3A_47 : i32 to vector<16xi32>
        %gather3A = tpu.vector_load_idx %arg14[%broadcast_in_dim3A_49] : memref<400xf32, #tpu.memory_space<vmem>>[vector<16xi32>], vector<16xf32>,
        %get3A = arith.index_cast %scan3A_47 : i32 to index
        %get3A_50 = arith.constant 0 : index
        %get3A_51 = tpu.vector_load %arg15[%get3A, %get3A_50] {strides = array<i32>} : memref<400x16xf32, #tpu.memory_space<vmem>>, vector<16xf32>,
        %mul3A_52 = arith.mulf %get3A_51, %gather3A : vector<16xf32>
        %swap3A = arith.index_cast %scan3A_47 : i32 to index
        %swap3A_53 = arith.constant 0 : index
        %swap3A_54 = tpu.vector_load %arg15[%swap3A, %swap3A_53] {strides = array<i32>} : memref<400x16xf32, #tpu.memory_space<vmem>>, vector<16xf32>,
        tpu.vector_store %arg15[%swap3A, %swap3A_53], %mul3A_52 {strides = array<i32>} : memref<400x16xf32, #tpu.memory_space<vmem>>, vector<16xf32>,
        %scan3A_55 = arith.constant 0 : i32
        scf.yield %scan3A_55 : i32
      }
      %scan3A_45 = arith.constant 400 : i32
      "tpu.region"() ({
        %run_scoped3A = tpu.sem_alloc : memref<!tpu.dma_semaphore, #tpu.memory_space<semaphore_mem>>
        %dma_start3A = arith.constant 0 : i32
        %dma_start3A_47 = arith.constant 0 : i32
        %dma_start3A_48 = tpu.memref_slice %arg19[%dma_start3A, %dma_start3A_47] : memref<10000x16xf32, #tpu.memory_space<vmem_shared>> -> memref<10000x16xf32, #tpu.memory_space<vmem_shared>>
        tpu.enqueue_indirect_dma source(%arg15 : memref<400x16xf32, #tpu.memory_space<vmem>>) target(%dma_start3A_48 : memref<10000x16xf32, #tpu.memory_space<vmem_shared>>) offsets(%arg11 : memref<400xi32, #tpu.memory_space<vmem>>) semaphore(%run_scoped3A : memref<!tpu.dma_semaphore, #tpu.memory_space<semaphore_mem>>) {add = true}
        %dma_wait3A = arith.constant 0 : i32
        %dma_wait3A_49 = arith.constant 0 : i32
        %dma_wait3A_50 = tpu.memref_slice %arg19[%dma_wait3A, %dma_wait3A_49] : memref<10000x16xf32, #tpu.memory_space<vmem_shared>> -> memref<10000x16xf32, #tpu.memory_space<vmem_shared>>
        tpu.wait_indirect_dma semaphore(%run_scoped3A : memref<!tpu.dma_semaphore, #tpu.memory_space<semaphore_mem>>) src(%arg15 : memref<400x16xf32, #tpu.memory_space<vmem>>) dst(%dma_wait3A_50 : memref<10000x16xf32, #tpu.memory_space<vmem_shared>>)
        tpu.yield
      }) : () -> ()
      %scan3A_46 = arith.constant 0 : i32
      scf.yield %scan3A_46 : i32
    }
    %scan3A_18 = arith.constant 25 : i32
    %barrier3A_19 = arith.constant 0 : index
    tpu.barrier barrier_id(%barrier3A_19)
    %mul3A_20 = arith.constant 624 : i32
    %mul3A_21 = arith.muli %arg1, %mul3A_20 : i32
    %mul3A_22 = arith.constant 10000 : i32
    %mul3A_23 = arith.muli %arg0, %mul3A_22 : i32
    %mul3A_24 = arith.constant 624 : i32
    %mul3A_25 = arith.muli %arg1, %mul3A_24 : i32
    %add3A_26 = arith.addi %mul3A_23, %mul3A_25 : i32
    "tpu.region"() ({
      %run_scoped3A = tpu.sem_alloc : memref<!tpu.dma_semaphore, #tpu.memory_space<semaphore_mem>>
      %dma_start3A = arith.constant 0 : i32
      %dma_start3A_27 = tpu.memref_slice %arg9[%add3A_26, %dma_start3A] : memref<20000x16xf32, #tpu.memory_space<hbm>> -> memref<624x16xf32, #tpu.memory_space<hbm>>
      %dma_start3A_28 = arith.constant 0 : i32
      %dma_start3A_29 = tpu.memref_slice %arg19[%mul3A_21, %dma_start3A_28] : memref<10000x16xf32, #tpu.memory_space<vmem_shared>> -> memref<624x16xf32, #tpu.memory_space<vmem_shared>>
      tpu.enqueue_dma source(%dma_start3A_29 : memref<624x16xf32, #tpu.memory_space<vmem_shared>>) target(%dma_start3A_27 : memref<624x16xf32, #tpu.memory_space<hbm>>) target_semaphore(%run_scoped3A : memref<!tpu.dma_semaphore, #tpu.memory_space<semaphore_mem>>)
      %dma_wait3A = arith.constant 0 : i32
      %dma_wait3A_30 = tpu.memref_slice %arg9[%add3A_26, %dma_wait3A] : memref<20000x16xf32, #tpu.memory_space<hbm>> -> memref<624x16xf32, #tpu.memory_space<hbm>>
      %dma_wait3A_31 = arith.constant 0 : i32
      %dma_wait3A_32 = tpu.memref_slice %arg19[%mul3A_21, %dma_wait3A_31] : memref<10000x16xf32, #tpu.memory_space<vmem_shared>> -> memref<624x16xf32, #tpu.memory_space<vmem_shared>>
      tpu.wait_dma2 semaphore(%run_scoped3A : memref<!tpu.dma_semaphore, #tpu.memory_space<semaphore_mem>>) src(%dma_wait3A_32 : memref<624x16xf32, #tpu.memory_space<vmem_shared>>) dst(%dma_wait3A_30 : memref<624x16xf32, #tpu.memory_space<hbm>>)
      tpu.yield
    }) : () -> ()
    return
  }
}

module attributes {stable_mosaic.version = 14 : i64} {
  func.func @_tc_tab_body(%arg0: memref<5x16xf32, #tpu.memory_space<vmem>>, %arg1: memref<5x16x128xf32, #tpu.memory_space<vmem>>, %arg2: memref<128x8xf32, #tpu.memory_space<vmem>>, %arg3: memref<5x16xf32, #tpu.memory_space<vmem>>, %arg4: memref<5x16x16xf32, #tpu.memory_space<vmem>>, %arg5: memref<16x1xf32, #tpu.memory_space<vmem>>, %arg6: memref<8x16xf32, #tpu.memory_space<vmem>>, %arg7: memref<8x16xf32, #tpu.memory_space<vmem>>) attributes {dimension_semantics = [], scalar_prefetch = 0 : i64, scratch_operands = 0 : i64, tpu.core_type = #tpu.core_type<tc>} {
    %get3A = arith.constant 0 : index
    %get3A_0 = arith.constant 0 : index
    %get3A_1 = vector.load %arg0[%get3A, %get3A_0] : memref<5x16xf32, #tpu.memory_space<vmem>>, vector<5x16xf32>
    %get3A_2 = arith.constant 0 : index
    %get3A_3 = arith.constant 0 : index
    %get3A_4 = vector.load %arg3[%get3A_2, %get3A_3] : memref<5x16xf32, #tpu.memory_space<vmem>>, vector<5x16xf32>
    %broadcast_in_dim3A = arith.constant 0.000000e+00 : f32
    %broadcast_in_dim3A_5 = vector.broadcast %broadcast_in_dim3A : f32 to vector<1x8xf32>
    %slice3A = vector.extract_strided_slice %get3A_1 {offsets = [0, 0], sizes = [1, 16], strides = [1, 1]} : vector<5x16xf32> to vector<1x16xf32>
    %get3A_6 = arith.constant 0 : index
    %get3A_7 = arith.constant 0 : index
    %get3A_8 = arith.constant 0 : index
    %get3A_9 = vector.load %arg1[%get3A_6, %get3A_7, %get3A_8] : memref<5x16x128xf32, #tpu.memory_space<vmem>>, vector<1x16x128xf32>
    %get3A_10 = vector.shape_cast %get3A_9 : vector<1x16x128xf32> to vector<16x128xf32>
    %dot_general3A = arith.constant dense<0.000000e+00> : vector<1x128xf32>
    %dot_general3A_11 = tpu.matmul %slice3A, %get3A_10, %dot_general3A {dimension_numbers = #tpu.dot_dimension_numbers<[1], [0], [0], [1], [0, 0, 1, 1], [], []>, transpose_lhs_hint = false} : vector<1x16xf32>, vector<16x128xf32>, vector<1x128xf32> -> vector<1x128xf32>
    %get3A_12 = arith.constant 0 : index
    %get3A_13 = arith.constant 0 : index
    %get3A_14 = vector.load %arg2[%get3A_12, %get3A_13] : memref<128x8xf32, #tpu.memory_space<vmem>>, vector<128x8xf32>
    %dot_general3A_15 = arith.constant dense<0.000000e+00> : vector<1x8xf32>
    %dot_general3A_16 = tpu.matmul %dot_general3A_11, %get3A_14, %dot_general3A_15 {dimension_numbers = #tpu.dot_dimension_numbers<[1], [0], [0], [1], [0, 0, 1, 1], [], []>, transpose_lhs_hint = false} : vector<1x128xf32>, vector<128x8xf32>, vector<1x8xf32> -> vector<1x8xf32>
    %concatenate3A = tpu.concatenate %dot_general3A_16, %broadcast_in_dim3A_5 in 1 : vector<1x8xf32>, vector<1x8xf32> -> vector<1x16xf32>
    %slice3A_17 = vector.extract_strided_slice %get3A_4 {offsets = [0, 0], sizes = [1, 16], strides = [1, 1]} : vector<5x16xf32> to vector<1x16xf32>
    %get3A_18 = arith.constant 0 : index
    %get3A_19 = arith.constant 0 : index
    %get3A_20 = arith.constant 0 : index
    %get3A_21 = vector.load %arg4[%get3A_18, %get3A_19, %get3A_20] : memref<5x16x16xf32, #tpu.memory_space<vmem>>, vector<1x16x16xf32>
    %get3A_22 = vector.shape_cast %get3A_21 : vector<1x16x16xf32> to vector<16x16xf32>
    %dot_general3A_23 = arith.constant dense<0.000000e+00> : vector<1x16xf32>
    %dot_general3A_24 = tpu.matmul %slice3A_17, %get3A_22, %dot_general3A_23 {dimension_numbers = #tpu.dot_dimension_numbers<[1], [0], [0], [1], [0, 0, 1, 1], [], []>, transpose_lhs_hint = false} : vector<1x16xf32>, vector<16x16xf32>, vector<1x16xf32> -> vector<1x16xf32>
    %get3A_25 = arith.constant 0 : index
    %get3A_26 = arith.constant 0 : index
    %get3A_27 = vector.load %arg5[%get3A_25, %get3A_26] : memref<16x1xf32, #tpu.memory_space<vmem>>, vector<16x1xf32>
    %dot_general3A_28 = arith.constant dense<0.000000e+00> : vector<1x1xf32>
    %dot_general3A_29 = tpu.matmul %dot_general3A_24, %get3A_27, %dot_general3A_28 {dimension_numbers = #tpu.dot_dimension_numbers<[1], [0], [0], [1], [0, 0, 1, 1], [], []>, transpose_lhs_hint = false} : vector<1x16xf32>, vector<16x1xf32>, vector<1x1xf32> -> vector<1x1xf32>
    %broadcast_in_dim3A_30 = vector.shape_cast %dot_general3A_29 : vector<1x1xf32> to vector<1x1xf32>
    %broadcast_in_dim3A_31 = vector.broadcast %broadcast_in_dim3A_30 : vector<1x1xf32> to vector<1x16xf32>
    %slice3A_32 = vector.extract_strided_slice %get3A_1 {offsets = [1, 0], sizes = [1, 16], strides = [1, 1]} : vector<5x16xf32> to vector<1x16xf32>
    %get3A_33 = arith.constant 1 : index
    %get3A_34 = arith.constant 0 : index
    %get3A_35 = arith.constant 0 : index
    %get3A_36 = vector.load %arg1[%get3A_33, %get3A_34, %get3A_35] : memref<5x16x128xf32, #tpu.memory_space<vmem>>, vector<1x16x128xf32>
    %get3A_37 = vector.shape_cast %get3A_36 : vector<1x16x128xf32> to vector<16x128xf32>
    %dot_general3A_38 = arith.constant dense<0.000000e+00> : vector<1x128xf32>
    %dot_general3A_39 = tpu.matmul %slice3A_32, %get3A_37, %dot_general3A_38 {dimension_numbers = #tpu.dot_dimension_numbers<[1], [0], [0], [1], [0, 0, 1, 1], [], []>, transpose_lhs_hint = false} : vector<1x16xf32>, vector<16x128xf32>, vector<1x128xf32> -> vector<1x128xf32>
    %get3A_40 = arith.constant 0 : index
    %get3A_41 = arith.constant 0 : index
    %get3A_42 = vector.load %arg2[%get3A_40, %get3A_41] : memref<128x8xf32, #tpu.memory_space<vmem>>, vector<128x8xf32>
    %dot_general3A_43 = arith.constant dense<0.000000e+00> : vector<1x8xf32>
    %dot_general3A_44 = tpu.matmul %dot_general3A_39, %get3A_42, %dot_general3A_43 {dimension_numbers = #tpu.dot_dimension_numbers<[1], [0], [0], [1], [0, 0, 1, 1], [], []>, transpose_lhs_hint = false} : vector<1x128xf32>, vector<128x8xf32>, vector<1x8xf32> -> vector<1x8xf32>
    %concatenate3A_45 = tpu.concatenate %dot_general3A_44, %broadcast_in_dim3A_5 in 1 : vector<1x8xf32>, vector<1x8xf32> -> vector<1x16xf32>
    %slice3A_46 = vector.extract_strided_slice %get3A_4 {offsets = [1, 0], sizes = [1, 16], strides = [1, 1]} : vector<5x16xf32> to vector<1x16xf32>
    %get3A_47 = arith.constant 1 : index
    %get3A_48 = arith.constant 0 : index
    %get3A_49 = arith.constant 0 : index
    %get3A_50 = vector.load %arg4[%get3A_47, %get3A_48, %get3A_49] : memref<5x16x16xf32, #tpu.memory_space<vmem>>, vector<1x16x16xf32>
    %get3A_51 = vector.shape_cast %get3A_50 : vector<1x16x16xf32> to vector<16x16xf32>
    %dot_general3A_52 = arith.constant dense<0.000000e+00> : vector<1x16xf32>
    %dot_general3A_53 = tpu.matmul %slice3A_46, %get3A_51, %dot_general3A_52 {dimension_numbers = #tpu.dot_dimension_numbers<[1], [0], [0], [1], [0, 0, 1, 1], [], []>, transpose_lhs_hint = false} : vector<1x16xf32>, vector<16x16xf32>, vector<1x16xf32> -> vector<1x16xf32>
    %get3A_54 = arith.constant 0 : index
    %get3A_55 = arith.constant 0 : index
    %get3A_56 = vector.load %arg5[%get3A_54, %get3A_55] : memref<16x1xf32, #tpu.memory_space<vmem>>, vector<16x1xf32>
    %dot_general3A_57 = arith.constant dense<0.000000e+00> : vector<1x1xf32>
    %dot_general3A_58 = tpu.matmul %dot_general3A_53, %get3A_56, %dot_general3A_57 {dimension_numbers = #tpu.dot_dimension_numbers<[1], [0], [0], [1], [0, 0, 1, 1], [], []>, transpose_lhs_hint = false} : vector<1x16xf32>, vector<16x1xf32>, vector<1x1xf32> -> vector<1x1xf32>
    %broadcast_in_dim3A_59 = vector.shape_cast %dot_general3A_58 : vector<1x1xf32> to vector<1x1xf32>
    %broadcast_in_dim3A_60 = vector.broadcast %broadcast_in_dim3A_59 : vector<1x1xf32> to vector<1x16xf32>
    %slice3A_61 = vector.extract_strided_slice %get3A_1 {offsets = [2, 0], sizes = [1, 16], strides = [1, 1]} : vector<5x16xf32> to vector<1x16xf32>
    %get3A_62 = arith.constant 2 : index
    %get3A_63 = arith.constant 0 : index
    %get3A_64 = arith.constant 0 : index
    %get3A_65 = vector.load %arg1[%get3A_62, %get3A_63, %get3A_64] : memref<5x16x128xf32, #tpu.memory_space<vmem>>, vector<1x16x128xf32>
    %get3A_66 = vector.shape_cast %get3A_65 : vector<1x16x128xf32> to vector<16x128xf32>
    %dot_general3A_67 = arith.constant dense<0.000000e+00> : vector<1x128xf32>
    %dot_general3A_68 = tpu.matmul %slice3A_61, %get3A_66, %dot_general3A_67 {dimension_numbers = #tpu.dot_dimension_numbers<[1], [0], [0], [1], [0, 0, 1, 1], [], []>, transpose_lhs_hint = false} : vector<1x16xf32>, vector<16x128xf32>, vector<1x128xf32> -> vector<1x128xf32>
    %get3A_69 = arith.constant 0 : index
    %get3A_70 = arith.constant 0 : index
    %get3A_71 = vector.load %arg2[%get3A_69, %get3A_70] : memref<128x8xf32, #tpu.memory_space<vmem>>, vector<128x8xf32>
    %dot_general3A_72 = arith.constant dense<0.000000e+00> : vector<1x8xf32>
    %dot_general3A_73 = tpu.matmul %dot_general3A_68, %get3A_71, %dot_general3A_72 {dimension_numbers = #tpu.dot_dimension_numbers<[1], [0], [0], [1], [0, 0, 1, 1], [], []>, transpose_lhs_hint = false} : vector<1x128xf32>, vector<128x8xf32>, vector<1x8xf32> -> vector<1x8xf32>
    %concatenate3A_74 = tpu.concatenate %dot_general3A_73, %broadcast_in_dim3A_5 in 1 : vector<1x8xf32>, vector<1x8xf32> -> vector<1x16xf32>
    %slice3A_75 = vector.extract_strided_slice %get3A_4 {offsets = [2, 0], sizes = [1, 16], strides = [1, 1]} : vector<5x16xf32> to vector<1x16xf32>
    %get3A_76 = arith.constant 2 : index
    %get3A_77 = arith.constant 0 : index
    %get3A_78 = arith.constant 0 : index
    %get3A_79 = vector.load %arg4[%get3A_76, %get3A_77, %get3A_78] : memref<5x16x16xf32, #tpu.memory_space<vmem>>, vector<1x16x16xf32>
    %get3A_80 = vector.shape_cast %get3A_79 : vector<1x16x16xf32> to vector<16x16xf32>
    %dot_general3A_81 = arith.constant dense<0.000000e+00> : vector<1x16xf32>
    %dot_general3A_82 = tpu.matmul %slice3A_75, %get3A_80, %dot_general3A_81 {dimension_numbers = #tpu.dot_dimension_numbers<[1], [0], [0], [1], [0, 0, 1, 1], [], []>, transpose_lhs_hint = false} : vector<1x16xf32>, vector<16x16xf32>, vector<1x16xf32> -> vector<1x16xf32>
    %get3A_83 = arith.constant 0 : index
    %get3A_84 = arith.constant 0 : index
    %get3A_85 = vector.load %arg5[%get3A_83, %get3A_84] : memref<16x1xf32, #tpu.memory_space<vmem>>, vector<16x1xf32>
    %dot_general3A_86 = arith.constant dense<0.000000e+00> : vector<1x1xf32>
    %dot_general3A_87 = tpu.matmul %dot_general3A_82, %get3A_85, %dot_general3A_86 {dimension_numbers = #tpu.dot_dimension_numbers<[1], [0], [0], [1], [0, 0, 1, 1], [], []>, transpose_lhs_hint = false} : vector<1x16xf32>, vector<16x1xf32>, vector<1x1xf32> -> vector<1x1xf32>
    %broadcast_in_dim3A_88 = vector.shape_cast %dot_general3A_87 : vector<1x1xf32> to vector<1x1xf32>
    %broadcast_in_dim3A_89 = vector.broadcast %broadcast_in_dim3A_88 : vector<1x1xf32> to vector<1x16xf32>
    %slice3A_90 = vector.extract_strided_slice %get3A_1 {offsets = [3, 0], sizes = [1, 16], strides = [1, 1]} : vector<5x16xf32> to vector<1x16xf32>
    %get3A_91 = arith.constant 3 : index
    %get3A_92 = arith.constant 0 : index
    %get3A_93 = arith.constant 0 : index
    %get3A_94 = vector.load %arg1[%get3A_91, %get3A_92, %get3A_93] : memref<5x16x128xf32, #tpu.memory_space<vmem>>, vector<1x16x128xf32>
    %get3A_95 = vector.shape_cast %get3A_94 : vector<1x16x128xf32> to vector<16x128xf32>
    %dot_general3A_96 = arith.constant dense<0.000000e+00> : vector<1x128xf32>
    %dot_general3A_97 = tpu.matmul %slice3A_90, %get3A_95, %dot_general3A_96 {dimension_numbers = #tpu.dot_dimension_numbers<[1], [0], [0], [1], [0, 0, 1, 1], [], []>, transpose_lhs_hint = false} : vector<1x16xf32>, vector<16x128xf32>, vector<1x128xf32> -> vector<1x128xf32>
    %get3A_98 = arith.constant 0 : index
    %get3A_99 = arith.constant 0 : index
    %get3A_100 = vector.load %arg2[%get3A_98, %get3A_99] : memref<128x8xf32, #tpu.memory_space<vmem>>, vector<128x8xf32>
    %dot_general3A_101 = arith.constant dense<0.000000e+00> : vector<1x8xf32>
    %dot_general3A_102 = tpu.matmul %dot_general3A_97, %get3A_100, %dot_general3A_101 {dimension_numbers = #tpu.dot_dimension_numbers<[1], [0], [0], [1], [0, 0, 1, 1], [], []>, transpose_lhs_hint = false} : vector<1x128xf32>, vector<128x8xf32>, vector<1x8xf32> -> vector<1x8xf32>
    %concatenate3A_103 = tpu.concatenate %dot_general3A_102, %broadcast_in_dim3A_5 in 1 : vector<1x8xf32>, vector<1x8xf32> -> vector<1x16xf32>
    %slice3A_104 = vector.extract_strided_slice %get3A_4 {offsets = [3, 0], sizes = [1, 16], strides = [1, 1]} : vector<5x16xf32> to vector<1x16xf32>
    %get3A_105 = arith.constant 3 : index
    %get3A_106 = arith.constant 0 : index
    %get3A_107 = arith.constant 0 : index
    %get3A_108 = vector.load %arg4[%get3A_105, %get3A_106, %get3A_107] : memref<5x16x16xf32, #tpu.memory_space<vmem>>, vector<1x16x16xf32>
    %get3A_109 = vector.shape_cast %get3A_108 : vector<1x16x16xf32> to vector<16x16xf32>
    %dot_general3A_110 = arith.constant dense<0.000000e+00> : vector<1x16xf32>
    %dot_general3A_111 = tpu.matmul %slice3A_104, %get3A_109, %dot_general3A_110 {dimension_numbers = #tpu.dot_dimension_numbers<[1], [0], [0], [1], [0, 0, 1, 1], [], []>, transpose_lhs_hint = false} : vector<1x16xf32>, vector<16x16xf32>, vector<1x16xf32> -> vector<1x16xf32>
    %get3A_112 = arith.constant 0 : index
    %get3A_113 = arith.constant 0 : index
    %get3A_114 = vector.load %arg5[%get3A_112, %get3A_113] : memref<16x1xf32, #tpu.memory_space<vmem>>, vector<16x1xf32>
    %dot_general3A_115 = arith.constant dense<0.000000e+00> : vector<1x1xf32>
    %dot_general3A_116 = tpu.matmul %dot_general3A_111, %get3A_114, %dot_general3A_115 {dimension_numbers = #tpu.dot_dimension_numbers<[1], [0], [0], [1], [0, 0, 1, 1], [], []>, transpose_lhs_hint = false} : vector<1x16xf32>, vector<16x1xf32>, vector<1x1xf32> -> vector<1x1xf32>
    %broadcast_in_dim3A_117 = vector.shape_cast %dot_general3A_116 : vector<1x1xf32> to vector<1x1xf32>
    %broadcast_in_dim3A_118 = vector.broadcast %broadcast_in_dim3A_117 : vector<1x1xf32> to vector<1x16xf32>
    %slice3A_119 = vector.extract_strided_slice %get3A_1 {offsets = [4, 0], sizes = [1, 16], strides = [1, 1]} : vector<5x16xf32> to vector<1x16xf32>
    %get3A_120 = arith.constant 4 : index
    %get3A_121 = arith.constant 0 : index
    %get3A_122 = arith.constant 0 : index
    %get3A_123 = vector.load %arg1[%get3A_120, %get3A_121, %get3A_122] : memref<5x16x128xf32, #tpu.memory_space<vmem>>, vector<1x16x128xf32>
    %get3A_124 = vector.shape_cast %get3A_123 : vector<1x16x128xf32> to vector<16x128xf32>
    %dot_general3A_125 = arith.constant dense<0.000000e+00> : vector<1x128xf32>
    %dot_general3A_126 = tpu.matmul %slice3A_119, %get3A_124, %dot_general3A_125 {dimension_numbers = #tpu.dot_dimension_numbers<[1], [0], [0], [1], [0, 0, 1, 1], [], []>, transpose_lhs_hint = false} : vector<1x16xf32>, vector<16x128xf32>, vector<1x128xf32> -> vector<1x128xf32>
    %get3A_127 = arith.constant 0 : index
    %get3A_128 = arith.constant 0 : index
    %get3A_129 = vector.load %arg2[%get3A_127, %get3A_128] : memref<128x8xf32, #tpu.memory_space<vmem>>, vector<128x8xf32>
    %dot_general3A_130 = arith.constant dense<0.000000e+00> : vector<1x8xf32>
    %dot_general3A_131 = tpu.matmul %dot_general3A_126, %get3A_129, %dot_general3A_130 {dimension_numbers = #tpu.dot_dimension_numbers<[1], [0], [0], [1], [0, 0, 1, 1], [], []>, transpose_lhs_hint = false} : vector<1x128xf32>, vector<128x8xf32>, vector<1x8xf32> -> vector<1x8xf32>
    %concatenate3A_132 = tpu.concatenate %dot_general3A_131, %broadcast_in_dim3A_5 in 1 : vector<1x8xf32>, vector<1x8xf32> -> vector<1x16xf32>
    %slice3A_133 = vector.extract_strided_slice %get3A_4 {offsets = [4, 0], sizes = [1, 16], strides = [1, 1]} : vector<5x16xf32> to vector<1x16xf32>
    %get3A_134 = arith.constant 4 : index
    %get3A_135 = arith.constant 0 : index
    %get3A_136 = arith.constant 0 : index
    %get3A_137 = vector.load %arg4[%get3A_134, %get3A_135, %get3A_136] : memref<5x16x16xf32, #tpu.memory_space<vmem>>, vector<1x16x16xf32>
    %get3A_138 = vector.shape_cast %get3A_137 : vector<1x16x16xf32> to vector<16x16xf32>
    %dot_general3A_139 = arith.constant dense<0.000000e+00> : vector<1x16xf32>
    %dot_general3A_140 = tpu.matmul %slice3A_133, %get3A_138, %dot_general3A_139 {dimension_numbers = #tpu.dot_dimension_numbers<[1], [0], [0], [1], [0, 0, 1, 1], [], []>, transpose_lhs_hint = false} : vector<1x16xf32>, vector<16x16xf32>, vector<1x16xf32> -> vector<1x16xf32>
    %get3A_141 = arith.constant 0 : index
    %get3A_142 = arith.constant 0 : index
    %get3A_143 = vector.load %arg5[%get3A_141, %get3A_142] : memref<16x1xf32, #tpu.memory_space<vmem>>, vector<16x1xf32>
    %dot_general3A_144 = arith.constant dense<0.000000e+00> : vector<1x1xf32>
    %dot_general3A_145 = tpu.matmul %dot_general3A_140, %get3A_143, %dot_general3A_144 {dimension_numbers = #tpu.dot_dimension_numbers<[1], [0], [0], [1], [0, 0, 1, 1], [], []>, transpose_lhs_hint = false} : vector<1x16xf32>, vector<16x1xf32>, vector<1x1xf32> -> vector<1x1xf32>
    %broadcast_in_dim3A_146 = vector.shape_cast %dot_general3A_145 : vector<1x1xf32> to vector<1x1xf32>
    %broadcast_in_dim3A_147 = vector.broadcast %broadcast_in_dim3A_146 : vector<1x1xf32> to vector<1x16xf32>
    %broadcast_in_dim3A_148 = arith.constant 0.000000e+00 : f32
    %broadcast_in_dim3A_149 = vector.broadcast %broadcast_in_dim3A_148 : f32 to vector<1x16xf32>
    %broadcast_in_dim3A_150 = arith.constant 0.000000e+00 : f32
    %broadcast_in_dim3A_151 = vector.broadcast %broadcast_in_dim3A_150 : f32 to vector<1x16xf32>
    %broadcast_in_dim3A_152 = arith.constant 0.000000e+00 : f32
    %broadcast_in_dim3A_153 = vector.broadcast %broadcast_in_dim3A_152 : f32 to vector<1x16xf32>
    %broadcast_in_dim3A_154 = arith.constant 0.000000e+00 : f32
    %broadcast_in_dim3A_155 = vector.broadcast %broadcast_in_dim3A_154 : f32 to vector<1x16xf32>
    %broadcast_in_dim3A_156 = arith.constant 0.000000e+00 : f32
    %broadcast_in_dim3A_157 = vector.broadcast %broadcast_in_dim3A_156 : f32 to vector<1x16xf32>
    %broadcast_in_dim3A_158 = arith.constant 0.000000e+00 : f32
    %broadcast_in_dim3A_159 = vector.broadcast %broadcast_in_dim3A_158 : f32 to vector<1x16xf32>
    %concatenate3A_160 = tpu.concatenate %concatenate3A, %concatenate3A_45, %concatenate3A_74, %concatenate3A_103, %concatenate3A_132, %broadcast_in_dim3A_149, %broadcast_in_dim3A_153, %broadcast_in_dim3A_157 in 0 : vector<1x16xf32>, vector<1x16xf32>, vector<1x16xf32>, vector<1x16xf32>, vector<1x16xf32>, vector<1x16xf32>, vector<1x16xf32>, vector<1x16xf32> -> vector<8x16xf32>
    %swap3A = arith.constant 0 : index
    %swap3A_161 = arith.constant 0 : index
    %swap3A_162 = vector.load %arg6[%swap3A, %swap3A_161] : memref<8x16xf32, #tpu.memory_space<vmem>>, vector<8x16xf32>
    tpu.vector_store %arg6[%swap3A, %swap3A_161], %concatenate3A_160 {strides = array<i32>} : memref<8x16xf32, #tpu.memory_space<vmem>>, vector<8x16xf32>,
    %concatenate3A_163 = tpu.concatenate %broadcast_in_dim3A_31, %broadcast_in_dim3A_60, %broadcast_in_dim3A_89, %broadcast_in_dim3A_118, %broadcast_in_dim3A_147, %broadcast_in_dim3A_151, %broadcast_in_dim3A_155, %broadcast_in_dim3A_159 in 0 : vector<1x16xf32>, vector<1x16xf32>, vector<1x16xf32>, vector<1x16xf32>, vector<1x16xf32>, vector<1x16xf32>, vector<1x16xf32>, vector<1x16xf32> -> vector<8x16xf32>
    %swap3A_164 = arith.constant 0 : index
    %swap3A_165 = arith.constant 0 : index
    %swap3A_166 = vector.load %arg7[%swap3A_164, %swap3A_165] : memref<8x16xf32, #tpu.memory_space<vmem>>, vector<8x16xf32>
    tpu.vector_store %arg7[%swap3A_164, %swap3A_165], %concatenate3A_163 {strides = array<i32>} : memref<8x16xf32, #tpu.memory_space<vmem>>, vector<8x16xf32>,
    return
  }
}

module attributes {stable_mosaic.version = 14 : i64} {
  func.func @_tc1_body(%arg0: i32, %arg1: memref<400x128xf32, #tpu.memory_space<vmem>>, %arg2: memref<128x512xf32, #tpu.memory_space<vmem>>, %arg3: memref<512x8xf32, #tpu.memory_space<vmem>>, %arg4: memref<512x8xf32, #tpu.memory_space<vmem>>, %arg5: memref<8x400x64xf32, #tpu.memory_space<vmem>>, %arg6: memref<400x16xf32, #tpu.memory_space<vmem>>, %arg7: memref<400x16xf32, #tpu.memory_space<vmem>>) attributes {dimension_semantics = [#tpu.dimension_semantics<arbitrary>], iteration_bounds = array<i64: 25>, scalar_prefetch = 0 : i64, scratch_operands = 0 : i64, tpu.core_type = #tpu.core_type<tc>, window_params = [{transform_indices = @transform_0, window_bounds = array<i64: 400, 128>}, {pipeline_mode = #tpu.pipeline_mode<synchronous>, transform_indices = @transform_1, window_bounds = array<i64: 128, 512>}, {pipeline_mode = #tpu.pipeline_mode<synchronous>, transform_indices = @transform_2, window_bounds = array<i64: 512, 8>}, {pipeline_mode = #tpu.pipeline_mode<synchronous>, transform_indices = @transform_3, window_bounds = array<i64: 512, 8>}, {transform_indices = @transform_4, window_bounds = array<i64: 8, 400, 64>}, {transform_indices = @transform_5, window_bounds = array<i64: 400, 16>}, {transform_indices = @transform_6, window_bounds = array<i64: 400, 16>}]} {
    %get3A = arith.constant 0 : index
    %get3A_0 = arith.constant 0 : index
    %get3A_1 = vector.load %arg1[%get3A, %get3A_0] : memref<400x128xf32, #tpu.memory_space<vmem>>, vector<400x128xf32>
    %get3A_2 = arith.constant 0 : index
    %get3A_3 = arith.constant 0 : index
    %get3A_4 = vector.load %arg2[%get3A_2, %get3A_3] : memref<128x512xf32, #tpu.memory_space<vmem>>, vector<128x512xf32>
    %dot_general3A = arith.constant dense<0.000000e+00> : vector<400x512xf32>
    %dot_general3A_5 = tpu.matmul %get3A_1, %get3A_4, %dot_general3A {dimension_numbers = #tpu.dot_dimension_numbers<[1], [0], [0], [1], [0, 0, 1, 1], [], []>, transpose_lhs_hint = false} : vector<400x128xf32>, vector<128x512xf32>, vector<400x512xf32> -> vector<400x512xf32>
    %slice3A = vector.extract_strided_slice %dot_general3A_5 {offsets = [0, 0], sizes = [400, 64], strides = [1, 1]} : vector<400x512xf32> to vector<400x64xf32>
    %swap3A = arith.constant 0 : index
    %swap3A_6 = arith.constant 0 : index
    %swap3A_7 = arith.constant 0 : index
    %swap3A_8 = vector.load %arg5[%swap3A, %swap3A_6, %swap3A_7] : memref<8x400x64xf32, #tpu.memory_space<vmem>>, vector<1x400x64xf32>
    %swap3A_9 = vector.shape_cast %swap3A_8 : vector<1x400x64xf32> to vector<400x64xf32>
    %swap3A_10 = vector.shape_cast %slice3A : vector<400x64xf32> to vector<1x400x64xf32>
    tpu.vector_store %arg5[%swap3A, %swap3A_6, %swap3A_7], %swap3A_10 {strides = array<i32>} : memref<8x400x64xf32, #tpu.memory_space<vmem>>, vector<1x400x64xf32>,
    %slice3A_11 = vector.extract_strided_slice %dot_general3A_5 {offsets = [0, 64], sizes = [400, 64], strides = [1, 1]} : vector<400x512xf32> to vector<400x64xf32>
    %swap3A_12 = arith.constant 1 : index
    %swap3A_13 = arith.constant 0 : index
    %swap3A_14 = arith.constant 0 : index
    %swap3A_15 = vector.load %arg5[%swap3A_12, %swap3A_13, %swap3A_14] : memref<8x400x64xf32, #tpu.memory_space<vmem>>, vector<1x400x64xf32>
    %swap3A_16 = vector.shape_cast %swap3A_15 : vector<1x400x64xf32> to vector<400x64xf32>
    %swap3A_17 = vector.shape_cast %slice3A_11 : vector<400x64xf32> to vector<1x400x64xf32>
    tpu.vector_store %arg5[%swap3A_12, %swap3A_13, %swap3A_14], %swap3A_17 {strides = array<i32>} : memref<8x400x64xf32, #tpu.memory_space<vmem>>, vector<1x400x64xf32>,
    %slice3A_18 = vector.extract_strided_slice %dot_general3A_5 {offsets = [0, 128], sizes = [400, 64], strides = [1, 1]} : vector<400x512xf32> to vector<400x64xf32>
    %swap3A_19 = arith.constant 2 : index
    %swap3A_20 = arith.constant 0 : index
    %swap3A_21 = arith.constant 0 : index
    %swap3A_22 = vector.load %arg5[%swap3A_19, %swap3A_20, %swap3A_21] : memref<8x400x64xf32, #tpu.memory_space<vmem>>, vector<1x400x64xf32>
    %swap3A_23 = vector.shape_cast %swap3A_22 : vector<1x400x64xf32> to vector<400x64xf32>
    %swap3A_24 = vector.shape_cast %slice3A_18 : vector<400x64xf32> to vector<1x400x64xf32>
    tpu.vector_store %arg5[%swap3A_19, %swap3A_20, %swap3A_21], %swap3A_24 {strides = array<i32>} : memref<8x400x64xf32, #tpu.memory_space<vmem>>, vector<1x400x64xf32>,
    %slice3A_25 = vector.extract_strided_slice %dot_general3A_5 {offsets = [0, 192], sizes = [400, 64], strides = [1, 1]} : vector<400x512xf32> to vector<400x64xf32>
    %swap3A_26 = arith.constant 3 : index
    %swap3A_27 = arith.constant 0 : index
    %swap3A_28 = arith.constant 0 : index
    %swap3A_29 = vector.load %arg5[%swap3A_26, %swap3A_27, %swap3A_28] : memref<8x400x64xf32, #tpu.memory_space<vmem>>, vector<1x400x64xf32>
    %swap3A_30 = vector.shape_cast %swap3A_29 : vector<1x400x64xf32> to vector<400x64xf32>
    %swap3A_31 = vector.shape_cast %slice3A_25 : vector<400x64xf32> to vector<1x400x64xf32>
    tpu.vector_store %arg5[%swap3A_26, %swap3A_27, %swap3A_28], %swap3A_31 {strides = array<i32>} : memref<8x400x64xf32, #tpu.memory_space<vmem>>, vector<1x400x64xf32>,
    %slice3A_32 = vector.extract_strided_slice %dot_general3A_5 {offsets = [0, 256], sizes = [400, 64], strides = [1, 1]} : vector<400x512xf32> to vector<400x64xf32>
    %swap3A_33 = arith.constant 4 : index
    %swap3A_34 = arith.constant 0 : index
    %swap3A_35 = arith.constant 0 : index
    %swap3A_36 = vector.load %arg5[%swap3A_33, %swap3A_34, %swap3A_35] : memref<8x400x64xf32, #tpu.memory_space<vmem>>, vector<1x400x64xf32>
    %swap3A_37 = vector.shape_cast %swap3A_36 : vector<1x400x64xf32> to vector<400x64xf32>
    %swap3A_38 = vector.shape_cast %slice3A_32 : vector<400x64xf32> to vector<1x400x64xf32>
    tpu.vector_store %arg5[%swap3A_33, %swap3A_34, %swap3A_35], %swap3A_38 {strides = array<i32>} : memref<8x400x64xf32, #tpu.memory_space<vmem>>, vector<1x400x64xf32>,
    %slice3A_39 = vector.extract_strided_slice %dot_general3A_5 {offsets = [0, 320], sizes = [400, 64], strides = [1, 1]} : vector<400x512xf32> to vector<400x64xf32>
    %swap3A_40 = arith.constant 5 : index
    %swap3A_41 = arith.constant 0 : index
    %swap3A_42 = arith.constant 0 : index
    %swap3A_43 = vector.load %arg5[%swap3A_40, %swap3A_41, %swap3A_42] : memref<8x400x64xf32, #tpu.memory_space<vmem>>, vector<1x400x64xf32>
    %swap3A_44 = vector.shape_cast %swap3A_43 : vector<1x400x64xf32> to vector<400x64xf32>
    %swap3A_45 = vector.shape_cast %slice3A_39 : vector<400x64xf32> to vector<1x400x64xf32>
    tpu.vector_store %arg5[%swap3A_40, %swap3A_41, %swap3A_42], %swap3A_45 {strides = array<i32>} : memref<8x400x64xf32, #tpu.memory_space<vmem>>, vector<1x400x64xf32>,
    %slice3A_46 = vector.extract_strided_slice %dot_general3A_5 {offsets = [0, 384], sizes = [400, 64], strides = [1, 1]} : vector<400x512xf32> to vector<400x64xf32>
    %swap3A_47 = arith.constant 6 : index
    %swap3A_48 = arith.constant 0 : index
    %swap3A_49 = arith.constant 0 : index
    %swap3A_50 = vector.load %arg5[%swap3A_47, %swap3A_48, %swap3A_49] : memref<8x400x64xf32, #tpu.memory_space<vmem>>, vector<1x400x64xf32>
    %swap3A_51 = vector.shape_cast %swap3A_50 : vector<1x400x64xf32> to vector<400x64xf32>
    %swap3A_52 = vector.shape_cast %slice3A_46 : vector<400x64xf32> to vector<1x400x64xf32>
    tpu.vector_store %arg5[%swap3A_47, %swap3A_48, %swap3A_49], %swap3A_52 {strides = array<i32>} : memref<8x400x64xf32, #tpu.memory_space<vmem>>, vector<1x400x64xf32>,
    %slice3A_53 = vector.extract_strided_slice %dot_general3A_5 {offsets = [0, 448], sizes = [400, 64], strides = [1, 1]} : vector<400x512xf32> to vector<400x64xf32>
    %swap3A_54 = arith.constant 7 : index
    %swap3A_55 = arith.constant 0 : index
    %swap3A_56 = arith.constant 0 : index
    %swap3A_57 = vector.load %arg5[%swap3A_54, %swap3A_55, %swap3A_56] : memref<8x400x64xf32, #tpu.memory_space<vmem>>, vector<1x400x64xf32>
    %swap3A_58 = vector.shape_cast %swap3A_57 : vector<1x400x64xf32> to vector<400x64xf32>
    %swap3A_59 = vector.shape_cast %slice3A_53 : vector<400x64xf32> to vector<1x400x64xf32>
    tpu.vector_store %arg5[%swap3A_54, %swap3A_55, %swap3A_56], %swap3A_59 {strides = array<i32>} : memref<8x400x64xf32, #tpu.memory_space<vmem>>, vector<1x400x64xf32>,
    %get3A_60 = arith.constant 0 : index
    %get3A_61 = arith.constant 0 : index
    %get3A_62 = vector.load %arg3[%get3A_60, %get3A_61] : memref<512x8xf32, #tpu.memory_space<vmem>>, vector<512x8xf32>
    %dot_general3A_63 = arith.constant dense<0.000000e+00> : vector<400x8xf32>
    %dot_general3A_64 = tpu.matmul %dot_general3A_5, %get3A_62, %dot_general3A_63 {dimension_numbers = #tpu.dot_dimension_numbers<[1], [0], [0], [1], [0, 0, 1, 1], [], []>, transpose_lhs_hint = false} : vector<400x512xf32>, vector<512x8xf32>, vector<400x8xf32> -> vector<400x8xf32>
    %get3A_65 = arith.constant 0 : index
    %get3A_66 = arith.constant 0 : index
    %get3A_67 = vector.load %arg4[%get3A_65, %get3A_66] : memref<512x8xf32, #tpu.memory_space<vmem>>, vector<512x8xf32>
    %dot_general3A_68 = arith.constant dense<0.000000e+00> : vector<400x8xf32>
    %dot_general3A_69 = tpu.matmul %dot_general3A_5, %get3A_67, %dot_general3A_68 {dimension_numbers = #tpu.dot_dimension_numbers<[1], [0], [0], [1], [0, 0, 1, 1], [], []>, transpose_lhs_hint = false} : vector<400x512xf32>, vector<512x8xf32>, vector<400x8xf32> -> vector<400x8xf32>
    %broadcast_in_dim3A = arith.constant 0.000000e+00 : f32
    %broadcast_in_dim3A_70 = vector.broadcast %broadcast_in_dim3A : f32 to vector<400x8xf32>
    %concatenate3A = tpu.concatenate %dot_general3A_64, %broadcast_in_dim3A_70 in 1 : vector<400x8xf32>, vector<400x8xf32> -> vector<400x16xf32>
    %swap3A_71 = arith.constant 0 : index
    %swap3A_72 = arith.constant 0 : index
    %swap3A_73 = vector.load %arg6[%swap3A_71, %swap3A_72] : memref<400x16xf32, #tpu.memory_space<vmem>>, vector<400x16xf32>
    tpu.vector_store %arg6[%swap3A_71, %swap3A_72], %concatenate3A {strides = array<i32>} : memref<400x16xf32, #tpu.memory_space<vmem>>, vector<400x16xf32>,
    %concatenate3A_74 = tpu.concatenate %dot_general3A_69, %broadcast_in_dim3A_70 in 1 : vector<400x8xf32>, vector<400x8xf32> -> vector<400x16xf32>
    %swap3A_75 = arith.constant 0 : index
    %swap3A_76 = arith.constant 0 : index
    %swap3A_77 = vector.load %arg7[%swap3A_75, %swap3A_76] : memref<400x16xf32, #tpu.memory_space<vmem>>, vector<400x16xf32>
    tpu.vector_store %arg7[%swap3A_75, %swap3A_76], %concatenate3A_74 {strides = array<i32>} : memref<400x16xf32, #tpu.memory_space<vmem>>, vector<400x16xf32>,
    return
  }
  func.func @transform_0(%arg0: i32) -> (i32, i32) {
    %c0_i32 = arith.constant 0 : i32
    %c0_i32_0 = arith.constant 0 : i32
    return %arg0, %c0_i32 : i32, i32
  }
  func.func @transform_1(%arg0: i32) -> (i32, i32) {
    %c0_i32 = arith.constant 0 : i32
    %c0_i32_0 = arith.constant 0 : i32
    %c0_i32_1 = arith.constant 0 : i32
    return %c0_i32, %c0_i32_0 : i32, i32
  }
  func.func @transform_2(%arg0: i32) -> (i32, i32) {
    %c0_i32 = arith.constant 0 : i32
    %c0_i32_0 = arith.constant 0 : i32
    %c0_i32_1 = arith.constant 0 : i32
    return %c0_i32, %c0_i32_0 : i32, i32
  }
  func.func @transform_3(%arg0: i32) -> (i32, i32) {
    %c0_i32 = arith.constant 0 : i32
    %c0_i32_0 = arith.constant 0 : i32
    %c0_i32_1 = arith.constant 0 : i32
    return %c0_i32, %c0_i32_0 : i32, i32
  }
  func.func @transform_4(%arg0: i32) -> (i32, i32, i32) {
    %c0_i32 = arith.constant 0 : i32
    %c0_i32_0 = arith.constant 0 : i32
    %c0_i32_1 = arith.constant 0 : i32
    return %c0_i32, %arg0, %c0_i32_0 : i32, i32, i32
  }
  func.func @transform_5(%arg0: i32) -> (i32, i32) {
    %c0_i32 = arith.constant 0 : i32
    %c0_i32_0 = arith.constant 0 : i32
    return %arg0, %c0_i32 : i32, i32
  }
  func.func @transform_6(%arg0: i32) -> (i32, i32) {
    %c0_i32 = arith.constant 0 : i32
    %c0_i32_0 = arith.constant 0 : i32
    return %arg0, %c0_i32 : i32, i32
  }
}

module attributes {stable_mosaic.version = 14 : i64} {
  func.func @_tc2_body(%arg0: i32, %arg1: memref<8x400x64xf32, #tpu.memory_space<vmem>>, %arg2: memref<2x400x16xf32, #tpu.memory_space<vmem>>, %arg3: memref<512x16xf32, #tpu.memory_space<vmem>>, %arg4: memref<512x16xf32, #tpu.memory_space<vmem>>, %arg5: memref<1x16xf32, #tpu.memory_space<vmem>>, %arg6: memref<1x16xf32, #tpu.memory_space<vmem>>, %arg7: memref<1x16xf32, #tpu.memory_space<vmem>>, %arg8: memref<400x16xf32, #tpu.memory_space<vmem>>, %arg9: memref<400x1xf32, #tpu.memory_space<vmem>>, %arg10: memref<400x1xf32, #tpu.memory_space<vmem>>, %arg11: memref<400x1xf32, #tpu.memory_space<vmem>>, %arg12: memref<400x16xf32, #tpu.memory_space<vmem>>) attributes {dimension_semantics = [#tpu.dimension_semantics<arbitrary>], iteration_bounds = array<i64: 25>, scalar_prefetch = 0 : i64, scratch_operands = 0 : i64, tpu.core_type = #tpu.core_type<tc>, window_params = [{transform_indices = @transform_0, window_bounds = array<i64: 8, 400, 64>}, {transform_indices = @transform_1, window_bounds = array<i64: 2, 400, 16>}, {pipeline_mode = #tpu.pipeline_mode<synchronous>, transform_indices = @transform_2, window_bounds = array<i64: 512, 16>}, {pipeline_mode = #tpu.pipeline_mode<synchronous>, transform_indices = @transform_3, window_bounds = array<i64: 512, 16>}, {pipeline_mode = #tpu.pipeline_mode<synchronous>, transform_indices = @transform_4, window_bounds = array<i64: 1, 16>}, {pipeline_mode = #tpu.pipeline_mode<synchronous>, transform_indices = @transform_5, window_bounds = array<i64: 1, 16>}, {pipeline_mode = #tpu.pipeline_mode<synchronous>, transform_indices = @transform_6, window_bounds = array<i64: 1, 16>}, {transform_indices = @transform_7, window_bounds = array<i64: 400, 16>}, {transform_indices = @transform_8, window_bounds = array<i64: 400, 1>}, {transform_indices = @transform_9, window_bounds = array<i64: 400, 1>}, {transform_indices = @transform_10, window_bounds = array<i64: 400, 1>}, {transform_indices = @transform_11, window_bounds = array<i64: 400, 16>}]} {
    %get3A = arith.constant 0 : index
    %get3A_0 = arith.constant 0 : index
    %get3A_1 = arith.constant 0 : index
    %get3A_2 = vector.load %arg2[%get3A, %get3A_0, %get3A_1] : memref<2x400x16xf32, #tpu.memory_space<vmem>>, vector<1x400x16xf32>
    %get3A_3 = vector.shape_cast %get3A_2 : vector<1x400x16xf32> to vector<400x16xf32>
    %get3A_4 = arith.constant 1 : index
    %get3A_5 = arith.constant 0 : index
    %get3A_6 = arith.constant 0 : index
    %get3A_7 = vector.load %arg2[%get3A_4, %get3A_5, %get3A_6] : memref<2x400x16xf32, #tpu.memory_space<vmem>>, vector<1x400x16xf32>
    %get3A_8 = vector.shape_cast %get3A_7 : vector<1x400x16xf32> to vector<400x16xf32>
    %add3A = arith.addf %get3A_3, %get3A_8 : vector<400x16xf32>
    %max3A = arith.constant 1.000000e-30 : f32
    %max3A_9 = vector.broadcast %max3A : f32 to vector<400x16xf32>
    %max3A_10 = arith.maximumf %add3A, %max3A_9 : vector<400x16xf32>
    %get3A_11 = arith.constant 0 : index
    %get3A_12 = arith.constant 0 : index
    %get3A_13 = arith.constant 0 : index
    %get3A_14 = vector.load %arg1[%get3A_11, %get3A_12, %get3A_13] : memref<8x400x64xf32, #tpu.memory_space<vmem>>, vector<1x400x64xf32>
    %get3A_15 = vector.shape_cast %get3A_14 : vector<1x400x64xf32> to vector<400x64xf32>
    %slice3A = vector.extract_strided_slice %max3A_10 {offsets = [0, 0], sizes = [400, 1], strides = [1, 1]} : vector<400x16xf32> to vector<400x1xf32>
    %div3A = vector.broadcast %slice3A : vector<400x1xf32> to vector<400x64xf32>
    %div3A_16 = arith.divf %get3A_15, %div3A : vector<400x64xf32>
    %get3A_17 = arith.constant 1 : index
    %get3A_18 = arith.constant 0 : index
    %get3A_19 = arith.constant 0 : index
    %get3A_20 = vector.load %arg1[%get3A_17, %get3A_18, %get3A_19] : memref<8x400x64xf32, #tpu.memory_space<vmem>>, vector<1x400x64xf32>
    %get3A_21 = vector.shape_cast %get3A_20 : vector<1x400x64xf32> to vector<400x64xf32>
    %slice3A_22 = vector.extract_strided_slice %max3A_10 {offsets = [0, 1], sizes = [400, 1], strides = [1, 1]} : vector<400x16xf32> to vector<400x1xf32>
    %div3A_23 = vector.broadcast %slice3A_22 : vector<400x1xf32> to vector<400x64xf32>
    %div3A_24 = arith.divf %get3A_21, %div3A_23 : vector<400x64xf32>
    %get3A_25 = arith.constant 2 : index
    %get3A_26 = arith.constant 0 : index
    %get3A_27 = arith.constant 0 : index
    %get3A_28 = vector.load %arg1[%get3A_25, %get3A_26, %get3A_27] : memref<8x400x64xf32, #tpu.memory_space<vmem>>, vector<1x400x64xf32>
    %get3A_29 = vector.shape_cast %get3A_28 : vector<1x400x64xf32> to vector<400x64xf32>
    %slice3A_30 = vector.extract_strided_slice %max3A_10 {offsets = [0, 2], sizes = [400, 1], strides = [1, 1]} : vector<400x16xf32> to vector<400x1xf32>
    %div3A_31 = vector.broadcast %slice3A_30 : vector<400x1xf32> to vector<400x64xf32>
    %div3A_32 = arith.divf %get3A_29, %div3A_31 : vector<400x64xf32>
    %get3A_33 = arith.constant 3 : index
    %get3A_34 = arith.constant 0 : index
    %get3A_35 = arith.constant 0 : index
    %get3A_36 = vector.load %arg1[%get3A_33, %get3A_34, %get3A_35] : memref<8x400x64xf32, #tpu.memory_space<vmem>>, vector<1x400x64xf32>
    %get3A_37 = vector.shape_cast %get3A_36 : vector<1x400x64xf32> to vector<400x64xf32>
    %slice3A_38 = vector.extract_strided_slice %max3A_10 {offsets = [0, 3], sizes = [400, 1], strides = [1, 1]} : vector<400x16xf32> to vector<400x1xf32>
    %div3A_39 = vector.broadcast %slice3A_38 : vector<400x1xf32> to vector<400x64xf32>
    %div3A_40 = arith.divf %get3A_37, %div3A_39 : vector<400x64xf32>
    %get3A_41 = arith.constant 4 : index
    %get3A_42 = arith.constant 0 : index
    %get3A_43 = arith.constant 0 : index
    %get3A_44 = vector.load %arg1[%get3A_41, %get3A_42, %get3A_43] : memref<8x400x64xf32, #tpu.memory_space<vmem>>, vector<1x400x64xf32>
    %get3A_45 = vector.shape_cast %get3A_44 : vector<1x400x64xf32> to vector<400x64xf32>
    %slice3A_46 = vector.extract_strided_slice %max3A_10 {offsets = [0, 4], sizes = [400, 1], strides = [1, 1]} : vector<400x16xf32> to vector<400x1xf32>
    %div3A_47 = vector.broadcast %slice3A_46 : vector<400x1xf32> to vector<400x64xf32>
    %div3A_48 = arith.divf %get3A_45, %div3A_47 : vector<400x64xf32>
    %get3A_49 = arith.constant 5 : index
    %get3A_50 = arith.constant 0 : index
    %get3A_51 = arith.constant 0 : index
    %get3A_52 = vector.load %arg1[%get3A_49, %get3A_50, %get3A_51] : memref<8x400x64xf32, #tpu.memory_space<vmem>>, vector<1x400x64xf32>
    %get3A_53 = vector.shape_cast %get3A_52 : vector<1x400x64xf32> to vector<400x64xf32>
    %slice3A_54 = vector.extract_strided_slice %max3A_10 {offsets = [0, 5], sizes = [400, 1], strides = [1, 1]} : vector<400x16xf32> to vector<400x1xf32>
    %div3A_55 = vector.broadcast %slice3A_54 : vector<400x1xf32> to vector<400x64xf32>
    %div3A_56 = arith.divf %get3A_53, %div3A_55 : vector<400x64xf32>
    %get3A_57 = arith.constant 6 : index
    %get3A_58 = arith.constant 0 : index
    %get3A_59 = arith.constant 0 : index
    %get3A_60 = vector.load %arg1[%get3A_57, %get3A_58, %get3A_59] : memref<8x400x64xf32, #tpu.memory_space<vmem>>, vector<1x400x64xf32>
    %get3A_61 = vector.shape_cast %get3A_60 : vector<1x400x64xf32> to vector<400x64xf32>
    %slice3A_62 = vector.extract_strided_slice %max3A_10 {offsets = [0, 6], sizes = [400, 1], strides = [1, 1]} : vector<400x16xf32> to vector<400x1xf32>
    %div3A_63 = vector.broadcast %slice3A_62 : vector<400x1xf32> to vector<400x64xf32>
    %div3A_64 = arith.divf %get3A_61, %div3A_63 : vector<400x64xf32>
    %get3A_65 = arith.constant 7 : index
    %get3A_66 = arith.constant 0 : index
    %get3A_67 = arith.constant 0 : index
    %get3A_68 = vector.load %arg1[%get3A_65, %get3A_66, %get3A_67] : memref<8x400x64xf32, #tpu.memory_space<vmem>>, vector<1x400x64xf32>
    %get3A_69 = vector.shape_cast %get3A_68 : vector<1x400x64xf32> to vector<400x64xf32>
    %slice3A_70 = vector.extract_strided_slice %max3A_10 {offsets = [0, 7], sizes = [400, 1], strides = [1, 1]} : vector<400x16xf32> to vector<400x1xf32>
    %div3A_71 = vector.broadcast %slice3A_70 : vector<400x1xf32> to vector<400x64xf32>
    %div3A_72 = arith.divf %get3A_69, %div3A_71 : vector<400x64xf32>
    %concatenate3A = tpu.concatenate %div3A_16, %div3A_24, %div3A_32, %div3A_40, %div3A_48, %div3A_56, %div3A_64, %div3A_72 in 1 : vector<400x64xf32>, vector<400x64xf32>, vector<400x64xf32>, vector<400x64xf32>, vector<400x64xf32>, vector<400x64xf32>, vector<400x64xf32>, vector<400x64xf32> -> vector<400x512xf32>
    %gt3A = arith.constant 0.000000e+00 : f32
    %gt3A_73 = vector.broadcast %gt3A : f32 to vector<400x512xf32>
    %gt3A_74 = arith.cmpf ogt, %concatenate3A, %gt3A_73 : vector<400x512xf32>
    %min3A = arith.constant 0.000000e+00 : f32
    %min3A_75 = vector.broadcast %min3A : f32 to vector<400x512xf32>
    %min3A_76 = arith.minimumf %concatenate3A, %min3A_75 : vector<400x512xf32>
    %exp3A = math.exp %min3A_76 : vector<400x512xf32>
    %sub3A = arith.constant 1.000000e+00 : f32
    %sub3A_77 = vector.broadcast %sub3A : f32 to vector<400x512xf32>
    %sub3A_78 = arith.subf %exp3A, %sub3A_77 : vector<400x512xf32>
    %select_n3A = arith.select %gt3A_74, %concatenate3A, %sub3A_78 : vector<400x512xi1>, vector<400x512xf32>
    %get3A_79 = arith.constant 0 : index
    %get3A_80 = arith.constant 0 : index
    %get3A_81 = vector.load %arg3[%get3A_79, %get3A_80] : memref<512x16xf32, #tpu.memory_space<vmem>>, vector<512x16xf32>
    %dot_general3A = arith.constant dense<0.000000e+00> : vector<400x16xf32>
    %dot_general3A_82 = tpu.matmul %select_n3A, %get3A_81, %dot_general3A {dimension_numbers = #tpu.dot_dimension_numbers<[1], [0], [0], [1], [0, 0, 1, 1], [], []>, transpose_lhs_hint = false} : vector<400x512xf32>, vector<512x16xf32>, vector<400x16xf32> -> vector<400x16xf32>
    %swap3A = arith.constant 0 : index
    %swap3A_83 = arith.constant 0 : index
    %swap3A_84 = vector.load %arg8[%swap3A, %swap3A_83] : memref<400x16xf32, #tpu.memory_space<vmem>>, vector<400x16xf32>
    tpu.vector_store %arg8[%swap3A, %swap3A_83], %dot_general3A_82 {strides = array<i32>} : memref<400x16xf32, #tpu.memory_space<vmem>>, vector<400x16xf32>,
    %get3A_85 = arith.constant 0 : index
    %get3A_86 = arith.constant 0 : index
    %get3A_87 = vector.load %arg4[%get3A_85, %get3A_86] : memref<512x16xf32, #tpu.memory_space<vmem>>, vector<512x16xf32>
    %dot_general3A_88 = arith.constant dense<0.000000e+00> : vector<400x16xf32>
    %dot_general3A_89 = tpu.matmul %select_n3A, %get3A_87, %dot_general3A_88 {dimension_numbers = #tpu.dot_dimension_numbers<[1], [0], [0], [1], [0, 0, 1, 1], [], []>, transpose_lhs_hint = false} : vector<400x512xf32>, vector<512x16xf32>, vector<400x16xf32> -> vector<400x16xf32>
    %get3A_90 = arith.constant 0 : index
    %get3A_91 = arith.constant 0 : index
    %get3A_92 = vector.load %arg5[%get3A_90, %get3A_91] : memref<1x16xf32, #tpu.memory_space<vmem>>, vector<1x16xf32>
    %add3A_93 = vector.broadcast %get3A_92 : vector<1x16xf32> to vector<400x16xf32>
    %add3A_94 = arith.addf %dot_general3A_89, %add3A_93 : vector<400x16xf32>
    %swap3A_95 = arith.constant 0 : index
    %swap3A_96 = arith.constant 0 : index
    %swap3A_97 = vector.load %arg12[%swap3A_95, %swap3A_96] : memref<400x16xf32, #tpu.memory_space<vmem>>, vector<400x16xf32>
    tpu.vector_store %arg12[%swap3A_95, %swap3A_96], %add3A_94 {strides = array<i32>} : memref<400x16xf32, #tpu.memory_space<vmem>>, vector<400x16xf32>,
    %get3A_98 = arith.constant 0 : index
    %get3A_99 = arith.constant 0 : index
    %get3A_100 = vector.load %arg6[%get3A_98, %get3A_99] : memref<1x16xf32, #tpu.memory_space<vmem>>, vector<1x16xf32>
    %mul3A = vector.broadcast %get3A_100 : vector<1x16xf32> to vector<400x16xf32>
    %mul3A_101 = arith.mulf %dot_general3A_82, %mul3A : vector<400x16xf32>
    %reduce_sum3A = arith.constant dense<0.000000e+00> : vector<400xf32>
    %reduce_sum3A_102 = vector.multi_reduction <add>, %mul3A_101, %reduce_sum3A [1] : vector<400x16xf32> to vector<400xf32>
    %broadcast_in_dim3A = vector.shape_cast %reduce_sum3A_102 : vector<400xf32> to vector<400x1xf32>
    %swap3A_103 = arith.constant 0 : index
    %swap3A_104 = arith.constant 0 : index
    %swap3A_105 = vector.load %arg9[%swap3A_103, %swap3A_104] : memref<400x1xf32, #tpu.memory_space<vmem>>, vector<400x1xf32>
    tpu.vector_store %arg9[%swap3A_103, %swap3A_104], %broadcast_in_dim3A {strides = array<i32>} : memref<400x1xf32, #tpu.memory_space<vmem>>, vector<400x1xf32>,
    %get3A_106 = arith.constant 0 : index
    %get3A_107 = arith.constant 0 : index
    %get3A_108 = vector.load %arg7[%get3A_106, %get3A_107] : memref<1x16xf32, #tpu.memory_space<vmem>>, vector<1x16xf32>
    %mul3A_109 = vector.broadcast %get3A_108 : vector<1x16xf32> to vector<400x16xf32>
    %mul3A_110 = arith.mulf %dot_general3A_82, %mul3A_109 : vector<400x16xf32>
    %reduce_sum3A_111 = arith.constant dense<0.000000e+00> : vector<400xf32>
    %reduce_sum3A_112 = vector.multi_reduction <add>, %mul3A_110, %reduce_sum3A_111 [1] : vector<400x16xf32> to vector<400xf32>
    %broadcast_in_dim3A_113 = vector.shape_cast %reduce_sum3A_112 : vector<400xf32> to vector<400x1xf32>
    %swap3A_114 = arith.constant 0 : index
    %swap3A_115 = arith.constant 0 : index
    %swap3A_116 = vector.load %arg10[%swap3A_114, %swap3A_115] : memref<400x1xf32, #tpu.memory_space<vmem>>, vector<400x1xf32>
    tpu.vector_store %arg10[%swap3A_114, %swap3A_115], %broadcast_in_dim3A_113 {strides = array<i32>} : memref<400x1xf32, #tpu.memory_space<vmem>>, vector<400x1xf32>,
    %slice3A_117 = vector.extract_strided_slice %add3A {offsets = [0, 0], sizes = [400, 1], strides = [1, 1]} : vector<400x16xf32> to vector<400x1xf32>
    %swap3A_118 = arith.constant 0 : index
    %swap3A_119 = arith.constant 0 : index
    %swap3A_120 = vector.load %arg11[%swap3A_118, %swap3A_119] : memref<400x1xf32, #tpu.memory_space<vmem>>, vector<400x1xf32>
    tpu.vector_store %arg11[%swap3A_118, %swap3A_119], %slice3A_117 {strides = array<i32>} : memref<400x1xf32, #tpu.memory_space<vmem>>, vector<400x1xf32>,
    return
  }
  func.func @transform_0(%arg0: i32) -> (i32, i32, i32) {
    %c0_i32 = arith.constant 0 : i32
    %c0_i32_0 = arith.constant 0 : i32
    %c0_i32_1 = arith.constant 0 : i32
    return %c0_i32, %arg0, %c0_i32_0 : i32, i32, i32
  }
  func.func @transform_1(%arg0: i32) -> (i32, i32, i32) {
    %c0_i32 = arith.constant 0 : i32
    %c0_i32_0 = arith.constant 0 : i32
    %c0_i32_1 = arith.constant 0 : i32
    return %c0_i32, %arg0, %c0_i32_0 : i32, i32, i32
  }
  func.func @transform_2(%arg0: i32) -> (i32, i32) {
    %c0_i32 = arith.constant 0 : i32
    %c0_i32_0 = arith.constant 0 : i32
    %c0_i32_1 = arith.constant 0 : i32
    return %c0_i32, %c0_i32_0 : i32, i32
  }
  func.func @transform_3(%arg0: i32) -> (i32, i32) {
    %c0_i32 = arith.constant 0 : i32
    %c0_i32_0 = arith.constant 0 : i32
    %c0_i32_1 = arith.constant 0 : i32
    return %c0_i32, %c0_i32_0 : i32, i32
  }
  func.func @transform_4(%arg0: i32) -> (i32, i32) {
    %c0_i32 = arith.constant 0 : i32
    %c0_i32_0 = arith.constant 0 : i32
    %c0_i32_1 = arith.constant 0 : i32
    return %c0_i32, %c0_i32_0 : i32, i32
  }
  func.func @transform_5(%arg0: i32) -> (i32, i32) {
    %c0_i32 = arith.constant 0 : i32
    %c0_i32_0 = arith.constant 0 : i32
    %c0_i32_1 = arith.constant 0 : i32
    return %c0_i32, %c0_i32_0 : i32, i32
  }
  func.func @transform_6(%arg0: i32) -> (i32, i32) {
    %c0_i32 = arith.constant 0 : i32
    %c0_i32_0 = arith.constant 0 : i32
    %c0_i32_1 = arith.constant 0 : i32
    return %c0_i32, %c0_i32_0 : i32, i32
  }
  func.func @transform_7(%arg0: i32) -> (i32, i32) {
    %c0_i32 = arith.constant 0 : i32
    %c0_i32_0 = arith.constant 0 : i32
    return %arg0, %c0_i32 : i32, i32
  }
  func.func @transform_8(%arg0: i32) -> (i32, i32) {
    %c0_i32 = arith.constant 0 : i32
    %c0_i32_0 = arith.constant 0 : i32
    return %arg0, %c0_i32 : i32, i32
  }
  func.func @transform_9(%arg0: i32) -> (i32, i32) {
    %c0_i32 = arith.constant 0 : i32
    %c0_i32_0 = arith.constant 0 : i32
    return %arg0, %c0_i32 : i32, i32
  }
  func.func @transform_10(%arg0: i32) -> (i32, i32) {
    %c0_i32 = arith.constant 0 : i32
    %c0_i32_0 = arith.constant 0 : i32
    return %arg0, %c0_i32 : i32, i32
  }
  func.func @transform_11(%arg0: i32) -> (i32, i32) {
    %c0_i32 = arith.constant 0 : i32
    %c0_i32_0 = arith.constant 0 : i32
    return %arg0, %c0_i32 : i32, i32
  }
}

module attributes {stable_mosaic.version = 14 : i64} {
  func.func @_tcs1_body(%arg0: i32, %arg1: memref<2x400x16xf32, #tpu.memory_space<vmem>>, %arg2: memref<400x1xf32, #tpu.memory_space<vmem>>) attributes {dimension_semantics = [#tpu.dimension_semantics<arbitrary>], iteration_bounds = array<i64: 25>, scalar_prefetch = 0 : i64, scratch_operands = 0 : i64, tpu.core_type = #tpu.core_type<tc>, window_params = [{transform_indices = @transform_0, window_bounds = array<i64: 2, 400, 16>}, {transform_indices = @transform_1, window_bounds = array<i64: 400, 1>}]} {
    %get3A = arith.constant 0 : index
    %get3A_0 = arith.constant 0 : index
    %get3A_1 = arith.constant 0 : index
    %get3A_2 = vector.load %arg1[%get3A, %get3A_0, %get3A_1] : memref<2x400x16xf32, #tpu.memory_space<vmem>>, vector<1x400x1xf32>
    %get3A_3 = vector.shape_cast %get3A_2 : vector<1x400x1xf32> to vector<400x1xf32>
    %get3A_4 = arith.constant 1 : index
    %get3A_5 = arith.constant 0 : index
    %get3A_6 = arith.constant 0 : index
    %get3A_7 = vector.load %arg1[%get3A_4, %get3A_5, %get3A_6] : memref<2x400x16xf32, #tpu.memory_space<vmem>>, vector<1x400x1xf32>
    %get3A_8 = vector.shape_cast %get3A_7 : vector<1x400x1xf32> to vector<400x1xf32>
    %add3A = arith.addf %get3A_3, %get3A_8 : vector<400x1xf32>
    %swap3A = arith.constant 0 : index
    %swap3A_9 = arith.constant 0 : index
    %swap3A_10 = vector.load %arg2[%swap3A, %swap3A_9] : memref<400x1xf32, #tpu.memory_space<vmem>>, vector<400x1xf32>
    tpu.vector_store %arg2[%swap3A, %swap3A_9], %add3A {strides = array<i32>} : memref<400x1xf32, #tpu.memory_space<vmem>>, vector<400x1xf32>,
    return
  }
  func.func @transform_0(%arg0: i32) -> (i32, i32, i32) {
    %c0_i32 = arith.constant 0 : i32
    %c0_i32_0 = arith.constant 0 : i32
    %c0_i32_1 = arith.constant 0 : i32
    return %c0_i32, %arg0, %c0_i32_0 : i32, i32, i32
  }
  func.func @transform_1(%arg0: i32) -> (i32, i32) {
    %c0_i32 = arith.constant 0 : i32
    %c0_i32_0 = arith.constant 0 : i32
    return %arg0, %c0_i32 : i32, i32
  }
}

module attributes {stable_mosaic.version = 14 : i64} {
  func.func @_tc3_body(%arg0: i32, %arg1: memref<2x400x16xf32, #tpu.memory_space<vmem>>, %arg2: memref<400x16xf32, #tpu.memory_space<vmem>>, %arg3: memref<400x16xf32, #tpu.memory_space<vmem>>) attributes {dimension_semantics = [#tpu.dimension_semantics<arbitrary>], iteration_bounds = array<i64: 25>, scalar_prefetch = 0 : i64, scratch_operands = 0 : i64, tpu.core_type = #tpu.core_type<tc>, window_params = [{transform_indices = @transform_0, window_bounds = array<i64: 2, 400, 16>}, {transform_indices = @transform_1, window_bounds = array<i64: 400, 16>}, {transform_indices = @transform_2, window_bounds = array<i64: 400, 16>}]} {
    %get3A = arith.constant 0 : index
    %get3A_0 = arith.constant 0 : index
    %get3A_1 = arith.constant 0 : index
    %get3A_2 = vector.load %arg1[%get3A, %get3A_0, %get3A_1] : memref<2x400x16xf32, #tpu.memory_space<vmem>>, vector<1x400x16xf32>
    %get3A_3 = vector.shape_cast %get3A_2 : vector<1x400x16xf32> to vector<400x16xf32>
    %get3A_4 = arith.constant 1 : index
    %get3A_5 = arith.constant 0 : index
    %get3A_6 = arith.constant 0 : index
    %get3A_7 = vector.load %arg1[%get3A_4, %get3A_5, %get3A_6] : memref<2x400x16xf32, #tpu.memory_space<vmem>>, vector<1x400x16xf32>
    %get3A_8 = vector.shape_cast %get3A_7 : vector<1x400x16xf32> to vector<400x16xf32>
    %add3A = arith.addf %get3A_3, %get3A_8 : vector<400x16xf32>
    %get3A_9 = arith.constant 0 : index
    %get3A_10 = arith.constant 0 : index
    %get3A_11 = vector.load %arg2[%get3A_9, %get3A_10] : memref<400x16xf32, #tpu.memory_space<vmem>>, vector<400x16xf32>
    %add3A_12 = arith.addf %add3A, %get3A_11 : vector<400x16xf32>
    %logistic3A = arith.negf %add3A_12 : vector<400x16xf32>
    %logistic3A_13 = math.exp %logistic3A : vector<400x16xf32>
    %logistic3A_14 = arith.constant 1.000000e+00 : f32
    %logistic3A_15 = vector.broadcast %logistic3A_14 : f32 to vector<400x16xf32>
    %logistic3A_16 = arith.addf %logistic3A_15, %logistic3A_13 : vector<400x16xf32>
    %logistic3A_17 = arith.divf %logistic3A_15, %logistic3A_16 : vector<400x16xf32>
    %swap3A = arith.constant 0 : index
    %swap3A_18 = arith.constant 0 : index
    %swap3A_19 = vector.load %arg3[%swap3A, %swap3A_18] : memref<400x16xf32, #tpu.memory_space<vmem>>, vector<400x16xf32>
    tpu.vector_store %arg3[%swap3A, %swap3A_18], %logistic3A_17 {strides = array<i32>} : memref<400x16xf32, #tpu.memory_space<vmem>>, vector<400x16xf32>,
    return
  }
  func.func @transform_0(%arg0: i32) -> (i32, i32, i32) {
    %c0_i32 = arith.constant 0 : i32
    %c0_i32_0 = arith.constant 0 : i32
    %c0_i32_1 = arith.constant 0 : i32
    return %c0_i32, %arg0, %c0_i32_0 : i32, i32, i32
  }
  func.func @transform_1(%arg0: i32) -> (i32, i32) {
    %c0_i32 = arith.constant 0 : i32
    %c0_i32_0 = arith.constant 0 : i32
    return %arg0, %c0_i32 : i32, i32
  }
  func.func @transform_2(%arg0: i32) -> (i32, i32) {
    %c0_i32 = arith.constant 0 : i32
    %c0_i32_0 = arith.constant 0 : i32
    return %arg0, %c0_i32 : i32, i32
  }
}

</mosaic_0001>

<sc_bundles>
// kernel: kernel.11.cloned.1.call-start
scs
__scs_entry_jumppad:
0x0: {  	(pc) =	sbr.rel $0x88, $3  }
0x1: {  	(tag) =	ssettag $0x0;
	lr =	simm.s32 $0x1  }
0x2: {  	[smem:$0x3F90] =	sst lr;
	_ =	strace $0xD0000000  }
0x3: {  	_ = 	snop  }
0x4: {  	_ = 	snop  }
0x5: {  	_ = 	snop  }
0x6: {  	_ = 	snop  }
0x7: {  	_ = 	snop  }
__scs_overlays_trampoline_lowered:
0x8: {  	[smem:$0x3F9F] =	sst s0  }
0x9: {  	[smem:$0x3FA0] =	sst s1  }
0xa: {  	[smem:$0x3FA1] =	sst s2  }
0xb: {  	[smem:$0x3FA2] =	sst s3  }
0xc: {  	[smem:$0x3FA3] =	sst s4  }
0xd: {  	[smem:$0x3FA4] =	sst s5  }
0xe: {  	[smem:$0x3FA5] =	sst s6  }
0xf: {  	[smem:$0x3FA6] =	sst s7  }
0x10: {  	[smem:$0x3FA7] =	sst s8  }
0x11: {  	[smem:$0x3FA8] =	sst s9;
	s0 =	simm.s32 @!p0 $0x0  }
0x12: {  	s1 =	sld [smem:$0x3F8E];
	s0 =	simm.s32 @p0 $0x1  }
0x13: {  	[smem:$0x3FA9] =	sst s0;
	s0 =	simm.s32 @!p1 $0x0  }
0x14: {  	s2 =	sld [smem:$0x3F8D];
	s0 =	simm.s32 @p1 $0x1  }
0x15: {  	[smem:$0x3FAA] =	sst s0;
	s0 =	simm.s32 @!p2 $0x0  }
0x16: {  	s3 =	sld [smem:$0x3FDB];
	s0 =	simm.s32 @p2 $0x1  }
0x17: {  	s4 =	simm.s32 $0x1BF5;
	[smem:$0x3FAC] =	sst s0  }
0x18: {  	s0 =	sld [smem:$0x3F8F];
	_ =	swait.ge [sflag:s4], $0x0  }
0x19: {  	s7 =	sld [smem:$0x3F90]  }
0x1a: {  	s8 =	sadd.s32 $0xFFFFE003, lr  }
0x1b: {  	s9 =	sadd.s32 $0xFFFFFEF7, lr;
	s5 =	simm.s32 $0xFFFFFFFF;
	p2 =	slt.u32 s8, $0xFFFFF086  }
0x1c: {  	p1 =	slt.u32 s9, $0xF7A;
	s5 =	simm.s32 @!p2 $0x0  }
0x1d: {  	s5 =	simm.s32 @p1 $0x1;
	p0 =	seq.s32 s7, s2  }
0x1e: {  	s7 =	smul.u32 @!p0 $0xF7A, s2;
	p2 =	seq.s32 @!p0 s5, $0x0  }
0x1f: {  	s9 =	smul.u32 $0xF7A, s1;
	s8 =	simm.s32 @!p0 $0x1BF5;
	p2 =	por !p2, p0  }
0x20: {  	[sflag:s8] =	ssyncset.s32 @!p0 $0xFFFFF086;
	s6 =	sadd.s32 @!p0 s3, s7;
	s7 =	simm.s32 @!p0 $0x108  }
0x21: {  	s3 =	sadd.s32 s3, s9;
	s6 =	sadd.s32 @!p0 $0x88, s6;
	s7 =	simm.s32 @p2 $0x1082  }
0x22: {  	[simem:s7], [sflag:s8] =	dma.local @!p0 [hbm:s6], $0xF7A  }
0x23: {  	s9 =	sor.u32 $0xD0000000, s2;
	s6 =	simm.s32 $0x108;
	_ =	swait.ge @!p0 [sflag:s8], $0x0  }
0x24: {  	s3 =	sadd.s32 $0x88, s3;
	s6 =	simm.s32 @!p1 $0x1082;
	[sflag:s4] =	ssyncset.s32 $0xFFFFF086  }
0x25: {  	[simem:s6], [sflag:s4] =	dma.local [hbm:s3], $0xF7A  }
0x26: {  	[smem:$0x3F90] =	sst s1;
	(tag) =	ssettag s2;
	_ =	strace s9  }
0x27: {  	s1 =	sld [smem:$0x3FA0]  }
0x28: {  	s2 =	sld [smem:$0x3FA1]  }
0x29: {  	s4 =	sld [smem:$0x3FA3]  }
0x2a: {  	p0 =	seq.s32 s5, $0x0;
	s5 =	sld [smem:$0x3FA4]  }
0x2b: {  	s6 =	sld [smem:$0x3FA5]  }
0x2c: {  	s7 =	sld [smem:$0x3FA6]  }
0x2d: {  	s3 =	simm.s32 $0x108;
	s8 =	sld [smem:$0x3FA7]  }
0x2e: {  	s3 =	simm.s32 @!p0 $0x1082;
	s9 =	sld [smem:$0x3FA8]  }
0x2f: {  	lr =	sadd.s32 s0, s3;
	s0 =	sld [smem:$0x3F9F]  }
0x30: {  	s3 =	sld [smem:$0x3FA2]  }
0x31: {  	[smem:$0x3FAB] =	sst s10  }
0x32: {  	s10 =	sld [smem:$0x3FA9];
	_ =	sdelay $0x3  }
0x33: {  	p0 =	seq.s32 s10, $0x1;
	s10 =	sld [smem:$0x3FAB];
	_ =	sdelay $0x3  }
0x34: {  	[smem:$0x3FAB] =	sst s10  }
0x35: {  	s10 =	sld [smem:$0x3FAA];
	_ =	sdelay $0x3  }
0x36: {  	p1 =	seq.s32 s10, $0x1;
	s10 =	sld [smem:$0x3FAB];
	_ =	sdelay $0x3  }
0x37: {  	[smem:$0x3FAB] =	sst s10  }
0x38: {  	s10 =	sld [smem:$0x3FAC]  }
0x39: {  	_ = 	snop;
	(pc) =	sbr.ind lr, $3  }
0x3a: {  	_ = 	snop  }
0x3b: {  	_ = 	snop  }
0x3c: {  	p2 =	seq.s32 s10, $0x1;
	s10 =	sld [smem:$0x3FAB]  }
0x3d: {  	_ =	shalt  }
0x3e: {  	_ =	shalt  }
0x3f: {  	_ =	shalt  }
0x40: {  	_ =	shalt  }
0x41: {  	_ =	shalt  }
0x42: {  	_ =	shalt  }
0x43: {  	_ =	shalt  }
0x44: {  	_ =	shalt  }
0x45: {  	_ =	shalt  }
0x46: {  	_ =	shalt  }
0x47: {  	_ =	shalt  }
0x48: {  	_ =	shalt  }
0x49: {  	_ =	shalt  }
0x4a: {  	_ =	shalt  }
0x4b: {  	_ =	shalt  }
0x4c: {  	_ =	shalt  }
0x4d: {  	_ =	shalt  }
0x4e: {  	_ =	shalt  }
0x4f: {  	_ =	shalt  }
0x50: {  	_ =	shalt  }
0x51: {  	_ =	shalt  }
0x52: {  	_ =	shalt  }
0x53: {  	_ =	shalt  }
0x54: {  	_ =	shalt  }
0x55: {  	_ =	shalt  }
0x56: {  	_ =	shalt  }
0x57: {  	_ =	shalt  }
0x58: {  	_ =	shalt  }
0x59: {  	_ =	shalt  }
0x5a: {  	_ =	shalt  }
0x5b: {  	_ =	shalt  }
0x5c: {  	_ =	shalt  }
0x5d: {  	_ =	shalt  }
0x5e: {  	_ =	shalt  }
0x5f: {  	_ =	shalt  }
0x60: {  	_ =	shalt  }
0x61: {  	_ =	shalt  }
0x62: {  	_ =	shalt  }
0x63: {  	_ =	shalt  }
0x64: {  	_ =	shalt  }
0x65: {  	_ =	shalt  }
0x66: {  	_ =	shalt  }
0x67: {  	_ =	shalt  }
0x68: {  	_ =	shalt  }
0x69: {  	_ =	shalt  }
0x6a: {  	_ =	shalt  }
0x6b: {  	_ =	shalt  }
0x6c: {  	_ =	shalt  }
0x6d: {  	_ =	shalt  }
0x6e: {  	_ =	shalt  }
0x6f: {  	_ =	shalt  }
0x70: {  	_ =	shalt  }
0x71: {  	_ =	shalt  }
0x72: {  	_ =	shalt  }
0x73: {  	_ =	shalt  }
0x74: {  	_ =	shalt  }
0x75: {  	_ =	shalt  }
0x76: {  	_ =	shalt  }
0x77: {  	_ =	shalt  }
0x78: {  	_ =	shalt  }
0x79: {  	_ =	shalt  }
0x7a: {  	_ =	shalt  }
0x7b: {  	_ =	shalt  }
0x7c: {  	_ =	shalt  }
0x7d: {  	_ =	shalt  }
0x7e: {  	_ =	shalt  }
0x7f: {  	_ =	shalt  }
0x80: {  	_ =	shalt  }
0x81: {  	_ =	shalt  }
0x82: {  	_ =	shalt  }
0x83: {  	_ =	shalt  }
0x84: {  	_ =	shalt  }
0x85: {  	_ =	shalt  }
0x86: {  	_ =	shalt  }
0x87: {  	_ =	shalt  }
.Lfunc_end0:
.L_simem_size_0:
called_computation_lowered:
.L_overlay_start_0:
0x88: {  	s2 =	sld [smem:$0x3FD9]  }
0x89: {  	s3 =	sld [smem:$0x3FFE];
	_ =	sdelay $0x1  }
0x8a: {  	s1 =	srdreg.scid  }
0x8b: {  	s0 =	sand.u32 $0x1, s1  }
0x8c: {  	s17 =	sshll.u32 s0, $0xA;
	s2 =	sadd.s32 s3, s2  }
0x8d: {  	s2 =	sadd.s32 s2, s17  }
0x8e: {  	[smem:$0x3FB7] =	sst s2  }
0x8f: {  	_ = 	snop  }
0x90: {  	s2 =	sld [smem:$0x3FC7]  }
0x91: {  	s18 =	sld [smem:$0x3FD0];
	(tm) =	ssettm $0x1  }
0x92: {  	s4 =	sld [smem:$0x3FFB];
	_ =	sdelay $0x3  }
0x93: {  	_ =	strace s4  }
0x94: {  	s4 =	sld [smem:$0x3FFC];
	_ =	sdelay $0x3  }
0x95: {  	_ =	strace s4  }
0x96: {  	s4 =	sld [smem:$0x3FFD];
	_ =	sdelay $0x3  }
0x97: {  	_ =	strace s4  }
0x98: {  	_ =	strace $0x8FFFFFFF  }
0x99: {  	s19 =	sld [smem:$0x3FDB];
	_ =	sdelay $0x1  }
0x9a: {  	s5 =	simm.s32 $_scs_section_size  }
0x9b: {  	s6 =	simm.s32 $_size__tile_overlayer_lowered;
	s7 =	simm.s32 $_tile_overlayer_lowered  }
0x9c: {  	s22 =	simm.s32 $0x1BFF;
	s21 =	sshll.u32 s7, $0x1;
	s4 =	sadd.s32 s5, s19  }
0x9d: {  	s8 =	simm.s32 $0x0;
	s20 =	sshll.u32 s6, $0x1;
	s6 =	sadd.s32 s21, s4  }
0x9e: {  	[timem:s8], [sflag:s22] =	dma.local [hbm:s6], s20  }
0x9f: {  	_ =	swait.ge [sflag:s22], s20  }
0xa0: {  	s5 =	ssub.s32 $0x0, s20;
	[sflag:s22] =	ssyncset.done $0x0  }
0xa1: {  	[sflag:s22] =	ssyncadd.s32 s5;
	_ =	sdelay $0x1  }
0xa2: {  	s23 =	simm.s32 $0x1B8B  }
0xa3: {  	_ =	swait.ge [sflag:s23], $0x1  }
0xa4: {  	[sflag:s23] =	ssyncset.done $0x0  }
0xa5: {  	s25 =	simm.s32 $0x1B8E;
	s24 =	sld [smem:$0x3FFE];
	[sflag:s23] =	ssyncadd.s32 $0xFFFFFFFF  }
0xa6: {  	s26 =	simm.s32 $execute0_lowered;
	[smem:$0x3FD2] =	sst s25  }
0xa7: {  	s6 =	sshll.u32 s26, $0x1;
	_ =	strace $0x80000046;
	[dreg:$0x1] =	wrdreg $0xFFFFFFFF  }
0xa8: {  	s28 =	simm.s32 $_size_execute0_lowered;
	s4 =	sadd.s32 s4, s6;
	[dreg:$0x0] =	wrdreg $0x0  }
0xa9: {  	s6 =	sshll.u32 s28, $0x1;
	[dreg:$0x2] =	wrdreg s4  }
0xaa: {  	[dreg:$0x3] =	wrdreg s6  }
0xab: {  	[dreg:$0x4] =	wrdreg $0xC0  }
0xac: {  	_ =	task [dreg:s8], $0x5FFFF  }
0xad: {  	[dreg:$0x1] =	wrdreg $0xFFFFFFFF  }
0xae: {  	[dreg:$0x0] =	wrdreg $0x60  }
0xaf: {  	[dreg:$0x2] =	wrdreg s24  }
0xb0: {  	[dreg:$0x3] =	wrdreg s2  }
0xb1: {  	[dreg:$0x4] =	wrdreg s18  }
0xb2: {  	[dreg:$0x5] =	wrdreg $0x78C00  }
0xb3: {  	[dreg:$0x6] =	wrdreg $0x9  }
0xb4: {  	_ =	task.clear_ibuf [dreg:s8], $0x7FFFF;
	_ =	strace $0x90000046  }
0xb5: {  	s29 =	simm.s32 $0x9;
	_ =	strace $0x80000048  }
0xb6: {  	_ =	swait.ge [sflag:s29], $0x1  }
0xb7: {  	[sflag:s29] =	ssyncadd.s32 $0xFFFFFFFF  }
0xb8: {  	_ =	strace $0x90000048  }
0xb9: {  	_ =	sfence  }
0xba: {  	s30 =	sld [smem:$0x0];
	_ =	sdelay $0x2  }
0xbb: {  	s31 =	sshll.u32 s1, $0xD;
	s1 =	sshrl.u32 s1, $0x2  }
0xbc: {  	s3 =	sand.u32 $0x4000, s31;
	s1 =	sadd.s32 s1, s30  }
0xbd: {  	s0 =	sor.u32 s3, s0;
	s1 =	sshll.u32 s1, $0x11  }
0xbe: {  	s0 =	sor.u32 s1, s0  }
0xbf: {  	s0 =	sadd.s32 $0x8F2B, s0  }
0xc0: {  	[sflag:s0] =	ssyncadd.remote.s32 $0x1  }
0xc1: {  	_ =	sfence.sel $0xFFFF  }
0xc2: {  	[dreg:$0x0] =	wrdreg $0xFFFFFFFF;
	(pc) =	sbr.abs _section_cstart, $3  }
0xc3: {  	[dreg:$0x1] =	wrdreg $0xFFFFFFFF  }
0xc4: {  	_ =	task.clear_ibuf [dreg:s8], $0x2FFFF;
	_ =	strace $0x9FFFFFFF  }
0xc5: {  	(tm) =	ssettm $0x7FFFFFFF  }
tec
execute0_lowered:
.L_overlay_start_1:
0x0: {  	(tag) =	ssettag $0x1  }
0x1: {  	s0 =	rddreg [dreg:$0x0]  }
0x2: {  	s1 =	rddreg [dreg:$0x1]  }
0x3: {  	s2 =	rddreg [dreg:$0x2]  }
0x4: {  	s3 =	rddreg [dreg:$0x3];
	s5 =	simm.s32 $0x0;
	s7 =	srdreg.scid  }
0x5: {  	s4 =	stileid.u32;
	s18 =	simm.s32 $0x51C0;
	s19 =	simm.s32 $0x190  }
0x6: {  	s20 =	simm.s32 $0x320;
	s21 =	simm.s32 $0x4FB0;
	s22 =	simm.s32 $0x36B0  }
0x7: {  	s23 =	simm.s32 $0x0;
	[smem:$0x7FF] =	sst s5;
	s6 =	sadd.s32 $0xC400, s0  }
0x8: {  	s12 =	sand.u32 $0x1, s7;
	s13 =	smul.u32 $0x4E0, s4;
	s8 =	sadd.s32 $0x14EA00, s0  }
0x9: {  	s7 =	sadd.s32 $0x2600, s0;
	s10 =	sadd.s32 $0x15D800, s0;
	s15 =	smul.u32 $0x9C00, s4  }
0xa: {  	s9 =	sadd.s32 $0x2400, s0;
	s11 =	sadd.s32 $0x1F9C00, s0;
	s30 =	smul.u32 $0x2710, s4  }
0xb: {  	_ =	strace $0x80000047;
	s14 =	smul.u32 $0x4E20, s12;
	s16 =	ssub.s32 $0x2, s12  }
0xc: {  	s17 =	smul.u32 $0x27100, s12;
	s29 =	sshrl.u32 s16, $0x1;
	s31 =	sshrl.u32 s15, $0x2  }
0xd: {  	s28 =	sadd.s32 s13, s14;
	s16 =	ssub.s32 s16, s29;
	s12 =	sadd.s32 s31, s3  }
0xe: {  	s13 =	sadd.s32 s30, s17;
	s17 =	simm.s32 $0x1;
	s0 =	sadd.s32 s28, s0  }
0xf: {  	v0 =	vimm.f32 $0.0e+00;
	v1 =	vlaneseq.u32;
	vm0 =	vmmov $0xff;
	s15 =	smax.u32 s16, $0x1;
	s16 =	simm.s32 $0x5140;
	s14 =	sadd.s32 $0x153A00, s0  }
.LBB2_1:
0x10: {  	s0 =	simm.s32 $0x40;
	s24 =	simm.s32 $0x0  }
.LBB2_2:
0x11: {  	p0 =	sne.s32 s0, $0x9BC0;
	[tilespmem:s24+$0x51C0] =	vst v0;
	s24 =	smov.u32 s0;
	s0 =	sadd.s32 $0x40, s0  }
.Ltmp0:
0x12: {  	(pc) =	sbr.rel @p0 .LBB2_2-.Ltmp0, $2  }
0x13: {  	_ =	sdelay $0x2  }
0x14: {  	s24 =	sshra.s32 s24, $0x2  }
0x15: {  	[tilespmem:s24+$0x51C0] =	vst v0;
	s24 =	simm.s32 $0x0  }
0x16: {  	[tilespmem:s16], [sflag:$0x1] =	stream.linear.gather [hbm4b:s9+s24], $0x80, $0x38;
	[tilespmem:$0x9FD0] =	vst v63  }
0x17: {  	_ =	swait.ge [sflag:s17], $0x80  }
0x18: {  	[sflag:s17] =	ssyncset.done $0x0  }
0x19: {  	[sflag:s17] =	ssyncadd.s32 $0xFFFFFF80  }
0x1a: {  	[spmem:s12] =	stream.linear.scatter [tilespmem:s18], [sflag:$0x1], $0x2700, $0x38;
	[tilespmem:$0x9FD0] =	vst v63  }
0x1b: {  	_ =	swait.ge [sflag:s17], $0x2700  }
0x1c: {  	[sflag:s17] =	ssyncset.done $0x0  }
0x1d: {  	[sflag:s17] =	ssyncadd.s32 $0xFFFFD900  }
0x1e: {  	s25 =	simm.s32 $0x0;
	[bflag:$0x0] =	sbarrier.arrive $0xFFFF  }
.LBB2_4:
0x1f: {  	s0 =	smul.u32 $0x190, s25;
	_ =	sdelay $0x1  }
0x20: {  	s28 =	sadd.s32 s0, s13  }
0x21: {  	s26 =	sshrl.u32 s28, $0x3  }
0x22: {  	s0 =	sadd.s32 s6, s26  }
0x23: {  	[tilespmem:s24], [sflag:$0x1] =	stream.linear.gather [hbm4b:s0+s24], $0x190, $0x38;
	[tilespmem:$0x9FD0] =	vst v63  }
0x24: {  	_ =	swait.ge [sflag:s17], $0x190  }
0x25: {  	[sflag:s17] =	ssyncset.done $0x0  }
0x26: {  	s0 =	sadd.s32 s7, s26;
	[sflag:s17] =	ssyncadd.s32 $0xFFFFFE70  }
0x27: {  	[tilespmem:s19], [sflag:$0x1] =	stream.linear.gather [hbm4b:s0+s24], $0x190, $0x38;
	[tilespmem:$0x9FD0] =	vst v63  }
0x28: {  	_ =	swait.ge [sflag:s17], $0x190  }
0x29: {  	[sflag:s17] =	ssyncset.done $0x0  }
0x2a: {  	s0 =	sadd.s32 s1, s26;
	[sflag:s17] =	ssyncadd.s32 $0xFFFFFE70  }
0x2b: {  	[tilespmem:s20], [sflag:$0x1] =	stream.linear.gather [hbm4b:s0+s24], $0x190, $0x38;
	[tilespmem:$0x9FD0] =	vst v63  }
0x2c: {  	_ =	swait.ge [sflag:s17], $0x190  }
0x2d: {  	[sflag:s17] =	ssyncset.done $0x0  }
0x2e: {  	s0 =	simm.s32 $0x4B0;
	[sflag:s17] =	ssyncadd.s32 $0xFFFFFE70  }
0x2f: {  	[tilespmem:s0], [sflag:$0x1] =	stream.indirect.gather [hbm4b:s2+s19], $0x10, s24, s19, $0xb8;
	[tilespmem:$0x9FD0] =	vst v63  }
0x30: {  	_ =	swait.ge [sflag:s17], $0x1900  }
0x31: {  	[sflag:s17] =	ssyncset.done $0x0  }
0x32: {  	s29 =	simm.s32 $0x1DB0;
	v3 =	vmov s24;
	[sflag:s17] =	ssyncadd.s32 $0xFFFFE700  }
0x33: {  	[tilespmem:s29], [sflag:$0x1] =	stream.indirect.gather [hbm4b:s8+s19], $0x10, s19, s19, $0xb8;
	[tilespmem:$0x9FD0] =	vst v63  }
0x34: {  	_ =	swait.ge [sflag:s17], $0x1900  }
0x35: {  	[sflag:s17] =	ssyncset.done $0x0  }
0x36: {  	[sflag:s17] =	ssyncadd.s32 $0xFFFFE700  }
0x37: {  	v2 =	vld.idx.msk [tilespmem:v3+s20+$0x0], $0xffff;
	_ =	sdelay $0x4  }
0x38: {  	v2 =	vshll.u32 v2, $0x4  }
0x39: {  	v2 =	vor.u32 v1, v2;
	_ =	sdelay $0x1  }
0x3a: {  	v4 =	vld [tilespmem:s0+$0x0]  }
0x3b: {  	v5 =	vld [tilespmem:s29+$0x0];
	_ =	sdelay $0x1  }
0x3c: {  	v2 =	vld.idx.msk [tilespmem:v2+s16+$0x0], $0xffff;
	_ =	sdelay $0x2  }
0x3d: {  	v4 =	vadd.f32 v5, v4;
	_ =	sdelay $0x1  }
0x3e: {  	v2 =	vadd.f32 v4, v2;
	_ =	sdelay $0x1  }
0x3f: {  	v4 =	vmul.f32 $2.000000030e-01, v2;
	_ =	sdelay $0x1  }
0x40: {  	v2 =	vmax.f32 v2, v4  }
0x41: {  	v2 =	vmul.f32 $1.442695020e+00, v2;
	_ =	sdelay $0x1  }
0x42: {  	(erf) = vpow2.f32 v2;
	_ =	sdelay $0x6  }
0x43: {  	s0 =	simm.s32 $0x1  }
0x44: {  	v2 =	vmov s0  }
0x45: {  	v4 =	vpop (erf)  }
0x46: {  	s29 =	simm.s32 $0x36B0;
	v4 =	vnsel vm0, $0x0, v4  }
0x47: {  	[tilespmem:s29+$0x0] =	vst v4  }
0x48: {  	[tilespmem:v3+s21+$0x0] =	vst.idx.msk $0x1, v4  }
0x49: {  	v3 =	vld.idx.msk [tilespmem:v2+s20+$0x0], $0xffff;
	_ =	sdelay $0x4  }
0x4a: {  	v3 =	vshll.u32 v3, $0x4  }
0x4b: {  	v3 =	vor.u32 v1, v3  }
0x4c: {  	s30 =	simm.s32 $0x4C0  }
0x4d: {  	s31 =	simm.s32 $0x1DC0;
	v4 =	vld [tilespmem:s30+$0x0]  }
0x4e: {  	v5 =	vld [tilespmem:s31+$0x0];
	_ =	sdelay $0x1  }
0x4f: {  	v3 =	vld.idx.msk [tilespmem:v3+s16+$0x0], $0xffff;
	_ =	sdelay $0x2  }
0x50: {  	v4 =	vadd.f32 v5, v4;
	_ =	sdelay $0x1  }
0x51: {  	v3 =	vadd.f32 v4, v3;
	_ =	sdelay $0x1  }
0x52: {  	v4 =	vmul.f32 $2.000000030e-01, v3;
	_ =	sdelay $0x1  }
0x53: {  	v3 =	vmax.f32 v3, v4  }
0x54: {  	v3 =	vmul.f32 $1.442695020e+00, v3;
	_ =	sdelay $0x1  }
0x55: {  	(erf) = vpow2.f32 v3;
	_ =	sdelay $0x7  }
0x56: {  	s0 =	simm.s32 $0x2  }
0x57: {  	v3 =	vmov s0;
	s0 =	simm.s32 $0x3;
	v4 =	vpop (erf)  }
.LBB2_5:
0x58: {  	p0 =	sne.s32 s0, $0x18F;
	v4 =	vnsel vm0, $0x0, v4;
	s29 =	sadd.s32 $0x10, s29  }
0x59: {  	[tilespmem:s29+$0x0] =	vst v4  }
0x5a: {  	[tilespmem:v2+s21+$0x0] =	vst.idx.msk $0x1, v4;
	v2 =	vmov v3  }
0x5b: {  	v3 =	vld.idx.msk [tilespmem:v3+s20+$0x0], $0xffff;
	_ =	sdelay $0x5  }
0x5c: {  	v3 =	vshll.u32 v3, $0x4  }
0x5d: {  	v3 =	vor.u32 v1, v3;
	_ =	sdelay $0x1  }
0x5e: {  	s30 =	sadd.s32 $0x10, s30  }
0x5f: {  	s31 =	sadd.s32 $0x10, s31;
	v4 =	vld [tilespmem:s30+$0x0]  }
0x60: {  	v5 =	vld [tilespmem:s31+$0x0]  }
0x61: {  	v3 =	vld.idx.msk [tilespmem:v3+s16+$0x0], $0xffff;
	_ =	sdelay $0x3  }
0x62: {  	v4 =	vadd.f32 v5, v4;
	_ =	sdelay $0x1  }
0x63: {  	v3 =	vadd.f32 v4, v3;
	_ =	sdelay $0x1  }
0x64: {  	v4 =	vmul.f32 $2.000000030e-01, v3;
	_ =	sdelay $0x1  }
0x65: {  	v3 =	vmax.f32 v3, v4  }
0x66: {  	v3 =	vmul.f32 $1.442695020e+00, v3;
	_ =	sdelay $0x1  }
0x67: {  	(erf) = vpow2.f32 v3;
	_ =	sdelay $0x4  }
.Ltmp1:
0x68: {  	(pc) =	sbr.rel @p0 .LBB2_5-.Ltmp1, $3  }
0x69: {  	_ =	sdelay $0x1  }
0x6a: {  	v3 =	vmov s0  }
0x6b: {  	s0 =	sadd.s32 $0x1, s0;
	v4 =	vpop (erf)  }
0x6c: {  	_ =	sdelay $0x1  }
0x6d: {  	v4 =	vnsel vm0, $0x0, v4;
	s0 =	sadd.s32 $0x10, s29  }
0x6e: {  	[tilespmem:s0+$0x0] =	vst v4  }
0x6f: {  	[tilespmem:v2+s21+$0x0] =	vst.idx.msk $0x1, v4  }
0x70: {  	v2 =	vld.idx.msk [tilespmem:v3+s20+$0x0], $0xffff;
	_ =	sdelay $0x4  }
0x71: {  	v2 =	vshll.u32 v2, $0x4  }
0x72: {  	v2 =	vor.u32 v1, v2  }
0x73: {  	s30 =	sadd.s32 $0x10, s30  }
0x74: {  	s31 =	sadd.s32 $0x10, s31;
	v4 =	vld [tilespmem:s30+$0x0]  }
0x75: {  	v5 =	vld [tilespmem:s31+$0x0];
	_ =	sdelay $0x1  }
0x76: {  	v2 =	vld.idx.msk [tilespmem:v2+s16+$0x0], $0xffff;
	_ =	sdelay $0x2  }
0x77: {  	v4 =	vadd.f32 v5, v4;
	_ =	sdelay $0x1  }
0x78: {  	v2 =	vadd.f32 v4, v2;
	_ =	sdelay $0x1  }
0x79: {  	v4 =	vmul.f32 $2.000000030e-01, v2;
	_ =	sdelay $0x1  }
0x7a: {  	v2 =	vmax.f32 v2, v4  }
0x7b: {  	v2 =	vmul.f32 $1.442695020e+00, v2;
	_ =	sdelay $0x1  }
0x7c: {  	(erf) = vpow2.f32 v2;
	_ =	sdelay $0x8  }
0x7d: {  	v2 =	vpop (erf)  }
0x7e: {  	s0 =	sadd.s32 $0x10, s0;
	v2 =	vnsel vm0, $0x0, v2  }
0x7f: {  	[tilespmem:s0+$0x0] =	vst v2  }
0x80: {  	[tilespmem:v3+s21+$0x0] =	vst.idx.msk $0x1, v2  }
0x81: {  	[spmem:s3] =	stream.indirect.scatter.add.f32 [tilespmem:s22], [sflag:$0x1], $0x10, s19, s19, $0xb8;
	[tilespmem:$0x9FD0] =	vst v63  }
0x82: {  	_ =	swait.ge [sflag:s17], $0x1900  }
0x83: {  	s30 =	sshll.u32 s28, $0x1;
	[sflag:s17] =	ssyncset.done $0x0  }
0x84: {  	s0 =	sadd.s32 s10, s30;
	[sflag:s17] =	ssyncadd.s32 $0xFFFFE700  }
0x85: {  	[hbm4b:s0+s5] =	stream.linear.scatter [tilespmem:s22], [sflag:$0x1], $0x1900, $0x38;
	[tilespmem:$0x9FD0] =	vst v63  }
0x86: {  	s25 =	sadd.s32 $0x1, s25;
	_ =	swait.ge [sflag:s17], $0x1900  }
0x87: {  	p0 =	sne.s32 s25, $0x19;
	[sflag:s17] =	ssyncset.done $0x0  }
.Ltmp2:
0x88: {  	s31 =	sadd.s32 s11, s26;
	[sflag:s17] =	ssyncadd.s32 $0xFFFFE700;
	(pc) =	sbr.rel @p0 .LBB2_4-.Ltmp2, $4  }
0x89: {  	[hbm4b:s31+s5] =	stream.linear.scatter [tilespmem:s21], [sflag:$0x1], $0x190, $0x38;
	[tilespmem:$0x9FD0] =	vst v63  }
0x8a: {  	_ =	swait.ge [sflag:s17], $0x190  }
0x8b: {  	[sflag:s17] =	ssyncset.done $0x0  }
0x8c: {  	[sflag:s17] =	ssyncadd.s32 $0xFFFFFE70  }
0x8d: {  	s23 =	sadd.s32 $0x1, s23  }
0x8e: {  	s0 =	sshll.u32 s4, $0x6;
	[bflag:$0x0] =	sbarrier.arrive $0xFFFF;
	p0 =	sne.s32 s23, s15  }
.Ltmp3:
0x8f: {  	s24 =	sshrl.u32 s12, $0x3;
	s0 =	sor.u32 $0x1C01, s0;
	(pc) =	sbr.rel @p0 .LBB2_1-.Ltmp3, $4  }
0x90: {  	[hbm:s14], [sflag:s0] =	dma.local [spmem:s24], $0x4E0  }
0x91: {  	_ =	swait.ge [sflag:s17], $0x4E0  }
0x92: {  	[sflag:s17] =	ssyncset.done $0x0  }
0x93: {  	[sflag:s17] =	ssyncadd.s32 $0xFFFFFB20  }
0x94: {  	_ =	sfence.sel $0x180000  }
0x95: {  	[bflag:$0x0] =	sbarrier.arrive $0xFFFF  }
0x96: {  	_ =	strace $0x90000047  }
0x97: {  	[bflag:$0x2] =	sbarrier.arrive $0xFFFF  }
0x98: {  	p0 =	sne.s32 s4, $0x0;
	s0 =	rddreg [dreg:$0x4]  }
0x99: {  	s0 =	sadd.s32 @!p0 $0x100000, s0  }
0x9a: {  	[sflag:s0] =	ssyncadd.tile.s32 @!p0 $0x1;
	_ =	shalt  }
.Lfunc_end2:
_tile_overlayer_lowered:
.L_overlay_start_2:
0x9b: {  	(tag) =	ssettag $0x2  }
0x9c: {  	s0 =	rddreg [dreg:$0x0];
	s2 =	stileid.u32  }
0x9d: {  	s1 =	rddreg [dreg:$0x1];
	p0 =	sne.s32 s2, $0x0  }
0x9e: {  	s3 =	rddreg [dreg:$0x2];
	[bflag:$0x3] =	sbarrier.arrive $0xFFFF;
	s2 =	simm.s32 @!p0 $0x1C01  }
0x9f: {  	[timem:s3], [sflag:s2] =	dma.local @!p0 [hbm:s0], s1  }
0xa0: {  	s0 =	simm.s32 @!p0 $0x1  }
0xa1: {  	_ =	swait.ge @!p0 [sflag:s0], s1  }
0xa2: {  	s1 =	ssub.s32 @!p0 $0x0, s1;
	[sflag:s0] =	ssyncset.done @!p0 $0x0  }
0xa3: {  	[sflag:s0] =	ssyncadd.s32 @!p0 s1  }
0xa4: {  	[bflag:$0x3] =	sbarrier.arrive $0xFFFF  }
0xa5: {  	_ =	shalt  }

// kernel: kernel.14.cloned.1.call-start
scs
__scs_entry_jumppad:
0x0: {  	(pc) =	sbr.rel $0x88, $3  }
0x1: {  	(tag) =	ssettag $0x0;
	lr =	simm.s32 $0x1  }
0x2: {  	[smem:$0x3F90] =	sst lr;
	_ =	strace $0xD0000000  }
0x3: {  	_ = 	snop  }
0x4: {  	_ = 	snop  }
0x5: {  	_ = 	snop  }
0x6: {  	_ = 	snop  }
0x7: {  	_ = 	snop  }
__scs_overlays_trampoline_lowered:
0x8: {  	[smem:$0x3F9F] =	sst s0  }
0x9: {  	[smem:$0x3FA0] =	sst s1  }
0xa: {  	[smem:$0x3FA1] =	sst s2  }
0xb: {  	[smem:$0x3FA2] =	sst s3  }
0xc: {  	[smem:$0x3FA3] =	sst s4  }
0xd: {  	[smem:$0x3FA4] =	sst s5  }
0xe: {  	[smem:$0x3FA5] =	sst s6  }
0xf: {  	[smem:$0x3FA6] =	sst s7  }
0x10: {  	[smem:$0x3FA7] =	sst s8  }
0x11: {  	[smem:$0x3FA8] =	sst s9;
	s0 =	simm.s32 @!p0 $0x0  }
0x12: {  	s1 =	sld [smem:$0x3F8E];
	s0 =	simm.s32 @p0 $0x1  }
0x13: {  	[smem:$0x3FA9] =	sst s0;
	s0 =	simm.s32 @!p1 $0x0  }
0x14: {  	s2 =	sld [smem:$0x3F8D];
	s0 =	simm.s32 @p1 $0x1  }
0x15: {  	[smem:$0x3FAA] =	sst s0;
	s0 =	simm.s32 @!p2 $0x0  }
0x16: {  	s3 =	sld [smem:$0x3FDB];
	s0 =	simm.s32 @p2 $0x1  }
0x17: {  	s4 =	simm.s32 $0x1BF5;
	[smem:$0x3FAC] =	sst s0  }
0x18: {  	s0 =	sld [smem:$0x3F8F];
	_ =	swait.ge [sflag:s4], $0x0  }
0x19: {  	s7 =	sld [smem:$0x3F90]  }
0x1a: {  	s8 =	sadd.s32 $0xFFFFE003, lr  }
0x1b: {  	s9 =	sadd.s32 $0xFFFFFEF7, lr;
	s5 =	simm.s32 $0xFFFFFFFF;
	p2 =	slt.u32 s8, $0xFFFFF086  }
0x1c: {  	p1 =	slt.u32 s9, $0xF7A;
	s5 =	simm.s32 @!p2 $0x0  }
0x1d: {  	s5 =	simm.s32 @p1 $0x1;
	p0 =	seq.s32 s7, s2  }
0x1e: {  	s7 =	smul.u32 @!p0 $0xF7A, s2;
	p2 =	seq.s32 @!p0 s5, $0x0  }
0x1f: {  	s9 =	smul.u32 $0xF7A, s1;
	s8 =	simm.s32 @!p0 $0x1BF5;
	p2 =	por !p2, p0  }
0x20: {  	[sflag:s8] =	ssyncset.s32 @!p0 $0xFFFFF086;
	s6 =	sadd.s32 @!p0 s3, s7;
	s7 =	simm.s32 @!p0 $0x108  }
0x21: {  	s3 =	sadd.s32 s3, s9;
	s6 =	sadd.s32 @!p0 $0x88, s6;
	s7 =	simm.s32 @p2 $0x1082  }
0x22: {  	[simem:s7], [sflag:s8] =	dma.local @!p0 [hbm:s6], $0xF7A  }
0x23: {  	s9 =	sor.u32 $0xD0000000, s2;
	s6 =	simm.s32 $0x108;
	_ =	swait.ge @!p0 [sflag:s8], $0x0  }
0x24: {  	s3 =	sadd.s32 $0x88, s3;
	s6 =	simm.s32 @!p1 $0x1082;
	[sflag:s4] =	ssyncset.s32 $0xFFFFF086  }
0x25: {  	[simem:s6], [sflag:s4] =	dma.local [hbm:s3], $0xF7A  }
0x26: {  	[smem:$0x3F90] =	sst s1;
	(tag) =	ssettag s2;
	_ =	strace s9  }
0x27: {  	s1 =	sld [smem:$0x3FA0]  }
0x28: {  	s2 =	sld [smem:$0x3FA1]  }
0x29: {  	s4 =	sld [smem:$0x3FA3]  }
0x2a: {  	p0 =	seq.s32 s5, $0x0;
	s5 =	sld [smem:$0x3FA4]  }
0x2b: {  	s6 =	sld [smem:$0x3FA5]  }
0x2c: {  	s7 =	sld [smem:$0x3FA6]  }
0x2d: {  	s3 =	simm.s32 $0x108;
	s8 =	sld [smem:$0x3FA7]  }
0x2e: {  	s3 =	simm.s32 @!p0 $0x1082;
	s9 =	sld [smem:$0x3FA8]  }
0x2f: {  	lr =	sadd.s32 s0, s3;
	s0 =	sld [smem:$0x3F9F]  }
0x30: {  	s3 =	sld [smem:$0x3FA2]  }
0x31: {  	[smem:$0x3FAB] =	sst s10  }
0x32: {  	s10 =	sld [smem:$0x3FA9];
	_ =	sdelay $0x3  }
0x33: {  	p0 =	seq.s32 s10, $0x1;
	s10 =	sld [smem:$0x3FAB];
	_ =	sdelay $0x3  }
0x34: {  	[smem:$0x3FAB] =	sst s10  }
0x35: {  	s10 =	sld [smem:$0x3FAA];
	_ =	sdelay $0x3  }
0x36: {  	p1 =	seq.s32 s10, $0x1;
	s10 =	sld [smem:$0x3FAB];
	_ =	sdelay $0x3  }
0x37: {  	[smem:$0x3FAB] =	sst s10  }
0x38: {  	s10 =	sld [smem:$0x3FAC]  }
0x39: {  	_ = 	snop;
	(pc) =	sbr.ind lr, $3  }
0x3a: {  	_ = 	snop  }
0x3b: {  	_ = 	snop  }
0x3c: {  	p2 =	seq.s32 s10, $0x1;
	s10 =	sld [smem:$0x3FAB]  }
0x3d: {  	_ =	shalt  }
0x3e: {  	_ =	shalt  }
0x3f: {  	_ =	shalt  }
0x40: {  	_ =	shalt  }
0x41: {  	_ =	shalt  }
0x42: {  	_ =	shalt  }
0x43: {  	_ =	shalt  }
0x44: {  	_ =	shalt  }
0x45: {  	_ =	shalt  }
0x46: {  	_ =	shalt  }
0x47: {  	_ =	shalt  }
0x48: {  	_ =	shalt  }
0x49: {  	_ =	shalt  }
0x4a: {  	_ =	shalt  }
0x4b: {  	_ =	shalt  }
0x4c: {  	_ =	shalt  }
0x4d: {  	_ =	shalt  }
0x4e: {  	_ =	shalt  }
0x4f: {  	_ =	shalt  }
0x50: {  	_ =	shalt  }
0x51: {  	_ =	shalt  }
0x52: {  	_ =	shalt  }
0x53: {  	_ =	shalt  }
0x54: {  	_ =	shalt  }
0x55: {  	_ =	shalt  }
0x56: {  	_ =	shalt  }
0x57: {  	_ =	shalt  }
0x58: {  	_ =	shalt  }
0x59: {  	_ =	shalt  }
0x5a: {  	_ =	shalt  }
0x5b: {  	_ =	shalt  }
0x5c: {  	_ =	shalt  }
0x5d: {  	_ =	shalt  }
0x5e: {  	_ =	shalt  }
0x5f: {  	_ =	shalt  }
0x60: {  	_ =	shalt  }
0x61: {  	_ =	shalt  }
0x62: {  	_ =	shalt  }
0x63: {  	_ =	shalt  }
0x64: {  	_ =	shalt  }
0x65: {  	_ =	shalt  }
0x66: {  	_ =	shalt  }
0x67: {  	_ =	shalt  }
0x68: {  	_ =	shalt  }
0x69: {  	_ =	shalt  }
0x6a: {  	_ =	shalt  }
0x6b: {  	_ =	shalt  }
0x6c: {  	_ =	shalt  }
0x6d: {  	_ =	shalt  }
0x6e: {  	_ =	shalt  }
0x6f: {  	_ =	shalt  }
0x70: {  	_ =	shalt  }
0x71: {  	_ =	shalt  }
0x72: {  	_ =	shalt  }
0x73: {  	_ =	shalt  }
0x74: {  	_ =	shalt  }
0x75: {  	_ =	shalt  }
0x76: {  	_ =	shalt  }
0x77: {  	_ =	shalt  }
0x78: {  	_ =	shalt  }
0x79: {  	_ =	shalt  }
0x7a: {  	_ =	shalt  }
0x7b: {  	_ =	shalt  }
0x7c: {  	_ =	shalt  }
0x7d: {  	_ =	shalt  }
0x7e: {  	_ =	shalt  }
0x7f: {  	_ =	shalt  }
0x80: {  	_ =	shalt  }
0x81: {  	_ =	shalt  }
0x82: {  	_ =	shalt  }
0x83: {  	_ =	shalt  }
0x84: {  	_ =	shalt  }
0x85: {  	_ =	shalt  }
0x86: {  	_ =	shalt  }
0x87: {  	_ =	shalt  }
.Lfunc_end0:
.L_simem_size_0:
called_computation.1_lowered:
.L_overlay_start_0:
0x88: {  	s2 =	sld [smem:$0x3FD9]  }
0x89: {  	s3 =	sld [smem:$0x3FFE];
	_ =	sdelay $0x1  }
0x8a: {  	s1 =	srdreg.scid  }
0x8b: {  	s0 =	sand.u32 $0x1, s1  }
0x8c: {  	s16 =	sshll.u32 s0, $0xA;
	s2 =	sadd.s32 s3, s2  }
0x8d: {  	s2 =	sadd.s32 s2, s16  }
0x8e: {  	[smem:$0x3FB7] =	sst s2  }
0x8f: {  	_ = 	snop  }
0x90: {  	(tm) =	ssettm $0x1  }
0x91: {  	s17 =	sld [smem:$0x3FFB];
	_ =	sdelay $0x3  }
0x92: {  	_ =	strace s17  }
0x93: {  	s2 =	sld [smem:$0x3FFC];
	_ =	sdelay $0x3  }
0x94: {  	_ =	strace s2  }
0x95: {  	s2 =	sld [smem:$0x3FFD];
	_ =	sdelay $0x3  }
0x96: {  	_ =	strace s2  }
0x97: {  	_ =	strace $0x8FFFFFFF  }
0x98: {  	s18 =	sld [smem:$0x3FDB];
	_ =	sdelay $0x1  }
0x99: {  	s19 =	simm.s32 $_scs_section_size  }
0x9a: {  	s4 =	simm.s32 $_size__tile_overlayer_lowered;
	s5 =	simm.s32 $_tile_overlayer_lowered  }
0x9b: {  	s22 =	simm.s32 $0x1BFF;
	s21 =	sshll.u32 s5, $0x1;
	s2 =	sadd.s32 s19, s18  }
0x9c: {  	s6 =	simm.s32 $0x0;
	s20 =	sshll.u32 s4, $0x1;
	s4 =	sadd.s32 s21, s2  }
0x9d: {  	[timem:s6], [sflag:s22] =	dma.local [hbm:s4], s20  }
0x9e: {  	_ =	swait.ge [sflag:s22], s20  }
0x9f: {  	s3 =	ssub.s32 $0x0, s20;
	[sflag:s22] =	ssyncset.done $0x0  }
0xa0: {  	[sflag:s22] =	ssyncadd.s32 s3;
	_ =	sdelay $0x1  }
0xa1: {  	s23 =	simm.s32 $0x1B8B  }
0xa2: {  	_ =	swait.ge [sflag:s23], $0x1  }
0xa3: {  	[sflag:s23] =	ssyncset.done $0x0  }
0xa4: {  	s25 =	simm.s32 $0x1B8E;
	s24 =	sld [smem:$0x3FFE];
	[sflag:s23] =	ssyncadd.s32 $0xFFFFFFFF  }
0xa5: {  	s26 =	simm.s32 $execute0_lowered;
	[smem:$0x3FD2] =	sst s25  }
0xa6: {  	s4 =	sshll.u32 s26, $0x1;
	_ =	strace $0x80000049;
	[dreg:$0x1] =	wrdreg $0xFFFFFFFF  }
0xa7: {  	s28 =	simm.s32 $_size_execute0_lowered;
	s2 =	sadd.s32 s2, s4;
	[dreg:$0x0] =	wrdreg $0x0  }
0xa8: {  	s4 =	sshll.u32 s28, $0x1;
	[dreg:$0x2] =	wrdreg s2  }
0xa9: {  	[dreg:$0x3] =	wrdreg s4  }
0xaa: {  	[dreg:$0x4] =	wrdreg $0xC0  }
0xab: {  	_ =	task [dreg:s6], $0x5FFFF  }
0xac: {  	[dreg:$0x1] =	wrdreg $0xFFFFFFFF  }
0xad: {  	[dreg:$0x0] =	wrdreg $0x60  }
0xae: {  	[dreg:$0x2] =	wrdreg s24  }
0xaf: {  	[dreg:$0x3] =	wrdreg $0xA0F00  }
0xb0: {  	[dreg:$0x4] =	wrdreg $0x9  }
0xb1: {  	_ =	task.clear_ibuf [dreg:s6], $0x5FFFF;
	_ =	strace $0x90000049  }
0xb2: {  	s29 =	simm.s32 $0x9;
	_ =	strace $0x8000004B  }
0xb3: {  	_ =	swait.ge [sflag:s29], $0x1  }
0xb4: {  	[sflag:s29] =	ssyncadd.s32 $0xFFFFFFFF  }
0xb5: {  	_ =	strace $0x9000004B  }
0xb6: {  	_ =	sfence  }
0xb7: {  	s30 =	sld [smem:$0x0];
	_ =	sdelay $0x2  }
0xb8: {  	s31 =	sshll.u32 s1, $0xD;
	s1 =	sshrl.u32 s1, $0x2  }
0xb9: {  	s3 =	sand.u32 $0x4000, s31;
	s1 =	sadd.s32 s1, s30  }
0xba: {  	s0 =	sor.u32 s3, s0;
	s1 =	sshll.u32 s1, $0x11  }
0xbb: {  	s0 =	sor.u32 s1, s0  }
0xbc: {  	s0 =	sadd.s32 $0x8F2B, s0  }
0xbd: {  	[sflag:s0] =	ssyncadd.remote.s32 $0x1  }
0xbe: {  	_ =	sfence.sel $0xFFFF  }
0xbf: {  	[dreg:$0x0] =	wrdreg $0xFFFFFFFF;
	(pc) =	sbr.abs _section_cstart, $3  }
0xc0: {  	[dreg:$0x1] =	wrdreg $0xFFFFFFFF  }
0xc1: {  	_ =	task.clear_ibuf [dreg:s6], $0x2FFFF;
	_ =	strace $0x9FFFFFFF  }
0xc2: {  	(tm) =	ssettm $0x7FFFFFFF  }
0xc3: {  	_ =	shalt  }
tec
execute0_lowered:
.L_overlay_start_1:
0x0: {  	(tag) =	ssettag $0x1  }
0x1: {  	s0 =	rddreg [dreg:$0x0]  }
0x2: {  	s1 =	rddreg [dreg:$0x1];
	s2 =	simm.s32 $0x0;
	s6 =	srdreg.scid  }
0x3: {  	s3 =	stileid.u32;
	[smem:$0x7FF] =	sst s2;
	s4 =	sadd.s32 $0xC400, s0  }
0x4: {  	s5 =	sadd.s32 $0x2600, s0;
	s12 =	sand.u32 $0x1, s6;
	s6 =	sadd.s32 $0x15D800, s0  }
0x5: {  	s9 =	smul.u32 $0x27000, s3;
	s7 =	sadd.s32 $0x203A00, s0;
	s0 =	sadd.s32 $0x16200, s0  }
0x6: {  	s14 =	smul.u32 $0x270, s3;
	_ =	strace $0x8000004A;
	s8 =	ssub.s32 $0x2, s12  }
0x7: {  	s16 =	sshll.u32 s12, $0x2;
	s17 =	smul.u32 $0x9C40, s12;
	s23 =	sshllo.u32 s12, $0x2  }
0x8: {  	s10 =	sshrl.u32 s8, $0x1;
	s9 =	sshrl.u32 s9, $0x2;
	s24 =	smul.u32 $0x2710, s23  }
0x9: {  	s19 =	sor.u32 $0x1, s16;
	s18 =	ssub.s32 s8, s10;
	s8 =	smul.u32 $0x4E20, s3  }
0xa: {  	s21 =	sor.u32 $0x2, s16;
	v7 =	vmov s23;
	s23 =	simm.s32 $0x320;
	s20 =	smul.u32 $0x2710, s19  }
0xb: {  	s9 =	sadd.s32 s9, s1;
	s13 =	sadd.s32 s14, s17;
	s22 =	smul.u32 $0x2710, s21  }
0xc: {  	v3 =	vmov s19;
	v5 =	vmov s21;
	s19 =	simm.s32 $0x81B0;
	s21 =	simm.s32 $0x190;
	s10 =	sadd.s32 $0x1F40, s9  }
0xd: {  	s11 =	sadd.s32 $0x3E80, s9;
	s30 =	sshll.u32 s13, $0x3;
	s18 =	smax.u32 s18, $0x1  }
0xe: {  	s31 =	sadd.s32 s14, s20;
	s12 =	sadd.s32 s0, s30;
	s15 =	sadd.s32 s14, s22  }
0xf: {  	s14 =	sadd.s32 s14, s24;
	v2 =	vmov s20;
	v4 =	vmov s22;
	s20 =	simm.s32 $0x1;
	s22 =	simm.s32 $0x68B0  }
0x10: {  	v6 =	vmov s24;
	s24 =	simm.s32 $0x4B0;
	s13 =	sshll.u32 s31, $0x3;
	s25 =	sshll.u32 s15, $0x3  }
0x11: {  	s26 =	sshll.u32 s14, $0x3;
	s14 =	sadd.s32 $0x5DC0, s9;
	s15 =	sadd.s32 $0x7D00, s9  }
0x12: {  	v8 =	vimm.f32 $0.0e+00;
	v1 =	vmov s16;
	v0 =	vmov s17;
	s13 =	sadd.s32 s0, s13;
	s16 =	sadd.s32 s0, s25;
	s17 =	sadd.s32 s0, s26  }
.LBB2_1:
0x13: {  	s25 =	simm.s32 $0x100;
	s0 =	simm.s32 $0x0  }
.LBB2_2:
0x14: {  	p0 =	sne.s32 s25, $0x7C00;
	[tilespmem:s0+$0x81E0] =	vst v8;
	s26 =	smov.u32 s25;
	s25 =	sadd.s32 $0x100, s25  }
.Ltmp0:
0x15: {  	[tilespmem:s0+$0x81D0] =	vst v8;
	(pc) =	sbr.rel @p0 .LBB2_2-.Ltmp0, $3  }
0x16: {  	[tilespmem:s0+$0x81B0] =	vst v8  }
0x17: {  	[tilespmem:s0+$0x81C0] =	vst v8;
	_ =	sdelay $0x1  }
0x18: {  	s0 =	sshra.s32 s26, $0x2  }
0x19: {  	[tilespmem:s0+$0x81E0] =	vst v8  }
0x1a: {  	[tilespmem:s0+$0x81D0] =	vst v8  }
0x1b: {  	[tilespmem:s0+$0x81B0] =	vst v8  }
0x1c: {  	[tilespmem:s0+$0x81C0] =	vst v8  }
0x1d: {  	[spmem:s9] =	stream.linear.scatter [tilespmem:s19], [sflag:$0x1], $0x1F40, $0x38;
	[tilespmem:$0x13D30] =	vst v63  }
0x1e: {  	_ =	swait.ge [sflag:s20], $0x1F40  }
0x1f: {  	[sflag:s20] =	ssyncset.done $0x0  }
0x20: {  	[sflag:s20] =	ssyncadd.s32 $0xFFFFE0C0  }
0x21: {  	[spmem:s10] =	stream.linear.scatter [tilespmem:s19], [sflag:$0x1], $0x1F40, $0x38;
	[tilespmem:$0x13D30] =	vst v63  }
0x22: {  	_ =	swait.ge [sflag:s20], $0x1F40  }
0x23: {  	[sflag:s20] =	ssyncset.done $0x0  }
0x24: {  	[sflag:s20] =	ssyncadd.s32 $0xFFFFE0C0  }
0x25: {  	[spmem:s11] =	stream.linear.scatter [tilespmem:s19], [sflag:$0x1], $0x1F40, $0x38;
	[tilespmem:$0x13D30] =	vst v63  }
0x26: {  	_ =	swait.ge [sflag:s20], $0x1F40  }
0x27: {  	[sflag:s20] =	ssyncset.done $0x0  }
0x28: {  	[sflag:s20] =	ssyncadd.s32 $0xFFFFE0C0  }
0x29: {  	[spmem:s14] =	stream.linear.scatter [tilespmem:s19], [sflag:$0x1], $0x1F40, $0x38;
	[tilespmem:$0x13D30] =	vst v63  }
0x2a: {  	_ =	swait.ge [sflag:s20], $0x1F40  }
0x2b: {  	[sflag:s20] =	ssyncset.done $0x0  }
0x2c: {  	[sflag:s20] =	ssyncadd.s32 $0xFFFFE0C0  }
0x2d: {  	[spmem:s15] =	stream.linear.scatter [tilespmem:s19], [sflag:$0x1], $0x1F40, $0x38;
	[tilespmem:$0x13D30] =	vst v63  }
0x2e: {  	_ =	swait.ge [sflag:s20], $0x1F40  }
0x2f: {  	[sflag:s20] =	ssyncset.done $0x0  }
0x30: {  	[sflag:s20] =	ssyncadd.s32 $0xFFFFE0C0  }
0x31: {  	s25 =	simm.s32 $0x0;
	s26 =	simm.s32 $0x0;
	[bflag:$0x0] =	sbarrier.arrive $0xFFFF  }
.LBB2_4:
0x32: {  	s0 =	smul.u32 $0x190, s26;
	_ =	sdelay $0x1  }
0x33: {  	s0 =	sadd.s32 s8, s0  }
0x34: {  	s28 =	sshrl.u32 s0, $0x3  }
0x35: {  	s29 =	sadd.s32 s4, s28  }
0x36: {  	[tilespmem:s25], [sflag:$0x1] =	stream.linear.gather [hbm4b:s29+s25], $0x190, $0x38;
	[tilespmem:$0x13D30] =	vst v63  }
0x37: {  	_ =	swait.ge [sflag:s20], $0x190  }
0x38: {  	[sflag:s20] =	ssyncset.done $0x0  }
0x39: {  	s28 =	sadd.s32 s5, s28;
	[sflag:s20] =	ssyncadd.s32 $0xFFFFFE70  }
0x3a: {  	[tilespmem:s21], [sflag:$0x1] =	stream.linear.gather [hbm4b:s28+s25], $0x190, $0x38;
	[tilespmem:$0x13D30] =	vst v63  }
0x3b: {  	_ =	swait.ge [sflag:s20], $0x190  }
0x3c: {  	s0 =	sshll.u32 s0, $0x1;
	[sflag:s20] =	ssyncset.done $0x0  }
0x3d: {  	s0 =	sadd.s32 s6, s0;
	[sflag:s20] =	ssyncadd.s32 $0xFFFFFE70  }
0x3e: {  	[tilespmem:s22], [sflag:$0x1] =	stream.linear.gather [hbm4b:s0+s25], $0x1900, $0x38;
	[tilespmem:$0x13D30] =	vst v63  }
0x3f: {  	_ =	swait.ge [sflag:s20], $0x1900  }
0x40: {  	[sflag:s20] =	ssyncset.done $0x0  }
0x41: {  	s0 =	simm.s32 $0x0;
	[sflag:s20] =	ssyncadd.s32 $0xFFFFE700  }
0x42: {  	s28 =	simm.s32 $0x40;
	v9 =	vld [tilespmem:s0+$0x0]  }
.LBB2_5:
0x43: {  	p0 =	sne.s32 s28, $0x600  }
.Ltmp1:
0x44: {  	_ = 	snop;
	(pc) =	sbr.rel @p0 .LBB2_5-.Ltmp1, $3  }
0x45: {  	_ =	sdelay $0x1  }
0x46: {  	s29 =	sshra.s32 s28, $0x2;
	s28 =	sadd.s32 $0x40, s28;
	v10 =	vadd.s32 v0, v9  }
0x47: {  	v9 =	vld [tilespmem:s29+$0x0];
	[tilespmem:s0+$0x320] =	vst v10;
	s0 =	smov.u32 s29  }
0x48: {  	_ =	sdelay $0x2  }
0x49: {  	s28 =	simm.s32 $0x0  }
0x4a: {  	v10 =	vor.u32 s28, v1;
	v9 =	vadd.s32 v0, v9  }
0x4b: {  	[tilespmem:s0+$0x320] =	vst v9;
	v9 =	vbroadcast v10, $0x0  }
0x4c: {  	[tilespmem:s24], [sflag:$0x1] =	stream.indirect.gather [hbm4b:s7+s21], $0x40, s23, s21, $0xb8;
	[tilespmem:$0x13D30] =	vst v63  }
0x4d: {  	_ =	swait.ge [sflag:s20], $0x6400  }
0x4e: {  	[sflag:s20] =	ssyncset.done $0x0  }
0x4f: {  	s28 =	simm.s32 $0x4D0;
	[sflag:s20] =	ssyncadd.s32 $0xFFFF9C00  }
0x50: {  	v12 =	vld [tilespmem:s28+$0x10]  }
0x51: {  	v10 =	vld.idx.msk [tilespmem:v9+s22+$0x0], $0xffff;
	_ =	sdelay $0x1  }
0x52: {  	v11 =	vld [tilespmem:s28+$0xFFFFFFF0]  }
0x53: {  	v14 =	vld [tilespmem:s28+$0x0];
	_ =	sdelay $0x1  }
0x54: {  	s31 =	simm.s32 $0x10;
	v13 =	vmul.f32 v12, v10;
	v12 =	vld [tilespmem:s28+$0xFFFFFFE0]  }
0x55: {  	v9 =	vor.u32 s31, v1  }
0x56: {  	v9 =	vbroadcast v9, $0x0  }
0x57: {  	s30 =	simm.s32 $0x2;
	s29 =	simm.s32 $0x4D0;
	v11 =	vmul.f32 v11, v10;
	v14 =	vmul.f32 v14, v10  }
.LBB2_7:
0x58: {  	p0 =	sne.s32 s30, $0x18F  }
0x59: {  	v10 =	vmul.f32 v12, v10;
	[tilespmem:s28+$0x10] =	vst v13;
	s29 =	sadd.s32 $0x40, s29;
	s0 =	smov.u32 s30;
	s30 =	sadd.s32 $0x1, s30  }
0x5a: {  	[tilespmem:s28+$0x0] =	vst v14  }
0x5b: {  	[tilespmem:s28+$0xFFFFFFE0] =	vst v10  }
0x5c: {  	v14 =	vld [tilespmem:s29+$0xFFFFFFF0];
	[tilespmem:s28+$0xFFFFFFF0] =	vst v11;
	s28 =	smov.u32 s29  }
0x5d: {  	v10 =	vld.idx.msk [tilespmem:v9+s22+$0x0], $0xffff  }
0x5e: {  	v11 =	vld [tilespmem:s29+$0x10]  }
0x5f: {  	v15 =	vld [tilespmem:s29+$0x0]  }
.Ltmp2:
0x60: {  	v12 =	vld [tilespmem:s29+$0xFFFFFFE0];
	(pc) =	sbr.rel @p0 .LBB2_7-.Ltmp2, $4  }
0x61: {  	s0 =	sshll.u32 s0, $0x4  }
0x62: {  	v9 =	vor.u32 s0, v1  }
0x63: {  	v9 =	vbroadcast v9, $0x0;
	v13 =	vmul.f32 v11, v10  }
0x64: {  	v11 =	vmul.f32 v14, v10;
	v14 =	vmul.f32 v15, v10  }
0x65: {  	v10 =	vmul.f32 v12, v10;
	[tilespmem:s28+$0x10] =	vst v13  }
0x66: {  	[tilespmem:s28+$0x0] =	vst v14  }
0x67: {  	s0 =	sadd.s32 $0x40, s29;
	[tilespmem:s28+$0xFFFFFFE0] =	vst v10  }
0x68: {  	v10 =	vld [tilespmem:s0+$0xFFFFFFF0];
	[tilespmem:s28+$0xFFFFFFF0] =	vst v11  }
0x69: {  	v9 =	vld.idx.msk [tilespmem:v9+s22+$0x0], $0xffff  }
0x6a: {  	v11 =	vld [tilespmem:s0+$0x10]  }
0x6b: {  	v63 =	vld [tilespmem:s0+$0x0]  }
0x6c: {  	v13 =	vld [tilespmem:s0+$0xFFFFFFE0];
	_ =	sdelay $0x2  }
0x6d: {  	v11 =	vmul.f32 v11, v9  }
0x6e: {  	v12 =	vmul.f32 v63, v9  }
0x6f: {  	v13 =	vmul.f32 v13, v9;
	[tilespmem:s0+$0x10] =	vst v11  }
0x70: {  	s26 =	sadd.s32 $0x1, s26;
	v9 =	vmul.f32 v10, v9;
	[tilespmem:s0+$0x0] =	vst v12  }
0x71: {  	p0 =	sne.s32 s26, $0x32;
	[tilespmem:s0+$0xFFFFFFE0] =	vst v13  }
.Ltmp3:
0x72: {  	[tilespmem:s0+$0xFFFFFFF0] =	vst v9;
	(pc) =	sbr.rel @p0 .LBB2_4-.Ltmp3, $4  }
0x73: {  	[spmem:s1] =	stream.indirect.scatter.add.f32 [tilespmem:s24], [sflag:$0x1], $0x40, s21, s21, $0xb8;
	[tilespmem:$0x13D30] =	vst v63  }
0x74: {  	_ =	swait.ge [sflag:s20], $0x6400  }
0x75: {  	[sflag:s20] =	ssyncset.done $0x0  }
0x76: {  	[sflag:s20] =	ssyncadd.s32 $0xFFFF9C00  }
0x77: {  	s0 =	stileid.u32  }
0x78: {  	s0 =	sshll.u32 s0, $0x6  }
0x79: {  	[bflag:$0x0] =	sbarrier.arrive $0xFFFF;
	s26 =	sshrl.u32 s9, $0x3;
	s25 =	sor.u32 $0x1C01, s0  }
0x7a: {  	[hbm:s12], [sflag:s25] =	dma.local [spmem:s26], $0x1380  }
0x7b: {  	_ =	swait.ge [sflag:s20], $0x1380  }
0x7c: {  	[sflag:s20] =	ssyncset.done $0x0  }
0x7d: {  	[sflag:s20] =	ssyncadd.s32 $0xFFFFEC80  }
0x7e: {  	[spmem:s9] =	stream.linear.scatter [tilespmem:s19], [sflag:$0x1], $0x1F40, $0x38;
	[tilespmem:$0x13D30] =	vst v63  }
0x7f: {  	_ =	swait.ge [sflag:s20], $0x1F40  }
0x80: {  	[sflag:s20] =	ssyncset.done $0x0  }
0x81: {  	[sflag:s20] =	ssyncadd.s32 $0xFFFFE0C0  }
0x82: {  	[spmem:s10] =	stream.linear.scatter [tilespmem:s19], [sflag:$0x1], $0x1F40, $0x38;
	[tilespmem:$0x13D30] =	vst v63  }
0x83: {  	_ =	swait.ge [sflag:s20], $0x1F40  }
0x84: {  	[sflag:s20] =	ssyncset.done $0x0  }
0x85: {  	[sflag:s20] =	ssyncadd.s32 $0xFFFFE0C0  }
0x86: {  	[spmem:s11] =	stream.linear.scatter [tilespmem:s19], [sflag:$0x1], $0x1F40, $0x38;
	[tilespmem:$0x13D30] =	vst v63  }
0x87: {  	_ =	swait.ge [sflag:s20], $0x1F40  }
0x88: {  	[sflag:s20] =	ssyncset.done $0x0  }
0x89: {  	[sflag:s20] =	ssyncadd.s32 $0xFFFFE0C0  }
0x8a: {  	[spmem:s14] =	stream.linear.scatter [tilespmem:s19], [sflag:$0x1], $0x1F40, $0x38;
	[tilespmem:$0x13D30] =	vst v63  }
0x8b: {  	_ =	swait.ge [sflag:s20], $0x1F40  }
0x8c: {  	[sflag:s20] =	ssyncset.done $0x0  }
0x8d: {  	[sflag:s20] =	ssyncadd.s32 $0xFFFFE0C0  }
0x8e: {  	[spmem:s15] =	stream.linear.scatter [tilespmem:s19], [sflag:$0x1], $0x1F40, $0x38;
	[tilespmem:$0x13D30] =	vst v63  }
0x8f: {  	_ =	swait.ge [sflag:s20], $0x1F40  }
0x90: {  	[sflag:s20] =	ssyncset.done $0x0  }
0x91: {  	[sflag:s20] =	ssyncadd.s32 $0xFFFFE0C0  }
0x92: {  	s28 =	simm.s32 $0x0;
	s29 =	simm.s32 $0x0;
	[bflag:$0x0] =	sbarrier.arrive $0xFFFF  }
.LBB2_10:
0x93: {  	s0 =	smul.u32 $0x190, s29;
	_ =	sdelay $0x1  }
0x94: {  	s0 =	sadd.s32 s8, s0  }
0x95: {  	s30 =	sshrl.u32 s0, $0x3  }
0x96: {  	s31 =	sadd.s32 s4, s30  }
0x97: {  	[tilespmem:s28], [sflag:$0x1] =	stream.linear.gather [hbm4b:s31+s28], $0x190, $0x38;
	[tilespmem:$0x13D30] =	vst v63  }
0x98: {  	_ =	swait.ge [sflag:s20], $0x190  }
0x99: {  	[sflag:s20] =	ssyncset.done $0x0  }
0x9a: {  	s30 =	sadd.s32 s5, s30;
	[sflag:s20] =	ssyncadd.s32 $0xFFFFFE70  }
0x9b: {  	[tilespmem:s21], [sflag:$0x1] =	stream.linear.gather [hbm4b:s30+s28], $0x190, $0x38;
	[tilespmem:$0x13D30] =	vst v63  }
0x9c: {  	_ =	swait.ge [sflag:s20], $0x190  }
0x9d: {  	s0 =	sshll.u32 s0, $0x1;
	[sflag:s20] =	ssyncset.done $0x0  }
0x9e: {  	s0 =	sadd.s32 s6, s0;
	[sflag:s20] =	ssyncadd.s32 $0xFFFFFE70  }
0x9f: {  	[tilespmem:s22], [sflag:$0x1] =	stream.linear.gather [hbm4b:s0+s28], $0x1900, $0x38;
	[tilespmem:$0x13D30] =	vst v63  }
0xa0: {  	_ =	swait.ge [sflag:s20], $0x1900  }
0xa1: {  	[sflag:s20] =	ssyncset.done $0x0  }
0xa2: {  	s0 =	simm.s32 $0x0;
	[sflag:s20] =	ssyncadd.s32 $0xFFFFE700  }
0xa3: {  	s30 =	simm.s32 $0x40;
	v9 =	vld [tilespmem:s0+$0x0]  }
.LBB2_11:
0xa4: {  	p0 =	sne.s32 s30, $0x600  }
.Ltmp4:
0xa5: {  	_ = 	snop;
	(pc) =	sbr.rel @p0 .LBB2_11-.Ltmp4, $3  }
0xa6: {  	_ =	sdelay $0x1  }
0xa7: {  	s31 =	sshra.s32 s30, $0x2;
	s30 =	sadd.s32 $0x40, s30;
	v10 =	vadd.s32 v2, v9  }
0xa8: {  	v9 =	vld [tilespmem:s31+$0x0];
	[tilespmem:s0+$0x320] =	vst v10;
	s0 =	smov.u32 s31  }
0xa9: {  	_ =	sdelay $0x2  }
0xaa: {  	s30 =	simm.s32 $0x0  }
0xab: {  	v10 =	vor.u32 s30, v3;
	v9 =	vadd.s32 v2, v9  }
0xac: {  	[tilespmem:s0+$0x320] =	vst v9;
	v9 =	vbroadcast v10, $0x0  }
0xad: {  	[tilespmem:s24], [sflag:$0x1] =	stream.indirect.gather [hbm4b:s7+s21], $0x40, s23, s21, $0xb8;
	[tilespmem:$0x13D30] =	vst v63  }
0xae: {  	_ =	swait.ge [sflag:s20], $0x6400  }
0xaf: {  	[sflag:s20] =	ssyncset.done $0x0  }
0xb0: {  	s30 =	simm.s32 $0x4D0;
	[sflag:s20] =	ssyncadd.s32 $0xFFFF9C00  }
0xb1: {  	v12 =	vld [tilespmem:s30+$0x10]  }
0xb2: {  	v10 =	vld.idx.msk [tilespmem:v9+s22+$0x0], $0xffff;
	_ =	sdelay $0x1  }
0xb3: {  	v11 =	vld [tilespmem:s30+$0xFFFFFFF0]  }
0xb4: {  	v14 =	vld [tilespmem:s30+$0x0];
	_ =	sdelay $0x1  }
0xb5: {  	s3 =	simm.s32 $0x10;
	v13 =	vmul.f32 v12, v10;
	v12 =	vld [tilespmem:s30+$0xFFFFFFE0]  }
0xb6: {  	v9 =	vor.u32 s3, v3  }
0xb7: {  	v9 =	vbroadcast v9, $0x0  }
0xb8: {  	s31 =	simm.s32 $0x4D0;
	s0 =	simm.s32 $0x2;
	v11 =	vmul.f32 v11, v10;
	v14 =	vmul.f32 v14, v10  }
.LBB2_13:
0xb9: {  	p0 =	sne.s32 s0, $0x18F  }
0xba: {  	v10 =	vmul.f32 v12, v10;
	[tilespmem:s30+$0x10] =	vst v13;
	s31 =	sadd.s32 $0x40, s31;
	s3 =	smov.u32 s0;
	s0 =	sadd.s32 $0x1, s0  }
0xbb: {  	[tilespmem:s30+$0x0] =	vst v14  }
0xbc: {  	[tilespmem:s30+$0xFFFFFFE0] =	vst v10  }
0xbd: {  	v14 =	vld [tilespmem:s31+$0xFFFFFFF0];
	[tilespmem:s30+$0xFFFFFFF0] =	vst v11;
	s30 =	smov.u32 s31  }
0xbe: {  	v10 =	vld.idx.msk [tilespmem:v9+s22+$0x0], $0xffff  }
0xbf: {  	v11 =	vld [tilespmem:s31+$0x10]  }
0xc0: {  	v15 =	vld [tilespmem:s31+$0x0]  }
.Ltmp5:
0xc1: {  	v12 =	vld [tilespmem:s31+$0xFFFFFFE0];
	(pc) =	sbr.rel @p0 .LBB2_13-.Ltmp5, $4  }
0xc2: {  	s3 =	sshll.u32 s3, $0x4  }
0xc3: {  	v9 =	vor.u32 s3, v3  }
0xc4: {  	v9 =	vbroadcast v9, $0x0;
	v13 =	vmul.f32 v11, v10  }
0xc5: {  	v11 =	vmul.f32 v14, v10;
	v14 =	vmul.f32 v15, v10  }
0xc6: {  	v10 =	vmul.f32 v12, v10;
	[tilespmem:s30+$0x10] =	vst v13  }
0xc7: {  	[tilespmem:s30+$0x0] =	vst v14  }
0xc8: {  	s0 =	sadd.s32 $0x40, s31;
	[tilespmem:s30+$0xFFFFFFE0] =	vst v10  }
0xc9: {  	v10 =	vld [tilespmem:s0+$0xFFFFFFF0];
	[tilespmem:s30+$0xFFFFFFF0] =	vst v11  }
0xca: {  	v9 =	vld.idx.msk [tilespmem:v9+s22+$0x0], $0xffff  }
0xcb: {  	v11 =	vld [tilespmem:s0+$0x10]  }
0xcc: {  	v63 =	vld [tilespmem:s0+$0x0]  }
0xcd: {  	v13 =	vld [tilespmem:s0+$0xFFFFFFE0];
	_ =	sdelay $0x2  }
0xce: {  	v11 =	vmul.f32 v11, v9  }
0xcf: {  	v12 =	vmul.f32 v63, v9  }
0xd0: {  	v13 =	vmul.f32 v13, v9;
	[tilespmem:s0+$0x10] =	vst v11  }
0xd1: {  	s29 =	sadd.s32 $0x1, s29;
	v9 =	vmul.f32 v10, v9;
	[tilespmem:s0+$0x0] =	vst v12  }
0xd2: {  	p0 =	sne.s32 s29, $0x32;
	[tilespmem:s0+$0xFFFFFFE0] =	vst v13  }
.Ltmp6:
0xd3: {  	[tilespmem:s0+$0xFFFFFFF0] =	vst v9;
	(pc) =	sbr.rel @p0 .LBB2_10-.Ltmp6, $4  }
0xd4: {  	[spmem:s1] =	stream.indirect.scatter.add.f32 [tilespmem:s24], [sflag:$0x1], $0x40, s21, s21, $0xb8;
	[tilespmem:$0x13D30] =	vst v63  }
0xd5: {  	_ =	swait.ge [sflag:s20], $0x6400  }
0xd6: {  	[sflag:s20] =	ssyncset.done $0x0  }
0xd7: {  	[sflag:s20] =	ssyncadd.s32 $0xFFFF9C00  }
0xd8: {  	[bflag:$0x0] =	sbarrier.arrive $0xFFFF  }
0xd9: {  	[hbm:s13], [sflag:s25] =	dma.local [spmem:s26], $0x1380  }
0xda: {  	_ =	swait.ge [sflag:s20], $0x1380  }
0xdb: {  	[sflag:s20] =	ssyncset.done $0x0  }
0xdc: {  	[sflag:s20] =	ssyncadd.s32 $0xFFFFEC80  }
0xdd: {  	[spmem:s9] =	stream.linear.scatter [tilespmem:s19], [sflag:$0x1], $0x1F40, $0x38;
	[tilespmem:$0x13D30] =	vst v63  }
0xde: {  	_ =	swait.ge [sflag:s20], $0x1F40  }
0xdf: {  	[sflag:s20] =	ssyncset.done $0x0  }
0xe0: {  	[sflag:s20] =	ssyncadd.s32 $0xFFFFE0C0  }
0xe1: {  	[spmem:s10] =	stream.linear.scatter [tilespmem:s19], [sflag:$0x1], $0x1F40, $0x38;
	[tilespmem:$0x13D30] =	vst v63  }
0xe2: {  	_ =	swait.ge [sflag:s20], $0x1F40  }
0xe3: {  	[sflag:s20] =	ssyncset.done $0x0  }
0xe4: {  	[sflag:s20] =	ssyncadd.s32 $0xFFFFE0C0  }
0xe5: {  	[spmem:s11] =	stream.linear.scatter [tilespmem:s19], [sflag:$0x1], $0x1F40, $0x38;
	[tilespmem:$0x13D30] =	vst v63  }
0xe6: {  	_ =	swait.ge [sflag:s20], $0x1F40  }
0xe7: {  	[sflag:s20] =	ssyncset.done $0x0  }
0xe8: {  	[sflag:s20] =	ssyncadd.s32 $0xFFFFE0C0  }
0xe9: {  	[spmem:s14] =	stream.linear.scatter [tilespmem:s19], [sflag:$0x1], $0x1F40, $0x38;
	[tilespmem:$0x13D30] =	vst v63  }
0xea: {  	_ =	swait.ge [sflag:s20], $0x1F40  }
0xeb: {  	[sflag:s20] =	ssyncset.done $0x0  }
0xec: {  	[sflag:s20] =	ssyncadd.s32 $0xFFFFE0C0  }
0xed: {  	[spmem:s15] =	stream.linear.scatter [tilespmem:s19], [sflag:$0x1], $0x1F40, $0x38;
	[tilespmem:$0x13D30] =	vst v63  }
0xee: {  	_ =	swait.ge [sflag:s20], $0x1F40  }
0xef: {  	[sflag:s20] =	ssyncset.done $0x0  }
0xf0: {  	[sflag:s20] =	ssyncadd.s32 $0xFFFFE0C0  }
0xf1: {  	s28 =	simm.s32 $0x0;
	s29 =	simm.s32 $0x0;
	[bflag:$0x0] =	sbarrier.arrive $0xFFFF  }
.LBB2_16:
0xf2: {  	s0 =	smul.u32 $0x190, s29;
	_ =	sdelay $0x1  }
0xf3: {  	s0 =	sadd.s32 s8, s0  }
0xf4: {  	s3 =	sshrl.u32 s0, $0x3  }
0xf5: {  	s30 =	sadd.s32 s4, s3  }
0xf6: {  	[tilespmem:s28], [sflag:$0x1] =	stream.linear.gather [hbm4b:s30+s28], $0x190, $0x38;
	[tilespmem:$0x13D30] =	vst v63  }
0xf7: {  	_ =	swait.ge [sflag:s20], $0x190  }
0xf8: {  	[sflag:s20] =	ssyncset.done $0x0  }
0xf9: {  	s3 =	sadd.s32 s5, s3;
	[sflag:s20] =	ssyncadd.s32 $0xFFFFFE70  }
0xfa: {  	[tilespmem:s21], [sflag:$0x1] =	stream.linear.gather [hbm4b:s3+s28], $0x190, $0x38;
	[tilespmem:$0x13D30] =	vst v63  }
0xfb: {  	_ =	swait.ge [sflag:s20], $0x190  }
0xfc: {  	s0 =	sshll.u32 s0, $0x1;
	[sflag:s20] =	ssyncset.done $0x0  }
0xfd: {  	s0 =	sadd.s32 s6, s0;
	[sflag:s20] =	ssyncadd.s32 $0xFFFFFE70  }
0xfe: {  	[tilespmem:s22], [sflag:$0x1] =	stream.linear.gather [hbm4b:s0+s28], $0x1900, $0x38;
	[tilespmem:$0x13D30] =	vst v63  }
0xff: {  	_ =	swait.ge [sflag:s20], $0x1900  }
0x100: {  	[sflag:s20] =	ssyncset.done $0x0  }
0x101: {  	s0 =	simm.s32 $0x0;
	[sflag:s20] =	ssyncadd.s32 $0xFFFFE700  }
0x102: {  	s30 =	simm.s32 $0x40;
	v9 =	vld [tilespmem:s0+$0x0]  }
.LBB2_17:
0x103: {  	p0 =	sne.s32 s30, $0x600  }
.Ltmp7:
0x104: {  	_ = 	snop;
	(pc) =	sbr.rel @p0 .LBB2_17-.Ltmp7, $3  }
0x105: {  	_ =	sdelay $0x1  }
0x106: {  	s3 =	sshra.s32 s30, $0x2;
	s30 =	sadd.s32 $0x40, s30;
	v10 =	vadd.s32 v4, v9  }
0x107: {  	v9 =	vld [tilespmem:s3+$0x0];
	[tilespmem:s0+$0x320] =	vst v10;
	s0 =	smov.u32 s3  }
0x108: {  	_ =	sdelay $0x2  }
0x109: {  	s3 =	simm.s32 $0x0  }
0x10a: {  	v10 =	vor.u32 s3, v5;
	v9 =	vadd.s32 v4, v9  }
0x10b: {  	[tilespmem:s0+$0x320] =	vst v9;
	v9 =	vbroadcast v10, $0x0  }
0x10c: {  	[tilespmem:s24], [sflag:$0x1] =	stream.indirect.gather [hbm4b:s7+s21], $0x40, s23, s21, $0xb8;
	[tilespmem:$0x13D30] =	vst v63  }
0x10d: {  	_ =	swait.ge [sflag:s20], $0x6400  }
0x10e: {  	[sflag:s20] =	ssyncset.done $0x0  }
0x10f: {  	s30 =	simm.s32 $0x4D0;
	[sflag:s20] =	ssyncadd.s32 $0xFFFF9C00  }
0x110: {  	v12 =	vld [tilespmem:s30+$0x10]  }
0x111: {  	v10 =	vld.idx.msk [tilespmem:v9+s22+$0x0], $0xffff;
	_ =	sdelay $0x1  }
0x112: {  	v11 =	vld [tilespmem:s30+$0xFFFFFFF0]  }
0x113: {  	v14 =	vld [tilespmem:s30+$0x0];
	_ =	sdelay $0x1  }
0x114: {  	s3 =	simm.s32 $0x10;
	v13 =	vmul.f32 v12, v10;
	v12 =	vld [tilespmem:s30+$0xFFFFFFE0]  }
0x115: {  	v9 =	vor.u32 s3, v5  }
0x116: {  	v9 =	vbroadcast v9, $0x0  }
0x117: {  	s31 =	simm.s32 $0x4D0;
	s0 =	simm.s32 $0x2;
	v11 =	vmul.f32 v11, v10;
	v14 =	vmul.f32 v14, v10  }
.LBB2_19:
0x118: {  	p0 =	sne.s32 s0, $0x18F  }
0x119: {  	v10 =	vmul.f32 v12, v10;
	[tilespmem:s30+$0x10] =	vst v13;
	s31 =	sadd.s32 $0x40, s31;
	s3 =	smov.u32 s0;
	s0 =	sadd.s32 $0x1, s0  }
0x11a: {  	[tilespmem:s30+$0x0] =	vst v14  }
0x11b: {  	[tilespmem:s30+$0xFFFFFFE0] =	vst v10  }
0x11c: {  	v14 =	vld [tilespmem:s31+$0xFFFFFFF0];
	[tilespmem:s30+$0xFFFFFFF0] =	vst v11;
	s30 =	smov.u32 s31  }
0x11d: {  	v10 =	vld.idx.msk [tilespmem:v9+s22+$0x0], $0xffff  }
0x11e: {  	v11 =	vld [tilespmem:s31+$0x10]  }
0x11f: {  	v15 =	vld [tilespmem:s31+$0x0]  }
.Ltmp8:
0x120: {  	v12 =	vld [tilespmem:s31+$0xFFFFFFE0];
	(pc) =	sbr.rel @p0 .LBB2_19-.Ltmp8, $4  }
0x121: {  	s3 =	sshll.u32 s3, $0x4  }
0x122: {  	v9 =	vor.u32 s3, v5  }
0x123: {  	v9 =	vbroadcast v9, $0x0;
	v13 =	vmul.f32 v11, v10  }
0x124: {  	v11 =	vmul.f32 v14, v10;
	v14 =	vmul.f32 v15, v10  }
0x125: {  	v10 =	vmul.f32 v12, v10;
	[tilespmem:s30+$0x10] =	vst v13  }
0x126: {  	[tilespmem:s30+$0x0] =	vst v14  }
0x127: {  	s0 =	sadd.s32 $0x40, s31;
	[tilespmem:s30+$0xFFFFFFE0] =	vst v10  }
0x128: {  	v10 =	vld [tilespmem:s0+$0xFFFFFFF0];
	[tilespmem:s30+$0xFFFFFFF0] =	vst v11  }
0x129: {  	v9 =	vld.idx.msk [tilespmem:v9+s22+$0x0], $0xffff  }
0x12a: {  	v11 =	vld [tilespmem:s0+$0x10]  }
0x12b: {  	v63 =	vld [tilespmem:s0+$0x0]  }
0x12c: {  	v13 =	vld [tilespmem:s0+$0xFFFFFFE0];
	_ =	sdelay $0x2  }
0x12d: {  	v11 =	vmul.f32 v11, v9  }
0x12e: {  	v12 =	vmul.f32 v63, v9  }
0x12f: {  	v13 =	vmul.f32 v13, v9;
	[tilespmem:s0+$0x10] =	vst v11  }
0x130: {  	s29 =	sadd.s32 $0x1, s29;
	v9 =	vmul.f32 v10, v9;
	[tilespmem:s0+$0x0] =	vst v12  }
0x131: {  	p0 =	sne.s32 s29, $0x32;
	[tilespmem:s0+$0xFFFFFFE0] =	vst v13  }
.Ltmp9:
0x132: {  	[tilespmem:s0+$0xFFFFFFF0] =	vst v9;
	(pc) =	sbr.rel @p0 .LBB2_16-.Ltmp9, $4  }
0x133: {  	[spmem:s1] =	stream.indirect.scatter.add.f32 [tilespmem:s24], [sflag:$0x1], $0x40, s21, s21, $0xb8;
	[tilespmem:$0x13D30] =	vst v63  }
0x134: {  	_ =	swait.ge [sflag:s20], $0x6400  }
0x135: {  	[sflag:s20] =	ssyncset.done $0x0  }
0x136: {  	[sflag:s20] =	ssyncadd.s32 $0xFFFF9C00  }
0x137: {  	[bflag:$0x0] =	sbarrier.arrive $0xFFFF  }
0x138: {  	[hbm:s16], [sflag:s25] =	dma.local [spmem:s26], $0x1380  }
0x139: {  	_ =	swait.ge [sflag:s20], $0x1380  }
0x13a: {  	[sflag:s20] =	ssyncset.done $0x0  }
0x13b: {  	[sflag:s20] =	ssyncadd.s32 $0xFFFFEC80  }
0x13c: {  	[spmem:s9] =	stream.linear.scatter [tilespmem:s19], [sflag:$0x1], $0x1F40, $0x38;
	[tilespmem:$0x13D30] =	vst v63  }
0x13d: {  	_ =	swait.ge [sflag:s20], $0x1F40  }
0x13e: {  	[sflag:s20] =	ssyncset.done $0x0  }
0x13f: {  	[sflag:s20] =	ssyncadd.s32 $0xFFFFE0C0  }
0x140: {  	[spmem:s10] =	stream.linear.scatter [tilespmem:s19], [sflag:$0x1], $0x1F40, $0x38;
	[tilespmem:$0x13D30] =	vst v63  }
0x141: {  	_ =	swait.ge [sflag:s20], $0x1F40  }
0x142: {  	[sflag:s20] =	ssyncset.done $0x0  }
0x143: {  	[sflag:s20] =	ssyncadd.s32 $0xFFFFE0C0  }
0x144: {  	[spmem:s11] =	stream.linear.scatter [tilespmem:s19], [sflag:$0x1], $0x1F40, $0x38;
	[tilespmem:$0x13D30] =	vst v63  }
0x145: {  	_ =	swait.ge [sflag:s20], $0x1F40  }
0x146: {  	[sflag:s20] =	ssyncset.done $0x0  }
0x147: {  	[sflag:s20] =	ssyncadd.s32 $0xFFFFE0C0  }
0x148: {  	[spmem:s14] =	stream.linear.scatter [tilespmem:s19], [sflag:$0x1], $0x1F40, $0x38;
	[tilespmem:$0x13D30] =	vst v63  }
0x149: {  	_ =	swait.ge [sflag:s20], $0x1F40  }
0x14a: {  	[sflag:s20] =	ssyncset.done $0x0  }
0x14b: {  	[sflag:s20] =	ssyncadd.s32 $0xFFFFE0C0  }
0x14c: {  	[spmem:s15] =	stream.linear.scatter [tilespmem:s19], [sflag:$0x1], $0x1F40, $0x38;
	[tilespmem:$0x13D30] =	vst v63  }
0x14d: {  	_ =	swait.ge [sflag:s20], $0x1F40  }
0x14e: {  	[sflag:s20] =	ssyncset.done $0x0  }
0x14f: {  	[sflag:s20] =	ssyncadd.s32 $0xFFFFE0C0  }
0x150: {  	s28 =	simm.s32 $0x0;
	s29 =	simm.s32 $0x0;
	[bflag:$0x0] =	sbarrier.arrive $0xFFFF  }
.LBB2_22:
0x151: {  	s0 =	smul.u32 $0x190, s29;
	_ =	sdelay $0x1  }
0x152: {  	s0 =	sadd.s32 s8, s0  }
0x153: {  	s3 =	sshrl.u32 s0, $0x3  }
0x154: {  	s30 =	sadd.s32 s4, s3  }
0x155: {  	[tilespmem:s28], [sflag:$0x1] =	stream.linear.gather [hbm4b:s30+s28], $0x190, $0x38;
	[tilespmem:$0x13D30] =	vst v63  }
0x156: {  	_ =	swait.ge [sflag:s20], $0x190  }
0x157: {  	[sflag:s20] =	ssyncset.done $0x0  }
0x158: {  	s3 =	sadd.s32 s5, s3;
	[sflag:s20] =	ssyncadd.s32 $0xFFFFFE70  }
0x159: {  	[tilespmem:s21], [sflag:$0x1] =	stream.linear.gather [hbm4b:s3+s28], $0x190, $0x38;
	[tilespmem:$0x13D30] =	vst v63  }
0x15a: {  	_ =	swait.ge [sflag:s20], $0x190  }
0x15b: {  	s0 =	sshll.u32 s0, $0x1;
	[sflag:s20] =	ssyncset.done $0x0  }
0x15c: {  	s0 =	sadd.s32 s6, s0;
	[sflag:s20] =	ssyncadd.s32 $0xFFFFFE70  }
0x15d: {  	[tilespmem:s22], [sflag:$0x1] =	stream.linear.gather [hbm4b:s0+s28], $0x1900, $0x38;
	[tilespmem:$0x13D30] =	vst v63  }
0x15e: {  	_ =	swait.ge [sflag:s20], $0x1900  }
0x15f: {  	[sflag:s20] =	ssyncset.done $0x0  }
0x160: {  	s0 =	simm.s32 $0x0;
	[sflag:s20] =	ssyncadd.s32 $0xFFFFE700  }
0x161: {  	s30 =	simm.s32 $0x40;
	v9 =	vld [tilespmem:s0+$0x0]  }
.LBB2_23:
0x162: {  	p0 =	sne.s32 s30, $0x600  }
.Ltmp10:
0x163: {  	_ = 	snop;
	(pc) =	sbr.rel @p0 .LBB2_23-.Ltmp10, $3  }
0x164: {  	_ =	sdelay $0x1  }
0x165: {  	s3 =	sshra.s32 s30, $0x2;
	s30 =	sadd.s32 $0x40, s30;
	v10 =	vadd.s32 v6, v9  }
0x166: {  	v9 =	vld [tilespmem:s3+$0x0];
	[tilespmem:s0+$0x320] =	vst v10;
	s0 =	smov.u32 s3  }
0x167: {  	_ =	sdelay $0x2  }
0x168: {  	s3 =	simm.s32 $0x0  }
0x169: {  	v10 =	vor.u32 s3, v7;
	v9 =	vadd.s32 v6, v9  }
0x16a: {  	[tilespmem:s0+$0x320] =	vst v9;
	v9 =	vbroadcast v10, $0x0  }
0x16b: {  	[tilespmem:s24], [sflag:$0x1] =	stream.indirect.gather [hbm4b:s7+s21], $0x40, s23, s21, $0xb8;
	[tilespmem:$0x13D30] =	vst v63  }
0x16c: {  	_ =	swait.ge [sflag:s20], $0x6400  }
0x16d: {  	[sflag:s20] =	ssyncset.done $0x0  }
0x16e: {  	s30 =	simm.s32 $0x4D0;
	[sflag:s20] =	ssyncadd.s32 $0xFFFF9C00  }
0x16f: {  	v12 =	vld [tilespmem:s30+$0x10]  }
0x170: {  	v10 =	vld.idx.msk [tilespmem:v9+s22+$0x0], $0xffff;
	_ =	sdelay $0x1  }
0x171: {  	v11 =	vld [tilespmem:s30+$0xFFFFFFF0]  }
0x172: {  	v14 =	vld [tilespmem:s30+$0x0];
	_ =	sdelay $0x1  }
0x173: {  	s3 =	simm.s32 $0x10;
	v13 =	vmul.f32 v12, v10;
	v12 =	vld [tilespmem:s30+$0xFFFFFFE0]  }
0x174: {  	v9 =	vor.u32 s3, v7  }
0x175: {  	v9 =	vbroadcast v9, $0x0  }
0x176: {  	s31 =	simm.s32 $0x4D0;
	s0 =	simm.s32 $0x2;
	v11 =	vmul.f32 v11, v10;
	v14 =	vmul.f32 v14, v10  }
.LBB2_25:
0x177: {  	p0 =	sne.s32 s0, $0x18F  }
0x178: {  	v10 =	vmul.f32 v12, v10;
	[tilespmem:s30+$0x10] =	vst v13;
	s31 =	sadd.s32 $0x40, s31;
	s3 =	smov.u32 s0;
	s0 =	sadd.s32 $0x1, s0  }
0x179: {  	[tilespmem:s30+$0x0] =	vst v14  }
0x17a: {  	[tilespmem:s30+$0xFFFFFFE0] =	vst v10  }
0x17b: {  	v14 =	vld [tilespmem:s31+$0xFFFFFFF0];
	[tilespmem:s30+$0xFFFFFFF0] =	vst v11;
	s30 =	smov.u32 s31  }
0x17c: {  	v10 =	vld.idx.msk [tilespmem:v9+s22+$0x0], $0xffff  }
0x17d: {  	v11 =	vld [tilespmem:s31+$0x10]  }
0x17e: {  	v15 =	vld [tilespmem:s31+$0x0]  }
.Ltmp11:
0x17f: {  	v12 =	vld [tilespmem:s31+$0xFFFFFFE0];
	(pc) =	sbr.rel @p0 .LBB2_25-.Ltmp11, $4  }
0x180: {  	s3 =	sshll.u32 s3, $0x4  }
0x181: {  	v9 =	vor.u32 s3, v7  }
0x182: {  	v9 =	vbroadcast v9, $0x0;
	v13 =	vmul.f32 v11, v10  }
0x183: {  	v11 =	vmul.f32 v14, v10;
	v14 =	vmul.f32 v15, v10  }
0x184: {  	v10 =	vmul.f32 v12, v10;
	[tilespmem:s30+$0x10] =	vst v13  }
0x185: {  	[tilespmem:s30+$0x0] =	vst v14  }
0x186: {  	s0 =	sadd.s32 $0x40, s31;
	[tilespmem:s30+$0xFFFFFFE0] =	vst v10  }
0x187: {  	v10 =	vld [tilespmem:s0+$0xFFFFFFF0];
	[tilespmem:s30+$0xFFFFFFF0] =	vst v11  }
0x188: {  	v9 =	vld.idx.msk [tilespmem:v9+s22+$0x0], $0xffff  }
0x189: {  	v11 =	vld [tilespmem:s0+$0x10]  }
0x18a: {  	v63 =	vld [tilespmem:s0+$0x0]  }
0x18b: {  	v13 =	vld [tilespmem:s0+$0xFFFFFFE0];
	_ =	sdelay $0x2  }
0x18c: {  	v11 =	vmul.f32 v11, v9  }
0x18d: {  	v12 =	vmul.f32 v63, v9  }
0x18e: {  	v13 =	vmul.f32 v13, v9;
	[tilespmem:s0+$0x10] =	vst v11  }
0x18f: {  	s29 =	sadd.s32 $0x1, s29;
	v9 =	vmul.f32 v10, v9;
	[tilespmem:s0+$0x0] =	vst v12  }
0x190: {  	p0 =	sne.s32 s29, $0x32;
	[tilespmem:s0+$0xFFFFFFE0] =	vst v13  }
.Ltmp12:
0x191: {  	[tilespmem:s0+$0xFFFFFFF0] =	vst v9;
	(pc) =	sbr.rel @p0 .LBB2_22-.Ltmp12, $4  }
0x192: {  	[spmem:s1] =	stream.indirect.scatter.add.f32 [tilespmem:s24], [sflag:$0x1], $0x40, s21, s21, $0xb8;
	[tilespmem:$0x13D30] =	vst v63  }
0x193: {  	_ =	swait.ge [sflag:s20], $0x6400  }
0x194: {  	[sflag:s20] =	ssyncset.done $0x0  }
0x195: {  	[sflag:s20] =	ssyncadd.s32 $0xFFFF9C00  }
0x196: {  	s2 =	sadd.s32 $0x1, s2  }
0x197: {  	p0 =	sne.s32 s2, s18  }
.Ltmp13:
0x198: {  	[bflag:$0x0] =	sbarrier.arrive $0xFFFF;
	(pc) =	sbr.rel @p0 .LBB2_1-.Ltmp13, $4  }
0x199: {  	[hbm:s17], [sflag:s25] =	dma.local [spmem:s26], $0x1380  }
0x19a: {  	_ =	swait.ge [sflag:s20], $0x1380  }
0x19b: {  	[sflag:s20] =	ssyncset.done $0x0  }
0x19c: {  	[sflag:s20] =	ssyncadd.s32 $0xFFFFEC80  }
0x19d: {  	_ =	sfence.sel $0x180000  }
0x19e: {  	[bflag:$0x0] =	sbarrier.arrive $0xFFFF  }
0x19f: {  	_ =	strace $0x9000004A  }
0x1a0: {  	s0 =	stileid.u32;
	[bflag:$0x2] =	sbarrier.arrive $0xFFFF  }
0x1a1: {  	p0 =	sne.s32 s0, $0x0;
	s0 =	rddreg [dreg:$0x2]  }
0x1a2: {  	s0 =	sadd.s32 @!p0 $0x100000, s0  }
0x1a3: {  	[sflag:s0] =	ssyncadd.tile.s32 @!p0 $0x1;
	_ =	shalt  }
.Lfunc_end2:
_tile_overlayer_lowered:
.L_overlay_start_2:
0x1a4: {  	(tag) =	ssettag $0x2  }
0x1a5: {  	s0 =	rddreg [dreg:$0x0];
	s2 =	stileid.u32  }
0x1a6: {  	s1 =	rddreg [dreg:$0x1];
	p0 =	sne.s32 s2, $0x0  }
0x1a7: {  	s3 =	rddreg [dreg:$0x2];
	[bflag:$0x3] =	sbarrier.arrive $0xFFFF;
	s2 =	simm.s32 @!p0 $0x1C01  }
0x1a8: {  	[timem:s3], [sflag:s2] =	dma.local @!p0 [hbm:s0], s1  }
0x1a9: {  	s0 =	simm.s32 @!p0 $0x1  }
0x1aa: {  	_ =	swait.ge @!p0 [sflag:s0], s1  }
0x1ab: {  	s1 =	ssub.s32 @!p0 $0x0, s1;
	[sflag:s0] =	ssyncset.done @!p0 $0x0  }
0x1ac: {  	[sflag:s0] =	ssyncadd.s32 @!p0 s1  }
0x1ad: {  	[bflag:$0x3] =	sbarrier.arrive $0xFFFF  }
0x1ae: {  	_ =	shalt  }

// kernel: kernel.17.cloned.1.call-start
scs
__scs_entry_jumppad:
0x0: {  	(pc) =	sbr.rel $0x88, $3  }
0x1: {  	(tag) =	ssettag $0x0;
	lr =	simm.s32 $0x1  }
0x2: {  	[smem:$0x3F90] =	sst lr;
	_ =	strace $0xD0000000  }
0x3: {  	_ = 	snop  }
0x4: {  	_ = 	snop  }
0x5: {  	_ = 	snop  }
0x6: {  	_ = 	snop  }
0x7: {  	_ = 	snop  }
__scs_overlays_trampoline_lowered:
0x8: {  	[smem:$0x3F9F] =	sst s0  }
0x9: {  	[smem:$0x3FA0] =	sst s1  }
0xa: {  	[smem:$0x3FA1] =	sst s2  }
0xb: {  	[smem:$0x3FA2] =	sst s3  }
0xc: {  	[smem:$0x3FA3] =	sst s4  }
0xd: {  	[smem:$0x3FA4] =	sst s5  }
0xe: {  	[smem:$0x3FA5] =	sst s6  }
0xf: {  	[smem:$0x3FA6] =	sst s7  }
0x10: {  	[smem:$0x3FA7] =	sst s8  }
0x11: {  	[smem:$0x3FA8] =	sst s9;
	s0 =	simm.s32 @!p0 $0x0  }
0x12: {  	s1 =	sld [smem:$0x3F8E];
	s0 =	simm.s32 @p0 $0x1  }
0x13: {  	[smem:$0x3FA9] =	sst s0;
	s0 =	simm.s32 @!p1 $0x0  }
0x14: {  	s2 =	sld [smem:$0x3F8D];
	s0 =	simm.s32 @p1 $0x1  }
0x15: {  	[smem:$0x3FAA] =	sst s0;
	s0 =	simm.s32 @!p2 $0x0  }
0x16: {  	s3 =	sld [smem:$0x3FDB];
	s0 =	simm.s32 @p2 $0x1  }
0x17: {  	s4 =	simm.s32 $0x1BF5;
	[smem:$0x3FAC] =	sst s0  }
0x18: {  	s0 =	sld [smem:$0x3F8F];
	_ =	swait.ge [sflag:s4], $0x0  }
0x19: {  	s7 =	sld [smem:$0x3F90]  }
0x1a: {  	s8 =	sadd.s32 $0xFFFFE003, lr  }
0x1b: {  	s9 =	sadd.s32 $0xFFFFFEF7, lr;
	s5 =	simm.s32 $0xFFFFFFFF;
	p2 =	slt.u32 s8, $0xFFFFF086  }
0x1c: {  	p1 =	slt.u32 s9, $0xF7A;
	s5 =	simm.s32 @!p2 $0x0  }
0x1d: {  	s5 =	simm.s32 @p1 $0x1;
	p0 =	seq.s32 s7, s2  }
0x1e: {  	s7 =	smul.u32 @!p0 $0xF7A, s2;
	p2 =	seq.s32 @!p0 s5, $0x0  }
0x1f: {  	s9 =	smul.u32 $0xF7A, s1;
	s8 =	simm.s32 @!p0 $0x1BF5;
	p2 =	por !p2, p0  }
0x20: {  	[sflag:s8] =	ssyncset.s32 @!p0 $0xFFFFF086;
	s6 =	sadd.s32 @!p0 s3, s7;
	s7 =	simm.s32 @!p0 $0x108  }
0x21: {  	s3 =	sadd.s32 s3, s9;
	s6 =	sadd.s32 @!p0 $0x88, s6;
	s7 =	simm.s32 @p2 $0x1082  }
0x22: {  	[simem:s7], [sflag:s8] =	dma.local @!p0 [hbm:s6], $0xF7A  }
0x23: {  	s9 =	sor.u32 $0xD0000000, s2;
	s6 =	simm.s32 $0x108;
	_ =	swait.ge @!p0 [sflag:s8], $0x0  }
0x24: {  	s3 =	sadd.s32 $0x88, s3;
	s6 =	simm.s32 @!p1 $0x1082;
	[sflag:s4] =	ssyncset.s32 $0xFFFFF086  }
0x25: {  	[simem:s6], [sflag:s4] =	dma.local [hbm:s3], $0xF7A  }
0x26: {  	[smem:$0x3F90] =	sst s1;
	(tag) =	ssettag s2;
	_ =	strace s9  }
0x27: {  	s1 =	sld [smem:$0x3FA0]  }
0x28: {  	s2 =	sld [smem:$0x3FA1]  }
0x29: {  	s4 =	sld [smem:$0x3FA3]  }
0x2a: {  	p0 =	seq.s32 s5, $0x0;
	s5 =	sld [smem:$0x3FA4]  }
0x2b: {  	s6 =	sld [smem:$0x3FA5]  }
0x2c: {  	s7 =	sld [smem:$0x3FA6]  }
0x2d: {  	s3 =	simm.s32 $0x108;
	s8 =	sld [smem:$0x3FA7]  }
0x2e: {  	s3 =	simm.s32 @!p0 $0x1082;
	s9 =	sld [smem:$0x3FA8]  }
0x2f: {  	lr =	sadd.s32 s0, s3;
	s0 =	sld [smem:$0x3F9F]  }
0x30: {  	s3 =	sld [smem:$0x3FA2]  }
0x31: {  	[smem:$0x3FAB] =	sst s10  }
0x32: {  	s10 =	sld [smem:$0x3FA9];
	_ =	sdelay $0x3  }
0x33: {  	p0 =	seq.s32 s10, $0x1;
	s10 =	sld [smem:$0x3FAB];
	_ =	sdelay $0x3  }
0x34: {  	[smem:$0x3FAB] =	sst s10  }
0x35: {  	s10 =	sld [smem:$0x3FAA];
	_ =	sdelay $0x3  }
0x36: {  	p1 =	seq.s32 s10, $0x1;
	s10 =	sld [smem:$0x3FAB];
	_ =	sdelay $0x3  }
0x37: {  	[smem:$0x3FAB] =	sst s10  }
0x38: {  	s10 =	sld [smem:$0x3FAC]  }
0x39: {  	_ = 	snop;
	(pc) =	sbr.ind lr, $3  }
0x3a: {  	_ = 	snop  }
0x3b: {  	_ = 	snop  }
0x3c: {  	p2 =	seq.s32 s10, $0x1;
	s10 =	sld [smem:$0x3FAB]  }
0x3d: {  	_ =	shalt  }
0x3e: {  	_ =	shalt  }
0x3f: {  	_ =	shalt  }
0x40: {  	_ =	shalt  }
0x41: {  	_ =	shalt  }
0x42: {  	_ =	shalt  }
0x43: {  	_ =	shalt  }
0x44: {  	_ =	shalt  }
0x45: {  	_ =	shalt  }
0x46: {  	_ =	shalt  }
0x47: {  	_ =	shalt  }
0x48: {  	_ =	shalt  }
0x49: {  	_ =	shalt  }
0x4a: {  	_ =	shalt  }
0x4b: {  	_ =	shalt  }
0x4c: {  	_ =	shalt  }
0x4d: {  	_ =	shalt  }
0x4e: {  	_ =	shalt  }
0x4f: {  	_ =	shalt  }
0x50: {  	_ =	shalt  }
0x51: {  	_ =	shalt  }
0x52: {  	_ =	shalt  }
0x53: {  	_ =	shalt  }
0x54: {  	_ =	shalt  }
0x55: {  	_ =	shalt  }
0x56: {  	_ =	shalt  }
0x57: {  	_ =	shalt  }
0x58: {  	_ =	shalt  }
0x59: {  	_ =	shalt  }
0x5a: {  	_ =	shalt  }
0x5b: {  	_ =	shalt  }
0x5c: {  	_ =	shalt  }
0x5d: {  	_ =	shalt  }
0x5e: {  	_ =	shalt  }
0x5f: {  	_ =	shalt  }
0x60: {  	_ =	shalt  }
0x61: {  	_ =	shalt  }
0x62: {  	_ =	shalt  }
0x63: {  	_ =	shalt  }
0x64: {  	_ =	shalt  }
0x65: {  	_ =	shalt  }
0x66: {  	_ =	shalt  }
0x67: {  	_ =	shalt  }
0x68: {  	_ =	shalt  }
0x69: {  	_ =	shalt  }
0x6a: {  	_ =	shalt  }
0x6b: {  	_ =	shalt  }
0x6c: {  	_ =	shalt  }
0x6d: {  	_ =	shalt  }
0x6e: {  	_ =	shalt  }
0x6f: {  	_ =	shalt  }
0x70: {  	_ =	shalt  }
0x71: {  	_ =	shalt  }
0x72: {  	_ =	shalt  }
0x73: {  	_ =	shalt  }
0x74: {  	_ =	shalt  }
0x75: {  	_ =	shalt  }
0x76: {  	_ =	shalt  }
0x77: {  	_ =	shalt  }
0x78: {  	_ =	shalt  }
0x79: {  	_ =	shalt  }
0x7a: {  	_ =	shalt  }
0x7b: {  	_ =	shalt  }
0x7c: {  	_ =	shalt  }
0x7d: {  	_ =	shalt  }
0x7e: {  	_ =	shalt  }
0x7f: {  	_ =	shalt  }
0x80: {  	_ =	shalt  }
0x81: {  	_ =	shalt  }
0x82: {  	_ =	shalt  }
0x83: {  	_ =	shalt  }
0x84: {  	_ =	shalt  }
0x85: {  	_ =	shalt  }
0x86: {  	_ =	shalt  }
0x87: {  	_ =	shalt  }
.Lfunc_end0:
.L_simem_size_0:
called_computation.2_lowered:
.L_overlay_start_0:
0x88: {  	s2 =	sld [smem:$0x3FD9]  }
0x89: {  	s3 =	sld [smem:$0x3FFE];
	_ =	sdelay $0x1  }
0x8a: {  	s1 =	srdreg.scid  }
0x8b: {  	s0 =	sand.u32 $0x1, s1  }
0x8c: {  	s17 =	sshll.u32 s0, $0xA;
	s2 =	sadd.s32 s3, s2  }
0x8d: {  	s2 =	sadd.s32 s2, s17  }
0x8e: {  	[smem:$0x3FB7] =	sst s2  }
0x8f: {  	_ = 	snop  }
0x90: {  	s2 =	sld [smem:$0x3FC7];
	(tm) =	ssettm $0x1  }
0x91: {  	s18 =	sld [smem:$0x3FFB];
	_ =	sdelay $0x3  }
0x92: {  	_ =	strace s18  }
0x93: {  	s3 =	sld [smem:$0x3FFC];
	_ =	sdelay $0x3  }
0x94: {  	_ =	strace s3  }
0x95: {  	s3 =	sld [smem:$0x3FFD];
	_ =	sdelay $0x3  }
0x96: {  	_ =	strace s3  }
0x97: {  	_ =	strace $0x8FFFFFFF  }
0x98: {  	s19 =	sld [smem:$0x3FDB];
	_ =	sdelay $0x1  }
0x99: {  	s4 =	simm.s32 $_scs_section_size  }
0x9a: {  	s5 =	simm.s32 $_size__tile_overlayer_lowered;
	s6 =	simm.s32 $_tile_overlayer_lowered  }
0x9b: {  	s22 =	simm.s32 $0x1BFF;
	s21 =	sshll.u32 s6, $0x1;
	s3 =	sadd.s32 s4, s19  }
0x9c: {  	s7 =	simm.s32 $0x0;
	s20 =	sshll.u32 s5, $0x1;
	s5 =	sadd.s32 s21, s3  }
0x9d: {  	[timem:s7], [sflag:s22] =	dma.local [hbm:s5], s20  }
0x9e: {  	_ =	swait.ge [sflag:s22], s20  }
0x9f: {  	s4 =	ssub.s32 $0x0, s20;
	[sflag:s22] =	ssyncset.done $0x0  }
0xa0: {  	[sflag:s22] =	ssyncadd.s32 s4;
	_ =	sdelay $0x1  }
0xa1: {  	s23 =	simm.s32 $0x1B8B  }
0xa2: {  	_ =	swait.ge [sflag:s23], $0x1  }
0xa3: {  	[sflag:s23] =	ssyncset.done $0x0  }
0xa4: {  	s25 =	simm.s32 $0x1B8E;
	s24 =	sld [smem:$0x3FFE];
	[sflag:s23] =	ssyncadd.s32 $0xFFFFFFFF  }
0xa5: {  	s26 =	simm.s32 $execute0_lowered;
	[smem:$0x3FD2] =	sst s25  }
0xa6: {  	s5 =	sshll.u32 s26, $0x1;
	_ =	strace $0x8000004C;
	[dreg:$0x1] =	wrdreg $0xFFFFFFFF  }
0xa7: {  	s28 =	simm.s32 $_size_execute0_lowered;
	s3 =	sadd.s32 s3, s5;
	[dreg:$0x0] =	wrdreg $0x0  }
0xa8: {  	s5 =	sshll.u32 s28, $0x1;
	[dreg:$0x2] =	wrdreg s3  }
0xa9: {  	[dreg:$0x3] =	wrdreg s5  }
0xaa: {  	[dreg:$0x4] =	wrdreg $0xC0  }
0xab: {  	_ =	task [dreg:s7], $0x5FFFF  }
0xac: {  	[dreg:$0x1] =	wrdreg $0xFFFFFFFF  }
0xad: {  	[dreg:$0x0] =	wrdreg $0x60  }
0xae: {  	[dreg:$0x2] =	wrdreg s24  }
0xaf: {  	[dreg:$0x3] =	wrdreg s2  }
0xb0: {  	[dreg:$0x4] =	wrdreg $0x94E00  }
0xb1: {  	[dreg:$0x5] =	wrdreg $0x9  }
0xb2: {  	_ =	task.clear_ibuf [dreg:s7], $0x6FFFF;
	_ =	strace $0x9000004C  }
0xb3: {  	s29 =	simm.s32 $0x9;
	_ =	strace $0x8000004E  }
0xb4: {  	_ =	swait.ge [sflag:s29], $0x1  }
0xb5: {  	[sflag:s29] =	ssyncadd.s32 $0xFFFFFFFF  }
0xb6: {  	_ =	strace $0x9000004E  }
0xb7: {  	_ =	sfence  }
0xb8: {  	s30 =	sld [smem:$0x0];
	_ =	sdelay $0x2  }
0xb9: {  	s31 =	sshll.u32 s1, $0xD;
	s1 =	sshrl.u32 s1, $0x2  }
0xba: {  	s3 =	sand.u32 $0x4000, s31;
	s1 =	sadd.s32 s1, s30  }
0xbb: {  	s0 =	sor.u32 s3, s0;
	s1 =	sshll.u32 s1, $0x11  }
0xbc: {  	s0 =	sor.u32 s1, s0  }
0xbd: {  	s0 =	sadd.s32 $0x8F2B, s0  }
0xbe: {  	[sflag:s0] =	ssyncadd.remote.s32 $0x1  }
0xbf: {  	_ =	sfence.sel $0xFFFF  }
0xc0: {  	[dreg:$0x0] =	wrdreg $0xFFFFFFFF;
	(pc) =	sbr.abs _section_cstart, $3  }
0xc1: {  	[dreg:$0x1] =	wrdreg $0xFFFFFFFF  }
0xc2: {  	_ =	task.clear_ibuf [dreg:s7], $0x2FFFF;
	_ =	strace $0x9FFFFFFF  }
0xc3: {  	(tm) =	ssettm $0x7FFFFFFF  }
tec
execute0_lowered:
.L_overlay_start_1:
0x0: {  	(tag) =	ssettag $0x1  }
0x1: {  	s0 =	rddreg [dreg:$0x0]  }
0x2: {  	s1 =	rddreg [dreg:$0x1]  }
0x3: {  	s2 =	rddreg [dreg:$0x2];
	s3 =	simm.s32 $0x0  }
0x4: {  	s4 =	srdreg.scid;
	s15 =	stileid.u32;
	s16 =	simm.s32 $0x1  }
0x5: {  	s17 =	simm.s32 $0x4650;
	s18 =	simm.s32 $0x6D60;
	s19 =	simm.s32 $0x6DE0  }
0x6: {  	s20 =	simm.s32 $0x640;
	s21 =	simm.s32 $0x190;
	s22 =	simm.s32 $0x4B0  }
0x7: {  	s23 =	simm.s32 $0x0;
	s24 =	simm.s32 $0x0;
	[smem:$0x7FF] =	sst s3  }
0x8: {  	s5 =	sadd.s32 $0xC400, s0;
	s6 =	sadd.s32 $0x2600, s0;
	s11 =	smul.u32 $0x4E0, s15  }
0x9: {  	s4 =	sand.u32 $0x1, s4;
	s7 =	sadd.s32 $0x3D400, s0;
	s13 =	smul.u32 $0x9C00, s15  }
0xa: {  	s8 =	sadd.s32 $0x3DA00, s0;
	s9 =	sadd.s32 $0x2400, s0;
	s15 =	smul.u32 $0x2710, s15  }
0xb: {  	s10 =	sadd.s32 $0x47E00, s0;
	s12 =	smul.u32 $0x4E20, s4;
	s31 =	ssub.s32 $0x2, s4  }
0xc: {  	_ =	strace $0x8000004D;
	s4 =	smul.u32 $0x27100, s4;
	s14 =	sshrl.u32 s31, $0x1  }
0xd: {  	s13 =	sshrl.u32 s13, $0x2;
	s11 =	sadd.s32 s11, s12;
	s14 =	ssub.s32 s31, s14  }
0xe: {  	v1 =	vlaneseq.u32;
	s12 =	sadd.s32 s15, s4;
	s15 =	simm.s32 $0x1F40;
	s0 =	sadd.s32 s11, s0  }
0xf: {  	v0 =	vimm.f32 $0.0e+00;
	v1 =	vmul.u32 $0x10, v1;
	s11 =	sadd.s32 s13, s2;
	s14 =	smax.u32 s14, $0x1;
	s13 =	sadd.s32 $0x3E000, s0  }
.LBB2_1:
0x10: {  	s0 =	simm.s32 $0x0  }
.LBB2_2:
0x11: {  	p0 =	sne.s32 s0, $0x9BC0  }
.Ltmp0:
0x12: {  	_ = 	snop;
	(pc) =	sbr.rel @p0 .LBB2_2-.Ltmp0, $3  }
0x13: {  	_ =	sdelay $0x1  }
0x14: {  	s4 =	sshra.s32 s0, $0x2  }
0x15: {  	s0 =	sadd.s32 $0x40, s0;
	[tilespmem:s4+$0x6DE0] =	vst v0  }
0x16: {  	s0 =	simm.s32 $0x40;
	s4 =	simm.s32 $0x0  }
.LBB2_4:
0x17: {  	p0 =	sne.s32 s0, $0x63C0;
	[tilespmem:s4+$0x640] =	vst v0;
	s4 =	smov.u32 s0;
	s0 =	sadd.s32 $0x40, s0  }
.Ltmp1:
0x18: {  	(pc) =	sbr.rel @p0 .LBB2_4-.Ltmp1, $2  }
0x19: {  	_ =	sdelay $0x2  }
0x1a: {  	s4 =	sshra.s32 s4, $0x2  }
0x1b: {  	[tilespmem:s4+$0x640] =	vst v0  }
0x1c: {  	[tilespmem:s15], [sflag:$0x1] =	stream.linear.gather [hbm4b:s7+s24], $0x2710, $0x38;
	[tilespmem:$0xBBF0] =	vst v63  }
0x1d: {  	_ =	swait.ge [sflag:s16], $0x2710  }
0x1e: {  	[sflag:s16] =	ssyncset.done $0x0  }
0x1f: {  	[sflag:s16] =	ssyncadd.s32 $0xFFFFD8F0  }
0x20: {  	[tilespmem:s17], [sflag:$0x1] =	stream.linear.gather [hbm4b:s8+s24], $0x2710, $0x38;
	[tilespmem:$0xBBF0] =	vst v63  }
0x21: {  	_ =	swait.ge [sflag:s16], $0x2710  }
0x22: {  	[sflag:s16] =	ssyncset.done $0x0  }
0x23: {  	[sflag:s16] =	ssyncadd.s32 $0xFFFFD8F0  }
0x24: {  	[tilespmem:s18], [sflag:$0x1] =	stream.linear.gather [hbm4b:s9+s24], $0x80, $0x38;
	[tilespmem:$0xBBF0] =	vst v63  }
0x25: {  	_ =	swait.ge [sflag:s16], $0x80  }
0x26: {  	[sflag:s16] =	ssyncset.done $0x0  }
0x27: {  	[sflag:s16] =	ssyncadd.s32 $0xFFFFFF80  }
0x28: {  	[spmem:s11] =	stream.linear.scatter [tilespmem:s19], [sflag:$0x1], $0x2700, $0x38;
	[tilespmem:$0xBBF0] =	vst v63  }
0x29: {  	_ =	swait.ge [sflag:s16], $0x2700  }
0x2a: {  	[sflag:s16] =	ssyncset.done $0x0  }
0x2b: {  	[sflag:s16] =	ssyncadd.s32 $0xFFFFD900  }
0x2c: {  	s25 =	simm.s32 $0x0;
	[bflag:$0x0] =	sbarrier.arrive $0xFFFF  }
.LBB2_6:
0x2d: {  	s0 =	smul.u32 $0x190, s25;
	_ =	sdelay $0x1  }
0x2e: {  	s0 =	sadd.s32 s0, s12  }
0x2f: {  	s26 =	sshrl.u32 s0, $0x3  }
0x30: {  	s0 =	sadd.s32 s5, s26  }
0x31: {  	[tilespmem:s24], [sflag:$0x1] =	stream.linear.gather [hbm4b:s0+s24], $0x190, $0x38;
	[tilespmem:$0xBBF0] =	vst v63  }
0x32: {  	_ =	swait.ge [sflag:s16], $0x190  }
0x33: {  	[sflag:s16] =	ssyncset.done $0x0  }
0x34: {  	s4 =	simm.s32 $0x190;
	s0 =	sadd.s32 s6, s26;
	[sflag:s16] =	ssyncadd.s32 $0xFFFFFE70  }
0x35: {  	[tilespmem:s4], [sflag:$0x1] =	stream.linear.gather [hbm4b:s0+s24], $0x190, $0x38;
	[tilespmem:$0xBBF0] =	vst v63  }
0x36: {  	_ =	swait.ge [sflag:s16], $0x190  }
0x37: {  	[sflag:s16] =	ssyncset.done $0x0  }
0x38: {  	s28 =	simm.s32 $0x320;
	s0 =	sadd.s32 s1, s26;
	[sflag:s16] =	ssyncadd.s32 $0xFFFFFE70  }
0x39: {  	[tilespmem:s28], [sflag:$0x1] =	stream.linear.gather [hbm4b:s0+s24], $0x190, $0x38;
	[tilespmem:$0xBBF0] =	vst v63  }
0x3a: {  	_ =	swait.ge [sflag:s16], $0x190  }
0x3b: {  	[sflag:s16] =	ssyncset.done $0x0  }
0x3c: {  	[sflag:s16] =	ssyncadd.s32 $0xFFFFFE70  }
0x3d: {  	v2 =	vld [tilespmem:s28+$0x0]  }
0x3e: {  	v3 =	vld [tilespmem:s24+$0x0]  }
0x3f: {  	v4 =	vld [tilespmem:s4+$0x0];
	_ =	sdelay $0x4  }
0x40: {  	v2 =	vshll.u32 v2, $0x4;
	_ =	sdelay $0x1  }
0x41: {  	v3 =	vld.idx.msk [tilespmem:v3+s15+$0x0], $0xffff  }
0x42: {  	v4 =	vld.idx.msk [tilespmem:v4+s17+$0x0], $0xffff;
	_ =	sdelay $0x1  }
0x43: {  	v2 =	vld.idx.msk [tilespmem:v2+s18+$0x0], $0xffff;
	_ =	sdelay $0x2  }
0x44: {  	v3 =	vadd.f32 v4, v3;
	_ =	sdelay $0x1  }
0x45: {  	v2 =	vadd.f32 v2, v3;
	_ =	sdelay $0x1  }
0x46: {  	v3 =	vmul.f32 $2.000000030e-01, v2;
	_ =	sdelay $0x1  }
0x47: {  	v2 =	vmax.f32 v2, v3  }
0x48: {  	v2 =	vmul.f32 $1.442695020e+00, v2;
	_ =	sdelay $0x1  }
0x49: {  	(erf) = vpow2.f32 v2;
	_ =	sdelay $0x3  }
0x4a: {  	v2 =	vmov s24  }
0x4b: {  	v2 =	vshll.u32 v2, $0x4  }
0x4c: {  	v2 =	vor.u32 v1, v2;
	_ =	sdelay $0x2  }
0x4d: {  	s28 =	simm.s32 $0x4B0;
	v3 =	vpop (erf)  }
0x4e: {  	[tilespmem:s28+$0x0] =	vst v3  }
0x4f: {  	s30 =	simm.s32 $0x330;
	[tilespmem:v2+s20+$0x0] =	vst.idx.msk $0xffff, v3  }
0x50: {  	s29 =	simm.s32 $0x10;
	v2 =	vld [tilespmem:s30+$0x0]  }
0x51: {  	s31 =	simm.s32 $0x1A0;
	v3 =	vld [tilespmem:s29+$0x0]  }
0x52: {  	v4 =	vld [tilespmem:s31+$0x0]  }
0x53: {  	s0 =	simm.s32 $0x20;
	s4 =	simm.s32 $0x10  }
.LBB2_7:
0x54: {  	p0 =	sne.s32 s0, $0x180;
	_ =	sdelay $0x2  }
0x55: {  	v2 =	vshll.u32 v2, $0x4;
	_ =	sdelay $0x1  }
0x56: {  	v3 =	vld.idx.msk [tilespmem:v3+s15+$0x0], $0xffff  }
0x57: {  	v4 =	vld.idx.msk [tilespmem:v4+s17+$0x0], $0xffff;
	_ =	sdelay $0x1  }
0x58: {  	v2 =	vld.idx.msk [tilespmem:v2+s18+$0x0], $0xffff;
	_ =	sdelay $0x3  }
0x59: {  	v3 =	vadd.f32 v4, v3;
	_ =	sdelay $0x1  }
0x5a: {  	v2 =	vadd.f32 v2, v3;
	_ =	sdelay $0x1  }
0x5b: {  	v3 =	vmul.f32 $2.000000030e-01, v2;
	_ =	sdelay $0x1  }
0x5c: {  	v2 =	vmax.f32 v2, v3  }
0x5d: {  	v2 =	vmul.f32 $1.442695020e+00, v2;
	_ =	sdelay $0x1  }
0x5e: {  	(erf) = vpow2.f32 v2;
	_ =	sdelay $0x3  }
0x5f: {  	v2 =	vmov s29;
	s29 =	smov.u32 s0  }
0x60: {  	v2 =	vshll.u32 v2, $0x4  }
0x61: {  	v2 =	vor.u32 v1, v2;
	_ =	sdelay $0x2  }
0x62: {  	s28 =	sadd.s32 $0x10, s28;
	v3 =	vpop (erf)  }
0x63: {  	[tilespmem:s28+$0x0] =	vst v3  }
.Ltmp2:
0x64: {  	s30 =	sadd.s32 $0x10, s30;
	[tilespmem:v2+s20+$0x0] =	vst.idx.msk $0xffff, v3;
	(pc) =	sbr.rel @p0 .LBB2_7-.Ltmp2, $4  }
0x65: {  	s4 =	sadd.s32 $0x10, s4;
	v2 =	vld [tilespmem:s30+$0x0]  }
0x66: {  	s31 =	sadd.s32 $0x10, s31;
	v3 =	vld [tilespmem:s4+$0x0]  }
0x67: {  	v4 =	vld [tilespmem:s31+$0x0]  }
0x68: {  	s0 =	sadd.s32 $0x10, s0  }
0x69: {  	_ =	sdelay $0x3  }
0x6a: {  	v2 =	vshll.u32 v2, $0x4;
	_ =	sdelay $0x1  }
0x6b: {  	v3 =	vld.idx.msk [tilespmem:v3+s15+$0x0], $0xffff  }
0x6c: {  	v4 =	vld.idx.msk [tilespmem:v4+s17+$0x0], $0xffff;
	_ =	sdelay $0x1  }
0x6d: {  	v2 =	vld.idx.msk [tilespmem:v2+s18+$0x0], $0xffff;
	_ =	sdelay $0x2  }
0x6e: {  	v3 =	vadd.f32 v4, v3;
	_ =	sdelay $0x1  }
0x6f: {  	v2 =	vadd.f32 v2, v3;
	_ =	sdelay $0x1  }
0x70: {  	v3 =	vmul.f32 $2.000000030e-01, v2;
	_ =	sdelay $0x1  }
0x71: {  	v2 =	vmax.f32 v2, v3  }
0x72: {  	v2 =	vmul.f32 $1.442695020e+00, v2;
	_ =	sdelay $0x1  }
0x73: {  	(erf) = vpow2.f32 v2;
	_ =	sdelay $0x3  }
0x74: {  	v2 =	vmov s29  }
0x75: {  	v2 =	vshll.u32 v2, $0x4  }
0x76: {  	v2 =	vor.u32 v1, v2;
	_ =	sdelay $0x2  }
0x77: {  	s0 =	sadd.s32 $0x10, s28;
	v3 =	vpop (erf)  }
0x78: {  	[tilespmem:s0+$0x0] =	vst v3  }
0x79: {  	[tilespmem:v2+s20+$0x0] =	vst.idx.msk $0xffff, v3  }
0x7a: {  	[spmem:s2] =	stream.indirect.scatter.add.f32 [tilespmem:s20], [sflag:$0x1], $0x10, s21, s21, $0xb8;
	[tilespmem:$0xBBF0] =	vst v63  }
0x7b: {  	s25 =	sadd.s32 $0x1, s25;
	_ =	swait.ge [sflag:s16], $0x1900  }
0x7c: {  	p0 =	sne.s32 s25, $0x19;
	[sflag:s16] =	ssyncset.done $0x0  }
.Ltmp3:
0x7d: {  	s31 =	sadd.s32 s10, s26;
	[sflag:s16] =	ssyncadd.s32 $0xFFFFE700;
	(pc) =	sbr.rel @p0 .LBB2_6-.Ltmp3, $4  }
0x7e: {  	[hbm4b:s31+s3] =	stream.linear.scatter [tilespmem:s22], [sflag:$0x1], $0x190, $0x38;
	[tilespmem:$0xBBF0] =	vst v63  }
0x7f: {  	_ =	swait.ge [sflag:s16], $0x190  }
0x80: {  	[sflag:s16] =	ssyncset.done $0x0  }
0x81: {  	[sflag:s16] =	ssyncadd.s32 $0xFFFFFE70  }
0x82: {  	s0 =	stileid.u32;
	s23 =	sadd.s32 $0x1, s23  }
0x83: {  	[bflag:$0x0] =	sbarrier.arrive $0xFFFF;
	s0 =	sshll.u32 s0, $0x6;
	p0 =	sne.s32 s23, s14  }
.Ltmp4:
0x84: {  	s4 =	sshrl.u32 s11, $0x3;
	s0 =	sor.u32 $0x1C01, s0;
	(pc) =	sbr.rel @p0 .LBB2_1-.Ltmp4, $4  }
0x85: {  	[hbm:s13], [sflag:s0] =	dma.local [spmem:s4], $0x4E0  }
0x86: {  	_ =	swait.ge [sflag:s16], $0x4E0  }
0x87: {  	[sflag:s16] =	ssyncset.done $0x0  }
0x88: {  	[sflag:s16] =	ssyncadd.s32 $0xFFFFFB20  }
0x89: {  	_ =	sfence.sel $0x180000  }
0x8a: {  	[bflag:$0x0] =	sbarrier.arrive $0xFFFF  }
0x8b: {  	_ =	strace $0x9000004D  }
0x8c: {  	s0 =	stileid.u32;
	[bflag:$0x2] =	sbarrier.arrive $0xFFFF  }
0x8d: {  	p0 =	sne.s32 s0, $0x0;
	s0 =	rddreg [dreg:$0x3]  }
0x8e: {  	s0 =	sadd.s32 @!p0 $0x100000, s0  }
0x8f: {  	[sflag:s0] =	ssyncadd.tile.s32 @!p0 $0x1;
	_ =	shalt  }
.Lfunc_end2:
_tile_overlayer_lowered:
.L_overlay_start_2:
0x90: {  	(tag) =	ssettag $0x2  }
0x91: {  	s0 =	rddreg [dreg:$0x0];
	s2 =	stileid.u32  }
0x92: {  	s1 =	rddreg [dreg:$0x1];
	p0 =	sne.s32 s2, $0x0  }
0x93: {  	s3 =	rddreg [dreg:$0x2];
	[bflag:$0x3] =	sbarrier.arrive $0xFFFF;
	s2 =	simm.s32 @!p0 $0x1C01  }
0x94: {  	[timem:s3], [sflag:s2] =	dma.local @!p0 [hbm:s0], s1  }
0x95: {  	s0 =	simm.s32 @!p0 $0x1  }
0x96: {  	_ =	swait.ge @!p0 [sflag:s0], s1  }
0x97: {  	s1 =	ssub.s32 @!p0 $0x0, s1;
	[sflag:s0] =	ssyncset.done @!p0 $0x0  }
0x98: {  	[sflag:s0] =	ssyncadd.s32 @!p0 s1  }
0x99: {  	[bflag:$0x3] =	sbarrier.arrive $0xFFFF  }
0x9a: {  	_ =	shalt  }

// kernel: kernel.20.cloned.1.call-start
scs
__scs_entry_jumppad:
0x0: {  	(pc) =	sbr.rel $0x88, $3  }
0x1: {  	(tag) =	ssettag $0x0;
	lr =	simm.s32 $0x1  }
0x2: {  	[smem:$0x3F90] =	sst lr;
	_ =	strace $0xD0000000  }
0x3: {  	_ = 	snop  }
0x4: {  	_ = 	snop  }
0x5: {  	_ = 	snop  }
0x6: {  	_ = 	snop  }
0x7: {  	_ = 	snop  }
__scs_overlays_trampoline_lowered:
0x8: {  	[smem:$0x3F9F] =	sst s0  }
0x9: {  	[smem:$0x3FA0] =	sst s1  }
0xa: {  	[smem:$0x3FA1] =	sst s2  }
0xb: {  	[smem:$0x3FA2] =	sst s3  }
0xc: {  	[smem:$0x3FA3] =	sst s4  }
0xd: {  	[smem:$0x3FA4] =	sst s5  }
0xe: {  	[smem:$0x3FA5] =	sst s6  }
0xf: {  	[smem:$0x3FA6] =	sst s7  }
0x10: {  	[smem:$0x3FA7] =	sst s8  }
0x11: {  	[smem:$0x3FA8] =	sst s9;
	s0 =	simm.s32 @!p0 $0x0  }
0x12: {  	s1 =	sld [smem:$0x3F8E];
	s0 =	simm.s32 @p0 $0x1  }
0x13: {  	[smem:$0x3FA9] =	sst s0;
	s0 =	simm.s32 @!p1 $0x0  }
0x14: {  	s2 =	sld [smem:$0x3F8D];
	s0 =	simm.s32 @p1 $0x1  }
0x15: {  	[smem:$0x3FAA] =	sst s0;
	s0 =	simm.s32 @!p2 $0x0  }
0x16: {  	s3 =	sld [smem:$0x3FDB];
	s0 =	simm.s32 @p2 $0x1  }
0x17: {  	s4 =	simm.s32 $0x1BF5;
	[smem:$0x3FAC] =	sst s0  }
0x18: {  	s0 =	sld [smem:$0x3F8F];
	_ =	swait.ge [sflag:s4], $0x0  }
0x19: {  	s7 =	sld [smem:$0x3F90]  }
0x1a: {  	s8 =	sadd.s32 $0xFFFFE003, lr  }
0x1b: {  	s9 =	sadd.s32 $0xFFFFFEF7, lr;
	s5 =	simm.s32 $0xFFFFFFFF;
	p2 =	slt.u32 s8, $0xFFFFF086  }
0x1c: {  	p1 =	slt.u32 s9, $0xF7A;
	s5 =	simm.s32 @!p2 $0x0  }
0x1d: {  	s5 =	simm.s32 @p1 $0x1;
	p0 =	seq.s32 s7, s2  }
0x1e: {  	s7 =	smul.u32 @!p0 $0xF7A, s2;
	p2 =	seq.s32 @!p0 s5, $0x0  }
0x1f: {  	s9 =	smul.u32 $0xF7A, s1;
	s8 =	simm.s32 @!p0 $0x1BF5;
	p2 =	por !p2, p0  }
0x20: {  	[sflag:s8] =	ssyncset.s32 @!p0 $0xFFFFF086;
	s6 =	sadd.s32 @!p0 s3, s7;
	s7 =	simm.s32 @!p0 $0x108  }
0x21: {  	s3 =	sadd.s32 s3, s9;
	s6 =	sadd.s32 @!p0 $0x88, s6;
	s7 =	simm.s32 @p2 $0x1082  }
0x22: {  	[simem:s7], [sflag:s8] =	dma.local @!p0 [hbm:s6], $0xF7A  }
0x23: {  	s9 =	sor.u32 $0xD0000000, s2;
	s6 =	simm.s32 $0x108;
	_ =	swait.ge @!p0 [sflag:s8], $0x0  }
0x24: {  	s3 =	sadd.s32 $0x88, s3;
	s6 =	simm.s32 @!p1 $0x1082;
	[sflag:s4] =	ssyncset.s32 $0xFFFFF086  }
0x25: {  	[simem:s6], [sflag:s4] =	dma.local [hbm:s3], $0xF7A  }
0x26: {  	[smem:$0x3F90] =	sst s1;
	(tag) =	ssettag s2;
	_ =	strace s9  }
0x27: {  	s1 =	sld [smem:$0x3FA0]  }
0x28: {  	s2 =	sld [smem:$0x3FA1]  }
0x29: {  	s4 =	sld [smem:$0x3FA3]  }
0x2a: {  	p0 =	seq.s32 s5, $0x0;
	s5 =	sld [smem:$0x3FA4]  }
0x2b: {  	s6 =	sld [smem:$0x3FA5]  }
0x2c: {  	s7 =	sld [smem:$0x3FA6]  }
0x2d: {  	s3 =	simm.s32 $0x108;
	s8 =	sld [smem:$0x3FA7]  }
0x2e: {  	s3 =	simm.s32 @!p0 $0x1082;
	s9 =	sld [smem:$0x3FA8]  }
0x2f: {  	lr =	sadd.s32 s0, s3;
	s0 =	sld [smem:$0x3F9F]  }
0x30: {  	s3 =	sld [smem:$0x3FA2]  }
0x31: {  	[smem:$0x3FAB] =	sst s10  }
0x32: {  	s10 =	sld [smem:$0x3FA9];
	_ =	sdelay $0x3  }
0x33: {  	p0 =	seq.s32 s10, $0x1;
	s10 =	sld [smem:$0x3FAB];
	_ =	sdelay $0x3  }
0x34: {  	[smem:$0x3FAB] =	sst s10  }
0x35: {  	s10 =	sld [smem:$0x3FAA];
	_ =	sdelay $0x3  }
0x36: {  	p1 =	seq.s32 s10, $0x1;
	s10 =	sld [smem:$0x3FAB];
	_ =	sdelay $0x3  }
0x37: {  	[smem:$0x3FAB] =	sst s10  }
0x38: {  	s10 =	sld [smem:$0x3FAC]  }
0x39: {  	_ = 	snop;
	(pc) =	sbr.ind lr, $3  }
0x3a: {  	_ = 	snop  }
0x3b: {  	_ = 	snop  }
0x3c: {  	p2 =	seq.s32 s10, $0x1;
	s10 =	sld [smem:$0x3FAB]  }
0x3d: {  	_ =	shalt  }
0x3e: {  	_ =	shalt  }
0x3f: {  	_ =	shalt  }
0x40: {  	_ =	shalt  }
0x41: {  	_ =	shalt  }
0x42: {  	_ =	shalt  }
0x43: {  	_ =	shalt  }
0x44: {  	_ =	shalt  }
0x45: {  	_ =	shalt  }
0x46: {  	_ =	shalt  }
0x47: {  	_ =	shalt  }
0x48: {  	_ =	shalt  }
0x49: {  	_ =	shalt  }
0x4a: {  	_ =	shalt  }
0x4b: {  	_ =	shalt  }
0x4c: {  	_ =	shalt  }
0x4d: {  	_ =	shalt  }
0x4e: {  	_ =	shalt  }
0x4f: {  	_ =	shalt  }
0x50: {  	_ =	shalt  }
0x51: {  	_ =	shalt  }
0x52: {  	_ =	shalt  }
0x53: {  	_ =	shalt  }
0x54: {  	_ =	shalt  }
0x55: {  	_ =	shalt  }
0x56: {  	_ =	shalt  }
0x57: {  	_ =	shalt  }
0x58: {  	_ =	shalt  }
0x59: {  	_ =	shalt  }
0x5a: {  	_ =	shalt  }
0x5b: {  	_ =	shalt  }
0x5c: {  	_ =	shalt  }
0x5d: {  	_ =	shalt  }
0x5e: {  	_ =	shalt  }
0x5f: {  	_ =	shalt  }
0x60: {  	_ =	shalt  }
0x61: {  	_ =	shalt  }
0x62: {  	_ =	shalt  }
0x63: {  	_ =	shalt  }
0x64: {  	_ =	shalt  }
0x65: {  	_ =	shalt  }
0x66: {  	_ =	shalt  }
0x67: {  	_ =	shalt  }
0x68: {  	_ =	shalt  }
0x69: {  	_ =	shalt  }
0x6a: {  	_ =	shalt  }
0x6b: {  	_ =	shalt  }
0x6c: {  	_ =	shalt  }
0x6d: {  	_ =	shalt  }
0x6e: {  	_ =	shalt  }
0x6f: {  	_ =	shalt  }
0x70: {  	_ =	shalt  }
0x71: {  	_ =	shalt  }
0x72: {  	_ =	shalt  }
0x73: {  	_ =	shalt  }
0x74: {  	_ =	shalt  }
0x75: {  	_ =	shalt  }
0x76: {  	_ =	shalt  }
0x77: {  	_ =	shalt  }
0x78: {  	_ =	shalt  }
0x79: {  	_ =	shalt  }
0x7a: {  	_ =	shalt  }
0x7b: {  	_ =	shalt  }
0x7c: {  	_ =	shalt  }
0x7d: {  	_ =	shalt  }
0x7e: {  	_ =	shalt  }
0x7f: {  	_ =	shalt  }
0x80: {  	_ =	shalt  }
0x81: {  	_ =	shalt  }
0x82: {  	_ =	shalt  }
0x83: {  	_ =	shalt  }
0x84: {  	_ =	shalt  }
0x85: {  	_ =	shalt  }
0x86: {  	_ =	shalt  }
0x87: {  	_ =	shalt  }
.Lfunc_end0:
.L_simem_size_0:
called_computation.3_lowered:
.L_overlay_start_0:
0x88: {  	s2 =	sld [smem:$0x3FD9]  }
0x89: {  	s3 =	sld [smem:$0x3FFE];
	_ =	sdelay $0x1  }
0x8a: {  	s1 =	srdreg.scid  }
0x8b: {  	s0 =	sand.u32 $0x1, s1  }
0x8c: {  	s17 =	sshll.u32 s0, $0xA;
	s2 =	sadd.s32 s3, s2  }
0x8d: {  	s2 =	sadd.s32 s2, s17  }
0x8e: {  	[smem:$0x3FB7] =	sst s2  }
0x8f: {  	_ = 	snop  }
0x90: {  	s2 =	sld [smem:$0x3FD0];
	(tm) =	ssettm $0x1  }
0x91: {  	s18 =	sld [smem:$0x3FFB];
	_ =	sdelay $0x3  }
0x92: {  	_ =	strace s18  }
0x93: {  	s3 =	sld [smem:$0x3FFC];
	_ =	sdelay $0x3  }
0x94: {  	_ =	strace s3  }
0x95: {  	s3 =	sld [smem:$0x3FFD];
	_ =	sdelay $0x3  }
0x96: {  	_ =	strace s3  }
0x97: {  	_ =	strace $0x8FFFFFFF  }
0x98: {  	s19 =	sld [smem:$0x3FDB];
	_ =	sdelay $0x1  }
0x99: {  	s4 =	simm.s32 $_scs_section_size  }
0x9a: {  	s5 =	simm.s32 $_size__tile_overlayer_lowered;
	s6 =	simm.s32 $_tile_overlayer_lowered  }
0x9b: {  	s22 =	simm.s32 $0x1BFF;
	s21 =	sshll.u32 s6, $0x1;
	s3 =	sadd.s32 s4, s19  }
0x9c: {  	s7 =	simm.s32 $0x0;
	s20 =	sshll.u32 s5, $0x1;
	s5 =	sadd.s32 s21, s3  }
0x9d: {  	[timem:s7], [sflag:s22] =	dma.local [hbm:s5], s20  }
0x9e: {  	_ =	swait.ge [sflag:s22], s20  }
0x9f: {  	s4 =	ssub.s32 $0x0, s20;
	[sflag:s22] =	ssyncset.done $0x0  }
0xa0: {  	[sflag:s22] =	ssyncadd.s32 s4;
	_ =	sdelay $0x1  }
0xa1: {  	s23 =	simm.s32 $0x1B8B  }
0xa2: {  	_ =	swait.ge [sflag:s23], $0x1  }
0xa3: {  	[sflag:s23] =	ssyncset.done $0x0  }
0xa4: {  	s25 =	simm.s32 $0x1B8E;
	s24 =	sld [smem:$0x3FFE];
	[sflag:s23] =	ssyncadd.s32 $0xFFFFFFFF  }
0xa5: {  	s26 =	simm.s32 $execute0_lowered;
	[smem:$0x3FD2] =	sst s25  }
0xa6: {  	s5 =	sshll.u32 s26, $0x1;
	_ =	strace $0x8000004F;
	[dreg:$0x1] =	wrdreg $0xFFFFFFFF  }
0xa7: {  	s28 =	simm.s32 $_size_execute0_lowered;
	s3 =	sadd.s32 s3, s5;
	[dreg:$0x0] =	wrdreg $0x0  }
0xa8: {  	s5 =	sshll.u32 s28, $0x1;
	[dreg:$0x2] =	wrdreg s3  }
0xa9: {  	[dreg:$0x3] =	wrdreg s5  }
0xaa: {  	[dreg:$0x4] =	wrdreg $0xC0  }
0xab: {  	_ =	task [dreg:s7], $0x5FFFF  }
0xac: {  	[dreg:$0x1] =	wrdreg $0xFFFFFFFF  }
0xad: {  	[dreg:$0x0] =	wrdreg $0x60  }
0xae: {  	[dreg:$0x2] =	wrdreg s24  }
0xaf: {  	[dreg:$0x3] =	wrdreg s2  }
0xb0: {  	[dreg:$0x4] =	wrdreg $0x95F00  }
0xb1: {  	[dreg:$0x5] =	wrdreg $0x9  }
0xb2: {  	_ =	task.clear_ibuf [dreg:s7], $0x6FFFF;
	_ =	strace $0x9000004F  }
0xb3: {  	s29 =	simm.s32 $0x9;
	_ =	strace $0x80000051  }
0xb4: {  	_ =	swait.ge [sflag:s29], $0x1  }
0xb5: {  	[sflag:s29] =	ssyncadd.s32 $0xFFFFFFFF  }
0xb6: {  	_ =	strace $0x90000051  }
0xb7: {  	_ =	sfence  }
0xb8: {  	s30 =	sld [smem:$0x0];
	_ =	sdelay $0x2  }
0xb9: {  	s31 =	sshll.u32 s1, $0xD;
	s1 =	sshrl.u32 s1, $0x2  }
0xba: {  	s3 =	sand.u32 $0x4000, s31;
	s1 =	sadd.s32 s1, s30  }
0xbb: {  	s0 =	sor.u32 s3, s0;
	s1 =	sshll.u32 s1, $0x11  }
0xbc: {  	s0 =	sor.u32 s1, s0  }
0xbd: {  	s0 =	sadd.s32 $0x8F2B, s0  }
0xbe: {  	[sflag:s0] =	ssyncadd.remote.s32 $0x1  }
0xbf: {  	_ =	sfence.sel $0xFFFF  }
0xc0: {  	[dreg:$0x0] =	wrdreg $0xFFFFFFFF;
	(pc) =	sbr.abs _section_cstart, $3  }
0xc1: {  	[dreg:$0x1] =	wrdreg $0xFFFFFFFF  }
0xc2: {  	_ =	task.clear_ibuf [dreg:s7], $0x2FFFF;
	_ =	strace $0x9FFFFFFF  }
0xc3: {  	(tm) =	ssettm $0x7FFFFFFF  }
tec
execute0_lowered:
.L_overlay_start_1:
0x0: {  	(tag) =	ssettag $0x1  }
0x1: {  	s11 =	rddreg [dreg:$0x0]  }
0x2: {  	s1 =	rddreg [dreg:$0x1]  }
0x3: {  	s2 =	rddreg [dreg:$0x2]  }
0x4: {  	s0 =	rddreg [dreg:$0x3]  }
0x5: {  	s3 =	simm.s32 $0x0;
	s7 =	srdreg.scid;
	s4 =	stileid.u32  }
0x6: {  	s18 =	simm.s32 $0x6EF0;
	s19 =	simm.s32 $0x190;
	s20 =	simm.s32 $0x320  }
0x7: {  	s21 =	simm.s32 $0x4B0;
	s22 =	simm.s32 $0x7D0;
	s23 =	simm.s32 $0x640  }
0x8: {  	[smem:$0x7FF] =	sst s3;
	s5 =	sadd.s32 $0xC400, s11;
	s13 =	smul.u32 $0x4E0, s4  }
0x9: {  	s6 =	sadd.s32 $0x2600, s11;
	s12 =	sand.u32 $0x1, s7;
	s15 =	smul.u32 $0x9C00, s4  }
0xa: {  	s7 =	sadd.s32 $0x47E00, s11;
	s8 =	sadd.s32 $0x1F9C00, s11;
	s17 =	smul.u32 $0x2710, s4  }
0xb: {  	s9 =	sadd.s32 $0x3D400, s11;
	s10 =	sadd.s32 $0x51C00, s11;
	s14 =	smul.u32 $0x4E20, s12  }
0xc: {  	_ =	strace $0x80000050;
	s31 =	ssub.s32 $0x2, s12;
	s12 =	smul.u32 $0x27100, s12  }
0xd: {  	s16 =	sshrl.u32 s31, $0x1;
	s15 =	sshrl.u32 s15, $0x2;
	s13 =	sadd.s32 s13, s14  }
0xe: {  	s14 =	ssub.s32 s31, s16;
	s12 =	sadd.s32 s17, s12;
	s16 =	simm.s32 $0x1  }
0xf: {  	s17 =	simm.s32 $0x47E0;
	s13 =	sadd.s32 s13, s11;
	s11 =	sadd.s32 s15, s2  }
0x10: {  	v0 =	vimm.f32 $0.0e+00;
	s14 =	smax.u32 s14, $0x1;
	s15 =	simm.s32 $0x20D0;
	s13 =	sadd.s32 $0x3DA00, s13  }
.LBB2_1:
0x11: {  	s24 =	simm.s32 $0x40;
	s25 =	simm.s32 $0x0  }
.LBB2_2:
0x12: {  	p0 =	sne.s32 s24, $0x9BC0;
	[tilespmem:s25+$0x6EF0] =	vst v0;
	s25 =	smov.u32 s24;
	s24 =	sadd.s32 $0x40, s24  }
.Ltmp0:
0x13: {  	(pc) =	sbr.rel @p0 .LBB2_2-.Ltmp0, $2  }
0x14: {  	_ =	sdelay $0x2  }
0x15: {  	s25 =	sshra.s32 s25, $0x2  }
0x16: {  	[tilespmem:s25+$0x6EF0] =	vst v0;
	s24 =	simm.s32 $0x0  }
0x17: {  	[tilespmem:s15], [sflag:$0x1] =	stream.linear.gather [hbm4b:s9+s24], $0x2710, $0x38;
	[tilespmem:$0xBD00] =	vst v63  }
0x18: {  	_ =	swait.ge [sflag:s16], $0x2710  }
0x19: {  	[sflag:s16] =	ssyncset.done $0x0  }
0x1a: {  	[sflag:s16] =	ssyncadd.s32 $0xFFFFD8F0  }
0x1b: {  	[tilespmem:s17], [sflag:$0x1] =	stream.linear.gather [hbm4b:s10+s24], $0x2710, $0x38;
	[tilespmem:$0xBD00] =	vst v63  }
0x1c: {  	_ =	swait.ge [sflag:s16], $0x2710  }
0x1d: {  	[sflag:s16] =	ssyncset.done $0x0  }
0x1e: {  	[sflag:s16] =	ssyncadd.s32 $0xFFFFD8F0  }
0x1f: {  	[spmem:s11] =	stream.linear.scatter [tilespmem:s18], [sflag:$0x1], $0x2700, $0x38;
	[tilespmem:$0xBD00] =	vst v63  }
0x20: {  	_ =	swait.ge [sflag:s16], $0x2700  }
0x21: {  	[sflag:s16] =	ssyncset.done $0x0  }
0x22: {  	[sflag:s16] =	ssyncadd.s32 $0xFFFFD900  }
0x23: {  	s25 =	simm.s32 $0x0;
	[bflag:$0x0] =	sbarrier.arrive $0xFFFF  }
.LBB2_4:
0x24: {  	s26 =	smul.u32 $0x190, s25;
	_ =	sdelay $0x1  }
0x25: {  	s26 =	sadd.s32 s26, s12  }
0x26: {  	s26 =	sshrl.u32 s26, $0x3  }
0x27: {  	s28 =	sadd.s32 s5, s26  }
0x28: {  	[tilespmem:s24], [sflag:$0x1] =	stream.linear.gather [hbm4b:s28+s24], $0x190, $0x38;
	[tilespmem:$0xBD00] =	vst v63  }
0x29: {  	_ =	swait.ge [sflag:s16], $0x190  }
0x2a: {  	[sflag:s16] =	ssyncset.done $0x0  }
0x2b: {  	s28 =	sadd.s32 s6, s26;
	[sflag:s16] =	ssyncadd.s32 $0xFFFFFE70  }
0x2c: {  	[tilespmem:s19], [sflag:$0x1] =	stream.linear.gather [hbm4b:s28+s24], $0x190, $0x38;
	[tilespmem:$0xBD00] =	vst v63  }
0x2d: {  	_ =	swait.ge [sflag:s16], $0x190  }
0x2e: {  	[sflag:s16] =	ssyncset.done $0x0  }
0x2f: {  	s28 =	sadd.s32 s7, s26;
	[sflag:s16] =	ssyncadd.s32 $0xFFFFFE70  }
0x30: {  	[tilespmem:s20], [sflag:$0x1] =	stream.linear.gather [hbm4b:s28+s24], $0x190, $0x38;
	[tilespmem:$0xBD00] =	vst v63  }
0x31: {  	_ =	swait.ge [sflag:s16], $0x190  }
0x32: {  	[sflag:s16] =	ssyncset.done $0x0  }
0x33: {  	s26 =	sadd.s32 s8, s26;
	[sflag:s16] =	ssyncadd.s32 $0xFFFFFE70  }
0x34: {  	[tilespmem:s21], [sflag:$0x1] =	stream.linear.gather [hbm4b:s26+s24], $0x190, $0x38;
	[tilespmem:$0xBD00] =	vst v63  }
0x35: {  	_ =	swait.ge [sflag:s16], $0x190  }
0x36: {  	[sflag:s16] =	ssyncset.done $0x0  }
0x37: {  	[sflag:s16] =	ssyncadd.s32 $0xFFFFFE70  }
0x38: {  	[tilespmem:s22], [sflag:$0x1] =	stream.indirect.gather [hbm4b:s1+s19], $0x10, s24, s19, $0xb8;
	[tilespmem:$0xBD00] =	vst v63  }
0x39: {  	_ =	swait.ge [sflag:s16], $0x1900  }
0x3a: {  	[sflag:s16] =	ssyncset.done $0x0  }
0x3b: {  	s26 =	simm.s32 $0x0;
	[sflag:s16] =	ssyncadd.s32 $0xFFFFE700  }
0x3c: {  	v1 =	vld [tilespmem:s26+$0x190];
	_ =	sdelay $0x7  }
0x3d: {  	v3 =	vld.idx.msk [tilespmem:v1+s15+$0x0], $0xffff  }
0x3e: {  	v1 =	vld.idx.msk [tilespmem:v1+s17+$0x0], $0xffff;
	_ =	sdelay $0x3  }
0x3f: {  	(erf) = vrcp.f32 v3  }
0x40: {  	(erf) = vrcp.f32 v1;
	_ =	sdelay $0x1  }
0x41: {  	v2 =	vld [tilespmem:s26+$0x320]  }
0x42: {  	v3 =	vld [tilespmem:s26+$0x4B0];
	_ =	sdelay $0x2  }
0x43: {  	s28 =	simm.s32 $0x10  }
0x44: {  	s29 =	simm.s32 $0x80;
	v1 =	vld [tilespmem:s28+$0x190]  }
.LBB2_5:
0x45: {  	p0 =	sne.s32 s29, $0x600;
	v2 =	vmul.f32 $9.499999880e-01, v2;
	v3 =	vmul.f32 $5.000000070e-02, v3;
	v4 =	vpop (erf)  }
0x46: {  	v5 =	vpop (erf)  }
0x47: {  	v2 =	vmul.f32 v2, v4;
	v3 =	vmul.f32 v3, v5;
	_ =	sdelay $0x1  }
0x48: {  	v2 =	vadd.f32 v3, v2;
	_ =	sdelay $0x1  }
0x49: {  	[tilespmem:s26+$0x640] =	vst v2;
	s26 =	smov.u32 s28  }
0x4a: {  	v2 =	vld.idx.msk [tilespmem:v1+s15+$0x0], $0xffff  }
0x4b: {  	v1 =	vld.idx.msk [tilespmem:v1+s17+$0x0], $0xffff;
	_ =	sdelay $0x4  }
0x4c: {  	(erf) = vrcp.f32 v2  }
0x4d: {  	(erf) = vrcp.f32 v1;
	_ =	sdelay $0x1  }
0x4e: {  	v2 =	vld [tilespmem:s26+$0x320]  }
.Ltmp1:
0x4f: {  	v3 =	vld [tilespmem:s26+$0x4B0];
	(pc) =	sbr.rel @p0 .LBB2_5-.Ltmp1, $3  }
0x50: {  	_ =	sdelay $0x1  }
0x51: {  	s28 =	sshra.s32 s29, $0x2  }
0x52: {  	s29 =	sadd.s32 $0x40, s29;
	v1 =	vld [tilespmem:s28+$0x190]  }
0x53: {  	_ = 	snop  }
0x54: {  	v2 =	vmul.f32 $9.499999880e-01, v2;
	v3 =	vmul.f32 $5.000000070e-02, v3;
	v4 =	vpop (erf)  }
0x55: {  	v5 =	vpop (erf)  }
0x56: {  	v2 =	vmul.f32 v2, v4;
	v3 =	vmul.f32 v3, v5;
	_ =	sdelay $0x1  }
0x57: {  	v2 =	vadd.f32 v3, v2;
	_ =	sdelay $0x1  }
0x58: {  	[tilespmem:s26+$0x640] =	vst v2  }
0x59: {  	v2 =	vld.idx.msk [tilespmem:v1+s15+$0x0], $0xffff  }
0x5a: {  	v1 =	vld.idx.msk [tilespmem:v1+s17+$0x0], $0xffff;
	_ =	sdelay $0x3  }
0x5b: {  	(erf) = vrcp.f32 v2  }
0x5c: {  	(erf) = vrcp.f32 v1;
	_ =	sdelay $0x1  }
0x5d: {  	v2 =	vld [tilespmem:s28+$0x4B0]  }
0x5e: {  	v1 =	vld [tilespmem:s28+$0x320];
	_ =	sdelay $0x4  }
0x5f: {  	v2 =	vmul.f32 $5.000000070e-02, v2;
	v1 =	vmul.f32 $9.499999880e-01, v1;
	v3 =	vpop (erf)  }
0x60: {  	s31 =	simm.s32 $0x0;
	v4 =	vpop (erf)  }
0x61: {  	v1 =	vmul.f32 v1, v3;
	v3 =	vmov s31;
	v2 =	vmul.f32 v2, v4;
	_ =	sdelay $0x1  }
0x62: {  	v1 =	vadd.f32 v2, v1;
	_ =	sdelay $0x1  }
0x63: {  	[tilespmem:s28+$0x640] =	vst v1  }
0x64: {  	s26 =	simm.s32 $0x7D0;
	v1 =	vld.idx.msk [tilespmem:v3+s23+$0x0], $0xffff  }
0x65: {  	v3 =	vld [tilespmem:s26+$0x0];
	_ =	sdelay $0x1  }
0x66: {  	s28 =	simm.s32 $0x1  }
0x67: {  	v2 =	vmov s28;
	s28 =	simm.s32 $0x2  }
.LBB2_7:
0x68: {  	p0 =	sne.s32 s28, $0x18F  }
0x69: {  	v1 =	vmul.f32 v3, v1;
	_ =	sdelay $0x1  }
0x6a: {  	[tilespmem:s26+$0x0] =	vst v1  }
.Ltmp2:
0x6b: {  	s26 =	sadd.s32 $0x10, s26;
	v1 =	vld.idx.msk [tilespmem:v2+s23+$0x0], $0xffff;
	(pc) =	sbr.rel @p0 .LBB2_7-.Ltmp2, $2  }
0x6c: {  	v3 =	vld [tilespmem:s26+$0x0];
	_ =	sdelay $0x2  }
0x6d: {  	v2 =	vmov s28;
	s28 =	sadd.s32 $0x1, s28  }
0x6e: {  	_ = 	snop  }
0x6f: {  	v1 =	vmul.f32 v3, v1;
	_ =	sdelay $0x1  }
0x70: {  	[tilespmem:s26+$0x0] =	vst v1  }
0x71: {  	s31 =	sadd.s32 $0x10, s26;
	v1 =	vld.idx.msk [tilespmem:v2+s23+$0x0], $0xffff  }
0x72: {  	v2 =	vld [tilespmem:s31+$0x0];
	_ =	sdelay $0x4  }
0x73: {  	s25 =	sadd.s32 $0x1, s25;
	v1 =	vmul.f32 v2, v1  }
0x74: {  	p0 =	sne.s32 s25, $0x19  }
.Ltmp3:
0x75: {  	[tilespmem:s31+$0x0] =	vst v1;
	(pc) =	sbr.rel @p0 .LBB2_4-.Ltmp3, $4  }
0x76: {  	[spmem:s2] =	stream.indirect.scatter.add.f32 [tilespmem:s22], [sflag:$0x1], $0x10, s19, s19, $0xb8;
	[tilespmem:$0xBD00] =	vst v63  }
0x77: {  	_ =	swait.ge [sflag:s16], $0x1900  }
0x78: {  	[sflag:s16] =	ssyncset.done $0x0  }
0x79: {  	[sflag:s16] =	ssyncadd.s32 $0xFFFFE700  }
0x7a: {  	s3 =	sadd.s32 $0x1, s3  }
0x7b: {  	s24 =	sshll.u32 s4, $0x6;
	[bflag:$0x0] =	sbarrier.arrive $0xFFFF;
	p0 =	sne.s32 s3, s14  }
.Ltmp4:
0x7c: {  	s25 =	sshrl.u32 s11, $0x3;
	s24 =	sor.u32 $0x1C01, s24;
	(pc) =	sbr.rel @p0 .LBB2_1-.Ltmp4, $4  }
0x7d: {  	[hbm:s13], [sflag:s24] =	dma.local [spmem:s25], $0x4E0  }
0x7e: {  	_ =	swait.ge [sflag:s16], $0x4E0  }
0x7f: {  	[sflag:s16] =	ssyncset.done $0x0  }
0x80: {  	[sflag:s16] =	ssyncadd.s32 $0xFFFFFB20  }
0x81: {  	_ =	sfence.sel $0x180000  }
0x82: {  	[bflag:$0x0] =	sbarrier.arrive $0xFFFF  }
0x83: {  	p0 =	sne.s32 s4, $0x0;
	_ =	strace $0x90000050  }
0x84: {  	s0 =	sadd.s32 @!p0 $0x100000, s0;
	[bflag:$0x2] =	sbarrier.arrive $0xFFFF  }
0x85: {  	[sflag:s0] =	ssyncadd.tile.s32 @!p0 $0x1;
	_ =	shalt  }
.Lfunc_end2:
_tile_overlayer_lowered:
.L_overlay_start_2:
0x86: {  	(tag) =	ssettag $0x2  }
0x87: {  	s0 =	rddreg [dreg:$0x0];
	s2 =	stileid.u32  }
0x88: {  	s1 =	rddreg [dreg:$0x1];
	p0 =	sne.s32 s2, $0x0  }
0x89: {  	s3 =	rddreg [dreg:$0x2];
	[bflag:$0x3] =	sbarrier.arrive $0xFFFF;
	s2 =	simm.s32 @!p0 $0x1C01  }
0x8a: {  	[timem:s3], [sflag:s2] =	dma.local @!p0 [hbm:s0], s1  }
0x8b: {  	s0 =	simm.s32 @!p0 $0x1  }
0x8c: {  	_ =	swait.ge @!p0 [sflag:s0], s1  }
0x8d: {  	s1 =	ssub.s32 @!p0 $0x0, s1;
	[sflag:s0] =	ssyncset.done @!p0 $0x0  }
0x8e: {  	[sflag:s0] =	ssyncadd.s32 @!p0 s1  }
0x8f: {  	[bflag:$0x3] =	sbarrier.arrive $0xFFFF  }
0x90: {  	_ =	shalt  }

</sc_bundles>
